<compile_context>
chip_gen: v7x
topology: tpu7x:2x2x1
jax: 0.10.2.dev20260603
libtpu: 0.0.44.dev20260713+nightly
codegen_flags: <defaults>
</compile_context>

<pallas_src>
import functools

import jax
import jax.numpy as jnp
from jax import lax
from jax.experimental import pallas as pl
from jax.experimental.pallas import tpu as pltpu
from jax.experimental.pallas import tpu_sc as plsc

HIDDEN = 1024
LANES = 16
VREGS_PER_ROW = HIDDEN // LANES


@functools.lru_cache(maxsize=None)
def _make_emb_kernel(n_tokens: int, chunk: int, nbuf: int):
    info = plsc.get_sparse_core_info()
    num_cores, num_subcores = info.num_cores, info.num_subcores
    n_workers = num_cores * num_subcores
    per_w = n_tokens // n_workers
    n_chunks = per_w // chunk
    assert per_w * n_workers == n_tokens and n_chunks * chunk == per_w
    assert n_chunks % nbuf == 0

    mesh = plsc.VectorSubcoreMesh(core_axis_name="c", subcore_axis_name="s")

    row_buf = pltpu.VMEM((chunk, HIDDEN), jnp.float32)
    scratch = (
        [pltpu.VMEM((n_chunks, chunk), jnp.int32)] * 2
        + [row_buf] * (2 * nbuf)
        + [pltpu.SemaphoreType.DMA] * (2 * nbuf)
    )

    @functools.partial(
        pl.kernel,
        out_type=jax.ShapeDtypeStruct((n_tokens, HIDDEN), jnp.float32),
        mesh=mesh,
        scratch_types=scratch,
    )
    def emb_kernel(ids_hbm, pos_hbm, ww_hbm, pw_hbm, out_hbm, idw, idp, *rest):
        bw = rest[0:nbuf]
        bp = rest[nbuf:2 * nbuf]
        sw = rest[2 * nbuf:3 * nbuf]
        sp = rest[3 * nbuf:4 * nbuf]

        wid = lax.axis_index("s") * num_cores + lax.axis_index("c")
        base = wid * per_w

        pltpu.sync_copy(ids_hbm.at[wid], idw)
        pltpu.sync_copy(pos_hbm.at[wid], idp)

        def gathers(ci, b):
            return (
                pltpu.make_async_copy(ww_hbm.at[idw.at[ci]], bw[b], sw[b]),
                pltpu.make_async_copy(pw_hbm.at[idp.at[ci]], bp[b], sp[b]),
            )

        for b in range(nbuf):
            cw, cp = gathers(b, b)
            cw.start()
            cp.start()

        @pl.loop(0, n_chunks, step=nbuf)
        def outer(g):
            for b in range(nbuf):
                ci = g + b
                cw, cp = gathers(ci, b)
                cw.wait()
                cp.wait()

                def row_body(r, c2):
                    for j in range(VREGS_PER_ROW):
                        s = pl.ds(j * LANES, LANES)
                        plsc.addupdate(bw[b].at[r, s], bp[b][r, s])
                    return c2

                lax.fori_loop(0, chunk, row_body, 0, unroll=False)
                off = pl.multiple_of(base + ci * chunk, chunk)
                pltpu.sync_copy(bw[b], out_hbm.at[pl.ds(off, chunk)])

                @pl.when(ci < n_chunks - nbuf)
                def _():
                    nw, np_ = gathers(ci + nbuf, b)
                    nw.start()
                    np_.start()

    return emb_kernel


def kernel(input_ids, position_ids, word_weight, pos_weight):
    b, s = input_ids.shape
    n_tokens = b * s
    chunk, nbuf = 8, 4
    info = plsc.get_sparse_core_info()
    n_workers = info.num_cores * info.num_subcores
    per_w = n_tokens // n_workers
    n_chunks = per_w // chunk
    ids = input_ids.reshape(n_workers, n_chunks, chunk).astype(jnp.int32)
    pos = position_ids.reshape(n_workers, n_chunks, chunk).astype(jnp.int32)
    emb = _make_emb_kernel(n_tokens, chunk, nbuf)
    out = emb(ids, pos, word_weight, pos_weight)
    return out.reshape(b, s, HIDDEN)

# --- scband reference (transcript-rebuilt; emitter-appended) ---
"""Pipeline reference for scband-embedding-42494406427395 (READ-ONLY COPY).

The authoritative reference and input builder live on the scoring server;
editing this copy changes nothing except your own understanding.
"""

import jax, jax.numpy as jnp
import numpy as np

VOCAB = 100000
MAX_SEQ = 8192
HIDDEN = 1024
B, S = 4, 4096


def setup_inputs(seed: int = 0) -> dict:
    key = jax.random.key(seed)
    k1, k2, k3, k4 = jax.random.split(key, 4)
    input_ids = jax.random.randint(k1, (B, S), 0, VOCAB, dtype=jnp.int64 if jax.config.jax_enable_x64 else jnp.int32)
    position_ids = jax.random.randint(k2, (B, S), 0, 4096, dtype=jnp.int64 if jax.config.jax_enable_x64 else jnp.int32)
    # xavier_uniform for word embeddings: bound = sqrt(6/(fan_in+fan_out))
    bound_w = float(np.sqrt(6.0 / (VOCAB + HIDDEN)))
    word_weight = jax.random.uniform(k3, (VOCAB, HIDDEN), dtype=jnp.float32, minval=-bound_w, maxval=bound_w)
    # torch nn.Embedding default init: N(0,1)
    pos_weight = jax.random.normal(k4, (MAX_SEQ, HIDDEN), dtype=jnp.float32)
    return {"input_ids": input_ids, "position_ids": position_ids, "word_weight": word_weight, "pos_weight": pos_weight}


def reference(input_ids, position_ids, word_weight, pos_weight):
    words_embeddings = jnp.take(word_weight, input_ids, axis=0)
    position_embeddings = jnp.take(pos_weight, position_ids, axis=0)
    embeddings = words_embeddings + position_embeddings
    # num_tokentypes == 0 -> no tokentype embedding; dropout is identity in eval mode
    return embeddings

if __name__ == "__main__":
    import jax
    _d = setup_inputs()
    print(jax.jit(kernel)(*tuple(_d.values())))

</pallas_src>

<mosaic_0001>
#map = affine_map<(d0, d1) -> (0, 0, 0)>
#map1 = affine_map<(d0, d1) -> (0, 0)>
module attributes {stable_mosaic.version = 14 : i64} {
  func.func @emb_kernel(%arg0: i32, %arg1: i32, %arg2: memref<32x64x8xi32, #tpu.memory_space<hbm>>, %arg3: memref<32x64x8xi32, #tpu.memory_space<hbm>>, %arg4: memref<100000x1024xf32, #tpu.memory_space<hbm>>, %arg5: memref<8192x1024xf32, #tpu.memory_space<hbm>>, %arg6: memref<16384x1024xf32, #tpu.memory_space<hbm>>, %arg7: memref<64x8xi32, #tpu.memory_space<vmem>>, %arg8: memref<64x8xi32, #tpu.memory_space<vmem>>, %arg9: memref<8x1024xf32, #tpu.memory_space<vmem>>, %arg10: memref<8x1024xf32, #tpu.memory_space<vmem>>, %arg11: memref<8x1024xf32, #tpu.memory_space<vmem>>, %arg12: memref<8x1024xf32, #tpu.memory_space<vmem>>, %arg13: memref<8x1024xf32, #tpu.memory_space<vmem>>, %arg14: memref<8x1024xf32, #tpu.memory_space<vmem>>, %arg15: memref<8x1024xf32, #tpu.memory_space<vmem>>, %arg16: memref<8x1024xf32, #tpu.memory_space<vmem>>, %arg17: memref<!tpu.dma_semaphore, #tpu.memory_space<semaphore_mem>>, %arg18: memref<!tpu.dma_semaphore, #tpu.memory_space<semaphore_mem>>, %arg19: memref<!tpu.dma_semaphore, #tpu.memory_space<semaphore_mem>>, %arg20: memref<!tpu.dma_semaphore, #tpu.memory_space<semaphore_mem>>, %arg21: memref<!tpu.dma_semaphore, #tpu.memory_space<semaphore_mem>>, %arg22: memref<!tpu.dma_semaphore, #tpu.memory_space<semaphore_mem>>, %arg23: memref<!tpu.dma_semaphore, #tpu.memory_space<semaphore_mem>>, %arg24: memref<!tpu.dma_semaphore, #tpu.memory_space<semaphore_mem>>) attributes {dimension_semantics = [#tpu.dimension_semantics<core_parallel>, #tpu.dimension_semantics<subcore_parallel>], iteration_bounds = array<i64: 2, 16>, scalar_prefetch = 0 : i64, scratch_operands = 18 : i64, tpu.core_type = #tpu.core_type<sc_vector_subcore>, window_params = [{transform_indices = #map}, {transform_indices = #map}, {transform_indices = #map1}, {transform_indices = #map1}, {transform_indices = #map1}]} {
    %mul3A = arith.constant 2 : i32
    %mul3A_0 = arith.muli %arg1, %mul3A : i32
    %add3A = arith.addi %mul3A_0, %arg0 : i32
    %mul3A_1 = arith.constant 512 : i32
    %mul3A_2 = arith.muli %add3A, %mul3A_1 : i32
    "tpu.region"() ({
      %run_scoped3A = tpu.sem_alloc : memref<!tpu.dma_semaphore, #tpu.memory_space<semaphore_mem>>
      %dma_start3A_62 = arith.constant 0 : i32
      %dma_start3A_63 = arith.constant 0 : i32
      %dma_start3A_64 = tpu.memref_slice %arg2[%add3A, %dma_start3A_62, %dma_start3A_63] : memref<32x64x8xi32, #tpu.memory_space<hbm>> -> memref<1x64x8xi32, #tpu.memory_space<hbm>>
      %dma_start3A_65 = tpu.memref_squeeze %dma_start3A_64 : memref<1x64x8xi32, #tpu.memory_space<hbm>> -> memref<64x8xi32, #tpu.memory_space<hbm>>
      %dma_start3A_66 = arith.constant 0 : i32
      %dma_start3A_67 = arith.constant 0 : i32
      %dma_start3A_68 = tpu.memref_slice %arg2[%add3A, %dma_start3A_66, %dma_start3A_67] : memref<32x64x8xi32, #tpu.memory_space<hbm>> -> memref<1x64x8xi32, #tpu.memory_space<hbm>>
      %dma_start3A_69 = tpu.memref_squeeze %dma_start3A_68 : memref<1x64x8xi32, #tpu.memory_space<hbm>> -> memref<64x8xi32, #tpu.memory_space<hbm>>
      tpu.enqueue_dma source(%dma_start3A_69 : memref<64x8xi32, #tpu.memory_space<hbm>>) target(%arg7 : memref<64x8xi32, #tpu.memory_space<vmem>>) target_semaphore(%run_scoped3A : memref<!tpu.dma_semaphore, #tpu.memory_space<semaphore_mem>>)
      %dma_wait3A = arith.constant 0 : i32
      %dma_wait3A_70 = arith.constant 0 : i32
      %dma_wait3A_71 = tpu.memref_slice %arg2[%add3A, %dma_wait3A, %dma_wait3A_70] : memref<32x64x8xi32, #tpu.memory_space<hbm>> -> memref<1x64x8xi32, #tpu.memory_space<hbm>>
      %dma_wait3A_72 = tpu.memref_squeeze %dma_wait3A_71 : memref<1x64x8xi32, #tpu.memory_space<hbm>> -> memref<64x8xi32, #tpu.memory_space<hbm>>
      %dma_wait3A_73 = arith.constant 0 : i32
      %dma_wait3A_74 = arith.constant 0 : i32
      %dma_wait3A_75 = tpu.memref_slice %arg2[%add3A, %dma_wait3A_73, %dma_wait3A_74] : memref<32x64x8xi32, #tpu.memory_space<hbm>> -> memref<1x64x8xi32, #tpu.memory_space<hbm>>
      %dma_wait3A_76 = tpu.memref_squeeze %dma_wait3A_75 : memref<1x64x8xi32, #tpu.memory_space<hbm>> -> memref<64x8xi32, #tpu.memory_space<hbm>>
      tpu.wait_dma2 semaphore(%run_scoped3A : memref<!tpu.dma_semaphore, #tpu.memory_space<semaphore_mem>>) src(%dma_wait3A_76 : memref<64x8xi32, #tpu.memory_space<hbm>>) dst(%arg7 : memref<64x8xi32, #tpu.memory_space<vmem>>)
      tpu.yield
    }) : () -> ()
    "tpu.region"() ({
      %run_scoped3A = tpu.sem_alloc : memref<!tpu.dma_semaphore, #tpu.memory_space<semaphore_mem>>
      %dma_start3A_62 = arith.constant 0 : i32
      %dma_start3A_63 = arith.constant 0 : i32
      %dma_start3A_64 = tpu.memref_slice %arg3[%add3A, %dma_start3A_62, %dma_start3A_63] : memref<32x64x8xi32, #tpu.memory_space<hbm>> -> memref<1x64x8xi32, #tpu.memory_space<hbm>>
      %dma_start3A_65 = tpu.memref_squeeze %dma_start3A_64 : memref<1x64x8xi32, #tpu.memory_space<hbm>> -> memref<64x8xi32, #tpu.memory_space<hbm>>
      %dma_start3A_66 = arith.constant 0 : i32
      %dma_start3A_67 = arith.constant 0 : i32
      %dma_start3A_68 = tpu.memref_slice %arg3[%add3A, %dma_start3A_66, %dma_start3A_67] : memref<32x64x8xi32, #tpu.memory_space<hbm>> -> memref<1x64x8xi32, #tpu.memory_space<hbm>>
      %dma_start3A_69 = tpu.memref_squeeze %dma_start3A_68 : memref<1x64x8xi32, #tpu.memory_space<hbm>> -> memref<64x8xi32, #tpu.memory_space<hbm>>
      tpu.enqueue_dma source(%dma_start3A_69 : memref<64x8xi32, #tpu.memory_space<hbm>>) target(%arg8 : memref<64x8xi32, #tpu.memory_space<vmem>>) target_semaphore(%run_scoped3A : memref<!tpu.dma_semaphore, #tpu.memory_space<semaphore_mem>>)
      %dma_wait3A = arith.constant 0 : i32
      %dma_wait3A_70 = arith.constant 0 : i32
      %dma_wait3A_71 = tpu.memref_slice %arg3[%add3A, %dma_wait3A, %dma_wait3A_70] : memref<32x64x8xi32, #tpu.memory_space<hbm>> -> memref<1x64x8xi32, #tpu.memory_space<hbm>>
      %dma_wait3A_72 = tpu.memref_squeeze %dma_wait3A_71 : memref<1x64x8xi32, #tpu.memory_space<hbm>> -> memref<64x8xi32, #tpu.memory_space<hbm>>
      %dma_wait3A_73 = arith.constant 0 : i32
      %dma_wait3A_74 = arith.constant 0 : i32
      %dma_wait3A_75 = tpu.memref_slice %arg3[%add3A, %dma_wait3A_73, %dma_wait3A_74] : memref<32x64x8xi32, #tpu.memory_space<hbm>> -> memref<1x64x8xi32, #tpu.memory_space<hbm>>
      %dma_wait3A_76 = tpu.memref_squeeze %dma_wait3A_75 : memref<1x64x8xi32, #tpu.memory_space<hbm>> -> memref<64x8xi32, #tpu.memory_space<hbm>>
      tpu.wait_dma2 semaphore(%run_scoped3A : memref<!tpu.dma_semaphore, #tpu.memory_space<semaphore_mem>>) src(%dma_wait3A_76 : memref<64x8xi32, #tpu.memory_space<hbm>>) dst(%arg8 : memref<64x8xi32, #tpu.memory_space<vmem>>)
      tpu.yield
    }) : () -> ()
    %dma_start3A = arith.constant 0 : i32
    %dma_start3A_3 = arith.constant 0 : i32
    %dma_start3A_4 = tpu.memref_slice %arg7[%dma_start3A, %dma_start3A_3] : memref<64x8xi32, #tpu.memory_space<vmem>> -> memref<1x8xi32, #tpu.memory_space<vmem>>
    %dma_start3A_5 = tpu.memref_squeeze %dma_start3A_4 : memref<1x8xi32, #tpu.memory_space<vmem>> -> memref<8xi32, #tpu.memory_space<vmem>>
    %dma_start3A_6 = arith.constant 0 : i32
    %dma_start3A_7 = arith.constant 0 : i32
    %dma_start3A_8 = tpu.memref_slice %arg4[%dma_start3A_6, %dma_start3A_7] : memref<100000x1024xf32, #tpu.memory_space<hbm>> -> memref<100000x1024xf32, #tpu.memory_space<hbm>>
    tpu.enqueue_indirect_dma source(%dma_start3A_8 : memref<100000x1024xf32, #tpu.memory_space<hbm>>) target(%arg9 : memref<8x1024xf32, #tpu.memory_space<vmem>>) offsets(%dma_start3A_5 : memref<8xi32, #tpu.memory_space<vmem>>) semaphore(%arg17 : memref<!tpu.dma_semaphore, #tpu.memory_space<semaphore_mem>>)
    %dma_start3A_9 = arith.constant 0 : i32
    %dma_start3A_10 = arith.constant 0 : i32
    %dma_start3A_11 = tpu.memref_slice %arg8[%dma_start3A_9, %dma_start3A_10] : memref<64x8xi32, #tpu.memory_space<vmem>> -> memref<1x8xi32, #tpu.memory_space<vmem>>
    %dma_start3A_12 = tpu.memref_squeeze %dma_start3A_11 : memref<1x8xi32, #tpu.memory_space<vmem>> -> memref<8xi32, #tpu.memory_space<vmem>>
    %dma_start3A_13 = arith.constant 0 : i32
    %dma_start3A_14 = arith.constant 0 : i32
    %dma_start3A_15 = tpu.memref_slice %arg5[%dma_start3A_13, %dma_start3A_14] : memref<8192x1024xf32, #tpu.memory_space<hbm>> -> memref<8192x1024xf32, #tpu.memory_space<hbm>>
    tpu.enqueue_indirect_dma source(%dma_start3A_15 : memref<8192x1024xf32, #tpu.memory_space<hbm>>) target(%arg13 : memref<8x1024xf32, #tpu.memory_space<vmem>>) offsets(%dma_start3A_12 : memref<8xi32, #tpu.memory_space<vmem>>) semaphore(%arg21 : memref<!tpu.dma_semaphore, #tpu.memory_space<semaphore_mem>>)
    %dma_start3A_16 = arith.constant 1 : i32
    %dma_start3A_17 = arith.constant 0 : i32
    %dma_start3A_18 = tpu.memref_slice %arg7[%dma_start3A_16, %dma_start3A_17] : memref<64x8xi32, #tpu.memory_space<vmem>> -> memref<1x8xi32, #tpu.memory_space<vmem>>
    %dma_start3A_19 = tpu.memref_squeeze %dma_start3A_18 : memref<1x8xi32, #tpu.memory_space<vmem>> -> memref<8xi32, #tpu.memory_space<vmem>>
    %dma_start3A_20 = arith.constant 0 : i32
    %dma_start3A_21 = arith.constant 0 : i32
    %dma_start3A_22 = tpu.memref_slice %arg4[%dma_start3A_20, %dma_start3A_21] : memref<100000x1024xf32, #tpu.memory_space<hbm>> -> memref<100000x1024xf32, #tpu.memory_space<hbm>>
    tpu.enqueue_indirect_dma source(%dma_start3A_22 : memref<100000x1024xf32, #tpu.memory_space<hbm>>) target(%arg10 : memref<8x1024xf32, #tpu.memory_space<vmem>>) offsets(%dma_start3A_19 : memref<8xi32, #tpu.memory_space<vmem>>) semaphore(%arg18 : memref<!tpu.dma_semaphore, #tpu.memory_space<semaphore_mem>>)
    %dma_start3A_23 = arith.constant 1 : i32
    %dma_start3A_24 = arith.constant 0 : i32
    %dma_start3A_25 = tpu.memref_slice %arg8[%dma_start3A_23, %dma_start3A_24] : memref<64x8xi32, #tpu.memory_space<vmem>> -> memref<1x8xi32, #tpu.memory_space<vmem>>
    %dma_start3A_26 = tpu.memref_squeeze %dma_start3A_25 : memref<1x8xi32, #tpu.memory_space<vmem>> -> memref<8xi32, #tpu.memory_space<vmem>>
    %dma_start3A_27 = arith.constant 0 : i32
    %dma_start3A_28 = arith.constant 0 : i32
    %dma_start3A_29 = tpu.memref_slice %arg5[%dma_start3A_27, %dma_start3A_28] : memref<8192x1024xf32, #tpu.memory_space<hbm>> -> memref<8192x1024xf32, #tpu.memory_space<hbm>>
    tpu.enqueue_indirect_dma source(%dma_start3A_29 : memref<8192x1024xf32, #tpu.memory_space<hbm>>) target(%arg14 : memref<8x1024xf32, #tpu.memory_space<vmem>>) offsets(%dma_start3A_26 : memref<8xi32, #tpu.memory_space<vmem>>) semaphore(%arg22 : memref<!tpu.dma_semaphore, #tpu.memory_space<semaphore_mem>>)
    %dma_start3A_30 = arith.constant 2 : i32
    %dma_start3A_31 = arith.constant 0 : i32
    %dma_start3A_32 = tpu.memref_slice %arg7[%dma_start3A_30, %dma_start3A_31] : memref<64x8xi32, #tpu.memory_space<vmem>> -> memref<1x8xi32, #tpu.memory_space<vmem>>
    %dma_start3A_33 = tpu.memref_squeeze %dma_start3A_32 : memref<1x8xi32, #tpu.memory_space<vmem>> -> memref<8xi32, #tpu.memory_space<vmem>>
    %dma_start3A_34 = arith.constant 0 : i32
    %dma_start3A_35 = arith.constant 0 : i32
    %dma_start3A_36 = tpu.memref_slice %arg4[%dma_start3A_34, %dma_start3A_35] : memref<100000x1024xf32, #tpu.memory_space<hbm>> -> memref<100000x1024xf32, #tpu.memory_space<hbm>>
    tpu.enqueue_indirect_dma source(%dma_start3A_36 : memref<100000x1024xf32, #tpu.memory_space<hbm>>) target(%arg11 : memref<8x1024xf32, #tpu.memory_space<vmem>>) offsets(%dma_start3A_33 : memref<8xi32, #tpu.memory_space<vmem>>) semaphore(%arg19 : memref<!tpu.dma_semaphore, #tpu.memory_space<semaphore_mem>>)
    %dma_start3A_37 = arith.constant 2 : i32
    %dma_start3A_38 = arith.constant 0 : i32
    %dma_start3A_39 = tpu.memref_slice %arg8[%dma_start3A_37, %dma_start3A_38] : memref<64x8xi32, #tpu.memory_space<vmem>> -> memref<1x8xi32, #tpu.memory_space<vmem>>
    %dma_start3A_40 = tpu.memref_squeeze %dma_start3A_39 : memref<1x8xi32, #tpu.memory_space<vmem>> -> memref<8xi32, #tpu.memory_space<vmem>>
    %dma_start3A_41 = arith.constant 0 : i32
    %dma_start3A_42 = arith.constant 0 : i32
    %dma_start3A_43 = tpu.memref_slice %arg5[%dma_start3A_41, %dma_start3A_42] : memref<8192x1024xf32, #tpu.memory_space<hbm>> -> memref<8192x1024xf32, #tpu.memory_space<hbm>>
    tpu.enqueue_indirect_dma source(%dma_start3A_43 : memref<8192x1024xf32, #tpu.memory_space<hbm>>) target(%arg15 : memref<8x1024xf32, #tpu.memory_space<vmem>>) offsets(%dma_start3A_40 : memref<8xi32, #tpu.memory_space<vmem>>) semaphore(%arg23 : memref<!tpu.dma_semaphore, #tpu.memory_space<semaphore_mem>>)
    %dma_start3A_44 = arith.constant 3 : i32
    %dma_start3A_45 = arith.constant 0 : i32
    %dma_start3A_46 = tpu.memref_slice %arg7[%dma_start3A_44, %dma_start3A_45] : memref<64x8xi32, #tpu.memory_space<vmem>> -> memref<1x8xi32, #tpu.memory_space<vmem>>
    %dma_start3A_47 = tpu.memref_squeeze %dma_start3A_46 : memref<1x8xi32, #tpu.memory_space<vmem>> -> memref<8xi32, #tpu.memory_space<vmem>>
    %dma_start3A_48 = arith.constant 0 : i32
    %dma_start3A_49 = arith.constant 0 : i32
    %dma_start3A_50 = tpu.memref_slice %arg4[%dma_start3A_48, %dma_start3A_49] : memref<100000x1024xf32, #tpu.memory_space<hbm>> -> memref<100000x1024xf32, #tpu.memory_space<hbm>>
    tpu.enqueue_indirect_dma source(%dma_start3A_50 : memref<100000x1024xf32, #tpu.memory_space<hbm>>) target(%arg12 : memref<8x1024xf32, #tpu.memory_space<vmem>>) offsets(%dma_start3A_47 : memref<8xi32, #tpu.memory_space<vmem>>) semaphore(%arg20 : memref<!tpu.dma_semaphore, #tpu.memory_space<semaphore_mem>>)
    %dma_start3A_51 = arith.constant 3 : i32
    %dma_start3A_52 = arith.constant 0 : i32
    %dma_start3A_53 = tpu.memref_slice %arg8[%dma_start3A_51, %dma_start3A_52] : memref<64x8xi32, #tpu.memory_space<vmem>> -> memref<1x8xi32, #tpu.memory_space<vmem>>
    %dma_start3A_54 = tpu.memref_squeeze %dma_start3A_53 : memref<1x8xi32, #tpu.memory_space<vmem>> -> memref<8xi32, #tpu.memory_space<vmem>>
    %dma_start3A_55 = arith.constant 0 : i32
    %dma_start3A_56 = arith.constant 0 : i32
    %dma_start3A_57 = tpu.memref_slice %arg5[%dma_start3A_55, %dma_start3A_56] : memref<8192x1024xf32, #tpu.memory_space<hbm>> -> memref<8192x1024xf32, #tpu.memory_space<hbm>>
    tpu.enqueue_indirect_dma source(%dma_start3A_57 : memref<8192x1024xf32, #tpu.memory_space<hbm>>) target(%arg16 : memref<8x1024xf32, #tpu.memory_space<vmem>>) offsets(%dma_start3A_54 : memref<8xi32, #tpu.memory_space<vmem>>) semaphore(%arg24 : memref<!tpu.dma_semaphore, #tpu.memory_space<semaphore_mem>>)
    %scan3A = arith.constant 0 : i32
    %scan3A_58 = arith.constant 16 : i32
    %scan3A_59 = arith.addi %scan3A, %scan3A_58 : i32
    %scan3A_60 = arith.constant 1 : i32
    scf.for %scan3A_62 = %scan3A to %scan3A_59 step %scan3A_60  : i32 {
      %mul3A_63 = arith.constant 4 : i32
      %mul3A_64 = arith.muli %scan3A_62, %mul3A_63 : i32
      %add3A_65 = arith.constant 0 : i32
      %add3A_66 = arith.addi %add3A_65, %mul3A_64 : i32
      %add3A_67 = arith.constant 0 : i32
      %add3A_68 = arith.addi %add3A_66, %add3A_67 : i32
      %dma_wait3A = arith.constant 0 : i32
      %dma_wait3A_69 = tpu.memref_slice %arg7[%add3A_68, %dma_wait3A] : memref<64x8xi32, #tpu.memory_space<vmem>> -> memref<1x8xi32, #tpu.memory_space<vmem>>
      %dma_wait3A_70 = tpu.memref_squeeze %dma_wait3A_69 : memref<1x8xi32, #tpu.memory_space<vmem>> -> memref<8xi32, #tpu.memory_space<vmem>>
      %dma_wait3A_71 = arith.constant 0 : i32
      %dma_wait3A_72 = arith.constant 0 : i32
      %dma_wait3A_73 = tpu.memref_slice %arg4[%dma_wait3A_71, %dma_wait3A_72] : memref<100000x1024xf32, #tpu.memory_space<hbm>> -> memref<100000x1024xf32, #tpu.memory_space<hbm>>
      tpu.wait_indirect_dma semaphore(%arg17 : memref<!tpu.dma_semaphore, #tpu.memory_space<semaphore_mem>>) src(%dma_wait3A_73 : memref<100000x1024xf32, #tpu.memory_space<hbm>>) dst(%arg9 : memref<8x1024xf32, #tpu.memory_space<vmem>>)
      %dma_wait3A_74 = arith.constant 0 : i32
      %dma_wait3A_75 = tpu.memref_slice %arg8[%add3A_68, %dma_wait3A_74] : memref<64x8xi32, #tpu.memory_space<vmem>> -> memref<1x8xi32, #tpu.memory_space<vmem>>
      %dma_wait3A_76 = tpu.memref_squeeze %dma_wait3A_75 : memref<1x8xi32, #tpu.memory_space<vmem>> -> memref<8xi32, #tpu.memory_space<vmem>>
      %dma_wait3A_77 = arith.constant 0 : i32
      %dma_wait3A_78 = arith.constant 0 : i32
      %dma_wait3A_79 = tpu.memref_slice %arg5[%dma_wait3A_77, %dma_wait3A_78] : memref<8192x1024xf32, #tpu.memory_space<hbm>> -> memref<8192x1024xf32, #tpu.memory_space<hbm>>
      tpu.wait_indirect_dma semaphore(%arg21 : memref<!tpu.dma_semaphore, #tpu.memory_space<semaphore_mem>>) src(%dma_wait3A_79 : memref<8192x1024xf32, #tpu.memory_space<hbm>>) dst(%arg13 : memref<8x1024xf32, #tpu.memory_space<vmem>>)
      %scan3A_80 = arith.constant 0 : i32
      %scan3A_81 = arith.constant 0 : i32
      %scan3A_82 = arith.constant 8 : i32
      %scan3A_83 = arith.addi %scan3A_81, %scan3A_82 : i32
      %scan3A_84 = arith.constant 1 : i32
      scf.for %scan3A_178 = %scan3A_81 to %scan3A_83 step %scan3A_84  : i32 {
        %get3A = arith.index_cast %scan3A_178 : i32 to index
        %get3A_179 = arith.constant 0 : index
        %get3A_180 = tpu.vector_load %arg13[%get3A, %get3A_179] {strides = array<i32>} : memref<8x1024xf32, #tpu.memory_space<vmem>>, vector<1x16xf32>,
        %get3A_181 = vector.shape_cast %get3A_180 : vector<1x16xf32> to vector<16xf32>
        %swap3A = arith.index_cast %scan3A_178 : i32 to index
        %swap3A_182 = arith.constant 0 : index
        %swap3A_183 = tpu.vector_load %arg9[%swap3A, %swap3A_182] {strides = array<i32>} : memref<8x1024xf32, #tpu.memory_space<vmem>>, vector<1x16xf32>,
        %swap3A_184 = vector.shape_cast %swap3A_183 : vector<1x16xf32> to vector<16xf32>
        %swap3A_185 = vector.shape_cast %get3A_181 : vector<16xf32> to vector<1x16xf32>
        tpu.vector_store %arg9[%swap3A, %swap3A_182], %swap3A_185 {add = true, strides = array<i32>} : memref<8x1024xf32, #tpu.memory_space<vmem>>, vector<1x16xf32>,
        %get3A_186 = arith.index_cast %scan3A_178 : i32 to index
        %get3A_187 = arith.constant 16 : index
        %get3A_188 = tpu.vector_load %arg13[%get3A_186, %get3A_187] {strides = array<i32>} : memref<8x1024xf32, #tpu.memory_space<vmem>>, vector<1x16xf32>,
        %get3A_189 = vector.shape_cast %get3A_188 : vector<1x16xf32> to vector<16xf32>
        %swap3A_190 = arith.index_cast %scan3A_178 : i32 to index
        %swap3A_191 = arith.constant 16 : index
        %swap3A_192 = tpu.vector_load %arg9[%swap3A_190, %swap3A_191] {strides = array<i32>} : memref<8x1024xf32, #tpu.memory_space<vmem>>, vector<1x16xf32>,
        %swap3A_193 = vector.shape_cast %swap3A_192 : vector<1x16xf32> to vector<16xf32>
        %swap3A_194 = vector.shape_cast %get3A_189 : vector<16xf32> to vector<1x16xf32>
        tpu.vector_store %arg9[%swap3A_190, %swap3A_191], %swap3A_194 {add = true, strides = array<i32>} : memref<8x1024xf32, #tpu.memory_space<vmem>>, vector<1x16xf32>,
        %get3A_195 = arith.index_cast %scan3A_178 : i32 to index
        %get3A_196 = arith.constant 32 : index
        %get3A_197 = tpu.vector_load %arg13[%get3A_195, %get3A_196] {strides = array<i32>} : memref<8x1024xf32, #tpu.memory_space<vmem>>, vector<1x16xf32>,
        %get3A_198 = vector.shape_cast %get3A_197 : vector<1x16xf32> to vector<16xf32>
        %swap3A_199 = arith.index_cast %scan3A_178 : i32 to index
        %swap3A_200 = arith.constant 32 : index
        %swap3A_201 = tpu.vector_load %arg9[%swap3A_199, %swap3A_200] {strides = array<i32>} : memref<8x1024xf32, #tpu.memory_space<vmem>>, vector<1x16xf32>,
        %swap3A_202 = vector.shape_cast %swap3A_201 : vector<1x16xf32> to vector<16xf32>
        %swap3A_203 = vector.shape_cast %get3A_198 : vector<16xf32> to vector<1x16xf32>
        tpu.vector_store %arg9[%swap3A_199, %swap3A_200], %swap3A_203 {add = true, strides = array<i32>} : memref<8x1024xf32, #tpu.memory_space<vmem>>, vector<1x16xf32>,
        %get3A_204 = arith.index_cast %scan3A_178 : i32 to index
        %get3A_205 = arith.constant 48 : index
        %get3A_206 = tpu.vector_load %arg13[%get3A_204, %get3A_205] {strides = array<i32>} : memref<8x1024xf32, #tpu.memory_space<vmem>>, vector<1x16xf32>,
        %get3A_207 = vector.shape_cast %get3A_206 : vector<1x16xf32> to vector<16xf32>
        %swap3A_208 = arith.index_cast %scan3A_178 : i32 to index
        %swap3A_209 = arith.constant 48 : index
        %swap3A_210 = tpu.vector_load %arg9[%swap3A_208, %swap3A_209] {strides = array<i32>} : memref<8x1024xf32, #tpu.memory_space<vmem>>, vector<1x16xf32>,
        %swap3A_211 = vector.shape_cast %swap3A_210 : vector<1x16xf32> to vector<16xf32>
        %swap3A_212 = vector.shape_cast %get3A_207 : vector<16xf32> to vector<1x16xf32>
        tpu.vector_store %arg9[%swap3A_208, %swap3A_209], %swap3A_212 {add = true, strides = array<i32>} : memref<8x1024xf32, #tpu.memory_space<vmem>>, vector<1x16xf32>,
        %get3A_213 = arith.index_cast %scan3A_178 : i32 to index
        %get3A_214 = arith.constant 64 : index
        %get3A_215 = tpu.vector_load %arg13[%get3A_213, %get3A_214] {strides = array<i32>} : memref<8x1024xf32, #tpu.memory_space<vmem>>, vector<1x16xf32>,
        %get3A_216 = vector.shape_cast %get3A_215 : vector<1x16xf32> to vector<16xf32>
        %swap3A_217 = arith.index_cast %scan3A_178 : i32 to index
        %swap3A_218 = arith.constant 64 : index
        %swap3A_219 = tpu.vector_load %arg9[%swap3A_217, %swap3A_218] {strides = array<i32>} : memref<8x1024xf32, #tpu.memory_space<vmem>>, vector<1x16xf32>,
        %swap3A_220 = vector.shape_cast %swap3A_219 : vector<1x16xf32> to vector<16xf32>
        %swap3A_221 = vector.shape_cast %get3A_216 : vector<16xf32> to vector<1x16xf32>
        tpu.vector_store %arg9[%swap3A_217, %swap3A_218], %swap3A_221 {add = true, strides = array<i32>} : memref<8x1024xf32, #tpu.memory_space<vmem>>, vector<1x16xf32>,
        %get3A_222 = arith.index_cast %scan3A_178 : i32 to index
        %get3A_223 = arith.constant 80 : index
        %get3A_224 = tpu.vector_load %arg13[%get3A_222, %get3A_223] {strides = array<i32>} : memref<8x1024xf32, #tpu.memory_space<vmem>>, vector<1x16xf32>,
        %get3A_225 = vector.shape_cast %get3A_224 : vector<1x16xf32> to vector<16xf32>
        %swap3A_226 = arith.index_cast %scan3A_178 : i32 to index
        %swap3A_227 = arith.constant 80 : index
        %swap3A_228 = tpu.vector_load %arg9[%swap3A_226, %swap3A_227] {strides = array<i32>} : memref<8x1024xf32, #tpu.memory_space<vmem>>, vector<1x16xf32>,
        %swap3A_229 = vector.shape_cast %swap3A_228 : vector<1x16xf32> to vector<16xf32>
        %swap3A_230 = vector.shape_cast %get3A_225 : vector<16xf32> to vector<1x16xf32>
        tpu.vector_store %arg9[%swap3A_226, %swap3A_227], %swap3A_230 {add = true, strides = array<i32>} : memref<8x1024xf32, #tpu.memory_space<vmem>>, vector<1x16xf32>,
        %get3A_231 = arith.index_cast %scan3A_178 : i32 to index
        %get3A_232 = arith.constant 96 : index
        %get3A_233 = tpu.vector_load %arg13[%get3A_231, %get3A_232] {strides = array<i32>} : memref<8x1024xf32, #tpu.memory_space<vmem>>, vector<1x16xf32>,
        %get3A_234 = vector.shape_cast %get3A_233 : vector<1x16xf32> to vector<16xf32>
        %swap3A_235 = arith.index_cast %scan3A_178 : i32 to index
        %swap3A_236 = arith.constant 96 : index
        %swap3A_237 = tpu.vector_load %arg9[%swap3A_235, %swap3A_236] {strides = array<i32>} : memref<8x1024xf32, #tpu.memory_space<vmem>>, vector<1x16xf32>,
        %swap3A_238 = vector.shape_cast %swap3A_237 : vector<1x16xf32> to vector<16xf32>
        %swap3A_239 = vector.shape_cast %get3A_234 : vector<16xf32> to vector<1x16xf32>
        tpu.vector_store %arg9[%swap3A_235, %swap3A_236], %swap3A_239 {add = true, strides = array<i32>} : memref<8x1024xf32, #tpu.memory_space<vmem>>, vector<1x16xf32>,
        %get3A_240 = arith.index_cast %scan3A_178 : i32 to index
        %get3A_241 = arith.constant 112 : index
        %get3A_242 = tpu.vector_load %arg13[%get3A_240, %get3A_241] {strides = array<i32>} : memref<8x1024xf32, #tpu.memory_space<vmem>>, vector<1x16xf32>,
        %get3A_243 = vector.shape_cast %get3A_242 : vector<1x16xf32> to vector<16xf32>
        %swap3A_244 = arith.index_cast %scan3A_178 : i32 to index
        %swap3A_245 = arith.constant 112 : index
        %swap3A_246 = tpu.vector_load %arg9[%swap3A_244, %swap3A_245] {strides = array<i32>} : memref<8x1024xf32, #tpu.memory_space<vmem>>, vector<1x16xf32>,
        %swap3A_247 = vector.shape_cast %swap3A_246 : vector<1x16xf32> to vector<16xf32>
        %swap3A_248 = vector.shape_cast %get3A_243 : vector<16xf32> to vector<1x16xf32>
        tpu.vector_store %arg9[%swap3A_244, %swap3A_245], %swap3A_248 {add = true, strides = array<i32>} : memref<8x1024xf32, #tpu.memory_space<vmem>>, vector<1x16xf32>,
        %get3A_249 = arith.index_cast %scan3A_178 : i32 to index
        %get3A_250 = arith.constant 128 : index
        %get3A_251 = tpu.vector_load %arg13[%get3A_249, %get3A_250] {strides = array<i32>} : memref<8x1024xf32, #tpu.memory_space<vmem>>, vector<1x16xf32>,
        %get3A_252 = vector.shape_cast %get3A_251 : vector<1x16xf32> to vector<16xf32>
        %swap3A_253 = arith.index_cast %scan3A_178 : i32 to index
        %swap3A_254 = arith.constant 128 : index
        %swap3A_255 = tpu.vector_load %arg9[%swap3A_253, %swap3A_254] {strides = array<i32>} : memref<8x1024xf32, #tpu.memory_space<vmem>>, vector<1x16xf32>,
        %swap3A_256 = vector.shape_cast %swap3A_255 : vector<1x16xf32> to vector<16xf32>
        %swap3A_257 = vector.shape_cast %get3A_252 : vector<16xf32> to vector<1x16xf32>
        tpu.vector_store %arg9[%swap3A_253, %swap3A_254], %swap3A_257 {add = true, strides = array<i32>} : memref<8x1024xf32, #tpu.memory_space<vmem>>, vector<1x16xf32>,
        %get3A_258 = arith.index_cast %scan3A_178 : i32 to index
        %get3A_259 = arith.constant 144 : index
        %get3A_260 = tpu.vector_load %arg13[%get3A_258, %get3A_259] {strides = array<i32>} : memref<8x1024xf32, #tpu.memory_space<vmem>>, vector<1x16xf32>,
        %get3A_261 = vector.shape_cast %get3A_260 : vector<1x16xf32> to vector<16xf32>
        %swap3A_262 = arith.index_cast %scan3A_178 : i32 to index
        %swap3A_263 = arith.constant 144 : index
        %swap3A_264 = tpu.vector_load %arg9[%swap3A_262, %swap3A_263] {strides = array<i32>} : memref<8x1024xf32, #tpu.memory_space<vmem>>, vector<1x16xf32>,
        %swap3A_265 = vector.shape_cast %swap3A_264 : vector<1x16xf32> to vector<16xf32>
        %swap3A_266 = vector.shape_cast %get3A_261 : vector<16xf32> to vector<1x16xf32>
        tpu.vector_store %arg9[%swap3A_262, %swap3A_263], %swap3A_266 {add = true, strides = array<i32>} : memref<8x1024xf32, #tpu.memory_space<vmem>>, vector<1x16xf32>,
        %get3A_267 = arith.index_cast %scan3A_178 : i32 to index
        %get3A_268 = arith.constant 160 : index
        %get3A_269 = tpu.vector_load %arg13[%get3A_267, %get3A_268] {strides = array<i32>} : memref<8x1024xf32, #tpu.memory_space<vmem>>, vector<1x16xf32>,
        %get3A_270 = vector.shape_cast %get3A_269 : vector<1x16xf32> to vector<16xf32>
        %swap3A_271 = arith.index_cast %scan3A_178 : i32 to index
        %swap3A_272 = arith.constant 160 : index
        %swap3A_273 = tpu.vector_load %arg9[%swap3A_271, %swap3A_272] {strides = array<i32>} : memref<8x1024xf32, #tpu.memory_space<vmem>>, vector<1x16xf32>,
        %swap3A_274 = vector.shape_cast %swap3A_273 : vector<1x16xf32> to vector<16xf32>
        %swap3A_275 = vector.shape_cast %get3A_270 : vector<16xf32> to vector<1x16xf32>
        tpu.vector_store %arg9[%swap3A_271, %swap3A_272], %swap3A_275 {add = true, strides = array<i32>} : memref<8x1024xf32, #tpu.memory_space<vmem>>, vector<1x16xf32>,
        %get3A_276 = arith.index_cast %scan3A_178 : i32 to index
        %get3A_277 = arith.constant 176 : index
        %get3A_278 = tpu.vector_load %arg13[%get3A_276, %get3A_277] {strides = array<i32>} : memref<8x1024xf32, #tpu.memory_space<vmem>>, vector<1x16xf32>,
        %get3A_279 = vector.shape_cast %get3A_278 : vector<1x16xf32> to vector<16xf32>
        %swap3A_280 = arith.index_cast %scan3A_178 : i32 to index
        %swap3A_281 = arith.constant 176 : index
        %swap3A_282 = tpu.vector_load %arg9[%swap3A_280, %swap3A_281] {strides = array<i32>} : memref<8x1024xf32, #tpu.memory_space<vmem>>, vector<1x16xf32>,
        %swap3A_283 = vector.shape_cast %swap3A_282 : vector<1x16xf32> to vector<16xf32>
        %swap3A_284 = vector.shape_cast %get3A_279 : vector<16xf32> to vector<1x16xf32>
        tpu.vector_store %arg9[%swap3A_280, %swap3A_281], %swap3A_284 {add = true, strides = array<i32>} : memref<8x1024xf32, #tpu.memory_space<vmem>>, vector<1x16xf32>,
        %get3A_285 = arith.index_cast %scan3A_178 : i32 to index
        %get3A_286 = arith.constant 192 : index
        %get3A_287 = tpu.vector_load %arg13[%get3A_285, %get3A_286] {strides = array<i32>} : memref<8x1024xf32, #tpu.memory_space<vmem>>, vector<1x16xf32>,
        %get3A_288 = vector.shape_cast %get3A_287 : vector<1x16xf32> to vector<16xf32>
        %swap3A_289 = arith.index_cast %scan3A_178 : i32 to index
        %swap3A_290 = arith.constant 192 : index
        %swap3A_291 = tpu.vector_load %arg9[%swap3A_289, %swap3A_290] {strides = array<i32>} : memref<8x1024xf32, #tpu.memory_space<vmem>>, vector<1x16xf32>,
        %swap3A_292 = vector.shape_cast %swap3A_291 : vector<1x16xf32> to vector<16xf32>
        %swap3A_293 = vector.shape_cast %get3A_288 : vector<16xf32> to vector<1x16xf32>
        tpu.vector_store %arg9[%swap3A_289, %swap3A_290], %swap3A_293 {add = true, strides = array<i32>} : memref<8x1024xf32, #tpu.memory_space<vmem>>, vector<1x16xf32>,
        %get3A_294 = arith.index_cast %scan3A_178 : i32 to index
        %get3A_295 = arith.constant 208 : index
        %get3A_296 = tpu.vector_load %arg13[%get3A_294, %get3A_295] {strides = array<i32>} : memref<8x1024xf32, #tpu.memory_space<vmem>>, vector<1x16xf32>,
        %get3A_297 = vector.shape_cast %get3A_296 : vector<1x16xf32> to vector<16xf32>
        %swap3A_298 = arith.index_cast %scan3A_178 : i32 to index
        %swap3A_299 = arith.constant 208 : index
        %swap3A_300 = tpu.vector_load %arg9[%swap3A_298, %swap3A_299] {strides = array<i32>} : memref<8x1024xf32, #tpu.memory_space<vmem>>, vector<1x16xf32>,
        %swap3A_301 = vector.shape_cast %swap3A_300 : vector<1x16xf32> to vector<16xf32>
        %swap3A_302 = vector.shape_cast %get3A_297 : vector<16xf32> to vector<1x16xf32>
        tpu.vector_store %arg9[%swap3A_298, %swap3A_299], %swap3A_302 {add = true, strides = array<i32>} : memref<8x1024xf32, #tpu.memory_space<vmem>>, vector<1x16xf32>,
        %get3A_303 = arith.index_cast %scan3A_178 : i32 to index
        %get3A_304 = arith.constant 224 : index
        %get3A_305 = tpu.vector_load %arg13[%get3A_303, %get3A_304] {strides = array<i32>} : memref<8x1024xf32, #tpu.memory_space<vmem>>, vector<1x16xf32>,
        %get3A_306 = vector.shape_cast %get3A_305 : vector<1x16xf32> to vector<16xf32>
        %swap3A_307 = arith.index_cast %scan3A_178 : i32 to index
        %swap3A_308 = arith.constant 224 : index
        %swap3A_309 = tpu.vector_load %arg9[%swap3A_307, %swap3A_308] {strides = array<i32>} : memref<8x1024xf32, #tpu.memory_space<vmem>>, vector<1x16xf32>,
        %swap3A_310 = vector.shape_cast %swap3A_309 : vector<1x16xf32> to vector<16xf32>
        %swap3A_311 = vector.shape_cast %get3A_306 : vector<16xf32> to vector<1x16xf32>
        tpu.vector_store %arg9[%swap3A_307, %swap3A_308], %swap3A_311 {add = true, strides = array<i32>} : memref<8x1024xf32, #tpu.memory_space<vmem>>, vector<1x16xf32>,
        %get3A_312 = arith.index_cast %scan3A_178 : i32 to index
        %get3A_313 = arith.constant 240 : index
        %get3A_314 = tpu.vector_load %arg13[%get3A_312, %get3A_313] {strides = array<i32>} : memref<8x1024xf32, #tpu.memory_space<vmem>>, vector<1x16xf32>,
        %get3A_315 = vector.shape_cast %get3A_314 : vector<1x16xf32> to vector<16xf32>
        %swap3A_316 = arith.index_cast %scan3A_178 : i32 to index
        %swap3A_317 = arith.constant 240 : index
        %swap3A_318 = tpu.vector_load %arg9[%swap3A_316, %swap3A_317] {strides = array<i32>} : memref<8x1024xf32, #tpu.memory_space<vmem>>, vector<1x16xf32>,
        %swap3A_319 = vector.shape_cast %swap3A_318 : vector<1x16xf32> to vector<16xf32>
        %swap3A_320 = vector.shape_cast %get3A_315 : vector<16xf32> to vector<1x16xf32>
        tpu.vector_store %arg9[%swap3A_316, %swap3A_317], %swap3A_320 {add = true, strides = array<i32>} : memref<8x1024xf32, #tpu.memory_space<vmem>>, vector<1x16xf32>,
        %get3A_321 = arith.index_cast %scan3A_178 : i32 to index
        %get3A_322 = arith.constant 256 : index
        %get3A_323 = tpu.vector_load %arg13[%get3A_321, %get3A_322] {strides = array<i32>} : memref<8x1024xf32, #tpu.memory_space<vmem>>, vector<1x16xf32>,
        %get3A_324 = vector.shape_cast %get3A_323 : vector<1x16xf32> to vector<16xf32>
        %swap3A_325 = arith.index_cast %scan3A_178 : i32 to index
        %swap3A_326 = arith.constant 256 : index
        %swap3A_327 = tpu.vector_load %arg9[%swap3A_325, %swap3A_326] {strides = array<i32>} : memref<8x1024xf32, #tpu.memory_space<vmem>>, vector<1x16xf32>,
        %swap3A_328 = vector.shape_cast %swap3A_327 : vector<1x16xf32> to vector<16xf32>
        %swap3A_329 = vector.shape_cast %get3A_324 : vector<16xf32> to vector<1x16xf32>
        tpu.vector_store %arg9[%swap3A_325, %swap3A_326], %swap3A_329 {add = true, strides = array<i32>} : memref<8x1024xf32, #tpu.memory_space<vmem>>, vector<1x16xf32>,
        %get3A_330 = arith.index_cast %scan3A_178 : i32 to index
        %get3A_331 = arith.constant 272 : index
        %get3A_332 = tpu.vector_load %arg13[%get3A_330, %get3A_331] {strides = array<i32>} : memref<8x1024xf32, #tpu.memory_space<vmem>>, vector<1x16xf32>,
        %get3A_333 = vector.shape_cast %get3A_332 : vector<1x16xf32> to vector<16xf32>
        %swap3A_334 = arith.index_cast %scan3A_178 : i32 to index
        %swap3A_335 = arith.constant 272 : index
        %swap3A_336 = tpu.vector_load %arg9[%swap3A_334, %swap3A_335] {strides = array<i32>} : memref<8x1024xf32, #tpu.memory_space<vmem>>, vector<1x16xf32>,
        %swap3A_337 = vector.shape_cast %swap3A_336 : vector<1x16xf32> to vector<16xf32>
        %swap3A_338 = vector.shape_cast %get3A_333 : vector<16xf32> to vector<1x16xf32>
        tpu.vector_store %arg9[%swap3A_334, %swap3A_335], %swap3A_338 {add = true, strides = array<i32>} : memref<8x1024xf32, #tpu.memory_space<vmem>>, vector<1x16xf32>,
        %get3A_339 = arith.index_cast %scan3A_178 : i32 to index
        %get3A_340 = arith.constant 288 : index
        %get3A_341 = tpu.vector_load %arg13[%get3A_339, %get3A_340] {strides = array<i32>} : memref<8x1024xf32, #tpu.memory_space<vmem>>, vector<1x16xf32>,
        %get3A_342 = vector.shape_cast %get3A_341 : vector<1x16xf32> to vector<16xf32>
        %swap3A_343 = arith.index_cast %scan3A_178 : i32 to index
        %swap3A_344 = arith.constant 288 : index
        %swap3A_345 = tpu.vector_load %arg9[%swap3A_343, %swap3A_344] {strides = array<i32>} : memref<8x1024xf32, #tpu.memory_space<vmem>>, vector<1x16xf32>,
        %swap3A_346 = vector.shape_cast %swap3A_345 : vector<1x16xf32> to vector<16xf32>
        %swap3A_347 = vector.shape_cast %get3A_342 : vector<16xf32> to vector<1x16xf32>
        tpu.vector_store %arg9[%swap3A_343, %swap3A_344], %swap3A_347 {add = true, strides = array<i32>} : memref<8x1024xf32, #tpu.memory_space<vmem>>, vector<1x16xf32>,
        %get3A_348 = arith.index_cast %scan3A_178 : i32 to index
        %get3A_349 = arith.constant 304 : index
        %get3A_350 = tpu.vector_load %arg13[%get3A_348, %get3A_349] {strides = array<i32>} : memref<8x1024xf32, #tpu.memory_space<vmem>>, vector<1x16xf32>,
        %get3A_351 = vector.shape_cast %get3A_350 : vector<1x16xf32> to vector<16xf32>
        %swap3A_352 = arith.index_cast %scan3A_178 : i32 to index
        %swap3A_353 = arith.constant 304 : index
        %swap3A_354 = tpu.vector_load %arg9[%swap3A_352, %swap3A_353] {strides = array<i32>} : memref<8x1024xf32, #tpu.memory_space<vmem>>, vector<1x16xf32>,
        %swap3A_355 = vector.shape_cast %swap3A_354 : vector<1x16xf32> to vector<16xf32>
        %swap3A_356 = vector.shape_cast %get3A_351 : vector<16xf32> to vector<1x16xf32>
        tpu.vector_store %arg9[%swap3A_352, %swap3A_353], %swap3A_356 {add = true, strides = array<i32>} : memref<8x1024xf32, #tpu.memory_space<vmem>>, vector<1x16xf32>,
        %get3A_357 = arith.index_cast %scan3A_178 : i32 to index
        %get3A_358 = arith.constant 320 : index
        %get3A_359 = tpu.vector_load %arg13[%get3A_357, %get3A_358] {strides = array<i32>} : memref<8x1024xf32, #tpu.memory_space<vmem>>, vector<1x16xf32>,
        %get3A_360 = vector.shape_cast %get3A_359 : vector<1x16xf32> to vector<16xf32>
        %swap3A_361 = arith.index_cast %scan3A_178 : i32 to index
        %swap3A_362 = arith.constant 320 : index
        %swap3A_363 = tpu.vector_load %arg9[%swap3A_361, %swap3A_362] {strides = array<i32>} : memref<8x1024xf32, #tpu.memory_space<vmem>>, vector<1x16xf32>,
        %swap3A_364 = vector.shape_cast %swap3A_363 : vector<1x16xf32> to vector<16xf32>
        %swap3A_365 = vector.shape_cast %get3A_360 : vector<16xf32> to vector<1x16xf32>
        tpu.vector_store %arg9[%swap3A_361, %swap3A_362], %swap3A_365 {add = true, strides = array<i32>} : memref<8x1024xf32, #tpu.memory_space<vmem>>, vector<1x16xf32>,
        %get3A_366 = arith.index_cast %scan3A_178 : i32 to index
        %get3A_367 = arith.constant 336 : index
        %get3A_368 = tpu.vector_load %arg13[%get3A_366, %get3A_367] {strides = array<i32>} : memref<8x1024xf32, #tpu.memory_space<vmem>>, vector<1x16xf32>,
        %get3A_369 = vector.shape_cast %get3A_368 : vector<1x16xf32> to vector<16xf32>
        %swap3A_370 = arith.index_cast %scan3A_178 : i32 to index
        %swap3A_371 = arith.constant 336 : index
        %swap3A_372 = tpu.vector_load %arg9[%swap3A_370, %swap3A_371] {strides = array<i32>} : memref<8x1024xf32, #tpu.memory_space<vmem>>, vector<1x16xf32>,
        %swap3A_373 = vector.shape_cast %swap3A_372 : vector<1x16xf32> to vector<16xf32>
        %swap3A_374 = vector.shape_cast %get3A_369 : vector<16xf32> to vector<1x16xf32>
        tpu.vector_store %arg9[%swap3A_370, %swap3A_371], %swap3A_374 {add = true, strides = array<i32>} : memref<8x1024xf32, #tpu.memory_space<vmem>>, vector<1x16xf32>,
        %get3A_375 = arith.index_cast %scan3A_178 : i32 to index
        %get3A_376 = arith.constant 352 : index
        %get3A_377 = tpu.vector_load %arg13[%get3A_375, %get3A_376] {strides = array<i32>} : memref<8x1024xf32, #tpu.memory_space<vmem>>, vector<1x16xf32>,
        %get3A_378 = vector.shape_cast %get3A_377 : vector<1x16xf32> to vector<16xf32>
        %swap3A_379 = arith.index_cast %scan3A_178 : i32 to index
        %swap3A_380 = arith.constant 352 : index
        %swap3A_381 = tpu.vector_load %arg9[%swap3A_379, %swap3A_380] {strides = array<i32>} : memref<8x1024xf32, #tpu.memory_space<vmem>>, vector<1x16xf32>,
        %swap3A_382 = vector.shape_cast %swap3A_381 : vector<1x16xf32> to vector<16xf32>
        %swap3A_383 = vector.shape_cast %get3A_378 : vector<16xf32> to vector<1x16xf32>
        tpu.vector_store %arg9[%swap3A_379, %swap3A_380], %swap3A_383 {add = true, strides = array<i32>} : memref<8x1024xf32, #tpu.memory_space<vmem>>, vector<1x16xf32>,
        %get3A_384 = arith.index_cast %scan3A_178 : i32 to index
        %get3A_385 = arith.constant 368 : index
        %get3A_386 = tpu.vector_load %arg13[%get3A_384, %get3A_385] {strides = array<i32>} : memref<8x1024xf32, #tpu.memory_space<vmem>>, vector<1x16xf32>,
        %get3A_387 = vector.shape_cast %get3A_386 : vector<1x16xf32> to vector<16xf32>
        %swap3A_388 = arith.index_cast %scan3A_178 : i32 to index
        %swap3A_389 = arith.constant 368 : index
        %swap3A_390 = tpu.vector_load %arg9[%swap3A_388, %swap3A_389] {strides = array<i32>} : memref<8x1024xf32, #tpu.memory_space<vmem>>, vector<1x16xf32>,
        %swap3A_391 = vector.shape_cast %swap3A_390 : vector<1x16xf32> to vector<16xf32>
        %swap3A_392 = vector.shape_cast %get3A_387 : vector<16xf32> to vector<1x16xf32>
        tpu.vector_store %arg9[%swap3A_388, %swap3A_389], %swap3A_392 {add = true, strides = array<i32>} : memref<8x1024xf32, #tpu.memory_space<vmem>>, vector<1x16xf32>,
        %get3A_393 = arith.index_cast %scan3A_178 : i32 to index
        %get3A_394 = arith.constant 384 : index
        %get3A_395 = tpu.vector_load %arg13[%get3A_393, %get3A_394] {strides = array<i32>} : memref<8x1024xf32, #tpu.memory_space<vmem>>, vector<1x16xf32>,
        %get3A_396 = vector.shape_cast %get3A_395 : vector<1x16xf32> to vector<16xf32>
        %swap3A_397 = arith.index_cast %scan3A_178 : i32 to index
        %swap3A_398 = arith.constant 384 : index
        %swap3A_399 = tpu.vector_load %arg9[%swap3A_397, %swap3A_398] {strides = array<i32>} : memref<8x1024xf32, #tpu.memory_space<vmem>>, vector<1x16xf32>,
        %swap3A_400 = vector.shape_cast %swap3A_399 : vector<1x16xf32> to vector<16xf32>
        %swap3A_401 = vector.shape_cast %get3A_396 : vector<16xf32> to vector<1x16xf32>
        tpu.vector_store %arg9[%swap3A_397, %swap3A_398], %swap3A_401 {add = true, strides = array<i32>} : memref<8x1024xf32, #tpu.memory_space<vmem>>, vector<1x16xf32>,
        %get3A_402 = arith.index_cast %scan3A_178 : i32 to index
        %get3A_403 = arith.constant 400 : index
        %get3A_404 = tpu.vector_load %arg13[%get3A_402, %get3A_403] {strides = array<i32>} : memref<8x1024xf32, #tpu.memory_space<vmem>>, vector<1x16xf32>,
        %get3A_405 = vector.shape_cast %get3A_404 : vector<1x16xf32> to vector<16xf32>
        %swap3A_406 = arith.index_cast %scan3A_178 : i32 to index
        %swap3A_407 = arith.constant 400 : index
        %swap3A_408 = tpu.vector_load %arg9[%swap3A_406, %swap3A_407] {strides = array<i32>} : memref<8x1024xf32, #tpu.memory_space<vmem>>, vector<1x16xf32>,
        %swap3A_409 = vector.shape_cast %swap3A_408 : vector<1x16xf32> to vector<16xf32>
        %swap3A_410 = vector.shape_cast %get3A_405 : vector<16xf32> to vector<1x16xf32>
        tpu.vector_store %arg9[%swap3A_406, %swap3A_407], %swap3A_410 {add = true, strides = array<i32>} : memref<8x1024xf32, #tpu.memory_space<vmem>>, vector<1x16xf32>,
        %get3A_411 = arith.index_cast %scan3A_178 : i32 to index
        %get3A_412 = arith.constant 416 : index
        %get3A_413 = tpu.vector_load %arg13[%get3A_411, %get3A_412] {strides = array<i32>} : memref<8x1024xf32, #tpu.memory_space<vmem>>, vector<1x16xf32>,
        %get3A_414 = vector.shape_cast %get3A_413 : vector<1x16xf32> to vector<16xf32>
        %swap3A_415 = arith.index_cast %scan3A_178 : i32 to index
        %swap3A_416 = arith.constant 416 : index
        %swap3A_417 = tpu.vector_load %arg9[%swap3A_415, %swap3A_416] {strides = array<i32>} : memref<8x1024xf32, #tpu.memory_space<vmem>>, vector<1x16xf32>,
        %swap3A_418 = vector.shape_cast %swap3A_417 : vector<1x16xf32> to vector<16xf32>
        %swap3A_419 = vector.shape_cast %get3A_414 : vector<16xf32> to vector<1x16xf32>
        tpu.vector_store %arg9[%swap3A_415, %swap3A_416], %swap3A_419 {add = true, strides = array<i32>} : memref<8x1024xf32, #tpu.memory_space<vmem>>, vector<1x16xf32>,
        %get3A_420 = arith.index_cast %scan3A_178 : i32 to index
        %get3A_421 = arith.constant 432 : index
        %get3A_422 = tpu.vector_load %arg13[%get3A_420, %get3A_421] {strides = array<i32>} : memref<8x1024xf32, #tpu.memory_space<vmem>>, vector<1x16xf32>,
        %get3A_423 = vector.shape_cast %get3A_422 : vector<1x16xf32> to vector<16xf32>
        %swap3A_424 = arith.index_cast %scan3A_178 : i32 to index
        %swap3A_425 = arith.constant 432 : index
        %swap3A_426 = tpu.vector_load %arg9[%swap3A_424, %swap3A_425] {strides = array<i32>} : memref<8x1024xf32, #tpu.memory_space<vmem>>, vector<1x16xf32>,
        %swap3A_427 = vector.shape_cast %swap3A_426 : vector<1x16xf32> to vector<16xf32>
        %swap3A_428 = vector.shape_cast %get3A_423 : vector<16xf32> to vector<1x16xf32>
        tpu.vector_store %arg9[%swap3A_424, %swap3A_425], %swap3A_428 {add = true, strides = array<i32>} : memref<8x1024xf32, #tpu.memory_space<vmem>>, vector<1x16xf32>,
        %get3A_429 = arith.index_cast %scan3A_178 : i32 to index
        %get3A_430 = arith.constant 448 : index
        %get3A_431 = tpu.vector_load %arg13[%get3A_429, %get3A_430] {strides = array<i32>} : memref<8x1024xf32, #tpu.memory_space<vmem>>, vector<1x16xf32>,
        %get3A_432 = vector.shape_cast %get3A_431 : vector<1x16xf32> to vector<16xf32>
        %swap3A_433 = arith.index_cast %scan3A_178 : i32 to index
        %swap3A_434 = arith.constant 448 : index
        %swap3A_435 = tpu.vector_load %arg9[%swap3A_433, %swap3A_434] {strides = array<i32>} : memref<8x1024xf32, #tpu.memory_space<vmem>>, vector<1x16xf32>,
        %swap3A_436 = vector.shape_cast %swap3A_435 : vector<1x16xf32> to vector<16xf32>
        %swap3A_437 = vector.shape_cast %get3A_432 : vector<16xf32> to vector<1x16xf32>
        tpu.vector_store %arg9[%swap3A_433, %swap3A_434], %swap3A_437 {add = true, strides = array<i32>} : memref<8x1024xf32, #tpu.memory_space<vmem>>, vector<1x16xf32>,
        %get3A_438 = arith.index_cast %scan3A_178 : i32 to index
        %get3A_439 = arith.constant 464 : index
        %get3A_440 = tpu.vector_load %arg13[%get3A_438, %get3A_439] {strides = array<i32>} : memref<8x1024xf32, #tpu.memory_space<vmem>>, vector<1x16xf32>,
        %get3A_441 = vector.shape_cast %get3A_440 : vector<1x16xf32> to vector<16xf32>
        %swap3A_442 = arith.index_cast %scan3A_178 : i32 to index
        %swap3A_443 = arith.constant 464 : index
        %swap3A_444 = tpu.vector_load %arg9[%swap3A_442, %swap3A_443] {strides = array<i32>} : memref<8x1024xf32, #tpu.memory_space<vmem>>, vector<1x16xf32>,
        %swap3A_445 = vector.shape_cast %swap3A_444 : vector<1x16xf32> to vector<16xf32>
        %swap3A_446 = vector.shape_cast %get3A_441 : vector<16xf32> to vector<1x16xf32>
        tpu.vector_store %arg9[%swap3A_442, %swap3A_443], %swap3A_446 {add = true, strides = array<i32>} : memref<8x1024xf32, #tpu.memory_space<vmem>>, vector<1x16xf32>,
        %get3A_447 = arith.index_cast %scan3A_178 : i32 to index
        %get3A_448 = arith.constant 480 : index
        %get3A_449 = tpu.vector_load %arg13[%get3A_447, %get3A_448] {strides = array<i32>} : memref<8x1024xf32, #tpu.memory_space<vmem>>, vector<1x16xf32>,
        %get3A_450 = vector.shape_cast %get3A_449 : vector<1x16xf32> to vector<16xf32>
        %swap3A_451 = arith.index_cast %scan3A_178 : i32 to index
        %swap3A_452 = arith.constant 480 : index
        %swap3A_453 = tpu.vector_load %arg9[%swap3A_451, %swap3A_452] {strides = array<i32>} : memref<8x1024xf32, #tpu.memory_space<vmem>>, vector<1x16xf32>,
        %swap3A_454 = vector.shape_cast %swap3A_453 : vector<1x16xf32> to vector<16xf32>
        %swap3A_455 = vector.shape_cast %get3A_450 : vector<16xf32> to vector<1x16xf32>
        tpu.vector_store %arg9[%swap3A_451, %swap3A_452], %swap3A_455 {add = true, strides = array<i32>} : memref<8x1024xf32, #tpu.memory_space<vmem>>, vector<1x16xf32>,
        %get3A_456 = arith.index_cast %scan3A_178 : i32 to index
        %get3A_457 = arith.constant 496 : index
        %get3A_458 = tpu.vector_load %arg13[%get3A_456, %get3A_457] {strides = array<i32>} : memref<8x1024xf32, #tpu.memory_space<vmem>>, vector<1x16xf32>,
        %get3A_459 = vector.shape_cast %get3A_458 : vector<1x16xf32> to vector<16xf32>
        %swap3A_460 = arith.index_cast %scan3A_178 : i32 to index
        %swap3A_461 = arith.constant 496 : index
        %swap3A_462 = tpu.vector_load %arg9[%swap3A_460, %swap3A_461] {strides = array<i32>} : memref<8x1024xf32, #tpu.memory_space<vmem>>, vector<1x16xf32>,
        %swap3A_463 = vector.shape_cast %swap3A_462 : vector<1x16xf32> to vector<16xf32>
        %swap3A_464 = vector.shape_cast %get3A_459 : vector<16xf32> to vector<1x16xf32>
        tpu.vector_store %arg9[%swap3A_460, %swap3A_461], %swap3A_464 {add = true, strides = array<i32>} : memref<8x1024xf32, #tpu.memory_space<vmem>>, vector<1x16xf32>,
        %get3A_465 = arith.index_cast %scan3A_178 : i32 to index
        %get3A_466 = arith.constant 512 : index
        %get3A_467 = tpu.vector_load %arg13[%get3A_465, %get3A_466] {strides = array<i32>} : memref<8x1024xf32, #tpu.memory_space<vmem>>, vector<1x16xf32>,
        %get3A_468 = vector.shape_cast %get3A_467 : vector<1x16xf32> to vector<16xf32>
        %swap3A_469 = arith.index_cast %scan3A_178 : i32 to index
        %swap3A_470 = arith.constant 512 : index
        %swap3A_471 = tpu.vector_load %arg9[%swap3A_469, %swap3A_470] {strides = array<i32>} : memref<8x1024xf32, #tpu.memory_space<vmem>>, vector<1x16xf32>,
        %swap3A_472 = vector.shape_cast %swap3A_471 : vector<1x16xf32> to vector<16xf32>
        %swap3A_473 = vector.shape_cast %get3A_468 : vector<16xf32> to vector<1x16xf32>
        tpu.vector_store %arg9[%swap3A_469, %swap3A_470], %swap3A_473 {add = true, strides = array<i32>} : memref<8x1024xf32, #tpu.memory_space<vmem>>, vector<1x16xf32>,
        %get3A_474 = arith.index_cast %scan3A_178 : i32 to index
        %get3A_475 = arith.constant 528 : index
        %get3A_476 = tpu.vector_load %arg13[%get3A_474, %get3A_475] {strides = array<i32>} : memref<8x1024xf32, #tpu.memory_space<vmem>>, vector<1x16xf32>,
        %get3A_477 = vector.shape_cast %get3A_476 : vector<1x16xf32> to vector<16xf32>
        %swap3A_478 = arith.index_cast %scan3A_178 : i32 to index
        %swap3A_479 = arith.constant 528 : index
        %swap3A_480 = tpu.vector_load %arg9[%swap3A_478, %swap3A_479] {strides = array<i32>} : memref<8x1024xf32, #tpu.memory_space<vmem>>, vector<1x16xf32>,
        %swap3A_481 = vector.shape_cast %swap3A_480 : vector<1x16xf32> to vector<16xf32>
        %swap3A_482 = vector.shape_cast %get3A_477 : vector<16xf32> to vector<1x16xf32>
        tpu.vector_store %arg9[%swap3A_478, %swap3A_479], %swap3A_482 {add = true, strides = array<i32>} : memref<8x1024xf32, #tpu.memory_space<vmem>>, vector<1x16xf32>,
        %get3A_483 = arith.index_cast %scan3A_178 : i32 to index
        %get3A_484 = arith.constant 544 : index
        %get3A_485 = tpu.vector_load %arg13[%get3A_483, %get3A_484] {strides = array<i32>} : memref<8x1024xf32, #tpu.memory_space<vmem>>, vector<1x16xf32>,
        %get3A_486 = vector.shape_cast %get3A_485 : vector<1x16xf32> to vector<16xf32>
        %swap3A_487 = arith.index_cast %scan3A_178 : i32 to index
        %swap3A_488 = arith.constant 544 : index
        %swap3A_489 = tpu.vector_load %arg9[%swap3A_487, %swap3A_488] {strides = array<i32>} : memref<8x1024xf32, #tpu.memory_space<vmem>>, vector<1x16xf32>,
        %swap3A_490 = vector.shape_cast %swap3A_489 : vector<1x16xf32> to vector<16xf32>
        %swap3A_491 = vector.shape_cast %get3A_486 : vector<16xf32> to vector<1x16xf32>
        tpu.vector_store %arg9[%swap3A_487, %swap3A_488], %swap3A_491 {add = true, strides = array<i32>} : memref<8x1024xf32, #tpu.memory_space<vmem>>, vector<1x16xf32>,
        %get3A_492 = arith.index_cast %scan3A_178 : i32 to index
        %get3A_493 = arith.constant 560 : index
        %get3A_494 = tpu.vector_load %arg13[%get3A_492, %get3A_493] {strides = array<i32>} : memref<8x1024xf32, #tpu.memory_space<vmem>>, vector<1x16xf32>,
        %get3A_495 = vector.shape_cast %get3A_494 : vector<1x16xf32> to vector<16xf32>
        %swap3A_496 = arith.index_cast %scan3A_178 : i32 to index
        %swap3A_497 = arith.constant 560 : index
        %swap3A_498 = tpu.vector_load %arg9[%swap3A_496, %swap3A_497] {strides = array<i32>} : memref<8x1024xf32, #tpu.memory_space<vmem>>, vector<1x16xf32>,
        %swap3A_499 = vector.shape_cast %swap3A_498 : vector<1x16xf32> to vector<16xf32>
        %swap3A_500 = vector.shape_cast %get3A_495 : vector<16xf32> to vector<1x16xf32>
        tpu.vector_store %arg9[%swap3A_496, %swap3A_497], %swap3A_500 {add = true, strides = array<i32>} : memref<8x1024xf32, #tpu.memory_space<vmem>>, vector<1x16xf32>,
        %get3A_501 = arith.index_cast %scan3A_178 : i32 to index
        %get3A_502 = arith.constant 576 : index
        %get3A_503 = tpu.vector_load %arg13[%get3A_501, %get3A_502] {strides = array<i32>} : memref<8x1024xf32, #tpu.memory_space<vmem>>, vector<1x16xf32>,
        %get3A_504 = vector.shape_cast %get3A_503 : vector<1x16xf32> to vector<16xf32>
        %swap3A_505 = arith.index_cast %scan3A_178 : i32 to index
        %swap3A_506 = arith.constant 576 : index
        %swap3A_507 = tpu.vector_load %arg9[%swap3A_505, %swap3A_506] {strides = array<i32>} : memref<8x1024xf32, #tpu.memory_space<vmem>>, vector<1x16xf32>,
        %swap3A_508 = vector.shape_cast %swap3A_507 : vector<1x16xf32> to vector<16xf32>
        %swap3A_509 = vector.shape_cast %get3A_504 : vector<16xf32> to vector<1x16xf32>
        tpu.vector_store %arg9[%swap3A_505, %swap3A_506], %swap3A_509 {add = true, strides = array<i32>} : memref<8x1024xf32, #tpu.memory_space<vmem>>, vector<1x16xf32>,
        %get3A_510 = arith.index_cast %scan3A_178 : i32 to index
        %get3A_511 = arith.constant 592 : index
        %get3A_512 = tpu.vector_load %arg13[%get3A_510, %get3A_511] {strides = array<i32>} : memref<8x1024xf32, #tpu.memory_space<vmem>>, vector<1x16xf32>,
        %get3A_513 = vector.shape_cast %get3A_512 : vector<1x16xf32> to vector<16xf32>
        %swap3A_514 = arith.index_cast %scan3A_178 : i32 to index
        %swap3A_515 = arith.constant 592 : index
        %swap3A_516 = tpu.vector_load %arg9[%swap3A_514, %swap3A_515] {strides = array<i32>} : memref<8x1024xf32, #tpu.memory_space<vmem>>, vector<1x16xf32>,
        %swap3A_517 = vector.shape_cast %swap3A_516 : vector<1x16xf32> to vector<16xf32>
        %swap3A_518 = vector.shape_cast %get3A_513 : vector<16xf32> to vector<1x16xf32>
        tpu.vector_store %arg9[%swap3A_514, %swap3A_515], %swap3A_518 {add = true, strides = array<i32>} : memref<8x1024xf32, #tpu.memory_space<vmem>>, vector<1x16xf32>,
        %get3A_519 = arith.index_cast %scan3A_178 : i32 to index
        %get3A_520 = arith.constant 608 : index
        %get3A_521 = tpu.vector_load %arg13[%get3A_519, %get3A_520] {strides = array<i32>} : memref<8x1024xf32, #tpu.memory_space<vmem>>, vector<1x16xf32>,
        %get3A_522 = vector.shape_cast %get3A_521 : vector<1x16xf32> to vector<16xf32>
        %swap3A_523 = arith.index_cast %scan3A_178 : i32 to index
        %swap3A_524 = arith.constant 608 : index
        %swap3A_525 = tpu.vector_load %arg9[%swap3A_523, %swap3A_524] {strides = array<i32>} : memref<8x1024xf32, #tpu.memory_space<vmem>>, vector<1x16xf32>,
        %swap3A_526 = vector.shape_cast %swap3A_525 : vector<1x16xf32> to vector<16xf32>
        %swap3A_527 = vector.shape_cast %get3A_522 : vector<16xf32> to vector<1x16xf32>
        tpu.vector_store %arg9[%swap3A_523, %swap3A_524], %swap3A_527 {add = true, strides = array<i32>} : memref<8x1024xf32, #tpu.memory_space<vmem>>, vector<1x16xf32>,
        %get3A_528 = arith.index_cast %scan3A_178 : i32 to index
        %get3A_529 = arith.constant 624 : index
        %get3A_530 = tpu.vector_load %arg13[%get3A_528, %get3A_529] {strides = array<i32>} : memref<8x1024xf32, #tpu.memory_space<vmem>>, vector<1x16xf32>,
        %get3A_531 = vector.shape_cast %get3A_530 : vector<1x16xf32> to vector<16xf32>
        %swap3A_532 = arith.index_cast %scan3A_178 : i32 to index
        %swap3A_533 = arith.constant 624 : index
        %swap3A_534 = tpu.vector_load %arg9[%swap3A_532, %swap3A_533] {strides = array<i32>} : memref<8x1024xf32, #tpu.memory_space<vmem>>, vector<1x16xf32>,
        %swap3A_535 = vector.shape_cast %swap3A_534 : vector<1x16xf32> to vector<16xf32>
        %swap3A_536 = vector.shape_cast %get3A_531 : vector<16xf32> to vector<1x16xf32>
        tpu.vector_store %arg9[%swap3A_532, %swap3A_533], %swap3A_536 {add = true, strides = array<i32>} : memref<8x1024xf32, #tpu.memory_space<vmem>>, vector<1x16xf32>,
        %get3A_537 = arith.index_cast %scan3A_178 : i32 to index
        %get3A_538 = arith.constant 640 : index
        %get3A_539 = tpu.vector_load %arg13[%get3A_537, %get3A_538] {strides = array<i32>} : memref<8x1024xf32, #tpu.memory_space<vmem>>, vector<1x16xf32>,
        %get3A_540 = vector.shape_cast %get3A_539 : vector<1x16xf32> to vector<16xf32>
        %swap3A_541 = arith.index_cast %scan3A_178 : i32 to index
        %swap3A_542 = arith.constant 640 : index
        %swap3A_543 = tpu.vector_load %arg9[%swap3A_541, %swap3A_542] {strides = array<i32>} : memref<8x1024xf32, #tpu.memory_space<vmem>>, vector<1x16xf32>,
        %swap3A_544 = vector.shape_cast %swap3A_543 : vector<1x16xf32> to vector<16xf32>
        %swap3A_545 = vector.shape_cast %get3A_540 : vector<16xf32> to vector<1x16xf32>
        tpu.vector_store %arg9[%swap3A_541, %swap3A_542], %swap3A_545 {add = true, strides = array<i32>} : memref<8x1024xf32, #tpu.memory_space<vmem>>, vector<1x16xf32>,
        %get3A_546 = arith.index_cast %scan3A_178 : i32 to index
        %get3A_547 = arith.constant 656 : index
        %get3A_548 = tpu.vector_load %arg13[%get3A_546, %get3A_547] {strides = array<i32>} : memref<8x1024xf32, #tpu.memory_space<vmem>>, vector<1x16xf32>,
        %get3A_549 = vector.shape_cast %get3A_548 : vector<1x16xf32> to vector<16xf32>
        %swap3A_550 = arith.index_cast %scan3A_178 : i32 to index
        %swap3A_551 = arith.constant 656 : index
        %swap3A_552 = tpu.vector_load %arg9[%swap3A_550, %swap3A_551] {strides = array<i32>} : memref<8x1024xf32, #tpu.memory_space<vmem>>, vector<1x16xf32>,
        %swap3A_553 = vector.shape_cast %swap3A_552 : vector<1x16xf32> to vector<16xf32>
        %swap3A_554 = vector.shape_cast %get3A_549 : vector<16xf32> to vector<1x16xf32>
        tpu.vector_store %arg9[%swap3A_550, %swap3A_551], %swap3A_554 {add = true, strides = array<i32>} : memref<8x1024xf32, #tpu.memory_space<vmem>>, vector<1x16xf32>,
        %get3A_555 = arith.index_cast %scan3A_178 : i32 to index
        %get3A_556 = arith.constant 672 : index
        %get3A_557 = tpu.vector_load %arg13[%get3A_555, %get3A_556] {strides = array<i32>} : memref<8x1024xf32, #tpu.memory_space<vmem>>, vector<1x16xf32>,
        %get3A_558 = vector.shape_cast %get3A_557 : vector<1x16xf32> to vector<16xf32>
        %swap3A_559 = arith.index_cast %scan3A_178 : i32 to index
        %swap3A_560 = arith.constant 672 : index
        %swap3A_561 = tpu.vector_load %arg9[%swap3A_559, %swap3A_560] {strides = array<i32>} : memref<8x1024xf32, #tpu.memory_space<vmem>>, vector<1x16xf32>,
        %swap3A_562 = vector.shape_cast %swap3A_561 : vector<1x16xf32> to vector<16xf32>
        %swap3A_563 = vector.shape_cast %get3A_558 : vector<16xf32> to vector<1x16xf32>
        tpu.vector_store %arg9[%swap3A_559, %swap3A_560], %swap3A_563 {add = true, strides = array<i32>} : memref<8x1024xf32, #tpu.memory_space<vmem>>, vector<1x16xf32>,
        %get3A_564 = arith.index_cast %scan3A_178 : i32 to index
        %get3A_565 = arith.constant 688 : index
        %get3A_566 = tpu.vector_load %arg13[%get3A_564, %get3A_565] {strides = array<i32>} : memref<8x1024xf32, #tpu.memory_space<vmem>>, vector<1x16xf32>,
        %get3A_567 = vector.shape_cast %get3A_566 : vector<1x16xf32> to vector<16xf32>
        %swap3A_568 = arith.index_cast %scan3A_178 : i32 to index
        %swap3A_569 = arith.constant 688 : index
        %swap3A_570 = tpu.vector_load %arg9[%swap3A_568, %swap3A_569] {strides = array<i32>} : memref<8x1024xf32, #tpu.memory_space<vmem>>, vector<1x16xf32>,
        %swap3A_571 = vector.shape_cast %swap3A_570 : vector<1x16xf32> to vector<16xf32>
        %swap3A_572 = vector.shape_cast %get3A_567 : vector<16xf32> to vector<1x16xf32>
        tpu.vector_store %arg9[%swap3A_568, %swap3A_569], %swap3A_572 {add = true, strides = array<i32>} : memref<8x1024xf32, #tpu.memory_space<vmem>>, vector<1x16xf32>,
        %get3A_573 = arith.index_cast %scan3A_178 : i32 to index
        %get3A_574 = arith.constant 704 : index
        %get3A_575 = tpu.vector_load %arg13[%get3A_573, %get3A_574] {strides = array<i32>} : memref<8x1024xf32, #tpu.memory_space<vmem>>, vector<1x16xf32>,
        %get3A_576 = vector.shape_cast %get3A_575 : vector<1x16xf32> to vector<16xf32>
        %swap3A_577 = arith.index_cast %scan3A_178 : i32 to index
        %swap3A_578 = arith.constant 704 : index
        %swap3A_579 = tpu.vector_load %arg9[%swap3A_577, %swap3A_578] {strides = array<i32>} : memref<8x1024xf32, #tpu.memory_space<vmem>>, vector<1x16xf32>,
        %swap3A_580 = vector.shape_cast %swap3A_579 : vector<1x16xf32> to vector<16xf32>
        %swap3A_581 = vector.shape_cast %get3A_576 : vector<16xf32> to vector<1x16xf32>
        tpu.vector_store %arg9[%swap3A_577, %swap3A_578], %swap3A_581 {add = true, strides = array<i32>} : memref<8x1024xf32, #tpu.memory_space<vmem>>, vector<1x16xf32>,
        %get3A_582 = arith.index_cast %scan3A_178 : i32 to index
        %get3A_583 = arith.constant 720 : index
        %get3A_584 = tpu.vector_load %arg13[%get3A_582, %get3A_583] {strides = array<i32>} : memref<8x1024xf32, #tpu.memory_space<vmem>>, vector<1x16xf32>,
        %get3A_585 = vector.shape_cast %get3A_584 : vector<1x16xf32> to vector<16xf32>
        %swap3A_586 = arith.index_cast %scan3A_178 : i32 to index
        %swap3A_587 = arith.constant 720 : index
        %swap3A_588 = tpu.vector_load %arg9[%swap3A_586, %swap3A_587] {strides = array<i32>} : memref<8x1024xf32, #tpu.memory_space<vmem>>, vector<1x16xf32>,
        %swap3A_589 = vector.shape_cast %swap3A_588 : vector<1x16xf32> to vector<16xf32>
        %swap3A_590 = vector.shape_cast %get3A_585 : vector<16xf32> to vector<1x16xf32>
        tpu.vector_store %arg9[%swap3A_586, %swap3A_587], %swap3A_590 {add = true, strides = array<i32>} : memref<8x1024xf32, #tpu.memory_space<vmem>>, vector<1x16xf32>,
        %get3A_591 = arith.index_cast %scan3A_178 : i32 to index
        %get3A_592 = arith.constant 736 : index
        %get3A_593 = tpu.vector_load %arg13[%get3A_591, %get3A_592] {strides = array<i32>} : memref<8x1024xf32, #tpu.memory_space<vmem>>, vector<1x16xf32>,
        %get3A_594 = vector.shape_cast %get3A_593 : vector<1x16xf32> to vector<16xf32>
        %swap3A_595 = arith.index_cast %scan3A_178 : i32 to index
        %swap3A_596 = arith.constant 736 : index
        %swap3A_597 = tpu.vector_load %arg9[%swap3A_595, %swap3A_596] {strides = array<i32>} : memref<8x1024xf32, #tpu.memory_space<vmem>>, vector<1x16xf32>,
        %swap3A_598 = vector.shape_cast %swap3A_597 : vector<1x16xf32> to vector<16xf32>
        %swap3A_599 = vector.shape_cast %get3A_594 : vector<16xf32> to vector<1x16xf32>
        tpu.vector_store %arg9[%swap3A_595, %swap3A_596], %swap3A_599 {add = true, strides = array<i32>} : memref<8x1024xf32, #tpu.memory_space<vmem>>, vector<1x16xf32>,
        %get3A_600 = arith.index_cast %scan3A_178 : i32 to index
        %get3A_601 = arith.constant 752 : index
        %get3A_602 = tpu.vector_load %arg13[%get3A_600, %get3A_601] {strides = array<i32>} : memref<8x1024xf32, #tpu.memory_space<vmem>>, vector<1x16xf32>,
        %get3A_603 = vector.shape_cast %get3A_602 : vector<1x16xf32> to vector<16xf32>
        %swap3A_604 = arith.index_cast %scan3A_178 : i32 to index
        %swap3A_605 = arith.constant 752 : index
        %swap3A_606 = tpu.vector_load %arg9[%swap3A_604, %swap3A_605] {strides = array<i32>} : memref<8x1024xf32, #tpu.memory_space<vmem>>, vector<1x16xf32>,
        %swap3A_607 = vector.shape_cast %swap3A_606 : vector<1x16xf32> to vector<16xf32>
        %swap3A_608 = vector.shape_cast %get3A_603 : vector<16xf32> to vector<1x16xf32>
        tpu.vector_store %arg9[%swap3A_604, %swap3A_605], %swap3A_608 {add = true, strides = array<i32>} : memref<8x1024xf32, #tpu.memory_space<vmem>>, vector<1x16xf32>,
        %get3A_609 = arith.index_cast %scan3A_178 : i32 to index
        %get3A_610 = arith.constant 768 : index
        %get3A_611 = tpu.vector_load %arg13[%get3A_609, %get3A_610] {strides = array<i32>} : memref<8x1024xf32, #tpu.memory_space<vmem>>, vector<1x16xf32>,
        %get3A_612 = vector.shape_cast %get3A_611 : vector<1x16xf32> to vector<16xf32>
        %swap3A_613 = arith.index_cast %scan3A_178 : i32 to index
        %swap3A_614 = arith.constant 768 : index
        %swap3A_615 = tpu.vector_load %arg9[%swap3A_613, %swap3A_614] {strides = array<i32>} : memref<8x1024xf32, #tpu.memory_space<vmem>>, vector<1x16xf32>,
        %swap3A_616 = vector.shape_cast %swap3A_615 : vector<1x16xf32> to vector<16xf32>
        %swap3A_617 = vector.shape_cast %get3A_612 : vector<16xf32> to vector<1x16xf32>
        tpu.vector_store %arg9[%swap3A_613, %swap3A_614], %swap3A_617 {add = true, strides = array<i32>} : memref<8x1024xf32, #tpu.memory_space<vmem>>, vector<1x16xf32>,
        %get3A_618 = arith.index_cast %scan3A_178 : i32 to index
        %get3A_619 = arith.constant 784 : index
        %get3A_620 = tpu.vector_load %arg13[%get3A_618, %get3A_619] {strides = array<i32>} : memref<8x1024xf32, #tpu.memory_space<vmem>>, vector<1x16xf32>,
        %get3A_621 = vector.shape_cast %get3A_620 : vector<1x16xf32> to vector<16xf32>
        %swap3A_622 = arith.index_cast %scan3A_178 : i32 to index
        %swap3A_623 = arith.constant 784 : index
        %swap3A_624 = tpu.vector_load %arg9[%swap3A_622, %swap3A_623] {strides = array<i32>} : memref<8x1024xf32, #tpu.memory_space<vmem>>, vector<1x16xf32>,
        %swap3A_625 = vector.shape_cast %swap3A_624 : vector<1x16xf32> to vector<16xf32>
        %swap3A_626 = vector.shape_cast %get3A_621 : vector<16xf32> to vector<1x16xf32>
        tpu.vector_store %arg9[%swap3A_622, %swap3A_623], %swap3A_626 {add = true, strides = array<i32>} : memref<8x1024xf32, #tpu.memory_space<vmem>>, vector<1x16xf32>,
        %get3A_627 = arith.index_cast %scan3A_178 : i32 to index
        %get3A_628 = arith.constant 800 : index
        %get3A_629 = tpu.vector_load %arg13[%get3A_627, %get3A_628] {strides = array<i32>} : memref<8x1024xf32, #tpu.memory_space<vmem>>, vector<1x16xf32>,
        %get3A_630 = vector.shape_cast %get3A_629 : vector<1x16xf32> to vector<16xf32>
        %swap3A_631 = arith.index_cast %scan3A_178 : i32 to index
        %swap3A_632 = arith.constant 800 : index
        %swap3A_633 = tpu.vector_load %arg9[%swap3A_631, %swap3A_632] {strides = array<i32>} : memref<8x1024xf32, #tpu.memory_space<vmem>>, vector<1x16xf32>,
        %swap3A_634 = vector.shape_cast %swap3A_633 : vector<1x16xf32> to vector<16xf32>
        %swap3A_635 = vector.shape_cast %get3A_630 : vector<16xf32> to vector<1x16xf32>
        tpu.vector_store %arg9[%swap3A_631, %swap3A_632], %swap3A_635 {add = true, strides = array<i32>} : memref<8x1024xf32, #tpu.memory_space<vmem>>, vector<1x16xf32>,
        %get3A_636 = arith.index_cast %scan3A_178 : i32 to index
        %get3A_637 = arith.constant 816 : index
        %get3A_638 = tpu.vector_load %arg13[%get3A_636, %get3A_637] {strides = array<i32>} : memref<8x1024xf32, #tpu.memory_space<vmem>>, vector<1x16xf32>,
        %get3A_639 = vector.shape_cast %get3A_638 : vector<1x16xf32> to vector<16xf32>
        %swap3A_640 = arith.index_cast %scan3A_178 : i32 to index
        %swap3A_641 = arith.constant 816 : index
        %swap3A_642 = tpu.vector_load %arg9[%swap3A_640, %swap3A_641] {strides = array<i32>} : memref<8x1024xf32, #tpu.memory_space<vmem>>, vector<1x16xf32>,
        %swap3A_643 = vector.shape_cast %swap3A_642 : vector<1x16xf32> to vector<16xf32>
        %swap3A_644 = vector.shape_cast %get3A_639 : vector<16xf32> to vector<1x16xf32>
        tpu.vector_store %arg9[%swap3A_640, %swap3A_641], %swap3A_644 {add = true, strides = array<i32>} : memref<8x1024xf32, #tpu.memory_space<vmem>>, vector<1x16xf32>,
        %get3A_645 = arith.index_cast %scan3A_178 : i32 to index
        %get3A_646 = arith.constant 832 : index
        %get3A_647 = tpu.vector_load %arg13[%get3A_645, %get3A_646] {strides = array<i32>} : memref<8x1024xf32, #tpu.memory_space<vmem>>, vector<1x16xf32>,
        %get3A_648 = vector.shape_cast %get3A_647 : vector<1x16xf32> to vector<16xf32>
        %swap3A_649 = arith.index_cast %scan3A_178 : i32 to index
        %swap3A_650 = arith.constant 832 : index
        %swap3A_651 = tpu.vector_load %arg9[%swap3A_649, %swap3A_650] {strides = array<i32>} : memref<8x1024xf32, #tpu.memory_space<vmem>>, vector<1x16xf32>,
        %swap3A_652 = vector.shape_cast %swap3A_651 : vector<1x16xf32> to vector<16xf32>
        %swap3A_653 = vector.shape_cast %get3A_648 : vector<16xf32> to vector<1x16xf32>
        tpu.vector_store %arg9[%swap3A_649, %swap3A_650], %swap3A_653 {add = true, strides = array<i32>} : memref<8x1024xf32, #tpu.memory_space<vmem>>, vector<1x16xf32>,
        %get3A_654 = arith.index_cast %scan3A_178 : i32 to index
        %get3A_655 = arith.constant 848 : index
        %get3A_656 = tpu.vector_load %arg13[%get3A_654, %get3A_655] {strides = array<i32>} : memref<8x1024xf32, #tpu.memory_space<vmem>>, vector<1x16xf32>,
        %get3A_657 = vector.shape_cast %get3A_656 : vector<1x16xf32> to vector<16xf32>
        %swap3A_658 = arith.index_cast %scan3A_178 : i32 to index
        %swap3A_659 = arith.constant 848 : index
        %swap3A_660 = tpu.vector_load %arg9[%swap3A_658, %swap3A_659] {strides = array<i32>} : memref<8x1024xf32, #tpu.memory_space<vmem>>, vector<1x16xf32>,
        %swap3A_661 = vector.shape_cast %swap3A_660 : vector<1x16xf32> to vector<16xf32>
        %swap3A_662 = vector.shape_cast %get3A_657 : vector<16xf32> to vector<1x16xf32>
        tpu.vector_store %arg9[%swap3A_658, %swap3A_659], %swap3A_662 {add = true, strides = array<i32>} : memref<8x1024xf32, #tpu.memory_space<vmem>>, vector<1x16xf32>,
        %get3A_663 = arith.index_cast %scan3A_178 : i32 to index
        %get3A_664 = arith.constant 864 : index
        %get3A_665 = tpu.vector_load %arg13[%get3A_663, %get3A_664] {strides = array<i32>} : memref<8x1024xf32, #tpu.memory_space<vmem>>, vector<1x16xf32>,
        %get3A_666 = vector.shape_cast %get3A_665 : vector<1x16xf32> to vector<16xf32>
        %swap3A_667 = arith.index_cast %scan3A_178 : i32 to index
        %swap3A_668 = arith.constant 864 : index
        %swap3A_669 = tpu.vector_load %arg9[%swap3A_667, %swap3A_668] {strides = array<i32>} : memref<8x1024xf32, #tpu.memory_space<vmem>>, vector<1x16xf32>,
        %swap3A_670 = vector.shape_cast %swap3A_669 : vector<1x16xf32> to vector<16xf32>
        %swap3A_671 = vector.shape_cast %get3A_666 : vector<16xf32> to vector<1x16xf32>
        tpu.vector_store %arg9[%swap3A_667, %swap3A_668], %swap3A_671 {add = true, strides = array<i32>} : memref<8x1024xf32, #tpu.memory_space<vmem>>, vector<1x16xf32>,
        %get3A_672 = arith.index_cast %scan3A_178 : i32 to index
        %get3A_673 = arith.constant 880 : index
        %get3A_674 = tpu.vector_load %arg13[%get3A_672, %get3A_673] {strides = array<i32>} : memref<8x1024xf32, #tpu.memory_space<vmem>>, vector<1x16xf32>,
        %get3A_675 = vector.shape_cast %get3A_674 : vector<1x16xf32> to vector<16xf32>
        %swap3A_676 = arith.index_cast %scan3A_178 : i32 to index
        %swap3A_677 = arith.constant 880 : index
        %swap3A_678 = tpu.vector_load %arg9[%swap3A_676, %swap3A_677] {strides = array<i32>} : memref<8x1024xf32, #tpu.memory_space<vmem>>, vector<1x16xf32>,
        %swap3A_679 = vector.shape_cast %swap3A_678 : vector<1x16xf32> to vector<16xf32>
        %swap3A_680 = vector.shape_cast %get3A_675 : vector<16xf32> to vector<1x16xf32>
        tpu.vector_store %arg9[%swap3A_676, %swap3A_677], %swap3A_680 {add = true, strides = array<i32>} : memref<8x1024xf32, #tpu.memory_space<vmem>>, vector<1x16xf32>,
        %get3A_681 = arith.index_cast %scan3A_178 : i32 to index
        %get3A_682 = arith.constant 896 : index
        %get3A_683 = tpu.vector_load %arg13[%get3A_681, %get3A_682] {strides = array<i32>} : memref<8x1024xf32, #tpu.memory_space<vmem>>, vector<1x16xf32>,
        %get3A_684 = vector.shape_cast %get3A_683 : vector<1x16xf32> to vector<16xf32>
        %swap3A_685 = arith.index_cast %scan3A_178 : i32 to index
        %swap3A_686 = arith.constant 896 : index
        %swap3A_687 = tpu.vector_load %arg9[%swap3A_685, %swap3A_686] {strides = array<i32>} : memref<8x1024xf32, #tpu.memory_space<vmem>>, vector<1x16xf32>,
        %swap3A_688 = vector.shape_cast %swap3A_687 : vector<1x16xf32> to vector<16xf32>
        %swap3A_689 = vector.shape_cast %get3A_684 : vector<16xf32> to vector<1x16xf32>
        tpu.vector_store %arg9[%swap3A_685, %swap3A_686], %swap3A_689 {add = true, strides = array<i32>} : memref<8x1024xf32, #tpu.memory_space<vmem>>, vector<1x16xf32>,
        %get3A_690 = arith.index_cast %scan3A_178 : i32 to index
        %get3A_691 = arith.constant 912 : index
        %get3A_692 = tpu.vector_load %arg13[%get3A_690, %get3A_691] {strides = array<i32>} : memref<8x1024xf32, #tpu.memory_space<vmem>>, vector<1x16xf32>,
        %get3A_693 = vector.shape_cast %get3A_692 : vector<1x16xf32> to vector<16xf32>
        %swap3A_694 = arith.index_cast %scan3A_178 : i32 to index
        %swap3A_695 = arith.constant 912 : index
        %swap3A_696 = tpu.vector_load %arg9[%swap3A_694, %swap3A_695] {strides = array<i32>} : memref<8x1024xf32, #tpu.memory_space<vmem>>, vector<1x16xf32>,
        %swap3A_697 = vector.shape_cast %swap3A_696 : vector<1x16xf32> to vector<16xf32>
        %swap3A_698 = vector.shape_cast %get3A_693 : vector<16xf32> to vector<1x16xf32>
        tpu.vector_store %arg9[%swap3A_694, %swap3A_695], %swap3A_698 {add = true, strides = array<i32>} : memref<8x1024xf32, #tpu.memory_space<vmem>>, vector<1x16xf32>,
        %get3A_699 = arith.index_cast %scan3A_178 : i32 to index
        %get3A_700 = arith.constant 928 : index
        %get3A_701 = tpu.vector_load %arg13[%get3A_699, %get3A_700] {strides = array<i32>} : memref<8x1024xf32, #tpu.memory_space<vmem>>, vector<1x16xf32>,
        %get3A_702 = vector.shape_cast %get3A_701 : vector<1x16xf32> to vector<16xf32>
        %swap3A_703 = arith.index_cast %scan3A_178 : i32 to index
        %swap3A_704 = arith.constant 928 : index
        %swap3A_705 = tpu.vector_load %arg9[%swap3A_703, %swap3A_704] {strides = array<i32>} : memref<8x1024xf32, #tpu.memory_space<vmem>>, vector<1x16xf32>,
        %swap3A_706 = vector.shape_cast %swap3A_705 : vector<1x16xf32> to vector<16xf32>
        %swap3A_707 = vector.shape_cast %get3A_702 : vector<16xf32> to vector<1x16xf32>
        tpu.vector_store %arg9[%swap3A_703, %swap3A_704], %swap3A_707 {add = true, strides = array<i32>} : memref<8x1024xf32, #tpu.memory_space<vmem>>, vector<1x16xf32>,
        %get3A_708 = arith.index_cast %scan3A_178 : i32 to index
        %get3A_709 = arith.constant 944 : index
        %get3A_710 = tpu.vector_load %arg13[%get3A_708, %get3A_709] {strides = array<i32>} : memref<8x1024xf32, #tpu.memory_space<vmem>>, vector<1x16xf32>,
        %get3A_711 = vector.shape_cast %get3A_710 : vector<1x16xf32> to vector<16xf32>
        %swap3A_712 = arith.index_cast %scan3A_178 : i32 to index
        %swap3A_713 = arith.constant 944 : index
        %swap3A_714 = tpu.vector_load %arg9[%swap3A_712, %swap3A_713] {strides = array<i32>} : memref<8x1024xf32, #tpu.memory_space<vmem>>, vector<1x16xf32>,
        %swap3A_715 = vector.shape_cast %swap3A_714 : vector<1x16xf32> to vector<16xf32>
        %swap3A_716 = vector.shape_cast %get3A_711 : vector<16xf32> to vector<1x16xf32>
        tpu.vector_store %arg9[%swap3A_712, %swap3A_713], %swap3A_716 {add = true, strides = array<i32>} : memref<8x1024xf32, #tpu.memory_space<vmem>>, vector<1x16xf32>,
        %get3A_717 = arith.index_cast %scan3A_178 : i32 to index
        %get3A_718 = arith.constant 960 : index
        %get3A_719 = tpu.vector_load %arg13[%get3A_717, %get3A_718] {strides = array<i32>} : memref<8x1024xf32, #tpu.memory_space<vmem>>, vector<1x16xf32>,
        %get3A_720 = vector.shape_cast %get3A_719 : vector<1x16xf32> to vector<16xf32>
        %swap3A_721 = arith.index_cast %scan3A_178 : i32 to index
        %swap3A_722 = arith.constant 960 : index
        %swap3A_723 = tpu.vector_load %arg9[%swap3A_721, %swap3A_722] {strides = array<i32>} : memref<8x1024xf32, #tpu.memory_space<vmem>>, vector<1x16xf32>,
        %swap3A_724 = vector.shape_cast %swap3A_723 : vector<1x16xf32> to vector<16xf32>
        %swap3A_725 = vector.shape_cast %get3A_720 : vector<16xf32> to vector<1x16xf32>
        tpu.vector_store %arg9[%swap3A_721, %swap3A_722], %swap3A_725 {add = true, strides = array<i32>} : memref<8x1024xf32, #tpu.memory_space<vmem>>, vector<1x16xf32>,
        %get3A_726 = arith.index_cast %scan3A_178 : i32 to index
        %get3A_727 = arith.constant 976 : index
        %get3A_728 = tpu.vector_load %arg13[%get3A_726, %get3A_727] {strides = array<i32>} : memref<8x1024xf32, #tpu.memory_space<vmem>>, vector<1x16xf32>,
        %get3A_729 = vector.shape_cast %get3A_728 : vector<1x16xf32> to vector<16xf32>
        %swap3A_730 = arith.index_cast %scan3A_178 : i32 to index
        %swap3A_731 = arith.constant 976 : index
        %swap3A_732 = tpu.vector_load %arg9[%swap3A_730, %swap3A_731] {strides = array<i32>} : memref<8x1024xf32, #tpu.memory_space<vmem>>, vector<1x16xf32>,
        %swap3A_733 = vector.shape_cast %swap3A_732 : vector<1x16xf32> to vector<16xf32>
        %swap3A_734 = vector.shape_cast %get3A_729 : vector<16xf32> to vector<1x16xf32>
        tpu.vector_store %arg9[%swap3A_730, %swap3A_731], %swap3A_734 {add = true, strides = array<i32>} : memref<8x1024xf32, #tpu.memory_space<vmem>>, vector<1x16xf32>,
        %get3A_735 = arith.index_cast %scan3A_178 : i32 to index
        %get3A_736 = arith.constant 992 : index
        %get3A_737 = tpu.vector_load %arg13[%get3A_735, %get3A_736] {strides = array<i32>} : memref<8x1024xf32, #tpu.memory_space<vmem>>, vector<1x16xf32>,
        %get3A_738 = vector.shape_cast %get3A_737 : vector<1x16xf32> to vector<16xf32>
        %swap3A_739 = arith.index_cast %scan3A_178 : i32 to index
        %swap3A_740 = arith.constant 992 : index
        %swap3A_741 = tpu.vector_load %arg9[%swap3A_739, %swap3A_740] {strides = array<i32>} : memref<8x1024xf32, #tpu.memory_space<vmem>>, vector<1x16xf32>,
        %swap3A_742 = vector.shape_cast %swap3A_741 : vector<1x16xf32> to vector<16xf32>
        %swap3A_743 = vector.shape_cast %get3A_738 : vector<16xf32> to vector<1x16xf32>
        tpu.vector_store %arg9[%swap3A_739, %swap3A_740], %swap3A_743 {add = true, strides = array<i32>} : memref<8x1024xf32, #tpu.memory_space<vmem>>, vector<1x16xf32>,
        %get3A_744 = arith.index_cast %scan3A_178 : i32 to index
        %get3A_745 = arith.constant 1008 : index
        %get3A_746 = tpu.vector_load %arg13[%get3A_744, %get3A_745] {strides = array<i32>} : memref<8x1024xf32, #tpu.memory_space<vmem>>, vector<1x16xf32>,
        %get3A_747 = vector.shape_cast %get3A_746 : vector<1x16xf32> to vector<16xf32>
        %swap3A_748 = arith.index_cast %scan3A_178 : i32 to index
        %swap3A_749 = arith.constant 1008 : index
        %swap3A_750 = tpu.vector_load %arg9[%swap3A_748, %swap3A_749] {strides = array<i32>} : memref<8x1024xf32, #tpu.memory_space<vmem>>, vector<1x16xf32>,
        %swap3A_751 = vector.shape_cast %swap3A_750 : vector<1x16xf32> to vector<16xf32>
        %swap3A_752 = vector.shape_cast %get3A_747 : vector<16xf32> to vector<1x16xf32>
        tpu.vector_store %arg9[%swap3A_748, %swap3A_749], %swap3A_752 {add = true, strides = array<i32>} : memref<8x1024xf32, #tpu.memory_space<vmem>>, vector<1x16xf32>,
      }
      %scan3A_85 = arith.constant 8 : i32
      %mul3A_86 = arith.constant 8 : i32
      %mul3A_87 = arith.muli %add3A_68, %mul3A_86 : i32
      %add3A_88 = arith.addi %mul3A_2, %mul3A_87 : i32
      %multiple_of3A = tpu.assume_multiple %add3A_88, 8 : i32
      "tpu.region"() ({
        %run_scoped3A = tpu.sem_alloc : memref<!tpu.dma_semaphore, #tpu.memory_space<semaphore_mem>>
        %dma_start3A_178 = arith.constant 0 : i32
        %dma_start3A_179 = tpu.memref_slice %arg6[%multiple_of3A, %dma_start3A_178] : memref<16384x1024xf32, #tpu.memory_space<hbm>> -> memref<8x1024xf32, #tpu.memory_space<hbm>>
        %dma_start3A_180 = arith.constant 0 : i32
        %dma_start3A_181 = tpu.memref_slice %arg6[%multiple_of3A, %dma_start3A_180] : memref<16384x1024xf32, #tpu.memory_space<hbm>> -> memref<8x1024xf32, #tpu.memory_space<hbm>>
        tpu.enqueue_dma source(%arg9 : memref<8x1024xf32, #tpu.memory_space<vmem>>) target(%dma_start3A_181 : memref<8x1024xf32, #tpu.memory_space<hbm>>) target_semaphore(%run_scoped3A : memref<!tpu.dma_semaphore, #tpu.memory_space<semaphore_mem>>)
        %dma_wait3A_182 = arith.constant 0 : i32
        %dma_wait3A_183 = tpu.memref_slice %arg6[%multiple_of3A, %dma_wait3A_182] : memref<16384x1024xf32, #tpu.memory_space<hbm>> -> memref<8x1024xf32, #tpu.memory_space<hbm>>
        %dma_wait3A_184 = arith.constant 0 : i32
        %dma_wait3A_185 = tpu.memref_slice %arg6[%multiple_of3A, %dma_wait3A_184] : memref<16384x1024xf32, #tpu.memory_space<hbm>> -> memref<8x1024xf32, #tpu.memory_space<hbm>>
        tpu.wait_dma2 semaphore(%run_scoped3A : memref<!tpu.dma_semaphore, #tpu.memory_space<semaphore_mem>>) src(%arg9 : memref<8x1024xf32, #tpu.memory_space<vmem>>) dst(%dma_wait3A_185 : memref<8x1024xf32, #tpu.memory_space<hbm>>)
        tpu.yield
      }) : () -> ()
      %lt3A = arith.constant 60 : i32
      %lt3A_89 = arith.cmpi slt, %add3A_68, %lt3A : i32
      %convert_element_type3A = arith.extui %lt3A_89 : i1 to i32
      %cond3A = arith.constant 0 : i32
      %cond3A_90 = arith.cmpi ne, %convert_element_type3A, %cond3A : i32
      scf.if %cond3A_90 {
        %add3A_178 = arith.constant 4 : i32
        %add3A_179 = arith.addi %add3A_68, %add3A_178 : i32
        %dma_start3A_180 = arith.constant 0 : i32
        %dma_start3A_181 = tpu.memref_slice %arg7[%add3A_179, %dma_start3A_180] : memref<64x8xi32, #tpu.memory_space<vmem>> -> memref<1x8xi32, #tpu.memory_space<vmem>>
        %dma_start3A_182 = tpu.memref_squeeze %dma_start3A_181 : memref<1x8xi32, #tpu.memory_space<vmem>> -> memref<8xi32, #tpu.memory_space<vmem>>
        %dma_start3A_183 = arith.constant 0 : i32
        %dma_start3A_184 = arith.constant 0 : i32
        %dma_start3A_185 = tpu.memref_slice %arg4[%dma_start3A_183, %dma_start3A_184] : memref<100000x1024xf32, #tpu.memory_space<hbm>> -> memref<100000x1024xf32, #tpu.memory_space<hbm>>
        tpu.enqueue_indirect_dma source(%dma_start3A_185 : memref<100000x1024xf32, #tpu.memory_space<hbm>>) target(%arg9 : memref<8x1024xf32, #tpu.memory_space<vmem>>) offsets(%dma_start3A_182 : memref<8xi32, #tpu.memory_space<vmem>>) semaphore(%arg17 : memref<!tpu.dma_semaphore, #tpu.memory_space<semaphore_mem>>)
        %dma_start3A_186 = arith.constant 0 : i32
        %dma_start3A_187 = tpu.memref_slice %arg8[%add3A_179, %dma_start3A_186] : memref<64x8xi32, #tpu.memory_space<vmem>> -> memref<1x8xi32, #tpu.memory_space<vmem>>
        %dma_start3A_188 = tpu.memref_squeeze %dma_start3A_187 : memref<1x8xi32, #tpu.memory_space<vmem>> -> memref<8xi32, #tpu.memory_space<vmem>>
        %dma_start3A_189 = arith.constant 0 : i32
        %dma_start3A_190 = arith.constant 0 : i32
        %dma_start3A_191 = tpu.memref_slice %arg5[%dma_start3A_189, %dma_start3A_190] : memref<8192x1024xf32, #tpu.memory_space<hbm>> -> memref<8192x1024xf32, #tpu.memory_space<hbm>>
        tpu.enqueue_indirect_dma source(%dma_start3A_191 : memref<8192x1024xf32, #tpu.memory_space<hbm>>) target(%arg13 : memref<8x1024xf32, #tpu.memory_space<vmem>>) offsets(%dma_start3A_188 : memref<8xi32, #tpu.memory_space<vmem>>) semaphore(%arg21 : memref<!tpu.dma_semaphore, #tpu.memory_space<semaphore_mem>>)
      } else {
      }
      %add3A_91 = arith.constant 1 : i32
      %add3A_92 = arith.addi %add3A_66, %add3A_91 : i32
      %dma_wait3A_93 = arith.constant 0 : i32
      %dma_wait3A_94 = tpu.memref_slice %arg7[%add3A_92, %dma_wait3A_93] : memref<64x8xi32, #tpu.memory_space<vmem>> -> memref<1x8xi32, #tpu.memory_space<vmem>>
      %dma_wait3A_95 = tpu.memref_squeeze %dma_wait3A_94 : memref<1x8xi32, #tpu.memory_space<vmem>> -> memref<8xi32, #tpu.memory_space<vmem>>
      %dma_wait3A_96 = arith.constant 0 : i32
      %dma_wait3A_97 = arith.constant 0 : i32
      %dma_wait3A_98 = tpu.memref_slice %arg4[%dma_wait3A_96, %dma_wait3A_97] : memref<100000x1024xf32, #tpu.memory_space<hbm>> -> memref<100000x1024xf32, #tpu.memory_space<hbm>>
      tpu.wait_indirect_dma semaphore(%arg18 : memref<!tpu.dma_semaphore, #tpu.memory_space<semaphore_mem>>) src(%dma_wait3A_98 : memref<100000x1024xf32, #tpu.memory_space<hbm>>) dst(%arg10 : memref<8x1024xf32, #tpu.memory_space<vmem>>)
      %dma_wait3A_99 = arith.constant 0 : i32
      %dma_wait3A_100 = tpu.memref_slice %arg8[%add3A_92, %dma_wait3A_99] : memref<64x8xi32, #tpu.memory_space<vmem>> -> memref<1x8xi32, #tpu.memory_space<vmem>>
      %dma_wait3A_101 = tpu.memref_squeeze %dma_wait3A_100 : memref<1x8xi32, #tpu.memory_space<vmem>> -> memref<8xi32, #tpu.memory_space<vmem>>
      %dma_wait3A_102 = arith.constant 0 : i32
      %dma_wait3A_103 = arith.constant 0 : i32
      %dma_wait3A_104 = tpu.memref_slice %arg5[%dma_wait3A_102, %dma_wait3A_103] : memref<8192x1024xf32, #tpu.memory_space<hbm>> -> memref<8192x1024xf32, #tpu.memory_space<hbm>>
      tpu.wait_indirect_dma semaphore(%arg22 : memref<!tpu.dma_semaphore, #tpu.memory_space<semaphore_mem>>) src(%dma_wait3A_104 : memref<8192x1024xf32, #tpu.memory_space<hbm>>) dst(%arg14 : memref<8x1024xf32, #tpu.memory_space<vmem>>)
      %scan3A_105 = arith.constant 0 : i32
      %scan3A_106 = arith.constant 0 : i32
      %scan3A_107 = arith.constant 8 : i32
      %scan3A_108 = arith.addi %scan3A_106, %scan3A_107 : i32
      %scan3A_109 = arith.constant 1 : i32
      scf.for %scan3A_178 = %scan3A_106 to %scan3A_108 step %scan3A_109  : i32 {
        %get3A = arith.index_cast %scan3A_178 : i32 to index
        %get3A_179 = arith.constant 0 : index
        %get3A_180 = tpu.vector_load %arg14[%get3A, %get3A_179] {strides = array<i32>} : memref<8x1024xf32, #tpu.memory_space<vmem>>, vector<1x16xf32>,
        %get3A_181 = vector.shape_cast %get3A_180 : vector<1x16xf32> to vector<16xf32>
        %swap3A = arith.index_cast %scan3A_178 : i32 to index
        %swap3A_182 = arith.constant 0 : index
        %swap3A_183 = tpu.vector_load %arg10[%swap3A, %swap3A_182] {strides = array<i32>} : memref<8x1024xf32, #tpu.memory_space<vmem>>, vector<1x16xf32>,
        %swap3A_184 = vector.shape_cast %swap3A_183 : vector<1x16xf32> to vector<16xf32>
        %swap3A_185 = vector.shape_cast %get3A_181 : vector<16xf32> to vector<1x16xf32>
        tpu.vector_store %arg10[%swap3A, %swap3A_182], %swap3A_185 {add = true, strides = array<i32>} : memref<8x1024xf32, #tpu.memory_space<vmem>>, vector<1x16xf32>,
        %get3A_186 = arith.index_cast %scan3A_178 : i32 to index
        %get3A_187 = arith.constant 16 : index
        %get3A_188 = tpu.vector_load %arg14[%get3A_186, %get3A_187] {strides = array<i32>} : memref<8x1024xf32, #tpu.memory_space<vmem>>, vector<1x16xf32>,
        %get3A_189 = vector.shape_cast %get3A_188 : vector<1x16xf32> to vector<16xf32>
        %swap3A_190 = arith.index_cast %scan3A_178 : i32 to index
        %swap3A_191 = arith.constant 16 : index
        %swap3A_192 = tpu.vector_load %arg10[%swap3A_190, %swap3A_191] {strides = array<i32>} : memref<8x1024xf32, #tpu.memory_space<vmem>>, vector<1x16xf32>,
        %swap3A_193 = vector.shape_cast %swap3A_192 : vector<1x16xf32> to vector<16xf32>
        %swap3A_194 = vector.shape_cast %get3A_189 : vector<16xf32> to vector<1x16xf32>
        tpu.vector_store %arg10[%swap3A_190, %swap3A_191], %swap3A_194 {add = true, strides = array<i32>} : memref<8x1024xf32, #tpu.memory_space<vmem>>, vector<1x16xf32>,
        %get3A_195 = arith.index_cast %scan3A_178 : i32 to index
        %get3A_196 = arith.constant 32 : index
        %get3A_197 = tpu.vector_load %arg14[%get3A_195, %get3A_196] {strides = array<i32>} : memref<8x1024xf32, #tpu.memory_space<vmem>>, vector<1x16xf32>,
        %get3A_198 = vector.shape_cast %get3A_197 : vector<1x16xf32> to vector<16xf32>
        %swap3A_199 = arith.index_cast %scan3A_178 : i32 to index
        %swap3A_200 = arith.constant 32 : index
        %swap3A_201 = tpu.vector_load %arg10[%swap3A_199, %swap3A_200] {strides = array<i32>} : memref<8x1024xf32, #tpu.memory_space<vmem>>, vector<1x16xf32>,
        %swap3A_202 = vector.shape_cast %swap3A_201 : vector<1x16xf32> to vector<16xf32>
        %swap3A_203 = vector.shape_cast %get3A_198 : vector<16xf32> to vector<1x16xf32>
        tpu.vector_store %arg10[%swap3A_199, %swap3A_200], %swap3A_203 {add = true, strides = array<i32>} : memref<8x1024xf32, #tpu.memory_space<vmem>>, vector<1x16xf32>,
        %get3A_204 = arith.index_cast %scan3A_178 : i32 to index
        %get3A_205 = arith.constant 48 : index
        %get3A_206 = tpu.vector_load %arg14[%get3A_204, %get3A_205] {strides = array<i32>} : memref<8x1024xf32, #tpu.memory_space<vmem>>, vector<1x16xf32>,
        %get3A_207 = vector.shape_cast %get3A_206 : vector<1x16xf32> to vector<16xf32>
        %swap3A_208 = arith.index_cast %scan3A_178 : i32 to index
        %swap3A_209 = arith.constant 48 : index
        %swap3A_210 = tpu.vector_load %arg10[%swap3A_208, %swap3A_209] {strides = array<i32>} : memref<8x1024xf32, #tpu.memory_space<vmem>>, vector<1x16xf32>,
        %swap3A_211 = vector.shape_cast %swap3A_210 : vector<1x16xf32> to vector<16xf32>
        %swap3A_212 = vector.shape_cast %get3A_207 : vector<16xf32> to vector<1x16xf32>
        tpu.vector_store %arg10[%swap3A_208, %swap3A_209], %swap3A_212 {add = true, strides = array<i32>} : memref<8x1024xf32, #tpu.memory_space<vmem>>, vector<1x16xf32>,
        %get3A_213 = arith.index_cast %scan3A_178 : i32 to index
        %get3A_214 = arith.constant 64 : index
        %get3A_215 = tpu.vector_load %arg14[%get3A_213, %get3A_214] {strides = array<i32>} : memref<8x1024xf32, #tpu.memory_space<vmem>>, vector<1x16xf32>,
        %get3A_216 = vector.shape_cast %get3A_215 : vector<1x16xf32> to vector<16xf32>
        %swap3A_217 = arith.index_cast %scan3A_178 : i32 to index
        %swap3A_218 = arith.constant 64 : index
        %swap3A_219 = tpu.vector_load %arg10[%swap3A_217, %swap3A_218] {strides = array<i32>} : memref<8x1024xf32, #tpu.memory_space<vmem>>, vector<1x16xf32>,
        %swap3A_220 = vector.shape_cast %swap3A_219 : vector<1x16xf32> to vector<16xf32>
        %swap3A_221 = vector.shape_cast %get3A_216 : vector<16xf32> to vector<1x16xf32>
        tpu.vector_store %arg10[%swap3A_217, %swap3A_218], %swap3A_221 {add = true, strides = array<i32>} : memref<8x1024xf32, #tpu.memory_space<vmem>>, vector<1x16xf32>,
        %get3A_222 = arith.index_cast %scan3A_178 : i32 to index
        %get3A_223 = arith.constant 80 : index
        %get3A_224 = tpu.vector_load %arg14[%get3A_222, %get3A_223] {strides = array<i32>} : memref<8x1024xf32, #tpu.memory_space<vmem>>, vector<1x16xf32>,
        %get3A_225 = vector.shape_cast %get3A_224 : vector<1x16xf32> to vector<16xf32>
        %swap3A_226 = arith.index_cast %scan3A_178 : i32 to index
        %swap3A_227 = arith.constant 80 : index
        %swap3A_228 = tpu.vector_load %arg10[%swap3A_226, %swap3A_227] {strides = array<i32>} : memref<8x1024xf32, #tpu.memory_space<vmem>>, vector<1x16xf32>,
        %swap3A_229 = vector.shape_cast %swap3A_228 : vector<1x16xf32> to vector<16xf32>
        %swap3A_230 = vector.shape_cast %get3A_225 : vector<16xf32> to vector<1x16xf32>
        tpu.vector_store %arg10[%swap3A_226, %swap3A_227], %swap3A_230 {add = true, strides = array<i32>} : memref<8x1024xf32, #tpu.memory_space<vmem>>, vector<1x16xf32>,
        %get3A_231 = arith.index_cast %scan3A_178 : i32 to index
        %get3A_232 = arith.constant 96 : index
        %get3A_233 = tpu.vector_load %arg14[%get3A_231, %get3A_232] {strides = array<i32>} : memref<8x1024xf32, #tpu.memory_space<vmem>>, vector<1x16xf32>,
        %get3A_234 = vector.shape_cast %get3A_233 : vector<1x16xf32> to vector<16xf32>
        %swap3A_235 = arith.index_cast %scan3A_178 : i32 to index
        %swap3A_236 = arith.constant 96 : index
        %swap3A_237 = tpu.vector_load %arg10[%swap3A_235, %swap3A_236] {strides = array<i32>} : memref<8x1024xf32, #tpu.memory_space<vmem>>, vector<1x16xf32>,
        %swap3A_238 = vector.shape_cast %swap3A_237 : vector<1x16xf32> to vector<16xf32>
        %swap3A_239 = vector.shape_cast %get3A_234 : vector<16xf32> to vector<1x16xf32>
        tpu.vector_store %arg10[%swap3A_235, %swap3A_236], %swap3A_239 {add = true, strides = array<i32>} : memref<8x1024xf32, #tpu.memory_space<vmem>>, vector<1x16xf32>,
        %get3A_240 = arith.index_cast %scan3A_178 : i32 to index
        %get3A_241 = arith.constant 112 : index
        %get3A_242 = tpu.vector_load %arg14[%get3A_240, %get3A_241] {strides = array<i32>} : memref<8x1024xf32, #tpu.memory_space<vmem>>, vector<1x16xf32>,
        %get3A_243 = vector.shape_cast %get3A_242 : vector<1x16xf32> to vector<16xf32>
        %swap3A_244 = arith.index_cast %scan3A_178 : i32 to index
        %swap3A_245 = arith.constant 112 : index
        %swap3A_246 = tpu.vector_load %arg10[%swap3A_244, %swap3A_245] {strides = array<i32>} : memref<8x1024xf32, #tpu.memory_space<vmem>>, vector<1x16xf32>,
        %swap3A_247 = vector.shape_cast %swap3A_246 : vector<1x16xf32> to vector<16xf32>
        %swap3A_248 = vector.shape_cast %get3A_243 : vector<16xf32> to vector<1x16xf32>
        tpu.vector_store %arg10[%swap3A_244, %swap3A_245], %swap3A_248 {add = true, strides = array<i32>} : memref<8x1024xf32, #tpu.memory_space<vmem>>, vector<1x16xf32>,
        %get3A_249 = arith.index_cast %scan3A_178 : i32 to index
        %get3A_250 = arith.constant 128 : index
        %get3A_251 = tpu.vector_load %arg14[%get3A_249, %get3A_250] {strides = array<i32>} : memref<8x1024xf32, #tpu.memory_space<vmem>>, vector<1x16xf32>,
        %get3A_252 = vector.shape_cast %get3A_251 : vector<1x16xf32> to vector<16xf32>
        %swap3A_253 = arith.index_cast %scan3A_178 : i32 to index
        %swap3A_254 = arith.constant 128 : index
        %swap3A_255 = tpu.vector_load %arg10[%swap3A_253, %swap3A_254] {strides = array<i32>} : memref<8x1024xf32, #tpu.memory_space<vmem>>, vector<1x16xf32>,
        %swap3A_256 = vector.shape_cast %swap3A_255 : vector<1x16xf32> to vector<16xf32>
        %swap3A_257 = vector.shape_cast %get3A_252 : vector<16xf32> to vector<1x16xf32>
        tpu.vector_store %arg10[%swap3A_253, %swap3A_254], %swap3A_257 {add = true, strides = array<i32>} : memref<8x1024xf32, #tpu.memory_space<vmem>>, vector<1x16xf32>,
        %get3A_258 = arith.index_cast %scan3A_178 : i32 to index
        %get3A_259 = arith.constant 144 : index
        %get3A_260 = tpu.vector_load %arg14[%get3A_258, %get3A_259] {strides = array<i32>} : memref<8x1024xf32, #tpu.memory_space<vmem>>, vector<1x16xf32>,
        %get3A_261 = vector.shape_cast %get3A_260 : vector<1x16xf32> to vector<16xf32>
        %swap3A_262 = arith.index_cast %scan3A_178 : i32 to index
        %swap3A_263 = arith.constant 144 : index
        %swap3A_264 = tpu.vector_load %arg10[%swap3A_262, %swap3A_263] {strides = array<i32>} : memref<8x1024xf32, #tpu.memory_space<vmem>>, vector<1x16xf32>,
        %swap3A_265 = vector.shape_cast %swap3A_264 : vector<1x16xf32> to vector<16xf32>
        %swap3A_266 = vector.shape_cast %get3A_261 : vector<16xf32> to vector<1x16xf32>
        tpu.vector_store %arg10[%swap3A_262, %swap3A_263], %swap3A_266 {add = true, strides = array<i32>} : memref<8x1024xf32, #tpu.memory_space<vmem>>, vector<1x16xf32>,
        %get3A_267 = arith.index_cast %scan3A_178 : i32 to index
        %get3A_268 = arith.constant 160 : index
        %get3A_269 = tpu.vector_load %arg14[%get3A_267, %get3A_268] {strides = array<i32>} : memref<8x1024xf32, #tpu.memory_space<vmem>>, vector<1x16xf32>,
        %get3A_270 = vector.shape_cast %get3A_269 : vector<1x16xf32> to vector<16xf32>
        %swap3A_271 = arith.index_cast %scan3A_178 : i32 to index
        %swap3A_272 = arith.constant 160 : index
        %swap3A_273 = tpu.vector_load %arg10[%swap3A_271, %swap3A_272] {strides = array<i32>} : memref<8x1024xf32, #tpu.memory_space<vmem>>, vector<1x16xf32>,
        %swap3A_274 = vector.shape_cast %swap3A_273 : vector<1x16xf32> to vector<16xf32>
        %swap3A_275 = vector.shape_cast %get3A_270 : vector<16xf32> to vector<1x16xf32>
        tpu.vector_store %arg10[%swap3A_271, %swap3A_272], %swap3A_275 {add = true, strides = array<i32>} : memref<8x1024xf32, #tpu.memory_space<vmem>>, vector<1x16xf32>,
        %get3A_276 = arith.index_cast %scan3A_178 : i32 to index
        %get3A_277 = arith.constant 176 : index
        %get3A_278 = tpu.vector_load %arg14[%get3A_276, %get3A_277] {strides = array<i32>} : memref<8x1024xf32, #tpu.memory_space<vmem>>, vector<1x16xf32>,
        %get3A_279 = vector.shape_cast %get3A_278 : vector<1x16xf32> to vector<16xf32>
        %swap3A_280 = arith.index_cast %scan3A_178 : i32 to index
        %swap3A_281 = arith.constant 176 : index
        %swap3A_282 = tpu.vector_load %arg10[%swap3A_280, %swap3A_281] {strides = array<i32>} : memref<8x1024xf32, #tpu.memory_space<vmem>>, vector<1x16xf32>,
        %swap3A_283 = vector.shape_cast %swap3A_282 : vector<1x16xf32> to vector<16xf32>
        %swap3A_284 = vector.shape_cast %get3A_279 : vector<16xf32> to vector<1x16xf32>
        tpu.vector_store %arg10[%swap3A_280, %swap3A_281], %swap3A_284 {add = true, strides = array<i32>} : memref<8x1024xf32, #tpu.memory_space<vmem>>, vector<1x16xf32>,
        %get3A_285 = arith.index_cast %scan3A_178 : i32 to index
        %get3A_286 = arith.constant 192 : index
        %get3A_287 = tpu.vector_load %arg14[%get3A_285, %get3A_286] {strides = array<i32>} : memref<8x1024xf32, #tpu.memory_space<vmem>>, vector<1x16xf32>,
        %get3A_288 = vector.shape_cast %get3A_287 : vector<1x16xf32> to vector<16xf32>
        %swap3A_289 = arith.index_cast %scan3A_178 : i32 to index
        %swap3A_290 = arith.constant 192 : index
        %swap3A_291 = tpu.vector_load %arg10[%swap3A_289, %swap3A_290] {strides = array<i32>} : memref<8x1024xf32, #tpu.memory_space<vmem>>, vector<1x16xf32>,
        %swap3A_292 = vector.shape_cast %swap3A_291 : vector<1x16xf32> to vector<16xf32>
        %swap3A_293 = vector.shape_cast %get3A_288 : vector<16xf32> to vector<1x16xf32>
        tpu.vector_store %arg10[%swap3A_289, %swap3A_290], %swap3A_293 {add = true, strides = array<i32>} : memref<8x1024xf32, #tpu.memory_space<vmem>>, vector<1x16xf32>,
        %get3A_294 = arith.index_cast %scan3A_178 : i32 to index
        %get3A_295 = arith.constant 208 : index
        %get3A_296 = tpu.vector_load %arg14[%get3A_294, %get3A_295] {strides = array<i32>} : memref<8x1024xf32, #tpu.memory_space<vmem>>, vector<1x16xf32>,
        %get3A_297 = vector.shape_cast %get3A_296 : vector<1x16xf32> to vector<16xf32>
        %swap3A_298 = arith.index_cast %scan3A_178 : i32 to index
        %swap3A_299 = arith.constant 208 : index
        %swap3A_300 = tpu.vector_load %arg10[%swap3A_298, %swap3A_299] {strides = array<i32>} : memref<8x1024xf32, #tpu.memory_space<vmem>>, vector<1x16xf32>,
        %swap3A_301 = vector.shape_cast %swap3A_300 : vector<1x16xf32> to vector<16xf32>
        %swap3A_302 = vector.shape_cast %get3A_297 : vector<16xf32> to vector<1x16xf32>
        tpu.vector_store %arg10[%swap3A_298, %swap3A_299], %swap3A_302 {add = true, strides = array<i32>} : memref<8x1024xf32, #tpu.memory_space<vmem>>, vector<1x16xf32>,
        %get3A_303 = arith.index_cast %scan3A_178 : i32 to index
        %get3A_304 = arith.constant 224 : index
        %get3A_305 = tpu.vector_load %arg14[%get3A_303, %get3A_304] {strides = array<i32>} : memref<8x1024xf32, #tpu.memory_space<vmem>>, vector<1x16xf32>,
        %get3A_306 = vector.shape_cast %get3A_305 : vector<1x16xf32> to vector<16xf32>
        %swap3A_307 = arith.index_cast %scan3A_178 : i32 to index
        %swap3A_308 = arith.constant 224 : index
        %swap3A_309 = tpu.vector_load %arg10[%swap3A_307, %swap3A_308] {strides = array<i32>} : memref<8x1024xf32, #tpu.memory_space<vmem>>, vector<1x16xf32>,
        %swap3A_310 = vector.shape_cast %swap3A_309 : vector<1x16xf32> to vector<16xf32>
        %swap3A_311 = vector.shape_cast %get3A_306 : vector<16xf32> to vector<1x16xf32>
        tpu.vector_store %arg10[%swap3A_307, %swap3A_308], %swap3A_311 {add = true, strides = array<i32>} : memref<8x1024xf32, #tpu.memory_space<vmem>>, vector<1x16xf32>,
        %get3A_312 = arith.index_cast %scan3A_178 : i32 to index
        %get3A_313 = arith.constant 240 : index
        %get3A_314 = tpu.vector_load %arg14[%get3A_312, %get3A_313] {strides = array<i32>} : memref<8x1024xf32, #tpu.memory_space<vmem>>, vector<1x16xf32>,
        %get3A_315 = vector.shape_cast %get3A_314 : vector<1x16xf32> to vector<16xf32>
        %swap3A_316 = arith.index_cast %scan3A_178 : i32 to index
        %swap3A_317 = arith.constant 240 : index
        %swap3A_318 = tpu.vector_load %arg10[%swap3A_316, %swap3A_317] {strides = array<i32>} : memref<8x1024xf32, #tpu.memory_space<vmem>>, vector<1x16xf32>,
        %swap3A_319 = vector.shape_cast %swap3A_318 : vector<1x16xf32> to vector<16xf32>
        %swap3A_320 = vector.shape_cast %get3A_315 : vector<16xf32> to vector<1x16xf32>
        tpu.vector_store %arg10[%swap3A_316, %swap3A_317], %swap3A_320 {add = true, strides = array<i32>} : memref<8x1024xf32, #tpu.memory_space<vmem>>, vector<1x16xf32>,
        %get3A_321 = arith.index_cast %scan3A_178 : i32 to index
        %get3A_322 = arith.constant 256 : index
        %get3A_323 = tpu.vector_load %arg14[%get3A_321, %get3A_322] {strides = array<i32>} : memref<8x1024xf32, #tpu.memory_space<vmem>>, vector<1x16xf32>,
        %get3A_324 = vector.shape_cast %get3A_323 : vector<1x16xf32> to vector<16xf32>
        %swap3A_325 = arith.index_cast %scan3A_178 : i32 to index
        %swap3A_326 = arith.constant 256 : index
        %swap3A_327 = tpu.vector_load %arg10[%swap3A_325, %swap3A_326] {strides = array<i32>} : memref<8x1024xf32, #tpu.memory_space<vmem>>, vector<1x16xf32>,
        %swap3A_328 = vector.shape_cast %swap3A_327 : vector<1x16xf32> to vector<16xf32>
        %swap3A_329 = vector.shape_cast %get3A_324 : vector<16xf32> to vector<1x16xf32>
        tpu.vector_store %arg10[%swap3A_325, %swap3A_326], %swap3A_329 {add = true, strides = array<i32>} : memref<8x1024xf32, #tpu.memory_space<vmem>>, vector<1x16xf32>,
        %get3A_330 = arith.index_cast %scan3A_178 : i32 to index
        %get3A_331 = arith.constant 272 : index
        %get3A_332 = tpu.vector_load %arg14[%get3A_330, %get3A_331] {strides = array<i32>} : memref<8x1024xf32, #tpu.memory_space<vmem>>, vector<1x16xf32>,
        %get3A_333 = vector.shape_cast %get3A_332 : vector<1x16xf32> to vector<16xf32>
        %swap3A_334 = arith.index_cast %scan3A_178 : i32 to index
        %swap3A_335 = arith.constant 272 : index
        %swap3A_336 = tpu.vector_load %arg10[%swap3A_334, %swap3A_335] {strides = array<i32>} : memref<8x1024xf32, #tpu.memory_space<vmem>>, vector<1x16xf32>,
        %swap3A_337 = vector.shape_cast %swap3A_336 : vector<1x16xf32> to vector<16xf32>
        %swap3A_338 = vector.shape_cast %get3A_333 : vector<16xf32> to vector<1x16xf32>
        tpu.vector_store %arg10[%swap3A_334, %swap3A_335], %swap3A_338 {add = true, strides = array<i32>} : memref<8x1024xf32, #tpu.memory_space<vmem>>, vector<1x16xf32>,
        %get3A_339 = arith.index_cast %scan3A_178 : i32 to index
        %get3A_340 = arith.constant 288 : index
        %get3A_341 = tpu.vector_load %arg14[%get3A_339, %get3A_340] {strides = array<i32>} : memref<8x1024xf32, #tpu.memory_space<vmem>>, vector<1x16xf32>,
        %get3A_342 = vector.shape_cast %get3A_341 : vector<1x16xf32> to vector<16xf32>
        %swap3A_343 = arith.index_cast %scan3A_178 : i32 to index
        %swap3A_344 = arith.constant 288 : index
        %swap3A_345 = tpu.vector_load %arg10[%swap3A_343, %swap3A_344] {strides = array<i32>} : memref<8x1024xf32, #tpu.memory_space<vmem>>, vector<1x16xf32>,
        %swap3A_346 = vector.shape_cast %swap3A_345 : vector<1x16xf32> to vector<16xf32>
        %swap3A_347 = vector.shape_cast %get3A_342 : vector<16xf32> to vector<1x16xf32>
        tpu.vector_store %arg10[%swap3A_343, %swap3A_344], %swap3A_347 {add = true, strides = array<i32>} : memref<8x1024xf32, #tpu.memory_space<vmem>>, vector<1x16xf32>,
        %get3A_348 = arith.index_cast %scan3A_178 : i32 to index
        %get3A_349 = arith.constant 304 : index
        %get3A_350 = tpu.vector_load %arg14[%get3A_348, %get3A_349] {strides = array<i32>} : memref<8x1024xf32, #tpu.memory_space<vmem>>, vector<1x16xf32>,
        %get3A_351 = vector.shape_cast %get3A_350 : vector<1x16xf32> to vector<16xf32>
        %swap3A_352 = arith.index_cast %scan3A_178 : i32 to index
        %swap3A_353 = arith.constant 304 : index
        %swap3A_354 = tpu.vector_load %arg10[%swap3A_352, %swap3A_353] {strides = array<i32>} : memref<8x1024xf32, #tpu.memory_space<vmem>>, vector<1x16xf32>,
        %swap3A_355 = vector.shape_cast %swap3A_354 : vector<1x16xf32> to vector<16xf32>
        %swap3A_356 = vector.shape_cast %get3A_351 : vector<16xf32> to vector<1x16xf32>
        tpu.vector_store %arg10[%swap3A_352, %swap3A_353], %swap3A_356 {add = true, strides = array<i32>} : memref<8x1024xf32, #tpu.memory_space<vmem>>, vector<1x16xf32>,
        %get3A_357 = arith.index_cast %scan3A_178 : i32 to index
        %get3A_358 = arith.constant 320 : index
        %get3A_359 = tpu.vector_load %arg14[%get3A_357, %get3A_358] {strides = array<i32>} : memref<8x1024xf32, #tpu.memory_space<vmem>>, vector<1x16xf32>,
        %get3A_360 = vector.shape_cast %get3A_359 : vector<1x16xf32> to vector<16xf32>
        %swap3A_361 = arith.index_cast %scan3A_178 : i32 to index
        %swap3A_362 = arith.constant 320 : index
        %swap3A_363 = tpu.vector_load %arg10[%swap3A_361, %swap3A_362] {strides = array<i32>} : memref<8x1024xf32, #tpu.memory_space<vmem>>, vector<1x16xf32>,
        %swap3A_364 = vector.shape_cast %swap3A_363 : vector<1x16xf32> to vector<16xf32>
        %swap3A_365 = vector.shape_cast %get3A_360 : vector<16xf32> to vector<1x16xf32>
        tpu.vector_store %arg10[%swap3A_361, %swap3A_362], %swap3A_365 {add = true, strides = array<i32>} : memref<8x1024xf32, #tpu.memory_space<vmem>>, vector<1x16xf32>,
        %get3A_366 = arith.index_cast %scan3A_178 : i32 to index
        %get3A_367 = arith.constant 336 : index
        %get3A_368 = tpu.vector_load %arg14[%get3A_366, %get3A_367] {strides = array<i32>} : memref<8x1024xf32, #tpu.memory_space<vmem>>, vector<1x16xf32>,
        %get3A_369 = vector.shape_cast %get3A_368 : vector<1x16xf32> to vector<16xf32>
        %swap3A_370 = arith.index_cast %scan3A_178 : i32 to index
        %swap3A_371 = arith.constant 336 : index
        %swap3A_372 = tpu.vector_load %arg10[%swap3A_370, %swap3A_371] {strides = array<i32>} : memref<8x1024xf32, #tpu.memory_space<vmem>>, vector<1x16xf32>,
        %swap3A_373 = vector.shape_cast %swap3A_372 : vector<1x16xf32> to vector<16xf32>
        %swap3A_374 = vector.shape_cast %get3A_369 : vector<16xf32> to vector<1x16xf32>
        tpu.vector_store %arg10[%swap3A_370, %swap3A_371], %swap3A_374 {add = true, strides = array<i32>} : memref<8x1024xf32, #tpu.memory_space<vmem>>, vector<1x16xf32>,
        %get3A_375 = arith.index_cast %scan3A_178 : i32 to index
        %get3A_376 = arith.constant 352 : index
        %get3A_377 = tpu.vector_load %arg14[%get3A_375, %get3A_376] {strides = array<i32>} : memref<8x1024xf32, #tpu.memory_space<vmem>>, vector<1x16xf32>,
        %get3A_378 = vector.shape_cast %get3A_377 : vector<1x16xf32> to vector<16xf32>
        %swap3A_379 = arith.index_cast %scan3A_178 : i32 to index
        %swap3A_380 = arith.constant 352 : index
        %swap3A_381 = tpu.vector_load %arg10[%swap3A_379, %swap3A_380] {strides = array<i32>} : memref<8x1024xf32, #tpu.memory_space<vmem>>, vector<1x16xf32>,
        %swap3A_382 = vector.shape_cast %swap3A_381 : vector<1x16xf32> to vector<16xf32>
        %swap3A_383 = vector.shape_cast %get3A_378 : vector<16xf32> to vector<1x16xf32>
        tpu.vector_store %arg10[%swap3A_379, %swap3A_380], %swap3A_383 {add = true, strides = array<i32>} : memref<8x1024xf32, #tpu.memory_space<vmem>>, vector<1x16xf32>,
        %get3A_384 = arith.index_cast %scan3A_178 : i32 to index
        %get3A_385 = arith.constant 368 : index
        %get3A_386 = tpu.vector_load %arg14[%get3A_384, %get3A_385] {strides = array<i32>} : memref<8x1024xf32, #tpu.memory_space<vmem>>, vector<1x16xf32>,
        %get3A_387 = vector.shape_cast %get3A_386 : vector<1x16xf32> to vector<16xf32>
        %swap3A_388 = arith.index_cast %scan3A_178 : i32 to index
        %swap3A_389 = arith.constant 368 : index
        %swap3A_390 = tpu.vector_load %arg10[%swap3A_388, %swap3A_389] {strides = array<i32>} : memref<8x1024xf32, #tpu.memory_space<vmem>>, vector<1x16xf32>,
        %swap3A_391 = vector.shape_cast %swap3A_390 : vector<1x16xf32> to vector<16xf32>
        %swap3A_392 = vector.shape_cast %get3A_387 : vector<16xf32> to vector<1x16xf32>
        tpu.vector_store %arg10[%swap3A_388, %swap3A_389], %swap3A_392 {add = true, strides = array<i32>} : memref<8x1024xf32, #tpu.memory_space<vmem>>, vector<1x16xf32>,
        %get3A_393 = arith.index_cast %scan3A_178 : i32 to index
        %get3A_394 = arith.constant 384 : index
        %get3A_395 = tpu.vector_load %arg14[%get3A_393, %get3A_394] {strides = array<i32>} : memref<8x1024xf32, #tpu.memory_space<vmem>>, vector<1x16xf32>,
        %get3A_396 = vector.shape_cast %get3A_395 : vector<1x16xf32> to vector<16xf32>
        %swap3A_397 = arith.index_cast %scan3A_178 : i32 to index
        %swap3A_398 = arith.constant 384 : index
        %swap3A_399 = tpu.vector_load %arg10[%swap3A_397, %swap3A_398] {strides = array<i32>} : memref<8x1024xf32, #tpu.memory_space<vmem>>, vector<1x16xf32>,
        %swap3A_400 = vector.shape_cast %swap3A_399 : vector<1x16xf32> to vector<16xf32>
        %swap3A_401 = vector.shape_cast %get3A_396 : vector<16xf32> to vector<1x16xf32>
        tpu.vector_store %arg10[%swap3A_397, %swap3A_398], %swap3A_401 {add = true, strides = array<i32>} : memref<8x1024xf32, #tpu.memory_space<vmem>>, vector<1x16xf32>,
        %get3A_402 = arith.index_cast %scan3A_178 : i32 to index
        %get3A_403 = arith.constant 400 : index
        %get3A_404 = tpu.vector_load %arg14[%get3A_402, %get3A_403] {strides = array<i32>} : memref<8x1024xf32, #tpu.memory_space<vmem>>, vector<1x16xf32>,
        %get3A_405 = vector.shape_cast %get3A_404 : vector<1x16xf32> to vector<16xf32>
        %swap3A_406 = arith.index_cast %scan3A_178 : i32 to index
        %swap3A_407 = arith.constant 400 : index
        %swap3A_408 = tpu.vector_load %arg10[%swap3A_406, %swap3A_407] {strides = array<i32>} : memref<8x1024xf32, #tpu.memory_space<vmem>>, vector<1x16xf32>,
        %swap3A_409 = vector.shape_cast %swap3A_408 : vector<1x16xf32> to vector<16xf32>
        %swap3A_410 = vector.shape_cast %get3A_405 : vector<16xf32> to vector<1x16xf32>
        tpu.vector_store %arg10[%swap3A_406, %swap3A_407], %swap3A_410 {add = true, strides = array<i32>} : memref<8x1024xf32, #tpu.memory_space<vmem>>, vector<1x16xf32>,
        %get3A_411 = arith.index_cast %scan3A_178 : i32 to index
        %get3A_412 = arith.constant 416 : index
        %get3A_413 = tpu.vector_load %arg14[%get3A_411, %get3A_412] {strides = array<i32>} : memref<8x1024xf32, #tpu.memory_space<vmem>>, vector<1x16xf32>,
        %get3A_414 = vector.shape_cast %get3A_413 : vector<1x16xf32> to vector<16xf32>
        %swap3A_415 = arith.index_cast %scan3A_178 : i32 to index
        %swap3A_416 = arith.constant 416 : index
        %swap3A_417 = tpu.vector_load %arg10[%swap3A_415, %swap3A_416] {strides = array<i32>} : memref<8x1024xf32, #tpu.memory_space<vmem>>, vector<1x16xf32>,
        %swap3A_418 = vector.shape_cast %swap3A_417 : vector<1x16xf32> to vector<16xf32>
        %swap3A_419 = vector.shape_cast %get3A_414 : vector<16xf32> to vector<1x16xf32>
        tpu.vector_store %arg10[%swap3A_415, %swap3A_416], %swap3A_419 {add = true, strides = array<i32>} : memref<8x1024xf32, #tpu.memory_space<vmem>>, vector<1x16xf32>,
        %get3A_420 = arith.index_cast %scan3A_178 : i32 to index
        %get3A_421 = arith.constant 432 : index
        %get3A_422 = tpu.vector_load %arg14[%get3A_420, %get3A_421] {strides = array<i32>} : memref<8x1024xf32, #tpu.memory_space<vmem>>, vector<1x16xf32>,
        %get3A_423 = vector.shape_cast %get3A_422 : vector<1x16xf32> to vector<16xf32>
        %swap3A_424 = arith.index_cast %scan3A_178 : i32 to index
        %swap3A_425 = arith.constant 432 : index
        %swap3A_426 = tpu.vector_load %arg10[%swap3A_424, %swap3A_425] {strides = array<i32>} : memref<8x1024xf32, #tpu.memory_space<vmem>>, vector<1x16xf32>,
        %swap3A_427 = vector.shape_cast %swap3A_426 : vector<1x16xf32> to vector<16xf32>
        %swap3A_428 = vector.shape_cast %get3A_423 : vector<16xf32> to vector<1x16xf32>
        tpu.vector_store %arg10[%swap3A_424, %swap3A_425], %swap3A_428 {add = true, strides = array<i32>} : memref<8x1024xf32, #tpu.memory_space<vmem>>, vector<1x16xf32>,
        %get3A_429 = arith.index_cast %scan3A_178 : i32 to index
        %get3A_430 = arith.constant 448 : index
        %get3A_431 = tpu.vector_load %arg14[%get3A_429, %get3A_430] {strides = array<i32>} : memref<8x1024xf32, #tpu.memory_space<vmem>>, vector<1x16xf32>,
        %get3A_432 = vector.shape_cast %get3A_431 : vector<1x16xf32> to vector<16xf32>
        %swap3A_433 = arith.index_cast %scan3A_178 : i32 to index
        %swap3A_434 = arith.constant 448 : index
        %swap3A_435 = tpu.vector_load %arg10[%swap3A_433, %swap3A_434] {strides = array<i32>} : memref<8x1024xf32, #tpu.memory_space<vmem>>, vector<1x16xf32>,
        %swap3A_436 = vector.shape_cast %swap3A_435 : vector<1x16xf32> to vector<16xf32>
        %swap3A_437 = vector.shape_cast %get3A_432 : vector<16xf32> to vector<1x16xf32>
        tpu.vector_store %arg10[%swap3A_433, %swap3A_434], %swap3A_437 {add = true, strides = array<i32>} : memref<8x1024xf32, #tpu.memory_space<vmem>>, vector<1x16xf32>,
        %get3A_438 = arith.index_cast %scan3A_178 : i32 to index
        %get3A_439 = arith.constant 464 : index
        %get3A_440 = tpu.vector_load %arg14[%get3A_438, %get3A_439] {strides = array<i32>} : memref<8x1024xf32, #tpu.memory_space<vmem>>, vector<1x16xf32>,
        %get3A_441 = vector.shape_cast %get3A_440 : vector<1x16xf32> to vector<16xf32>
        %swap3A_442 = arith.index_cast %scan3A_178 : i32 to index
        %swap3A_443 = arith.constant 464 : index
        %swap3A_444 = tpu.vector_load %arg10[%swap3A_442, %swap3A_443] {strides = array<i32>} : memref<8x1024xf32, #tpu.memory_space<vmem>>, vector<1x16xf32>,
        %swap3A_445 = vector.shape_cast %swap3A_444 : vector<1x16xf32> to vector<16xf32>
        %swap3A_446 = vector.shape_cast %get3A_441 : vector<16xf32> to vector<1x16xf32>
        tpu.vector_store %arg10[%swap3A_442, %swap3A_443], %swap3A_446 {add = true, strides = array<i32>} : memref<8x1024xf32, #tpu.memory_space<vmem>>, vector<1x16xf32>,
        %get3A_447 = arith.index_cast %scan3A_178 : i32 to index
        %get3A_448 = arith.constant 480 : index
        %get3A_449 = tpu.vector_load %arg14[%get3A_447, %get3A_448] {strides = array<i32>} : memref<8x1024xf32, #tpu.memory_space<vmem>>, vector<1x16xf32>,
        %get3A_450 = vector.shape_cast %get3A_449 : vector<1x16xf32> to vector<16xf32>
        %swap3A_451 = arith.index_cast %scan3A_178 : i32 to index
        %swap3A_452 = arith.constant 480 : index
        %swap3A_453 = tpu.vector_load %arg10[%swap3A_451, %swap3A_452] {strides = array<i32>} : memref<8x1024xf32, #tpu.memory_space<vmem>>, vector<1x16xf32>,
        %swap3A_454 = vector.shape_cast %swap3A_453 : vector<1x16xf32> to vector<16xf32>
        %swap3A_455 = vector.shape_cast %get3A_450 : vector<16xf32> to vector<1x16xf32>
        tpu.vector_store %arg10[%swap3A_451, %swap3A_452], %swap3A_455 {add = true, strides = array<i32>} : memref<8x1024xf32, #tpu.memory_space<vmem>>, vector<1x16xf32>,
        %get3A_456 = arith.index_cast %scan3A_178 : i32 to index
        %get3A_457 = arith.constant 496 : index
        %get3A_458 = tpu.vector_load %arg14[%get3A_456, %get3A_457] {strides = array<i32>} : memref<8x1024xf32, #tpu.memory_space<vmem>>, vector<1x16xf32>,
        %get3A_459 = vector.shape_cast %get3A_458 : vector<1x16xf32> to vector<16xf32>
        %swap3A_460 = arith.index_cast %scan3A_178 : i32 to index
        %swap3A_461 = arith.constant 496 : index
        %swap3A_462 = tpu.vector_load %arg10[%swap3A_460, %swap3A_461] {strides = array<i32>} : memref<8x1024xf32, #tpu.memory_space<vmem>>, vector<1x16xf32>,
        %swap3A_463 = vector.shape_cast %swap3A_462 : vector<1x16xf32> to vector<16xf32>
        %swap3A_464 = vector.shape_cast %get3A_459 : vector<16xf32> to vector<1x16xf32>
        tpu.vector_store %arg10[%swap3A_460, %swap3A_461], %swap3A_464 {add = true, strides = array<i32>} : memref<8x1024xf32, #tpu.memory_space<vmem>>, vector<1x16xf32>,
        %get3A_465 = arith.index_cast %scan3A_178 : i32 to index
        %get3A_466 = arith.constant 512 : index
        %get3A_467 = tpu.vector_load %arg14[%get3A_465, %get3A_466] {strides = array<i32>} : memref<8x1024xf32, #tpu.memory_space<vmem>>, vector<1x16xf32>,
        %get3A_468 = vector.shape_cast %get3A_467 : vector<1x16xf32> to vector<16xf32>
        %swap3A_469 = arith.index_cast %scan3A_178 : i32 to index
        %swap3A_470 = arith.constant 512 : index
        %swap3A_471 = tpu.vector_load %arg10[%swap3A_469, %swap3A_470] {strides = array<i32>} : memref<8x1024xf32, #tpu.memory_space<vmem>>, vector<1x16xf32>,
        %swap3A_472 = vector.shape_cast %swap3A_471 : vector<1x16xf32> to vector<16xf32>
        %swap3A_473 = vector.shape_cast %get3A_468 : vector<16xf32> to vector<1x16xf32>
        tpu.vector_store %arg10[%swap3A_469, %swap3A_470], %swap3A_473 {add = true, strides = array<i32>} : memref<8x1024xf32, #tpu.memory_space<vmem>>, vector<1x16xf32>,
        %get3A_474 = arith.index_cast %scan3A_178 : i32 to index
        %get3A_475 = arith.constant 528 : index
        %get3A_476 = tpu.vector_load %arg14[%get3A_474, %get3A_475] {strides = array<i32>} : memref<8x1024xf32, #tpu.memory_space<vmem>>, vector<1x16xf32>,
        %get3A_477 = vector.shape_cast %get3A_476 : vector<1x16xf32> to vector<16xf32>
        %swap3A_478 = arith.index_cast %scan3A_178 : i32 to index
        %swap3A_479 = arith.constant 528 : index
        %swap3A_480 = tpu.vector_load %arg10[%swap3A_478, %swap3A_479] {strides = array<i32>} : memref<8x1024xf32, #tpu.memory_space<vmem>>, vector<1x16xf32>,
        %swap3A_481 = vector.shape_cast %swap3A_480 : vector<1x16xf32> to vector<16xf32>
        %swap3A_482 = vector.shape_cast %get3A_477 : vector<16xf32> to vector<1x16xf32>
        tpu.vector_store %arg10[%swap3A_478, %swap3A_479], %swap3A_482 {add = true, strides = array<i32>} : memref<8x1024xf32, #tpu.memory_space<vmem>>, vector<1x16xf32>,
        %get3A_483 = arith.index_cast %scan3A_178 : i32 to index
        %get3A_484 = arith.constant 544 : index
        %get3A_485 = tpu.vector_load %arg14[%get3A_483, %get3A_484] {strides = array<i32>} : memref<8x1024xf32, #tpu.memory_space<vmem>>, vector<1x16xf32>,
        %get3A_486 = vector.shape_cast %get3A_485 : vector<1x16xf32> to vector<16xf32>
        %swap3A_487 = arith.index_cast %scan3A_178 : i32 to index
        %swap3A_488 = arith.constant 544 : index
        %swap3A_489 = tpu.vector_load %arg10[%swap3A_487, %swap3A_488] {strides = array<i32>} : memref<8x1024xf32, #tpu.memory_space<vmem>>, vector<1x16xf32>,
        %swap3A_490 = vector.shape_cast %swap3A_489 : vector<1x16xf32> to vector<16xf32>
        %swap3A_491 = vector.shape_cast %get3A_486 : vector<16xf32> to vector<1x16xf32>
        tpu.vector_store %arg10[%swap3A_487, %swap3A_488], %swap3A_491 {add = true, strides = array<i32>} : memref<8x1024xf32, #tpu.memory_space<vmem>>, vector<1x16xf32>,
        %get3A_492 = arith.index_cast %scan3A_178 : i32 to index
        %get3A_493 = arith.constant 560 : index
        %get3A_494 = tpu.vector_load %arg14[%get3A_492, %get3A_493] {strides = array<i32>} : memref<8x1024xf32, #tpu.memory_space<vmem>>, vector<1x16xf32>,
        %get3A_495 = vector.shape_cast %get3A_494 : vector<1x16xf32> to vector<16xf32>
        %swap3A_496 = arith.index_cast %scan3A_178 : i32 to index
        %swap3A_497 = arith.constant 560 : index
        %swap3A_498 = tpu.vector_load %arg10[%swap3A_496, %swap3A_497] {strides = array<i32>} : memref<8x1024xf32, #tpu.memory_space<vmem>>, vector<1x16xf32>,
        %swap3A_499 = vector.shape_cast %swap3A_498 : vector<1x16xf32> to vector<16xf32>
        %swap3A_500 = vector.shape_cast %get3A_495 : vector<16xf32> to vector<1x16xf32>
        tpu.vector_store %arg10[%swap3A_496, %swap3A_497], %swap3A_500 {add = true, strides = array<i32>} : memref<8x1024xf32, #tpu.memory_space<vmem>>, vector<1x16xf32>,
        %get3A_501 = arith.index_cast %scan3A_178 : i32 to index
        %get3A_502 = arith.constant 576 : index
        %get3A_503 = tpu.vector_load %arg14[%get3A_501, %get3A_502] {strides = array<i32>} : memref<8x1024xf32, #tpu.memory_space<vmem>>, vector<1x16xf32>,
        %get3A_504 = vector.shape_cast %get3A_503 : vector<1x16xf32> to vector<16xf32>
        %swap3A_505 = arith.index_cast %scan3A_178 : i32 to index
        %swap3A_506 = arith.constant 576 : index
        %swap3A_507 = tpu.vector_load %arg10[%swap3A_505, %swap3A_506] {strides = array<i32>} : memref<8x1024xf32, #tpu.memory_space<vmem>>, vector<1x16xf32>,
        %swap3A_508 = vector.shape_cast %swap3A_507 : vector<1x16xf32> to vector<16xf32>
        %swap3A_509 = vector.shape_cast %get3A_504 : vector<16xf32> to vector<1x16xf32>
        tpu.vector_store %arg10[%swap3A_505, %swap3A_506], %swap3A_509 {add = true, strides = array<i32>} : memref<8x1024xf32, #tpu.memory_space<vmem>>, vector<1x16xf32>,
        %get3A_510 = arith.index_cast %scan3A_178 : i32 to index
        %get3A_511 = arith.constant 592 : index
        %get3A_512 = tpu.vector_load %arg14[%get3A_510, %get3A_511] {strides = array<i32>} : memref<8x1024xf32, #tpu.memory_space<vmem>>, vector<1x16xf32>,
        %get3A_513 = vector.shape_cast %get3A_512 : vector<1x16xf32> to vector<16xf32>
        %swap3A_514 = arith.index_cast %scan3A_178 : i32 to index
        %swap3A_515 = arith.constant 592 : index
        %swap3A_516 = tpu.vector_load %arg10[%swap3A_514, %swap3A_515] {strides = array<i32>} : memref<8x1024xf32, #tpu.memory_space<vmem>>, vector<1x16xf32>,
        %swap3A_517 = vector.shape_cast %swap3A_516 : vector<1x16xf32> to vector<16xf32>
        %swap3A_518 = vector.shape_cast %get3A_513 : vector<16xf32> to vector<1x16xf32>
        tpu.vector_store %arg10[%swap3A_514, %swap3A_515], %swap3A_518 {add = true, strides = array<i32>} : memref<8x1024xf32, #tpu.memory_space<vmem>>, vector<1x16xf32>,
        %get3A_519 = arith.index_cast %scan3A_178 : i32 to index
        %get3A_520 = arith.constant 608 : index
        %get3A_521 = tpu.vector_load %arg14[%get3A_519, %get3A_520] {strides = array<i32>} : memref<8x1024xf32, #tpu.memory_space<vmem>>, vector<1x16xf32>,
        %get3A_522 = vector.shape_cast %get3A_521 : vector<1x16xf32> to vector<16xf32>
        %swap3A_523 = arith.index_cast %scan3A_178 : i32 to index
        %swap3A_524 = arith.constant 608 : index
        %swap3A_525 = tpu.vector_load %arg10[%swap3A_523, %swap3A_524] {strides = array<i32>} : memref<8x1024xf32, #tpu.memory_space<vmem>>, vector<1x16xf32>,
        %swap3A_526 = vector.shape_cast %swap3A_525 : vector<1x16xf32> to vector<16xf32>
        %swap3A_527 = vector.shape_cast %get3A_522 : vector<16xf32> to vector<1x16xf32>
        tpu.vector_store %arg10[%swap3A_523, %swap3A_524], %swap3A_527 {add = true, strides = array<i32>} : memref<8x1024xf32, #tpu.memory_space<vmem>>, vector<1x16xf32>,
        %get3A_528 = arith.index_cast %scan3A_178 : i32 to index
        %get3A_529 = arith.constant 624 : index
        %get3A_530 = tpu.vector_load %arg14[%get3A_528, %get3A_529] {strides = array<i32>} : memref<8x1024xf32, #tpu.memory_space<vmem>>, vector<1x16xf32>,
        %get3A_531 = vector.shape_cast %get3A_530 : vector<1x16xf32> to vector<16xf32>
        %swap3A_532 = arith.index_cast %scan3A_178 : i32 to index
        %swap3A_533 = arith.constant 624 : index
        %swap3A_534 = tpu.vector_load %arg10[%swap3A_532, %swap3A_533] {strides = array<i32>} : memref<8x1024xf32, #tpu.memory_space<vmem>>, vector<1x16xf32>,
        %swap3A_535 = vector.shape_cast %swap3A_534 : vector<1x16xf32> to vector<16xf32>
        %swap3A_536 = vector.shape_cast %get3A_531 : vector<16xf32> to vector<1x16xf32>
        tpu.vector_store %arg10[%swap3A_532, %swap3A_533], %swap3A_536 {add = true, strides = array<i32>} : memref<8x1024xf32, #tpu.memory_space<vmem>>, vector<1x16xf32>,
        %get3A_537 = arith.index_cast %scan3A_178 : i32 to index
        %get3A_538 = arith.constant 640 : index
        %get3A_539 = tpu.vector_load %arg14[%get3A_537, %get3A_538] {strides = array<i32>} : memref<8x1024xf32, #tpu.memory_space<vmem>>, vector<1x16xf32>,
        %get3A_540 = vector.shape_cast %get3A_539 : vector<1x16xf32> to vector<16xf32>
        %swap3A_541 = arith.index_cast %scan3A_178 : i32 to index
        %swap3A_542 = arith.constant 640 : index
        %swap3A_543 = tpu.vector_load %arg10[%swap3A_541, %swap3A_542] {strides = array<i32>} : memref<8x1024xf32, #tpu.memory_space<vmem>>, vector<1x16xf32>,
        %swap3A_544 = vector.shape_cast %swap3A_543 : vector<1x16xf32> to vector<16xf32>
        %swap3A_545 = vector.shape_cast %get3A_540 : vector<16xf32> to vector<1x16xf32>
        tpu.vector_store %arg10[%swap3A_541, %swap3A_542], %swap3A_545 {add = true, strides = array<i32>} : memref<8x1024xf32, #tpu.memory_space<vmem>>, vector<1x16xf32>,
        %get3A_546 = arith.index_cast %scan3A_178 : i32 to index
        %get3A_547 = arith.constant 656 : index
        %get3A_548 = tpu.vector_load %arg14[%get3A_546, %get3A_547] {strides = array<i32>} : memref<8x1024xf32, #tpu.memory_space<vmem>>, vector<1x16xf32>,
        %get3A_549 = vector.shape_cast %get3A_548 : vector<1x16xf32> to vector<16xf32>
        %swap3A_550 = arith.index_cast %scan3A_178 : i32 to index
        %swap3A_551 = arith.constant 656 : index
        %swap3A_552 = tpu.vector_load %arg10[%swap3A_550, %swap3A_551] {strides = array<i32>} : memref<8x1024xf32, #tpu.memory_space<vmem>>, vector<1x16xf32>,
        %swap3A_553 = vector.shape_cast %swap3A_552 : vector<1x16xf32> to vector<16xf32>
        %swap3A_554 = vector.shape_cast %get3A_549 : vector<16xf32> to vector<1x16xf32>
        tpu.vector_store %arg10[%swap3A_550, %swap3A_551], %swap3A_554 {add = true, strides = array<i32>} : memref<8x1024xf32, #tpu.memory_space<vmem>>, vector<1x16xf32>,
        %get3A_555 = arith.index_cast %scan3A_178 : i32 to index
        %get3A_556 = arith.constant 672 : index
        %get3A_557 = tpu.vector_load %arg14[%get3A_555, %get3A_556] {strides = array<i32>} : memref<8x1024xf32, #tpu.memory_space<vmem>>, vector<1x16xf32>,
        %get3A_558 = vector.shape_cast %get3A_557 : vector<1x16xf32> to vector<16xf32>
        %swap3A_559 = arith.index_cast %scan3A_178 : i32 to index
        %swap3A_560 = arith.constant 672 : index
        %swap3A_561 = tpu.vector_load %arg10[%swap3A_559, %swap3A_560] {strides = array<i32>} : memref<8x1024xf32, #tpu.memory_space<vmem>>, vector<1x16xf32>,
        %swap3A_562 = vector.shape_cast %swap3A_561 : vector<1x16xf32> to vector<16xf32>
        %swap3A_563 = vector.shape_cast %get3A_558 : vector<16xf32> to vector<1x16xf32>
        tpu.vector_store %arg10[%swap3A_559, %swap3A_560], %swap3A_563 {add = true, strides = array<i32>} : memref<8x1024xf32, #tpu.memory_space<vmem>>, vector<1x16xf32>,
        %get3A_564 = arith.index_cast %scan3A_178 : i32 to index
        %get3A_565 = arith.constant 688 : index
        %get3A_566 = tpu.vector_load %arg14[%get3A_564, %get3A_565] {strides = array<i32>} : memref<8x1024xf32, #tpu.memory_space<vmem>>, vector<1x16xf32>,
        %get3A_567 = vector.shape_cast %get3A_566 : vector<1x16xf32> to vector<16xf32>
        %swap3A_568 = arith.index_cast %scan3A_178 : i32 to index
        %swap3A_569 = arith.constant 688 : index
        %swap3A_570 = tpu.vector_load %arg10[%swap3A_568, %swap3A_569] {strides = array<i32>} : memref<8x1024xf32, #tpu.memory_space<vmem>>, vector<1x16xf32>,
        %swap3A_571 = vector.shape_cast %swap3A_570 : vector<1x16xf32> to vector<16xf32>
        %swap3A_572 = vector.shape_cast %get3A_567 : vector<16xf32> to vector<1x16xf32>
        tpu.vector_store %arg10[%swap3A_568, %swap3A_569], %swap3A_572 {add = true, strides = array<i32>} : memref<8x1024xf32, #tpu.memory_space<vmem>>, vector<1x16xf32>,
        %get3A_573 = arith.index_cast %scan3A_178 : i32 to index
        %get3A_574 = arith.constant 704 : index
        %get3A_575 = tpu.vector_load %arg14[%get3A_573, %get3A_574] {strides = array<i32>} : memref<8x1024xf32, #tpu.memory_space<vmem>>, vector<1x16xf32>,
        %get3A_576 = vector.shape_cast %get3A_575 : vector<1x16xf32> to vector<16xf32>
        %swap3A_577 = arith.index_cast %scan3A_178 : i32 to index
        %swap3A_578 = arith.constant 704 : index
        %swap3A_579 = tpu.vector_load %arg10[%swap3A_577, %swap3A_578] {strides = array<i32>} : memref<8x1024xf32, #tpu.memory_space<vmem>>, vector<1x16xf32>,
        %swap3A_580 = vector.shape_cast %swap3A_579 : vector<1x16xf32> to vector<16xf32>
        %swap3A_581 = vector.shape_cast %get3A_576 : vector<16xf32> to vector<1x16xf32>
        tpu.vector_store %arg10[%swap3A_577, %swap3A_578], %swap3A_581 {add = true, strides = array<i32>} : memref<8x1024xf32, #tpu.memory_space<vmem>>, vector<1x16xf32>,
        %get3A_582 = arith.index_cast %scan3A_178 : i32 to index
        %get3A_583 = arith.constant 720 : index
        %get3A_584 = tpu.vector_load %arg14[%get3A_582, %get3A_583] {strides = array<i32>} : memref<8x1024xf32, #tpu.memory_space<vmem>>, vector<1x16xf32>,
        %get3A_585 = vector.shape_cast %get3A_584 : vector<1x16xf32> to vector<16xf32>
        %swap3A_586 = arith.index_cast %scan3A_178 : i32 to index
        %swap3A_587 = arith.constant 720 : index
        %swap3A_588 = tpu.vector_load %arg10[%swap3A_586, %swap3A_587] {strides = array<i32>} : memref<8x1024xf32, #tpu.memory_space<vmem>>, vector<1x16xf32>,
        %swap3A_589 = vector.shape_cast %swap3A_588 : vector<1x16xf32> to vector<16xf32>
        %swap3A_590 = vector.shape_cast %get3A_585 : vector<16xf32> to vector<1x16xf32>
        tpu.vector_store %arg10[%swap3A_586, %swap3A_587], %swap3A_590 {add = true, strides = array<i32>} : memref<8x1024xf32, #tpu.memory_space<vmem>>, vector<1x16xf32>,
        %get3A_591 = arith.index_cast %scan3A_178 : i32 to index
        %get3A_592 = arith.constant 736 : index
        %get3A_593 = tpu.vector_load %arg14[%get3A_591, %get3A_592] {strides = array<i32>} : memref<8x1024xf32, #tpu.memory_space<vmem>>, vector<1x16xf32>,
        %get3A_594 = vector.shape_cast %get3A_593 : vector<1x16xf32> to vector<16xf32>
        %swap3A_595 = arith.index_cast %scan3A_178 : i32 to index
        %swap3A_596 = arith.constant 736 : index
        %swap3A_597 = tpu.vector_load %arg10[%swap3A_595, %swap3A_596] {strides = array<i32>} : memref<8x1024xf32, #tpu.memory_space<vmem>>, vector<1x16xf32>,
        %swap3A_598 = vector.shape_cast %swap3A_597 : vector<1x16xf32> to vector<16xf32>
        %swap3A_599 = vector.shape_cast %get3A_594 : vector<16xf32> to vector<1x16xf32>
        tpu.vector_store %arg10[%swap3A_595, %swap3A_596], %swap3A_599 {add = true, strides = array<i32>} : memref<8x1024xf32, #tpu.memory_space<vmem>>, vector<1x16xf32>,
        %get3A_600 = arith.index_cast %scan3A_178 : i32 to index
        %get3A_601 = arith.constant 752 : index
        %get3A_602 = tpu.vector_load %arg14[%get3A_600, %get3A_601] {strides = array<i32>} : memref<8x1024xf32, #tpu.memory_space<vmem>>, vector<1x16xf32>,
        %get3A_603 = vector.shape_cast %get3A_602 : vector<1x16xf32> to vector<16xf32>
        %swap3A_604 = arith.index_cast %scan3A_178 : i32 to index
        %swap3A_605 = arith.constant 752 : index
        %swap3A_606 = tpu.vector_load %arg10[%swap3A_604, %swap3A_605] {strides = array<i32>} : memref<8x1024xf32, #tpu.memory_space<vmem>>, vector<1x16xf32>,
        %swap3A_607 = vector.shape_cast %swap3A_606 : vector<1x16xf32> to vector<16xf32>
        %swap3A_608 = vector.shape_cast %get3A_603 : vector<16xf32> to vector<1x16xf32>
        tpu.vector_store %arg10[%swap3A_604, %swap3A_605], %swap3A_608 {add = true, strides = array<i32>} : memref<8x1024xf32, #tpu.memory_space<vmem>>, vector<1x16xf32>,
        %get3A_609 = arith.index_cast %scan3A_178 : i32 to index
        %get3A_610 = arith.constant 768 : index
        %get3A_611 = tpu.vector_load %arg14[%get3A_609, %get3A_610] {strides = array<i32>} : memref<8x1024xf32, #tpu.memory_space<vmem>>, vector<1x16xf32>,
        %get3A_612 = vector.shape_cast %get3A_611 : vector<1x16xf32> to vector<16xf32>
        %swap3A_613 = arith.index_cast %scan3A_178 : i32 to index
        %swap3A_614 = arith.constant 768 : index
        %swap3A_615 = tpu.vector_load %arg10[%swap3A_613, %swap3A_614] {strides = array<i32>} : memref<8x1024xf32, #tpu.memory_space<vmem>>, vector<1x16xf32>,
        %swap3A_616 = vector.shape_cast %swap3A_615 : vector<1x16xf32> to vector<16xf32>
        %swap3A_617 = vector.shape_cast %get3A_612 : vector<16xf32> to vector<1x16xf32>
        tpu.vector_store %arg10[%swap3A_613, %swap3A_614], %swap3A_617 {add = true, strides = array<i32>} : memref<8x1024xf32, #tpu.memory_space<vmem>>, vector<1x16xf32>,
        %get3A_618 = arith.index_cast %scan3A_178 : i32 to index
        %get3A_619 = arith.constant 784 : index
        %get3A_620 = tpu.vector_load %arg14[%get3A_618, %get3A_619] {strides = array<i32>} : memref<8x1024xf32, #tpu.memory_space<vmem>>, vector<1x16xf32>,
        %get3A_621 = vector.shape_cast %get3A_620 : vector<1x16xf32> to vector<16xf32>
        %swap3A_622 = arith.index_cast %scan3A_178 : i32 to index
        %swap3A_623 = arith.constant 784 : index
        %swap3A_624 = tpu.vector_load %arg10[%swap3A_622, %swap3A_623] {strides = array<i32>} : memref<8x1024xf32, #tpu.memory_space<vmem>>, vector<1x16xf32>,
        %swap3A_625 = vector.shape_cast %swap3A_624 : vector<1x16xf32> to vector<16xf32>
        %swap3A_626 = vector.shape_cast %get3A_621 : vector<16xf32> to vector<1x16xf32>
        tpu.vector_store %arg10[%swap3A_622, %swap3A_623], %swap3A_626 {add = true, strides = array<i32>} : memref<8x1024xf32, #tpu.memory_space<vmem>>, vector<1x16xf32>,
        %get3A_627 = arith.index_cast %scan3A_178 : i32 to index
        %get3A_628 = arith.constant 800 : index
        %get3A_629 = tpu.vector_load %arg14[%get3A_627, %get3A_628] {strides = array<i32>} : memref<8x1024xf32, #tpu.memory_space<vmem>>, vector<1x16xf32>,
        %get3A_630 = vector.shape_cast %get3A_629 : vector<1x16xf32> to vector<16xf32>
        %swap3A_631 = arith.index_cast %scan3A_178 : i32 to index
        %swap3A_632 = arith.constant 800 : index
        %swap3A_633 = tpu.vector_load %arg10[%swap3A_631, %swap3A_632] {strides = array<i32>} : memref<8x1024xf32, #tpu.memory_space<vmem>>, vector<1x16xf32>,
        %swap3A_634 = vector.shape_cast %swap3A_633 : vector<1x16xf32> to vector<16xf32>
        %swap3A_635 = vector.shape_cast %get3A_630 : vector<16xf32> to vector<1x16xf32>
        tpu.vector_store %arg10[%swap3A_631, %swap3A_632], %swap3A_635 {add = true, strides = array<i32>} : memref<8x1024xf32, #tpu.memory_space<vmem>>, vector<1x16xf32>,
        %get3A_636 = arith.index_cast %scan3A_178 : i32 to index
        %get3A_637 = arith.constant 816 : index
        %get3A_638 = tpu.vector_load %arg14[%get3A_636, %get3A_637] {strides = array<i32>} : memref<8x1024xf32, #tpu.memory_space<vmem>>, vector<1x16xf32>,
        %get3A_639 = vector.shape_cast %get3A_638 : vector<1x16xf32> to vector<16xf32>
        %swap3A_640 = arith.index_cast %scan3A_178 : i32 to index
        %swap3A_641 = arith.constant 816 : index
        %swap3A_642 = tpu.vector_load %arg10[%swap3A_640, %swap3A_641] {strides = array<i32>} : memref<8x1024xf32, #tpu.memory_space<vmem>>, vector<1x16xf32>,
        %swap3A_643 = vector.shape_cast %swap3A_642 : vector<1x16xf32> to vector<16xf32>
        %swap3A_644 = vector.shape_cast %get3A_639 : vector<16xf32> to vector<1x16xf32>
        tpu.vector_store %arg10[%swap3A_640, %swap3A_641], %swap3A_644 {add = true, strides = array<i32>} : memref<8x1024xf32, #tpu.memory_space<vmem>>, vector<1x16xf32>,
        %get3A_645 = arith.index_cast %scan3A_178 : i32 to index
        %get3A_646 = arith.constant 832 : index
        %get3A_647 = tpu.vector_load %arg14[%get3A_645, %get3A_646] {strides = array<i32>} : memref<8x1024xf32, #tpu.memory_space<vmem>>, vector<1x16xf32>,
        %get3A_648 = vector.shape_cast %get3A_647 : vector<1x16xf32> to vector<16xf32>
        %swap3A_649 = arith.index_cast %scan3A_178 : i32 to index
        %swap3A_650 = arith.constant 832 : index
        %swap3A_651 = tpu.vector_load %arg10[%swap3A_649, %swap3A_650] {strides = array<i32>} : memref<8x1024xf32, #tpu.memory_space<vmem>>, vector<1x16xf32>,
        %swap3A_652 = vector.shape_cast %swap3A_651 : vector<1x16xf32> to vector<16xf32>
        %swap3A_653 = vector.shape_cast %get3A_648 : vector<16xf32> to vector<1x16xf32>
        tpu.vector_store %arg10[%swap3A_649, %swap3A_650], %swap3A_653 {add = true, strides = array<i32>} : memref<8x1024xf32, #tpu.memory_space<vmem>>, vector<1x16xf32>,
        %get3A_654 = arith.index_cast %scan3A_178 : i32 to index
        %get3A_655 = arith.constant 848 : index
        %get3A_656 = tpu.vector_load %arg14[%get3A_654, %get3A_655] {strides = array<i32>} : memref<8x1024xf32, #tpu.memory_space<vmem>>, vector<1x16xf32>,
        %get3A_657 = vector.shape_cast %get3A_656 : vector<1x16xf32> to vector<16xf32>
        %swap3A_658 = arith.index_cast %scan3A_178 : i32 to index
        %swap3A_659 = arith.constant 848 : index
        %swap3A_660 = tpu.vector_load %arg10[%swap3A_658, %swap3A_659] {strides = array<i32>} : memref<8x1024xf32, #tpu.memory_space<vmem>>, vector<1x16xf32>,
        %swap3A_661 = vector.shape_cast %swap3A_660 : vector<1x16xf32> to vector<16xf32>
        %swap3A_662 = vector.shape_cast %get3A_657 : vector<16xf32> to vector<1x16xf32>
        tpu.vector_store %arg10[%swap3A_658, %swap3A_659], %swap3A_662 {add = true, strides = array<i32>} : memref<8x1024xf32, #tpu.memory_space<vmem>>, vector<1x16xf32>,
        %get3A_663 = arith.index_cast %scan3A_178 : i32 to index
        %get3A_664 = arith.constant 864 : index
        %get3A_665 = tpu.vector_load %arg14[%get3A_663, %get3A_664] {strides = array<i32>} : memref<8x1024xf32, #tpu.memory_space<vmem>>, vector<1x16xf32>,
        %get3A_666 = vector.shape_cast %get3A_665 : vector<1x16xf32> to vector<16xf32>
        %swap3A_667 = arith.index_cast %scan3A_178 : i32 to index
        %swap3A_668 = arith.constant 864 : index
        %swap3A_669 = tpu.vector_load %arg10[%swap3A_667, %swap3A_668] {strides = array<i32>} : memref<8x1024xf32, #tpu.memory_space<vmem>>, vector<1x16xf32>,
        %swap3A_670 = vector.shape_cast %swap3A_669 : vector<1x16xf32> to vector<16xf32>
        %swap3A_671 = vector.shape_cast %get3A_666 : vector<16xf32> to vector<1x16xf32>
        tpu.vector_store %arg10[%swap3A_667, %swap3A_668], %swap3A_671 {add = true, strides = array<i32>} : memref<8x1024xf32, #tpu.memory_space<vmem>>, vector<1x16xf32>,
        %get3A_672 = arith.index_cast %scan3A_178 : i32 to index
        %get3A_673 = arith.constant 880 : index
        %get3A_674 = tpu.vector_load %arg14[%get3A_672, %get3A_673] {strides = array<i32>} : memref<8x1024xf32, #tpu.memory_space<vmem>>, vector<1x16xf32>,
        %get3A_675 = vector.shape_cast %get3A_674 : vector<1x16xf32> to vector<16xf32>
        %swap3A_676 = arith.index_cast %scan3A_178 : i32 to index
        %swap3A_677 = arith.constant 880 : index
        %swap3A_678 = tpu.vector_load %arg10[%swap3A_676, %swap3A_677] {strides = array<i32>} : memref<8x1024xf32, #tpu.memory_space<vmem>>, vector<1x16xf32>,
        %swap3A_679 = vector.shape_cast %swap3A_678 : vector<1x16xf32> to vector<16xf32>
        %swap3A_680 = vector.shape_cast %get3A_675 : vector<16xf32> to vector<1x16xf32>
        tpu.vector_store %arg10[%swap3A_676, %swap3A_677], %swap3A_680 {add = true, strides = array<i32>} : memref<8x1024xf32, #tpu.memory_space<vmem>>, vector<1x16xf32>,
        %get3A_681 = arith.index_cast %scan3A_178 : i32 to index
        %get3A_682 = arith.constant 896 : index
        %get3A_683 = tpu.vector_load %arg14[%get3A_681, %get3A_682] {strides = array<i32>} : memref<8x1024xf32, #tpu.memory_space<vmem>>, vector<1x16xf32>,
        %get3A_684 = vector.shape_cast %get3A_683 : vector<1x16xf32> to vector<16xf32>
        %swap3A_685 = arith.index_cast %scan3A_178 : i32 to index
        %swap3A_686 = arith.constant 896 : index
        %swap3A_687 = tpu.vector_load %arg10[%swap3A_685, %swap3A_686] {strides = array<i32>} : memref<8x1024xf32, #tpu.memory_space<vmem>>, vector<1x16xf32>,
        %swap3A_688 = vector.shape_cast %swap3A_687 : vector<1x16xf32> to vector<16xf32>
        %swap3A_689 = vector.shape_cast %get3A_684 : vector<16xf32> to vector<1x16xf32>
        tpu.vector_store %arg10[%swap3A_685, %swap3A_686], %swap3A_689 {add = true, strides = array<i32>} : memref<8x1024xf32, #tpu.memory_space<vmem>>, vector<1x16xf32>,
        %get3A_690 = arith.index_cast %scan3A_178 : i32 to index
        %get3A_691 = arith.constant 912 : index
        %get3A_692 = tpu.vector_load %arg14[%get3A_690, %get3A_691] {strides = array<i32>} : memref<8x1024xf32, #tpu.memory_space<vmem>>, vector<1x16xf32>,
        %get3A_693 = vector.shape_cast %get3A_692 : vector<1x16xf32> to vector<16xf32>
        %swap3A_694 = arith.index_cast %scan3A_178 : i32 to index
        %swap3A_695 = arith.constant 912 : index
        %swap3A_696 = tpu.vector_load %arg10[%swap3A_694, %swap3A_695] {strides = array<i32>} : memref<8x1024xf32, #tpu.memory_space<vmem>>, vector<1x16xf32>,
        %swap3A_697 = vector.shape_cast %swap3A_696 : vector<1x16xf32> to vector<16xf32>
        %swap3A_698 = vector.shape_cast %get3A_693 : vector<16xf32> to vector<1x16xf32>
        tpu.vector_store %arg10[%swap3A_694, %swap3A_695], %swap3A_698 {add = true, strides = array<i32>} : memref<8x1024xf32, #tpu.memory_space<vmem>>, vector<1x16xf32>,
        %get3A_699 = arith.index_cast %scan3A_178 : i32 to index
        %get3A_700 = arith.constant 928 : index
        %get3A_701 = tpu.vector_load %arg14[%get3A_699, %get3A_700] {strides = array<i32>} : memref<8x1024xf32, #tpu.memory_space<vmem>>, vector<1x16xf32>,
        %get3A_702 = vector.shape_cast %get3A_701 : vector<1x16xf32> to vector<16xf32>
        %swap3A_703 = arith.index_cast %scan3A_178 : i32 to index
        %swap3A_704 = arith.constant 928 : index
        %swap3A_705 = tpu.vector_load %arg10[%swap3A_703, %swap3A_704] {strides = array<i32>} : memref<8x1024xf32, #tpu.memory_space<vmem>>, vector<1x16xf32>,
        %swap3A_706 = vector.shape_cast %swap3A_705 : vector<1x16xf32> to vector<16xf32>
        %swap3A_707 = vector.shape_cast %get3A_702 : vector<16xf32> to vector<1x16xf32>
        tpu.vector_store %arg10[%swap3A_703, %swap3A_704], %swap3A_707 {add = true, strides = array<i32>} : memref<8x1024xf32, #tpu.memory_space<vmem>>, vector<1x16xf32>,
        %get3A_708 = arith.index_cast %scan3A_178 : i32 to index
        %get3A_709 = arith.constant 944 : index
        %get3A_710 = tpu.vector_load %arg14[%get3A_708, %get3A_709] {strides = array<i32>} : memref<8x1024xf32, #tpu.memory_space<vmem>>, vector<1x16xf32>,
        %get3A_711 = vector.shape_cast %get3A_710 : vector<1x16xf32> to vector<16xf32>
        %swap3A_712 = arith.index_cast %scan3A_178 : i32 to index
        %swap3A_713 = arith.constant 944 : index
        %swap3A_714 = tpu.vector_load %arg10[%swap3A_712, %swap3A_713] {strides = array<i32>} : memref<8x1024xf32, #tpu.memory_space<vmem>>, vector<1x16xf32>,
        %swap3A_715 = vector.shape_cast %swap3A_714 : vector<1x16xf32> to vector<16xf32>
        %swap3A_716 = vector.shape_cast %get3A_711 : vector<16xf32> to vector<1x16xf32>
        tpu.vector_store %arg10[%swap3A_712, %swap3A_713], %swap3A_716 {add = true, strides = array<i32>} : memref<8x1024xf32, #tpu.memory_space<vmem>>, vector<1x16xf32>,
        %get3A_717 = arith.index_cast %scan3A_178 : i32 to index
        %get3A_718 = arith.constant 960 : index
        %get3A_719 = tpu.vector_load %arg14[%get3A_717, %get3A_718] {strides = array<i32>} : memref<8x1024xf32, #tpu.memory_space<vmem>>, vector<1x16xf32>,
        %get3A_720 = vector.shape_cast %get3A_719 : vector<1x16xf32> to vector<16xf32>
        %swap3A_721 = arith.index_cast %scan3A_178 : i32 to index
        %swap3A_722 = arith.constant 960 : index
        %swap3A_723 = tpu.vector_load %arg10[%swap3A_721, %swap3A_722] {strides = array<i32>} : memref<8x1024xf32, #tpu.memory_space<vmem>>, vector<1x16xf32>,
        %swap3A_724 = vector.shape_cast %swap3A_723 : vector<1x16xf32> to vector<16xf32>
        %swap3A_725 = vector.shape_cast %get3A_720 : vector<16xf32> to vector<1x16xf32>
        tpu.vector_store %arg10[%swap3A_721, %swap3A_722], %swap3A_725 {add = true, strides = array<i32>} : memref<8x1024xf32, #tpu.memory_space<vmem>>, vector<1x16xf32>,
        %get3A_726 = arith.index_cast %scan3A_178 : i32 to index
        %get3A_727 = arith.constant 976 : index
        %get3A_728 = tpu.vector_load %arg14[%get3A_726, %get3A_727] {strides = array<i32>} : memref<8x1024xf32, #tpu.memory_space<vmem>>, vector<1x16xf32>,
        %get3A_729 = vector.shape_cast %get3A_728 : vector<1x16xf32> to vector<16xf32>
        %swap3A_730 = arith.index_cast %scan3A_178 : i32 to index
        %swap3A_731 = arith.constant 976 : index
        %swap3A_732 = tpu.vector_load %arg10[%swap3A_730, %swap3A_731] {strides = array<i32>} : memref<8x1024xf32, #tpu.memory_space<vmem>>, vector<1x16xf32>,
        %swap3A_733 = vector.shape_cast %swap3A_732 : vector<1x16xf32> to vector<16xf32>
        %swap3A_734 = vector.shape_cast %get3A_729 : vector<16xf32> to vector<1x16xf32>
        tpu.vector_store %arg10[%swap3A_730, %swap3A_731], %swap3A_734 {add = true, strides = array<i32>} : memref<8x1024xf32, #tpu.memory_space<vmem>>, vector<1x16xf32>,
        %get3A_735 = arith.index_cast %scan3A_178 : i32 to index
        %get3A_736 = arith.constant 992 : index
        %get3A_737 = tpu.vector_load %arg14[%get3A_735, %get3A_736] {strides = array<i32>} : memref<8x1024xf32, #tpu.memory_space<vmem>>, vector<1x16xf32>,
        %get3A_738 = vector.shape_cast %get3A_737 : vector<1x16xf32> to vector<16xf32>
        %swap3A_739 = arith.index_cast %scan3A_178 : i32 to index
        %swap3A_740 = arith.constant 992 : index
        %swap3A_741 = tpu.vector_load %arg10[%swap3A_739, %swap3A_740] {strides = array<i32>} : memref<8x1024xf32, #tpu.memory_space<vmem>>, vector<1x16xf32>,
        %swap3A_742 = vector.shape_cast %swap3A_741 : vector<1x16xf32> to vector<16xf32>
        %swap3A_743 = vector.shape_cast %get3A_738 : vector<16xf32> to vector<1x16xf32>
        tpu.vector_store %arg10[%swap3A_739, %swap3A_740], %swap3A_743 {add = true, strides = array<i32>} : memref<8x1024xf32, #tpu.memory_space<vmem>>, vector<1x16xf32>,
        %get3A_744 = arith.index_cast %scan3A_178 : i32 to index
        %get3A_745 = arith.constant 1008 : index
        %get3A_746 = tpu.vector_load %arg14[%get3A_744, %get3A_745] {strides = array<i32>} : memref<8x1024xf32, #tpu.memory_space<vmem>>, vector<1x16xf32>,
        %get3A_747 = vector.shape_cast %get3A_746 : vector<1x16xf32> to vector<16xf32>
        %swap3A_748 = arith.index_cast %scan3A_178 : i32 to index
        %swap3A_749 = arith.constant 1008 : index
        %swap3A_750 = tpu.vector_load %arg10[%swap3A_748, %swap3A_749] {strides = array<i32>} : memref<8x1024xf32, #tpu.memory_space<vmem>>, vector<1x16xf32>,
        %swap3A_751 = vector.shape_cast %swap3A_750 : vector<1x16xf32> to vector<16xf32>
        %swap3A_752 = vector.shape_cast %get3A_747 : vector<16xf32> to vector<1x16xf32>
        tpu.vector_store %arg10[%swap3A_748, %swap3A_749], %swap3A_752 {add = true, strides = array<i32>} : memref<8x1024xf32, #tpu.memory_space<vmem>>, vector<1x16xf32>,
      }
      %scan3A_110 = arith.constant 8 : i32
      %mul3A_111 = arith.constant 8 : i32
      %mul3A_112 = arith.muli %add3A_92, %mul3A_111 : i32
      %add3A_113 = arith.addi %mul3A_2, %mul3A_112 : i32
      %multiple_of3A_114 = tpu.assume_multiple %add3A_113, 8 : i32
      "tpu.region"() ({
        %run_scoped3A = tpu.sem_alloc : memref<!tpu.dma_semaphore, #tpu.memory_space<semaphore_mem>>
        %dma_start3A_178 = arith.constant 0 : i32
        %dma_start3A_179 = tpu.memref_slice %arg6[%multiple_of3A_114, %dma_start3A_178] : memref<16384x1024xf32, #tpu.memory_space<hbm>> -> memref<8x1024xf32, #tpu.memory_space<hbm>>
        %dma_start3A_180 = arith.constant 0 : i32
        %dma_start3A_181 = tpu.memref_slice %arg6[%multiple_of3A_114, %dma_start3A_180] : memref<16384x1024xf32, #tpu.memory_space<hbm>> -> memref<8x1024xf32, #tpu.memory_space<hbm>>
        tpu.enqueue_dma source(%arg10 : memref<8x1024xf32, #tpu.memory_space<vmem>>) target(%dma_start3A_181 : memref<8x1024xf32, #tpu.memory_space<hbm>>) target_semaphore(%run_scoped3A : memref<!tpu.dma_semaphore, #tpu.memory_space<semaphore_mem>>)
        %dma_wait3A_182 = arith.constant 0 : i32
        %dma_wait3A_183 = tpu.memref_slice %arg6[%multiple_of3A_114, %dma_wait3A_182] : memref<16384x1024xf32, #tpu.memory_space<hbm>> -> memref<8x1024xf32, #tpu.memory_space<hbm>>
        %dma_wait3A_184 = arith.constant 0 : i32
        %dma_wait3A_185 = tpu.memref_slice %arg6[%multiple_of3A_114, %dma_wait3A_184] : memref<16384x1024xf32, #tpu.memory_space<hbm>> -> memref<8x1024xf32, #tpu.memory_space<hbm>>
        tpu.wait_dma2 semaphore(%run_scoped3A : memref<!tpu.dma_semaphore, #tpu.memory_space<semaphore_mem>>) src(%arg10 : memref<8x1024xf32, #tpu.memory_space<vmem>>) dst(%dma_wait3A_185 : memref<8x1024xf32, #tpu.memory_space<hbm>>)
        tpu.yield
      }) : () -> ()
      %lt3A_115 = arith.constant 60 : i32
      %lt3A_116 = arith.cmpi slt, %add3A_92, %lt3A_115 : i32
      %convert_element_type3A_117 = arith.extui %lt3A_116 : i1 to i32
      %cond3A_118 = arith.constant 0 : i32
      %cond3A_119 = arith.cmpi ne, %convert_element_type3A_117, %cond3A_118 : i32
      scf.if %cond3A_119 {
        %add3A_178 = arith.constant 4 : i32
        %add3A_179 = arith.addi %add3A_92, %add3A_178 : i32
        %dma_start3A_180 = arith.constant 0 : i32
        %dma_start3A_181 = tpu.memref_slice %arg7[%add3A_179, %dma_start3A_180] : memref<64x8xi32, #tpu.memory_space<vmem>> -> memref<1x8xi32, #tpu.memory_space<vmem>>
        %dma_start3A_182 = tpu.memref_squeeze %dma_start3A_181 : memref<1x8xi32, #tpu.memory_space<vmem>> -> memref<8xi32, #tpu.memory_space<vmem>>
        %dma_start3A_183 = arith.constant 0 : i32
        %dma_start3A_184 = arith.constant 0 : i32
        %dma_start3A_185 = tpu.memref_slice %arg4[%dma_start3A_183, %dma_start3A_184] : memref<100000x1024xf32, #tpu.memory_space<hbm>> -> memref<100000x1024xf32, #tpu.memory_space<hbm>>
        tpu.enqueue_indirect_dma source(%dma_start3A_185 : memref<100000x1024xf32, #tpu.memory_space<hbm>>) target(%arg10 : memref<8x1024xf32, #tpu.memory_space<vmem>>) offsets(%dma_start3A_182 : memref<8xi32, #tpu.memory_space<vmem>>) semaphore(%arg18 : memref<!tpu.dma_semaphore, #tpu.memory_space<semaphore_mem>>)
        %dma_start3A_186 = arith.constant 0 : i32
        %dma_start3A_187 = tpu.memref_slice %arg8[%add3A_179, %dma_start3A_186] : memref<64x8xi32, #tpu.memory_space<vmem>> -> memref<1x8xi32, #tpu.memory_space<vmem>>
        %dma_start3A_188 = tpu.memref_squeeze %dma_start3A_187 : memref<1x8xi32, #tpu.memory_space<vmem>> -> memref<8xi32, #tpu.memory_space<vmem>>
        %dma_start3A_189 = arith.constant 0 : i32
        %dma_start3A_190 = arith.constant 0 : i32
        %dma_start3A_191 = tpu.memref_slice %arg5[%dma_start3A_189, %dma_start3A_190] : memref<8192x1024xf32, #tpu.memory_space<hbm>> -> memref<8192x1024xf32, #tpu.memory_space<hbm>>
        tpu.enqueue_indirect_dma source(%dma_start3A_191 : memref<8192x1024xf32, #tpu.memory_space<hbm>>) target(%arg14 : memref<8x1024xf32, #tpu.memory_space<vmem>>) offsets(%dma_start3A_188 : memref<8xi32, #tpu.memory_space<vmem>>) semaphore(%arg22 : memref<!tpu.dma_semaphore, #tpu.memory_space<semaphore_mem>>)
      } else {
      }
      %add3A_120 = arith.constant 2 : i32
      %add3A_121 = arith.addi %add3A_66, %add3A_120 : i32
      %dma_wait3A_122 = arith.constant 0 : i32
      %dma_wait3A_123 = tpu.memref_slice %arg7[%add3A_121, %dma_wait3A_122] : memref<64x8xi32, #tpu.memory_space<vmem>> -> memref<1x8xi32, #tpu.memory_space<vmem>>
      %dma_wait3A_124 = tpu.memref_squeeze %dma_wait3A_123 : memref<1x8xi32, #tpu.memory_space<vmem>> -> memref<8xi32, #tpu.memory_space<vmem>>
      %dma_wait3A_125 = arith.constant 0 : i32
      %dma_wait3A_126 = arith.constant 0 : i32
      %dma_wait3A_127 = tpu.memref_slice %arg4[%dma_wait3A_125, %dma_wait3A_126] : memref<100000x1024xf32, #tpu.memory_space<hbm>> -> memref<100000x1024xf32, #tpu.memory_space<hbm>>
      tpu.wait_indirect_dma semaphore(%arg19 : memref<!tpu.dma_semaphore, #tpu.memory_space<semaphore_mem>>) src(%dma_wait3A_127 : memref<100000x1024xf32, #tpu.memory_space<hbm>>) dst(%arg11 : memref<8x1024xf32, #tpu.memory_space<vmem>>)
      %dma_wait3A_128 = arith.constant 0 : i32
      %dma_wait3A_129 = tpu.memref_slice %arg8[%add3A_121, %dma_wait3A_128] : memref<64x8xi32, #tpu.memory_space<vmem>> -> memref<1x8xi32, #tpu.memory_space<vmem>>
      %dma_wait3A_130 = tpu.memref_squeeze %dma_wait3A_129 : memref<1x8xi32, #tpu.memory_space<vmem>> -> memref<8xi32, #tpu.memory_space<vmem>>
      %dma_wait3A_131 = arith.constant 0 : i32
      %dma_wait3A_132 = arith.constant 0 : i32
      %dma_wait3A_133 = tpu.memref_slice %arg5[%dma_wait3A_131, %dma_wait3A_132] : memref<8192x1024xf32, #tpu.memory_space<hbm>> -> memref<8192x1024xf32, #tpu.memory_space<hbm>>
      tpu.wait_indirect_dma semaphore(%arg23 : memref<!tpu.dma_semaphore, #tpu.memory_space<semaphore_mem>>) src(%dma_wait3A_133 : memref<8192x1024xf32, #tpu.memory_space<hbm>>) dst(%arg15 : memref<8x1024xf32, #tpu.memory_space<vmem>>)
      %scan3A_134 = arith.constant 0 : i32
      %scan3A_135 = arith.constant 0 : i32
      %scan3A_136 = arith.constant 8 : i32
      %scan3A_137 = arith.addi %scan3A_135, %scan3A_136 : i32
      %scan3A_138 = arith.constant 1 : i32
      scf.for %scan3A_178 = %scan3A_135 to %scan3A_137 step %scan3A_138  : i32 {
        %get3A = arith.index_cast %scan3A_178 : i32 to index
        %get3A_179 = arith.constant 0 : index
        %get3A_180 = tpu.vector_load %arg15[%get3A, %get3A_179] {strides = array<i32>} : memref<8x1024xf32, #tpu.memory_space<vmem>>, vector<1x16xf32>,
        %get3A_181 = vector.shape_cast %get3A_180 : vector<1x16xf32> to vector<16xf32>
        %swap3A = arith.index_cast %scan3A_178 : i32 to index
        %swap3A_182 = arith.constant 0 : index
        %swap3A_183 = tpu.vector_load %arg11[%swap3A, %swap3A_182] {strides = array<i32>} : memref<8x1024xf32, #tpu.memory_space<vmem>>, vector<1x16xf32>,
        %swap3A_184 = vector.shape_cast %swap3A_183 : vector<1x16xf32> to vector<16xf32>
        %swap3A_185 = vector.shape_cast %get3A_181 : vector<16xf32> to vector<1x16xf32>
        tpu.vector_store %arg11[%swap3A, %swap3A_182], %swap3A_185 {add = true, strides = array<i32>} : memref<8x1024xf32, #tpu.memory_space<vmem>>, vector<1x16xf32>,
        %get3A_186 = arith.index_cast %scan3A_178 : i32 to index
        %get3A_187 = arith.constant 16 : index
        %get3A_188 = tpu.vector_load %arg15[%get3A_186, %get3A_187] {strides = array<i32>} : memref<8x1024xf32, #tpu.memory_space<vmem>>, vector<1x16xf32>,
        %get3A_189 = vector.shape_cast %get3A_188 : vector<1x16xf32> to vector<16xf32>
        %swap3A_190 = arith.index_cast %scan3A_178 : i32 to index
        %swap3A_191 = arith.constant 16 : index
        %swap3A_192 = tpu.vector_load %arg11[%swap3A_190, %swap3A_191] {strides = array<i32>} : memref<8x1024xf32, #tpu.memory_space<vmem>>, vector<1x16xf32>,
        %swap3A_193 = vector.shape_cast %swap3A_192 : vector<1x16xf32> to vector<16xf32>
        %swap3A_194 = vector.shape_cast %get3A_189 : vector<16xf32> to vector<1x16xf32>
        tpu.vector_store %arg11[%swap3A_190, %swap3A_191], %swap3A_194 {add = true, strides = array<i32>} : memref<8x1024xf32, #tpu.memory_space<vmem>>, vector<1x16xf32>,
        %get3A_195 = arith.index_cast %scan3A_178 : i32 to index
        %get3A_196 = arith.constant 32 : index
        %get3A_197 = tpu.vector_load %arg15[%get3A_195, %get3A_196] {strides = array<i32>} : memref<8x1024xf32, #tpu.memory_space<vmem>>, vector<1x16xf32>,
        %get3A_198 = vector.shape_cast %get3A_197 : vector<1x16xf32> to vector<16xf32>
        %swap3A_199 = arith.index_cast %scan3A_178 : i32 to index
        %swap3A_200 = arith.constant 32 : index
        %swap3A_201 = tpu.vector_load %arg11[%swap3A_199, %swap3A_200] {strides = array<i32>} : memref<8x1024xf32, #tpu.memory_space<vmem>>, vector<1x16xf32>,
        %swap3A_202 = vector.shape_cast %swap3A_201 : vector<1x16xf32> to vector<16xf32>
        %swap3A_203 = vector.shape_cast %get3A_198 : vector<16xf32> to vector<1x16xf32>
        tpu.vector_store %arg11[%swap3A_199, %swap3A_200], %swap3A_203 {add = true, strides = array<i32>} : memref<8x1024xf32, #tpu.memory_space<vmem>>, vector<1x16xf32>,
        %get3A_204 = arith.index_cast %scan3A_178 : i32 to index
        %get3A_205 = arith.constant 48 : index
        %get3A_206 = tpu.vector_load %arg15[%get3A_204, %get3A_205] {strides = array<i32>} : memref<8x1024xf32, #tpu.memory_space<vmem>>, vector<1x16xf32>,
        %get3A_207 = vector.shape_cast %get3A_206 : vector<1x16xf32> to vector<16xf32>
        %swap3A_208 = arith.index_cast %scan3A_178 : i32 to index
        %swap3A_209 = arith.constant 48 : index
        %swap3A_210 = tpu.vector_load %arg11[%swap3A_208, %swap3A_209] {strides = array<i32>} : memref<8x1024xf32, #tpu.memory_space<vmem>>, vector<1x16xf32>,
        %swap3A_211 = vector.shape_cast %swap3A_210 : vector<1x16xf32> to vector<16xf32>
        %swap3A_212 = vector.shape_cast %get3A_207 : vector<16xf32> to vector<1x16xf32>
        tpu.vector_store %arg11[%swap3A_208, %swap3A_209], %swap3A_212 {add = true, strides = array<i32>} : memref<8x1024xf32, #tpu.memory_space<vmem>>, vector<1x16xf32>,
        %get3A_213 = arith.index_cast %scan3A_178 : i32 to index
        %get3A_214 = arith.constant 64 : index
        %get3A_215 = tpu.vector_load %arg15[%get3A_213, %get3A_214] {strides = array<i32>} : memref<8x1024xf32, #tpu.memory_space<vmem>>, vector<1x16xf32>,
        %get3A_216 = vector.shape_cast %get3A_215 : vector<1x16xf32> to vector<16xf32>
        %swap3A_217 = arith.index_cast %scan3A_178 : i32 to index
        %swap3A_218 = arith.constant 64 : index
        %swap3A_219 = tpu.vector_load %arg11[%swap3A_217, %swap3A_218] {strides = array<i32>} : memref<8x1024xf32, #tpu.memory_space<vmem>>, vector<1x16xf32>,
        %swap3A_220 = vector.shape_cast %swap3A_219 : vector<1x16xf32> to vector<16xf32>
        %swap3A_221 = vector.shape_cast %get3A_216 : vector<16xf32> to vector<1x16xf32>
        tpu.vector_store %arg11[%swap3A_217, %swap3A_218], %swap3A_221 {add = true, strides = array<i32>} : memref<8x1024xf32, #tpu.memory_space<vmem>>, vector<1x16xf32>,
        %get3A_222 = arith.index_cast %scan3A_178 : i32 to index
        %get3A_223 = arith.constant 80 : index
        %get3A_224 = tpu.vector_load %arg15[%get3A_222, %get3A_223] {strides = array<i32>} : memref<8x1024xf32, #tpu.memory_space<vmem>>, vector<1x16xf32>,
        %get3A_225 = vector.shape_cast %get3A_224 : vector<1x16xf32> to vector<16xf32>
        %swap3A_226 = arith.index_cast %scan3A_178 : i32 to index
        %swap3A_227 = arith.constant 80 : index
        %swap3A_228 = tpu.vector_load %arg11[%swap3A_226, %swap3A_227] {strides = array<i32>} : memref<8x1024xf32, #tpu.memory_space<vmem>>, vector<1x16xf32>,
        %swap3A_229 = vector.shape_cast %swap3A_228 : vector<1x16xf32> to vector<16xf32>
        %swap3A_230 = vector.shape_cast %get3A_225 : vector<16xf32> to vector<1x16xf32>
        tpu.vector_store %arg11[%swap3A_226, %swap3A_227], %swap3A_230 {add = true, strides = array<i32>} : memref<8x1024xf32, #tpu.memory_space<vmem>>, vector<1x16xf32>,
        %get3A_231 = arith.index_cast %scan3A_178 : i32 to index
        %get3A_232 = arith.constant 96 : index
        %get3A_233 = tpu.vector_load %arg15[%get3A_231, %get3A_232] {strides = array<i32>} : memref<8x1024xf32, #tpu.memory_space<vmem>>, vector<1x16xf32>,
        %get3A_234 = vector.shape_cast %get3A_233 : vector<1x16xf32> to vector<16xf32>
        %swap3A_235 = arith.index_cast %scan3A_178 : i32 to index
        %swap3A_236 = arith.constant 96 : index
        %swap3A_237 = tpu.vector_load %arg11[%swap3A_235, %swap3A_236] {strides = array<i32>} : memref<8x1024xf32, #tpu.memory_space<vmem>>, vector<1x16xf32>,
        %swap3A_238 = vector.shape_cast %swap3A_237 : vector<1x16xf32> to vector<16xf32>
        %swap3A_239 = vector.shape_cast %get3A_234 : vector<16xf32> to vector<1x16xf32>
        tpu.vector_store %arg11[%swap3A_235, %swap3A_236], %swap3A_239 {add = true, strides = array<i32>} : memref<8x1024xf32, #tpu.memory_space<vmem>>, vector<1x16xf32>,
        %get3A_240 = arith.index_cast %scan3A_178 : i32 to index
        %get3A_241 = arith.constant 112 : index
        %get3A_242 = tpu.vector_load %arg15[%get3A_240, %get3A_241] {strides = array<i32>} : memref<8x1024xf32, #tpu.memory_space<vmem>>, vector<1x16xf32>,
        %get3A_243 = vector.shape_cast %get3A_242 : vector<1x16xf32> to vector<16xf32>
        %swap3A_244 = arith.index_cast %scan3A_178 : i32 to index
        %swap3A_245 = arith.constant 112 : index
        %swap3A_246 = tpu.vector_load %arg11[%swap3A_244, %swap3A_245] {strides = array<i32>} : memref<8x1024xf32, #tpu.memory_space<vmem>>, vector<1x16xf32>,
        %swap3A_247 = vector.shape_cast %swap3A_246 : vector<1x16xf32> to vector<16xf32>
        %swap3A_248 = vector.shape_cast %get3A_243 : vector<16xf32> to vector<1x16xf32>
        tpu.vector_store %arg11[%swap3A_244, %swap3A_245], %swap3A_248 {add = true, strides = array<i32>} : memref<8x1024xf32, #tpu.memory_space<vmem>>, vector<1x16xf32>,
        %get3A_249 = arith.index_cast %scan3A_178 : i32 to index
        %get3A_250 = arith.constant 128 : index
        %get3A_251 = tpu.vector_load %arg15[%get3A_249, %get3A_250] {strides = array<i32>} : memref<8x1024xf32, #tpu.memory_space<vmem>>, vector<1x16xf32>,
        %get3A_252 = vector.shape_cast %get3A_251 : vector<1x16xf32> to vector<16xf32>
        %swap3A_253 = arith.index_cast %scan3A_178 : i32 to index
        %swap3A_254 = arith.constant 128 : index
        %swap3A_255 = tpu.vector_load %arg11[%swap3A_253, %swap3A_254] {strides = array<i32>} : memref<8x1024xf32, #tpu.memory_space<vmem>>, vector<1x16xf32>,
        %swap3A_256 = vector.shape_cast %swap3A_255 : vector<1x16xf32> to vector<16xf32>
        %swap3A_257 = vector.shape_cast %get3A_252 : vector<16xf32> to vector<1x16xf32>
        tpu.vector_store %arg11[%swap3A_253, %swap3A_254], %swap3A_257 {add = true, strides = array<i32>} : memref<8x1024xf32, #tpu.memory_space<vmem>>, vector<1x16xf32>,
        %get3A_258 = arith.index_cast %scan3A_178 : i32 to index
        %get3A_259 = arith.constant 144 : index
        %get3A_260 = tpu.vector_load %arg15[%get3A_258, %get3A_259] {strides = array<i32>} : memref<8x1024xf32, #tpu.memory_space<vmem>>, vector<1x16xf32>,
        %get3A_261 = vector.shape_cast %get3A_260 : vector<1x16xf32> to vector<16xf32>
        %swap3A_262 = arith.index_cast %scan3A_178 : i32 to index
        %swap3A_263 = arith.constant 144 : index
        %swap3A_264 = tpu.vector_load %arg11[%swap3A_262, %swap3A_263] {strides = array<i32>} : memref<8x1024xf32, #tpu.memory_space<vmem>>, vector<1x16xf32>,
        %swap3A_265 = vector.shape_cast %swap3A_264 : vector<1x16xf32> to vector<16xf32>
        %swap3A_266 = vector.shape_cast %get3A_261 : vector<16xf32> to vector<1x16xf32>
        tpu.vector_store %arg11[%swap3A_262, %swap3A_263], %swap3A_266 {add = true, strides = array<i32>} : memref<8x1024xf32, #tpu.memory_space<vmem>>, vector<1x16xf32>,
        %get3A_267 = arith.index_cast %scan3A_178 : i32 to index
        %get3A_268 = arith.constant 160 : index
        %get3A_269 = tpu.vector_load %arg15[%get3A_267, %get3A_268] {strides = array<i32>} : memref<8x1024xf32, #tpu.memory_space<vmem>>, vector<1x16xf32>,
        %get3A_270 = vector.shape_cast %get3A_269 : vector<1x16xf32> to vector<16xf32>
        %swap3A_271 = arith.index_cast %scan3A_178 : i32 to index
        %swap3A_272 = arith.constant 160 : index
        %swap3A_273 = tpu.vector_load %arg11[%swap3A_271, %swap3A_272] {strides = array<i32>} : memref<8x1024xf32, #tpu.memory_space<vmem>>, vector<1x16xf32>,
        %swap3A_274 = vector.shape_cast %swap3A_273 : vector<1x16xf32> to vector<16xf32>
        %swap3A_275 = vector.shape_cast %get3A_270 : vector<16xf32> to vector<1x16xf32>
        tpu.vector_store %arg11[%swap3A_271, %swap3A_272], %swap3A_275 {add = true, strides = array<i32>} : memref<8x1024xf32, #tpu.memory_space<vmem>>, vector<1x16xf32>,
        %get3A_276 = arith.index_cast %scan3A_178 : i32 to index
        %get3A_277 = arith.constant 176 : index
        %get3A_278 = tpu.vector_load %arg15[%get3A_276, %get3A_277] {strides = array<i32>} : memref<8x1024xf32, #tpu.memory_space<vmem>>, vector<1x16xf32>,
        %get3A_279 = vector.shape_cast %get3A_278 : vector<1x16xf32> to vector<16xf32>
        %swap3A_280 = arith.index_cast %scan3A_178 : i32 to index
        %swap3A_281 = arith.constant 176 : index
        %swap3A_282 = tpu.vector_load %arg11[%swap3A_280, %swap3A_281] {strides = array<i32>} : memref<8x1024xf32, #tpu.memory_space<vmem>>, vector<1x16xf32>,
        %swap3A_283 = vector.shape_cast %swap3A_282 : vector<1x16xf32> to vector<16xf32>
        %swap3A_284 = vector.shape_cast %get3A_279 : vector<16xf32> to vector<1x16xf32>
        tpu.vector_store %arg11[%swap3A_280, %swap3A_281], %swap3A_284 {add = true, strides = array<i32>} : memref<8x1024xf32, #tpu.memory_space<vmem>>, vector<1x16xf32>,
        %get3A_285 = arith.index_cast %scan3A_178 : i32 to index
        %get3A_286 = arith.constant 192 : index
        %get3A_287 = tpu.vector_load %arg15[%get3A_285, %get3A_286] {strides = array<i32>} : memref<8x1024xf32, #tpu.memory_space<vmem>>, vector<1x16xf32>,
        %get3A_288 = vector.shape_cast %get3A_287 : vector<1x16xf32> to vector<16xf32>
        %swap3A_289 = arith.index_cast %scan3A_178 : i32 to index
        %swap3A_290 = arith.constant 192 : index
        %swap3A_291 = tpu.vector_load %arg11[%swap3A_289, %swap3A_290] {strides = array<i32>} : memref<8x1024xf32, #tpu.memory_space<vmem>>, vector<1x16xf32>,
        %swap3A_292 = vector.shape_cast %swap3A_291 : vector<1x16xf32> to vector<16xf32>
        %swap3A_293 = vector.shape_cast %get3A_288 : vector<16xf32> to vector<1x16xf32>
        tpu.vector_store %arg11[%swap3A_289, %swap3A_290], %swap3A_293 {add = true, strides = array<i32>} : memref<8x1024xf32, #tpu.memory_space<vmem>>, vector<1x16xf32>,
        %get3A_294 = arith.index_cast %scan3A_178 : i32 to index
        %get3A_295 = arith.constant 208 : index
        %get3A_296 = tpu.vector_load %arg15[%get3A_294, %get3A_295] {strides = array<i32>} : memref<8x1024xf32, #tpu.memory_space<vmem>>, vector<1x16xf32>,
        %get3A_297 = vector.shape_cast %get3A_296 : vector<1x16xf32> to vector<16xf32>
        %swap3A_298 = arith.index_cast %scan3A_178 : i32 to index
        %swap3A_299 = arith.constant 208 : index
        %swap3A_300 = tpu.vector_load %arg11[%swap3A_298, %swap3A_299] {strides = array<i32>} : memref<8x1024xf32, #tpu.memory_space<vmem>>, vector<1x16xf32>,
        %swap3A_301 = vector.shape_cast %swap3A_300 : vector<1x16xf32> to vector<16xf32>
        %swap3A_302 = vector.shape_cast %get3A_297 : vector<16xf32> to vector<1x16xf32>
        tpu.vector_store %arg11[%swap3A_298, %swap3A_299], %swap3A_302 {add = true, strides = array<i32>} : memref<8x1024xf32, #tpu.memory_space<vmem>>, vector<1x16xf32>,
        %get3A_303 = arith.index_cast %scan3A_178 : i32 to index
        %get3A_304 = arith.constant 224 : index
        %get3A_305 = tpu.vector_load %arg15[%get3A_303, %get3A_304] {strides = array<i32>} : memref<8x1024xf32, #tpu.memory_space<vmem>>, vector<1x16xf32>,
        %get3A_306 = vector.shape_cast %get3A_305 : vector<1x16xf32> to vector<16xf32>
        %swap3A_307 = arith.index_cast %scan3A_178 : i32 to index
        %swap3A_308 = arith.constant 224 : index
        %swap3A_309 = tpu.vector_load %arg11[%swap3A_307, %swap3A_308] {strides = array<i32>} : memref<8x1024xf32, #tpu.memory_space<vmem>>, vector<1x16xf32>,
        %swap3A_310 = vector.shape_cast %swap3A_309 : vector<1x16xf32> to vector<16xf32>
        %swap3A_311 = vector.shape_cast %get3A_306 : vector<16xf32> to vector<1x16xf32>
        tpu.vector_store %arg11[%swap3A_307, %swap3A_308], %swap3A_311 {add = true, strides = array<i32>} : memref<8x1024xf32, #tpu.memory_space<vmem>>, vector<1x16xf32>,
        %get3A_312 = arith.index_cast %scan3A_178 : i32 to index
        %get3A_313 = arith.constant 240 : index
        %get3A_314 = tpu.vector_load %arg15[%get3A_312, %get3A_313] {strides = array<i32>} : memref<8x1024xf32, #tpu.memory_space<vmem>>, vector<1x16xf32>,
        %get3A_315 = vector.shape_cast %get3A_314 : vector<1x16xf32> to vector<16xf32>
        %swap3A_316 = arith.index_cast %scan3A_178 : i32 to index
        %swap3A_317 = arith.constant 240 : index
        %swap3A_318 = tpu.vector_load %arg11[%swap3A_316, %swap3A_317] {strides = array<i32>} : memref<8x1024xf32, #tpu.memory_space<vmem>>, vector<1x16xf32>,
        %swap3A_319 = vector.shape_cast %swap3A_318 : vector<1x16xf32> to vector<16xf32>
        %swap3A_320 = vector.shape_cast %get3A_315 : vector<16xf32> to vector<1x16xf32>
        tpu.vector_store %arg11[%swap3A_316, %swap3A_317], %swap3A_320 {add = true, strides = array<i32>} : memref<8x1024xf32, #tpu.memory_space<vmem>>, vector<1x16xf32>,
        %get3A_321 = arith.index_cast %scan3A_178 : i32 to index
        %get3A_322 = arith.constant 256 : index
        %get3A_323 = tpu.vector_load %arg15[%get3A_321, %get3A_322] {strides = array<i32>} : memref<8x1024xf32, #tpu.memory_space<vmem>>, vector<1x16xf32>,
        %get3A_324 = vector.shape_cast %get3A_323 : vector<1x16xf32> to vector<16xf32>
        %swap3A_325 = arith.index_cast %scan3A_178 : i32 to index
        %swap3A_326 = arith.constant 256 : index
        %swap3A_327 = tpu.vector_load %arg11[%swap3A_325, %swap3A_326] {strides = array<i32>} : memref<8x1024xf32, #tpu.memory_space<vmem>>, vector<1x16xf32>,
        %swap3A_328 = vector.shape_cast %swap3A_327 : vector<1x16xf32> to vector<16xf32>
        %swap3A_329 = vector.shape_cast %get3A_324 : vector<16xf32> to vector<1x16xf32>
        tpu.vector_store %arg11[%swap3A_325, %swap3A_326], %swap3A_329 {add = true, strides = array<i32>} : memref<8x1024xf32, #tpu.memory_space<vmem>>, vector<1x16xf32>,
        %get3A_330 = arith.index_cast %scan3A_178 : i32 to index
        %get3A_331 = arith.constant 272 : index
        %get3A_332 = tpu.vector_load %arg15[%get3A_330, %get3A_331] {strides = array<i32>} : memref<8x1024xf32, #tpu.memory_space<vmem>>, vector<1x16xf32>,
        %get3A_333 = vector.shape_cast %get3A_332 : vector<1x16xf32> to vector<16xf32>
        %swap3A_334 = arith.index_cast %scan3A_178 : i32 to index
        %swap3A_335 = arith.constant 272 : index
        %swap3A_336 = tpu.vector_load %arg11[%swap3A_334, %swap3A_335] {strides = array<i32>} : memref<8x1024xf32, #tpu.memory_space<vmem>>, vector<1x16xf32>,
        %swap3A_337 = vector.shape_cast %swap3A_336 : vector<1x16xf32> to vector<16xf32>
        %swap3A_338 = vector.shape_cast %get3A_333 : vector<16xf32> to vector<1x16xf32>
        tpu.vector_store %arg11[%swap3A_334, %swap3A_335], %swap3A_338 {add = true, strides = array<i32>} : memref<8x1024xf32, #tpu.memory_space<vmem>>, vector<1x16xf32>,
        %get3A_339 = arith.index_cast %scan3A_178 : i32 to index
        %get3A_340 = arith.constant 288 : index
        %get3A_341 = tpu.vector_load %arg15[%get3A_339, %get3A_340] {strides = array<i32>} : memref<8x1024xf32, #tpu.memory_space<vmem>>, vector<1x16xf32>,
        %get3A_342 = vector.shape_cast %get3A_341 : vector<1x16xf32> to vector<16xf32>
        %swap3A_343 = arith.index_cast %scan3A_178 : i32 to index
        %swap3A_344 = arith.constant 288 : index
        %swap3A_345 = tpu.vector_load %arg11[%swap3A_343, %swap3A_344] {strides = array<i32>} : memref<8x1024xf32, #tpu.memory_space<vmem>>, vector<1x16xf32>,
        %swap3A_346 = vector.shape_cast %swap3A_345 : vector<1x16xf32> to vector<16xf32>
        %swap3A_347 = vector.shape_cast %get3A_342 : vector<16xf32> to vector<1x16xf32>
        tpu.vector_store %arg11[%swap3A_343, %swap3A_344], %swap3A_347 {add = true, strides = array<i32>} : memref<8x1024xf32, #tpu.memory_space<vmem>>, vector<1x16xf32>,
        %get3A_348 = arith.index_cast %scan3A_178 : i32 to index
        %get3A_349 = arith.constant 304 : index
        %get3A_350 = tpu.vector_load %arg15[%get3A_348, %get3A_349] {strides = array<i32>} : memref<8x1024xf32, #tpu.memory_space<vmem>>, vector<1x16xf32>,
        %get3A_351 = vector.shape_cast %get3A_350 : vector<1x16xf32> to vector<16xf32>
        %swap3A_352 = arith.index_cast %scan3A_178 : i32 to index
        %swap3A_353 = arith.constant 304 : index
        %swap3A_354 = tpu.vector_load %arg11[%swap3A_352, %swap3A_353] {strides = array<i32>} : memref<8x1024xf32, #tpu.memory_space<vmem>>, vector<1x16xf32>,
        %swap3A_355 = vector.shape_cast %swap3A_354 : vector<1x16xf32> to vector<16xf32>
        %swap3A_356 = vector.shape_cast %get3A_351 : vector<16xf32> to vector<1x16xf32>
        tpu.vector_store %arg11[%swap3A_352, %swap3A_353], %swap3A_356 {add = true, strides = array<i32>} : memref<8x1024xf32, #tpu.memory_space<vmem>>, vector<1x16xf32>,
        %get3A_357 = arith.index_cast %scan3A_178 : i32 to index
        %get3A_358 = arith.constant 320 : index
        %get3A_359 = tpu.vector_load %arg15[%get3A_357, %get3A_358] {strides = array<i32>} : memref<8x1024xf32, #tpu.memory_space<vmem>>, vector<1x16xf32>,
        %get3A_360 = vector.shape_cast %get3A_359 : vector<1x16xf32> to vector<16xf32>
        %swap3A_361 = arith.index_cast %scan3A_178 : i32 to index
        %swap3A_362 = arith.constant 320 : index
        %swap3A_363 = tpu.vector_load %arg11[%swap3A_361, %swap3A_362] {strides = array<i32>} : memref<8x1024xf32, #tpu.memory_space<vmem>>, vector<1x16xf32>,
        %swap3A_364 = vector.shape_cast %swap3A_363 : vector<1x16xf32> to vector<16xf32>
        %swap3A_365 = vector.shape_cast %get3A_360 : vector<16xf32> to vector<1x16xf32>
        tpu.vector_store %arg11[%swap3A_361, %swap3A_362], %swap3A_365 {add = true, strides = array<i32>} : memref<8x1024xf32, #tpu.memory_space<vmem>>, vector<1x16xf32>,
        %get3A_366 = arith.index_cast %scan3A_178 : i32 to index
        %get3A_367 = arith.constant 336 : index
        %get3A_368 = tpu.vector_load %arg15[%get3A_366, %get3A_367] {strides = array<i32>} : memref<8x1024xf32, #tpu.memory_space<vmem>>, vector<1x16xf32>,
        %get3A_369 = vector.shape_cast %get3A_368 : vector<1x16xf32> to vector<16xf32>
        %swap3A_370 = arith.index_cast %scan3A_178 : i32 to index
        %swap3A_371 = arith.constant 336 : index
        %swap3A_372 = tpu.vector_load %arg11[%swap3A_370, %swap3A_371] {strides = array<i32>} : memref<8x1024xf32, #tpu.memory_space<vmem>>, vector<1x16xf32>,
        %swap3A_373 = vector.shape_cast %swap3A_372 : vector<1x16xf32> to vector<16xf32>
        %swap3A_374 = vector.shape_cast %get3A_369 : vector<16xf32> to vector<1x16xf32>
        tpu.vector_store %arg11[%swap3A_370, %swap3A_371], %swap3A_374 {add = true, strides = array<i32>} : memref<8x1024xf32, #tpu.memory_space<vmem>>, vector<1x16xf32>,
        %get3A_375 = arith.index_cast %scan3A_178 : i32 to index
        %get3A_376 = arith.constant 352 : index
        %get3A_377 = tpu.vector_load %arg15[%get3A_375, %get3A_376] {strides = array<i32>} : memref<8x1024xf32, #tpu.memory_space<vmem>>, vector<1x16xf32>,
        %get3A_378 = vector.shape_cast %get3A_377 : vector<1x16xf32> to vector<16xf32>
        %swap3A_379 = arith.index_cast %scan3A_178 : i32 to index
        %swap3A_380 = arith.constant 352 : index
        %swap3A_381 = tpu.vector_load %arg11[%swap3A_379, %swap3A_380] {strides = array<i32>} : memref<8x1024xf32, #tpu.memory_space<vmem>>, vector<1x16xf32>,
        %swap3A_382 = vector.shape_cast %swap3A_381 : vector<1x16xf32> to vector<16xf32>
        %swap3A_383 = vector.shape_cast %get3A_378 : vector<16xf32> to vector<1x16xf32>
        tpu.vector_store %arg11[%swap3A_379, %swap3A_380], %swap3A_383 {add = true, strides = array<i32>} : memref<8x1024xf32, #tpu.memory_space<vmem>>, vector<1x16xf32>,
        %get3A_384 = arith.index_cast %scan3A_178 : i32 to index
        %get3A_385 = arith.constant 368 : index
        %get3A_386 = tpu.vector_load %arg15[%get3A_384, %get3A_385] {strides = array<i32>} : memref<8x1024xf32, #tpu.memory_space<vmem>>, vector<1x16xf32>,
        %get3A_387 = vector.shape_cast %get3A_386 : vector<1x16xf32> to vector<16xf32>
        %swap3A_388 = arith.index_cast %scan3A_178 : i32 to index
        %swap3A_389 = arith.constant 368 : index
        %swap3A_390 = tpu.vector_load %arg11[%swap3A_388, %swap3A_389] {strides = array<i32>} : memref<8x1024xf32, #tpu.memory_space<vmem>>, vector<1x16xf32>,
        %swap3A_391 = vector.shape_cast %swap3A_390 : vector<1x16xf32> to vector<16xf32>
        %swap3A_392 = vector.shape_cast %get3A_387 : vector<16xf32> to vector<1x16xf32>
        tpu.vector_store %arg11[%swap3A_388, %swap3A_389], %swap3A_392 {add = true, strides = array<i32>} : memref<8x1024xf32, #tpu.memory_space<vmem>>, vector<1x16xf32>,
        %get3A_393 = arith.index_cast %scan3A_178 : i32 to index
        %get3A_394 = arith.constant 384 : index
        %get3A_395 = tpu.vector_load %arg15[%get3A_393, %get3A_394] {strides = array<i32>} : memref<8x1024xf32, #tpu.memory_space<vmem>>, vector<1x16xf32>,
        %get3A_396 = vector.shape_cast %get3A_395 : vector<1x16xf32> to vector<16xf32>
        %swap3A_397 = arith.index_cast %scan3A_178 : i32 to index
        %swap3A_398 = arith.constant 384 : index
        %swap3A_399 = tpu.vector_load %arg11[%swap3A_397, %swap3A_398] {strides = array<i32>} : memref<8x1024xf32, #tpu.memory_space<vmem>>, vector<1x16xf32>,
        %swap3A_400 = vector.shape_cast %swap3A_399 : vector<1x16xf32> to vector<16xf32>
        %swap3A_401 = vector.shape_cast %get3A_396 : vector<16xf32> to vector<1x16xf32>
        tpu.vector_store %arg11[%swap3A_397, %swap3A_398], %swap3A_401 {add = true, strides = array<i32>} : memref<8x1024xf32, #tpu.memory_space<vmem>>, vector<1x16xf32>,
        %get3A_402 = arith.index_cast %scan3A_178 : i32 to index
        %get3A_403 = arith.constant 400 : index
        %get3A_404 = tpu.vector_load %arg15[%get3A_402, %get3A_403] {strides = array<i32>} : memref<8x1024xf32, #tpu.memory_space<vmem>>, vector<1x16xf32>,
        %get3A_405 = vector.shape_cast %get3A_404 : vector<1x16xf32> to vector<16xf32>
        %swap3A_406 = arith.index_cast %scan3A_178 : i32 to index
        %swap3A_407 = arith.constant 400 : index
        %swap3A_408 = tpu.vector_load %arg11[%swap3A_406, %swap3A_407] {strides = array<i32>} : memref<8x1024xf32, #tpu.memory_space<vmem>>, vector<1x16xf32>,
        %swap3A_409 = vector.shape_cast %swap3A_408 : vector<1x16xf32> to vector<16xf32>
        %swap3A_410 = vector.shape_cast %get3A_405 : vector<16xf32> to vector<1x16xf32>
        tpu.vector_store %arg11[%swap3A_406, %swap3A_407], %swap3A_410 {add = true, strides = array<i32>} : memref<8x1024xf32, #tpu.memory_space<vmem>>, vector<1x16xf32>,
        %get3A_411 = arith.index_cast %scan3A_178 : i32 to index
        %get3A_412 = arith.constant 416 : index
        %get3A_413 = tpu.vector_load %arg15[%get3A_411, %get3A_412] {strides = array<i32>} : memref<8x1024xf32, #tpu.memory_space<vmem>>, vector<1x16xf32>,
        %get3A_414 = vector.shape_cast %get3A_413 : vector<1x16xf32> to vector<16xf32>
        %swap3A_415 = arith.index_cast %scan3A_178 : i32 to index
        %swap3A_416 = arith.constant 416 : index
        %swap3A_417 = tpu.vector_load %arg11[%swap3A_415, %swap3A_416] {strides = array<i32>} : memref<8x1024xf32, #tpu.memory_space<vmem>>, vector<1x16xf32>,
        %swap3A_418 = vector.shape_cast %swap3A_417 : vector<1x16xf32> to vector<16xf32>
        %swap3A_419 = vector.shape_cast %get3A_414 : vector<16xf32> to vector<1x16xf32>
        tpu.vector_store %arg11[%swap3A_415, %swap3A_416], %swap3A_419 {add = true, strides = array<i32>} : memref<8x1024xf32, #tpu.memory_space<vmem>>, vector<1x16xf32>,
        %get3A_420 = arith.index_cast %scan3A_178 : i32 to index
        %get3A_421 = arith.constant 432 : index
        %get3A_422 = tpu.vector_load %arg15[%get3A_420, %get3A_421] {strides = array<i32>} : memref<8x1024xf32, #tpu.memory_space<vmem>>, vector<1x16xf32>,
        %get3A_423 = vector.shape_cast %get3A_422 : vector<1x16xf32> to vector<16xf32>
        %swap3A_424 = arith.index_cast %scan3A_178 : i32 to index
        %swap3A_425 = arith.constant 432 : index
        %swap3A_426 = tpu.vector_load %arg11[%swap3A_424, %swap3A_425] {strides = array<i32>} : memref<8x1024xf32, #tpu.memory_space<vmem>>, vector<1x16xf32>,
        %swap3A_427 = vector.shape_cast %swap3A_426 : vector<1x16xf32> to vector<16xf32>
        %swap3A_428 = vector.shape_cast %get3A_423 : vector<16xf32> to vector<1x16xf32>
        tpu.vector_store %arg11[%swap3A_424, %swap3A_425], %swap3A_428 {add = true, strides = array<i32>} : memref<8x1024xf32, #tpu.memory_space<vmem>>, vector<1x16xf32>,
        %get3A_429 = arith.index_cast %scan3A_178 : i32 to index
        %get3A_430 = arith.constant 448 : index
        %get3A_431 = tpu.vector_load %arg15[%get3A_429, %get3A_430] {strides = array<i32>} : memref<8x1024xf32, #tpu.memory_space<vmem>>, vector<1x16xf32>,
        %get3A_432 = vector.shape_cast %get3A_431 : vector<1x16xf32> to vector<16xf32>
        %swap3A_433 = arith.index_cast %scan3A_178 : i32 to index
        %swap3A_434 = arith.constant 448 : index
        %swap3A_435 = tpu.vector_load %arg11[%swap3A_433, %swap3A_434] {strides = array<i32>} : memref<8x1024xf32, #tpu.memory_space<vmem>>, vector<1x16xf32>,
        %swap3A_436 = vector.shape_cast %swap3A_435 : vector<1x16xf32> to vector<16xf32>
        %swap3A_437 = vector.shape_cast %get3A_432 : vector<16xf32> to vector<1x16xf32>
        tpu.vector_store %arg11[%swap3A_433, %swap3A_434], %swap3A_437 {add = true, strides = array<i32>} : memref<8x1024xf32, #tpu.memory_space<vmem>>, vector<1x16xf32>,
        %get3A_438 = arith.index_cast %scan3A_178 : i32 to index
        %get3A_439 = arith.constant 464 : index
        %get3A_440 = tpu.vector_load %arg15[%get3A_438, %get3A_439] {strides = array<i32>} : memref<8x1024xf32, #tpu.memory_space<vmem>>, vector<1x16xf32>,
        %get3A_441 = vector.shape_cast %get3A_440 : vector<1x16xf32> to vector<16xf32>
        %swap3A_442 = arith.index_cast %scan3A_178 : i32 to index
        %swap3A_443 = arith.constant 464 : index
        %swap3A_444 = tpu.vector_load %arg11[%swap3A_442, %swap3A_443] {strides = array<i32>} : memref<8x1024xf32, #tpu.memory_space<vmem>>, vector<1x16xf32>,
        %swap3A_445 = vector.shape_cast %swap3A_444 : vector<1x16xf32> to vector<16xf32>
        %swap3A_446 = vector.shape_cast %get3A_441 : vector<16xf32> to vector<1x16xf32>
        tpu.vector_store %arg11[%swap3A_442, %swap3A_443], %swap3A_446 {add = true, strides = array<i32>} : memref<8x1024xf32, #tpu.memory_space<vmem>>, vector<1x16xf32>,
        %get3A_447 = arith.index_cast %scan3A_178 : i32 to index
        %get3A_448 = arith.constant 480 : index
        %get3A_449 = tpu.vector_load %arg15[%get3A_447, %get3A_448] {strides = array<i32>} : memref<8x1024xf32, #tpu.memory_space<vmem>>, vector<1x16xf32>,
        %get3A_450 = vector.shape_cast %get3A_449 : vector<1x16xf32> to vector<16xf32>
        %swap3A_451 = arith.index_cast %scan3A_178 : i32 to index
        %swap3A_452 = arith.constant 480 : index
        %swap3A_453 = tpu.vector_load %arg11[%swap3A_451, %swap3A_452] {strides = array<i32>} : memref<8x1024xf32, #tpu.memory_space<vmem>>, vector<1x16xf32>,
        %swap3A_454 = vector.shape_cast %swap3A_453 : vector<1x16xf32> to vector<16xf32>
        %swap3A_455 = vector.shape_cast %get3A_450 : vector<16xf32> to vector<1x16xf32>
        tpu.vector_store %arg11[%swap3A_451, %swap3A_452], %swap3A_455 {add = true, strides = array<i32>} : memref<8x1024xf32, #tpu.memory_space<vmem>>, vector<1x16xf32>,
        %get3A_456 = arith.index_cast %scan3A_178 : i32 to index
        %get3A_457 = arith.constant 496 : index
        %get3A_458 = tpu.vector_load %arg15[%get3A_456, %get3A_457] {strides = array<i32>} : memref<8x1024xf32, #tpu.memory_space<vmem>>, vector<1x16xf32>,
        %get3A_459 = vector.shape_cast %get3A_458 : vector<1x16xf32> to vector<16xf32>
        %swap3A_460 = arith.index_cast %scan3A_178 : i32 to index
        %swap3A_461 = arith.constant 496 : index
        %swap3A_462 = tpu.vector_load %arg11[%swap3A_460, %swap3A_461] {strides = array<i32>} : memref<8x1024xf32, #tpu.memory_space<vmem>>, vector<1x16xf32>,
        %swap3A_463 = vector.shape_cast %swap3A_462 : vector<1x16xf32> to vector<16xf32>
        %swap3A_464 = vector.shape_cast %get3A_459 : vector<16xf32> to vector<1x16xf32>
        tpu.vector_store %arg11[%swap3A_460, %swap3A_461], %swap3A_464 {add = true, strides = array<i32>} : memref<8x1024xf32, #tpu.memory_space<vmem>>, vector<1x16xf32>,
        %get3A_465 = arith.index_cast %scan3A_178 : i32 to index
        %get3A_466 = arith.constant 512 : index
        %get3A_467 = tpu.vector_load %arg15[%get3A_465, %get3A_466] {strides = array<i32>} : memref<8x1024xf32, #tpu.memory_space<vmem>>, vector<1x16xf32>,
        %get3A_468 = vector.shape_cast %get3A_467 : vector<1x16xf32> to vector<16xf32>
        %swap3A_469 = arith.index_cast %scan3A_178 : i32 to index
        %swap3A_470 = arith.constant 512 : index
        %swap3A_471 = tpu.vector_load %arg11[%swap3A_469, %swap3A_470] {strides = array<i32>} : memref<8x1024xf32, #tpu.memory_space<vmem>>, vector<1x16xf32>,
        %swap3A_472 = vector.shape_cast %swap3A_471 : vector<1x16xf32> to vector<16xf32>
        %swap3A_473 = vector.shape_cast %get3A_468 : vector<16xf32> to vector<1x16xf32>
        tpu.vector_store %arg11[%swap3A_469, %swap3A_470], %swap3A_473 {add = true, strides = array<i32>} : memref<8x1024xf32, #tpu.memory_space<vmem>>, vector<1x16xf32>,
        %get3A_474 = arith.index_cast %scan3A_178 : i32 to index
        %get3A_475 = arith.constant 528 : index
        %get3A_476 = tpu.vector_load %arg15[%get3A_474, %get3A_475] {strides = array<i32>} : memref<8x1024xf32, #tpu.memory_space<vmem>>, vector<1x16xf32>,
        %get3A_477 = vector.shape_cast %get3A_476 : vector<1x16xf32> to vector<16xf32>
        %swap3A_478 = arith.index_cast %scan3A_178 : i32 to index
        %swap3A_479 = arith.constant 528 : index
        %swap3A_480 = tpu.vector_load %arg11[%swap3A_478, %swap3A_479] {strides = array<i32>} : memref<8x1024xf32, #tpu.memory_space<vmem>>, vector<1x16xf32>,
        %swap3A_481 = vector.shape_cast %swap3A_480 : vector<1x16xf32> to vector<16xf32>
        %swap3A_482 = vector.shape_cast %get3A_477 : vector<16xf32> to vector<1x16xf32>
        tpu.vector_store %arg11[%swap3A_478, %swap3A_479], %swap3A_482 {add = true, strides = array<i32>} : memref<8x1024xf32, #tpu.memory_space<vmem>>, vector<1x16xf32>,
        %get3A_483 = arith.index_cast %scan3A_178 : i32 to index
        %get3A_484 = arith.constant 544 : index
        %get3A_485 = tpu.vector_load %arg15[%get3A_483, %get3A_484] {strides = array<i32>} : memref<8x1024xf32, #tpu.memory_space<vmem>>, vector<1x16xf32>,
        %get3A_486 = vector.shape_cast %get3A_485 : vector<1x16xf32> to vector<16xf32>
        %swap3A_487 = arith.index_cast %scan3A_178 : i32 to index
        %swap3A_488 = arith.constant 544 : index
        %swap3A_489 = tpu.vector_load %arg11[%swap3A_487, %swap3A_488] {strides = array<i32>} : memref<8x1024xf32, #tpu.memory_space<vmem>>, vector<1x16xf32>,
        %swap3A_490 = vector.shape_cast %swap3A_489 : vector<1x16xf32> to vector<16xf32>
        %swap3A_491 = vector.shape_cast %get3A_486 : vector<16xf32> to vector<1x16xf32>
        tpu.vector_store %arg11[%swap3A_487, %swap3A_488], %swap3A_491 {add = true, strides = array<i32>} : memref<8x1024xf32, #tpu.memory_space<vmem>>, vector<1x16xf32>,
        %get3A_492 = arith.index_cast %scan3A_178 : i32 to index
        %get3A_493 = arith.constant 560 : index
        %get3A_494 = tpu.vector_load %arg15[%get3A_492, %get3A_493] {strides = array<i32>} : memref<8x1024xf32, #tpu.memory_space<vmem>>, vector<1x16xf32>,
        %get3A_495 = vector.shape_cast %get3A_494 : vector<1x16xf32> to vector<16xf32>
        %swap3A_496 = arith.index_cast %scan3A_178 : i32 to index
        %swap3A_497 = arith.constant 560 : index
        %swap3A_498 = tpu.vector_load %arg11[%swap3A_496, %swap3A_497] {strides = array<i32>} : memref<8x1024xf32, #tpu.memory_space<vmem>>, vector<1x16xf32>,
        %swap3A_499 = vector.shape_cast %swap3A_498 : vector<1x16xf32> to vector<16xf32>
        %swap3A_500 = vector.shape_cast %get3A_495 : vector<16xf32> to vector<1x16xf32>
        tpu.vector_store %arg11[%swap3A_496, %swap3A_497], %swap3A_500 {add = true, strides = array<i32>} : memref<8x1024xf32, #tpu.memory_space<vmem>>, vector<1x16xf32>,
        %get3A_501 = arith.index_cast %scan3A_178 : i32 to index
        %get3A_502 = arith.constant 576 : index
        %get3A_503 = tpu.vector_load %arg15[%get3A_501, %get3A_502] {strides = array<i32>} : memref<8x1024xf32, #tpu.memory_space<vmem>>, vector<1x16xf32>,
        %get3A_504 = vector.shape_cast %get3A_503 : vector<1x16xf32> to vector<16xf32>
        %swap3A_505 = arith.index_cast %scan3A_178 : i32 to index
        %swap3A_506 = arith.constant 576 : index
        %swap3A_507 = tpu.vector_load %arg11[%swap3A_505, %swap3A_506] {strides = array<i32>} : memref<8x1024xf32, #tpu.memory_space<vmem>>, vector<1x16xf32>,
        %swap3A_508 = vector.shape_cast %swap3A_507 : vector<1x16xf32> to vector<16xf32>
        %swap3A_509 = vector.shape_cast %get3A_504 : vector<16xf32> to vector<1x16xf32>
        tpu.vector_store %arg11[%swap3A_505, %swap3A_506], %swap3A_509 {add = true, strides = array<i32>} : memref<8x1024xf32, #tpu.memory_space<vmem>>, vector<1x16xf32>,
        %get3A_510 = arith.index_cast %scan3A_178 : i32 to index
        %get3A_511 = arith.constant 592 : index
        %get3A_512 = tpu.vector_load %arg15[%get3A_510, %get3A_511] {strides = array<i32>} : memref<8x1024xf32, #tpu.memory_space<vmem>>, vector<1x16xf32>,
        %get3A_513 = vector.shape_cast %get3A_512 : vector<1x16xf32> to vector<16xf32>
        %swap3A_514 = arith.index_cast %scan3A_178 : i32 to index
        %swap3A_515 = arith.constant 592 : index
        %swap3A_516 = tpu.vector_load %arg11[%swap3A_514, %swap3A_515] {strides = array<i32>} : memref<8x1024xf32, #tpu.memory_space<vmem>>, vector<1x16xf32>,
        %swap3A_517 = vector.shape_cast %swap3A_516 : vector<1x16xf32> to vector<16xf32>
        %swap3A_518 = vector.shape_cast %get3A_513 : vector<16xf32> to vector<1x16xf32>
        tpu.vector_store %arg11[%swap3A_514, %swap3A_515], %swap3A_518 {add = true, strides = array<i32>} : memref<8x1024xf32, #tpu.memory_space<vmem>>, vector<1x16xf32>,
        %get3A_519 = arith.index_cast %scan3A_178 : i32 to index
        %get3A_520 = arith.constant 608 : index
        %get3A_521 = tpu.vector_load %arg15[%get3A_519, %get3A_520] {strides = array<i32>} : memref<8x1024xf32, #tpu.memory_space<vmem>>, vector<1x16xf32>,
        %get3A_522 = vector.shape_cast %get3A_521 : vector<1x16xf32> to vector<16xf32>
        %swap3A_523 = arith.index_cast %scan3A_178 : i32 to index
        %swap3A_524 = arith.constant 608 : index
        %swap3A_525 = tpu.vector_load %arg11[%swap3A_523, %swap3A_524] {strides = array<i32>} : memref<8x1024xf32, #tpu.memory_space<vmem>>, vector<1x16xf32>,
        %swap3A_526 = vector.shape_cast %swap3A_525 : vector<1x16xf32> to vector<16xf32>
        %swap3A_527 = vector.shape_cast %get3A_522 : vector<16xf32> to vector<1x16xf32>
        tpu.vector_store %arg11[%swap3A_523, %swap3A_524], %swap3A_527 {add = true, strides = array<i32>} : memref<8x1024xf32, #tpu.memory_space<vmem>>, vector<1x16xf32>,
        %get3A_528 = arith.index_cast %scan3A_178 : i32 to index
        %get3A_529 = arith.constant 624 : index
        %get3A_530 = tpu.vector_load %arg15[%get3A_528, %get3A_529] {strides = array<i32>} : memref<8x1024xf32, #tpu.memory_space<vmem>>, vector<1x16xf32>,
        %get3A_531 = vector.shape_cast %get3A_530 : vector<1x16xf32> to vector<16xf32>
        %swap3A_532 = arith.index_cast %scan3A_178 : i32 to index
        %swap3A_533 = arith.constant 624 : index
        %swap3A_534 = tpu.vector_load %arg11[%swap3A_532, %swap3A_533] {strides = array<i32>} : memref<8x1024xf32, #tpu.memory_space<vmem>>, vector<1x16xf32>,
        %swap3A_535 = vector.shape_cast %swap3A_534 : vector<1x16xf32> to vector<16xf32>
        %swap3A_536 = vector.shape_cast %get3A_531 : vector<16xf32> to vector<1x16xf32>
        tpu.vector_store %arg11[%swap3A_532, %swap3A_533], %swap3A_536 {add = true, strides = array<i32>} : memref<8x1024xf32, #tpu.memory_space<vmem>>, vector<1x16xf32>,
        %get3A_537 = arith.index_cast %scan3A_178 : i32 to index
        %get3A_538 = arith.constant 640 : index
        %get3A_539 = tpu.vector_load %arg15[%get3A_537, %get3A_538] {strides = array<i32>} : memref<8x1024xf32, #tpu.memory_space<vmem>>, vector<1x16xf32>,
        %get3A_540 = vector.shape_cast %get3A_539 : vector<1x16xf32> to vector<16xf32>
        %swap3A_541 = arith.index_cast %scan3A_178 : i32 to index
        %swap3A_542 = arith.constant 640 : index
        %swap3A_543 = tpu.vector_load %arg11[%swap3A_541, %swap3A_542] {strides = array<i32>} : memref<8x1024xf32, #tpu.memory_space<vmem>>, vector<1x16xf32>,
        %swap3A_544 = vector.shape_cast %swap3A_543 : vector<1x16xf32> to vector<16xf32>
        %swap3A_545 = vector.shape_cast %get3A_540 : vector<16xf32> to vector<1x16xf32>
        tpu.vector_store %arg11[%swap3A_541, %swap3A_542], %swap3A_545 {add = true, strides = array<i32>} : memref<8x1024xf32, #tpu.memory_space<vmem>>, vector<1x16xf32>,
        %get3A_546 = arith.index_cast %scan3A_178 : i32 to index
        %get3A_547 = arith.constant 656 : index
        %get3A_548 = tpu.vector_load %arg15[%get3A_546, %get3A_547] {strides = array<i32>} : memref<8x1024xf32, #tpu.memory_space<vmem>>, vector<1x16xf32>,
        %get3A_549 = vector.shape_cast %get3A_548 : vector<1x16xf32> to vector<16xf32>
        %swap3A_550 = arith.index_cast %scan3A_178 : i32 to index
        %swap3A_551 = arith.constant 656 : index
        %swap3A_552 = tpu.vector_load %arg11[%swap3A_550, %swap3A_551] {strides = array<i32>} : memref<8x1024xf32, #tpu.memory_space<vmem>>, vector<1x16xf32>,
        %swap3A_553 = vector.shape_cast %swap3A_552 : vector<1x16xf32> to vector<16xf32>
        %swap3A_554 = vector.shape_cast %get3A_549 : vector<16xf32> to vector<1x16xf32>
        tpu.vector_store %arg11[%swap3A_550, %swap3A_551], %swap3A_554 {add = true, strides = array<i32>} : memref<8x1024xf32, #tpu.memory_space<vmem>>, vector<1x16xf32>,
        %get3A_555 = arith.index_cast %scan3A_178 : i32 to index
        %get3A_556 = arith.constant 672 : index
        %get3A_557 = tpu.vector_load %arg15[%get3A_555, %get3A_556] {strides = array<i32>} : memref<8x1024xf32, #tpu.memory_space<vmem>>, vector<1x16xf32>,
        %get3A_558 = vector.shape_cast %get3A_557 : vector<1x16xf32> to vector<16xf32>
        %swap3A_559 = arith.index_cast %scan3A_178 : i32 to index
        %swap3A_560 = arith.constant 672 : index
        %swap3A_561 = tpu.vector_load %arg11[%swap3A_559, %swap3A_560] {strides = array<i32>} : memref<8x1024xf32, #tpu.memory_space<vmem>>, vector<1x16xf32>,
        %swap3A_562 = vector.shape_cast %swap3A_561 : vector<1x16xf32> to vector<16xf32>
        %swap3A_563 = vector.shape_cast %get3A_558 : vector<16xf32> to vector<1x16xf32>
        tpu.vector_store %arg11[%swap3A_559, %swap3A_560], %swap3A_563 {add = true, strides = array<i32>} : memref<8x1024xf32, #tpu.memory_space<vmem>>, vector<1x16xf32>,
        %get3A_564 = arith.index_cast %scan3A_178 : i32 to index
        %get3A_565 = arith.constant 688 : index
        %get3A_566 = tpu.vector_load %arg15[%get3A_564, %get3A_565] {strides = array<i32>} : memref<8x1024xf32, #tpu.memory_space<vmem>>, vector<1x16xf32>,
        %get3A_567 = vector.shape_cast %get3A_566 : vector<1x16xf32> to vector<16xf32>
        %swap3A_568 = arith.index_cast %scan3A_178 : i32 to index
        %swap3A_569 = arith.constant 688 : index
        %swap3A_570 = tpu.vector_load %arg11[%swap3A_568, %swap3A_569] {strides = array<i32>} : memref<8x1024xf32, #tpu.memory_space<vmem>>, vector<1x16xf32>,
        %swap3A_571 = vector.shape_cast %swap3A_570 : vector<1x16xf32> to vector<16xf32>
        %swap3A_572 = vector.shape_cast %get3A_567 : vector<16xf32> to vector<1x16xf32>
        tpu.vector_store %arg11[%swap3A_568, %swap3A_569], %swap3A_572 {add = true, strides = array<i32>} : memref<8x1024xf32, #tpu.memory_space<vmem>>, vector<1x16xf32>,
        %get3A_573 = arith.index_cast %scan3A_178 : i32 to index
        %get3A_574 = arith.constant 704 : index
        %get3A_575 = tpu.vector_load %arg15[%get3A_573, %get3A_574] {strides = array<i32>} : memref<8x1024xf32, #tpu.memory_space<vmem>>, vector<1x16xf32>,
        %get3A_576 = vector.shape_cast %get3A_575 : vector<1x16xf32> to vector<16xf32>
        %swap3A_577 = arith.index_cast %scan3A_178 : i32 to index
        %swap3A_578 = arith.constant 704 : index
        %swap3A_579 = tpu.vector_load %arg11[%swap3A_577, %swap3A_578] {strides = array<i32>} : memref<8x1024xf32, #tpu.memory_space<vmem>>, vector<1x16xf32>,
        %swap3A_580 = vector.shape_cast %swap3A_579 : vector<1x16xf32> to vector<16xf32>
        %swap3A_581 = vector.shape_cast %get3A_576 : vector<16xf32> to vector<1x16xf32>
        tpu.vector_store %arg11[%swap3A_577, %swap3A_578], %swap3A_581 {add = true, strides = array<i32>} : memref<8x1024xf32, #tpu.memory_space<vmem>>, vector<1x16xf32>,
        %get3A_582 = arith.index_cast %scan3A_178 : i32 to index
        %get3A_583 = arith.constant 720 : index
        %get3A_584 = tpu.vector_load %arg15[%get3A_582, %get3A_583] {strides = array<i32>} : memref<8x1024xf32, #tpu.memory_space<vmem>>, vector<1x16xf32>,
        %get3A_585 = vector.shape_cast %get3A_584 : vector<1x16xf32> to vector<16xf32>
        %swap3A_586 = arith.index_cast %scan3A_178 : i32 to index
        %swap3A_587 = arith.constant 720 : index
        %swap3A_588 = tpu.vector_load %arg11[%swap3A_586, %swap3A_587] {strides = array<i32>} : memref<8x1024xf32, #tpu.memory_space<vmem>>, vector<1x16xf32>,
        %swap3A_589 = vector.shape_cast %swap3A_588 : vector<1x16xf32> to vector<16xf32>
        %swap3A_590 = vector.shape_cast %get3A_585 : vector<16xf32> to vector<1x16xf32>
        tpu.vector_store %arg11[%swap3A_586, %swap3A_587], %swap3A_590 {add = true, strides = array<i32>} : memref<8x1024xf32, #tpu.memory_space<vmem>>, vector<1x16xf32>,
        %get3A_591 = arith.index_cast %scan3A_178 : i32 to index
        %get3A_592 = arith.constant 736 : index
        %get3A_593 = tpu.vector_load %arg15[%get3A_591, %get3A_592] {strides = array<i32>} : memref<8x1024xf32, #tpu.memory_space<vmem>>, vector<1x16xf32>,
        %get3A_594 = vector.shape_cast %get3A_593 : vector<1x16xf32> to vector<16xf32>
        %swap3A_595 = arith.index_cast %scan3A_178 : i32 to index
        %swap3A_596 = arith.constant 736 : index
        %swap3A_597 = tpu.vector_load %arg11[%swap3A_595, %swap3A_596] {strides = array<i32>} : memref<8x1024xf32, #tpu.memory_space<vmem>>, vector<1x16xf32>,
        %swap3A_598 = vector.shape_cast %swap3A_597 : vector<1x16xf32> to vector<16xf32>
        %swap3A_599 = vector.shape_cast %get3A_594 : vector<16xf32> to vector<1x16xf32>
        tpu.vector_store %arg11[%swap3A_595, %swap3A_596], %swap3A_599 {add = true, strides = array<i32>} : memref<8x1024xf32, #tpu.memory_space<vmem>>, vector<1x16xf32>,
        %get3A_600 = arith.index_cast %scan3A_178 : i32 to index
        %get3A_601 = arith.constant 752 : index
        %get3A_602 = tpu.vector_load %arg15[%get3A_600, %get3A_601] {strides = array<i32>} : memref<8x1024xf32, #tpu.memory_space<vmem>>, vector<1x16xf32>,
        %get3A_603 = vector.shape_cast %get3A_602 : vector<1x16xf32> to vector<16xf32>
        %swap3A_604 = arith.index_cast %scan3A_178 : i32 to index
        %swap3A_605 = arith.constant 752 : index
        %swap3A_606 = tpu.vector_load %arg11[%swap3A_604, %swap3A_605] {strides = array<i32>} : memref<8x1024xf32, #tpu.memory_space<vmem>>, vector<1x16xf32>,
        %swap3A_607 = vector.shape_cast %swap3A_606 : vector<1x16xf32> to vector<16xf32>
        %swap3A_608 = vector.shape_cast %get3A_603 : vector<16xf32> to vector<1x16xf32>
        tpu.vector_store %arg11[%swap3A_604, %swap3A_605], %swap3A_608 {add = true, strides = array<i32>} : memref<8x1024xf32, #tpu.memory_space<vmem>>, vector<1x16xf32>,
        %get3A_609 = arith.index_cast %scan3A_178 : i32 to index
        %get3A_610 = arith.constant 768 : index
        %get3A_611 = tpu.vector_load %arg15[%get3A_609, %get3A_610] {strides = array<i32>} : memref<8x1024xf32, #tpu.memory_space<vmem>>, vector<1x16xf32>,
        %get3A_612 = vector.shape_cast %get3A_611 : vector<1x16xf32> to vector<16xf32>
        %swap3A_613 = arith.index_cast %scan3A_178 : i32 to index
        %swap3A_614 = arith.constant 768 : index
        %swap3A_615 = tpu.vector_load %arg11[%swap3A_613, %swap3A_614] {strides = array<i32>} : memref<8x1024xf32, #tpu.memory_space<vmem>>, vector<1x16xf32>,
        %swap3A_616 = vector.shape_cast %swap3A_615 : vector<1x16xf32> to vector<16xf32>
        %swap3A_617 = vector.shape_cast %get3A_612 : vector<16xf32> to vector<1x16xf32>
        tpu.vector_store %arg11[%swap3A_613, %swap3A_614], %swap3A_617 {add = true, strides = array<i32>} : memref<8x1024xf32, #tpu.memory_space<vmem>>, vector<1x16xf32>,
        %get3A_618 = arith.index_cast %scan3A_178 : i32 to index
        %get3A_619 = arith.constant 784 : index
        %get3A_620 = tpu.vector_load %arg15[%get3A_618, %get3A_619] {strides = array<i32>} : memref<8x1024xf32, #tpu.memory_space<vmem>>, vector<1x16xf32>,
        %get3A_621 = vector.shape_cast %get3A_620 : vector<1x16xf32> to vector<16xf32>
        %swap3A_622 = arith.index_cast %scan3A_178 : i32 to index
        %swap3A_623 = arith.constant 784 : index
        %swap3A_624 = tpu.vector_load %arg11[%swap3A_622, %swap3A_623] {strides = array<i32>} : memref<8x1024xf32, #tpu.memory_space<vmem>>, vector<1x16xf32>,
        %swap3A_625 = vector.shape_cast %swap3A_624 : vector<1x16xf32> to vector<16xf32>
        %swap3A_626 = vector.shape_cast %get3A_621 : vector<16xf32> to vector<1x16xf32>
        tpu.vector_store %arg11[%swap3A_622, %swap3A_623], %swap3A_626 {add = true, strides = array<i32>} : memref<8x1024xf32, #tpu.memory_space<vmem>>, vector<1x16xf32>,
        %get3A_627 = arith.index_cast %scan3A_178 : i32 to index
        %get3A_628 = arith.constant 800 : index
        %get3A_629 = tpu.vector_load %arg15[%get3A_627, %get3A_628] {strides = array<i32>} : memref<8x1024xf32, #tpu.memory_space<vmem>>, vector<1x16xf32>,
        %get3A_630 = vector.shape_cast %get3A_629 : vector<1x16xf32> to vector<16xf32>
        %swap3A_631 = arith.index_cast %scan3A_178 : i32 to index
        %swap3A_632 = arith.constant 800 : index
        %swap3A_633 = tpu.vector_load %arg11[%swap3A_631, %swap3A_632] {strides = array<i32>} : memref<8x1024xf32, #tpu.memory_space<vmem>>, vector<1x16xf32>,
        %swap3A_634 = vector.shape_cast %swap3A_633 : vector<1x16xf32> to vector<16xf32>
        %swap3A_635 = vector.shape_cast %get3A_630 : vector<16xf32> to vector<1x16xf32>
        tpu.vector_store %arg11[%swap3A_631, %swap3A_632], %swap3A_635 {add = true, strides = array<i32>} : memref<8x1024xf32, #tpu.memory_space<vmem>>, vector<1x16xf32>,
        %get3A_636 = arith.index_cast %scan3A_178 : i32 to index
        %get3A_637 = arith.constant 816 : index
        %get3A_638 = tpu.vector_load %arg15[%get3A_636, %get3A_637] {strides = array<i32>} : memref<8x1024xf32, #tpu.memory_space<vmem>>, vector<1x16xf32>,
        %get3A_639 = vector.shape_cast %get3A_638 : vector<1x16xf32> to vector<16xf32>
        %swap3A_640 = arith.index_cast %scan3A_178 : i32 to index
        %swap3A_641 = arith.constant 816 : index
        %swap3A_642 = tpu.vector_load %arg11[%swap3A_640, %swap3A_641] {strides = array<i32>} : memref<8x1024xf32, #tpu.memory_space<vmem>>, vector<1x16xf32>,
        %swap3A_643 = vector.shape_cast %swap3A_642 : vector<1x16xf32> to vector<16xf32>
        %swap3A_644 = vector.shape_cast %get3A_639 : vector<16xf32> to vector<1x16xf32>
        tpu.vector_store %arg11[%swap3A_640, %swap3A_641], %swap3A_644 {add = true, strides = array<i32>} : memref<8x1024xf32, #tpu.memory_space<vmem>>, vector<1x16xf32>,
        %get3A_645 = arith.index_cast %scan3A_178 : i32 to index
        %get3A_646 = arith.constant 832 : index
        %get3A_647 = tpu.vector_load %arg15[%get3A_645, %get3A_646] {strides = array<i32>} : memref<8x1024xf32, #tpu.memory_space<vmem>>, vector<1x16xf32>,
        %get3A_648 = vector.shape_cast %get3A_647 : vector<1x16xf32> to vector<16xf32>
        %swap3A_649 = arith.index_cast %scan3A_178 : i32 to index
        %swap3A_650 = arith.constant 832 : index
        %swap3A_651 = tpu.vector_load %arg11[%swap3A_649, %swap3A_650] {strides = array<i32>} : memref<8x1024xf32, #tpu.memory_space<vmem>>, vector<1x16xf32>,
        %swap3A_652 = vector.shape_cast %swap3A_651 : vector<1x16xf32> to vector<16xf32>
        %swap3A_653 = vector.shape_cast %get3A_648 : vector<16xf32> to vector<1x16xf32>
        tpu.vector_store %arg11[%swap3A_649, %swap3A_650], %swap3A_653 {add = true, strides = array<i32>} : memref<8x1024xf32, #tpu.memory_space<vmem>>, vector<1x16xf32>,
        %get3A_654 = arith.index_cast %scan3A_178 : i32 to index
        %get3A_655 = arith.constant 848 : index
        %get3A_656 = tpu.vector_load %arg15[%get3A_654, %get3A_655] {strides = array<i32>} : memref<8x1024xf32, #tpu.memory_space<vmem>>, vector<1x16xf32>,
        %get3A_657 = vector.shape_cast %get3A_656 : vector<1x16xf32> to vector<16xf32>
        %swap3A_658 = arith.index_cast %scan3A_178 : i32 to index
        %swap3A_659 = arith.constant 848 : index
        %swap3A_660 = tpu.vector_load %arg11[%swap3A_658, %swap3A_659] {strides = array<i32>} : memref<8x1024xf32, #tpu.memory_space<vmem>>, vector<1x16xf32>,
        %swap3A_661 = vector.shape_cast %swap3A_660 : vector<1x16xf32> to vector<16xf32>
        %swap3A_662 = vector.shape_cast %get3A_657 : vector<16xf32> to vector<1x16xf32>
        tpu.vector_store %arg11[%swap3A_658, %swap3A_659], %swap3A_662 {add = true, strides = array<i32>} : memref<8x1024xf32, #tpu.memory_space<vmem>>, vector<1x16xf32>,
        %get3A_663 = arith.index_cast %scan3A_178 : i32 to index
        %get3A_664 = arith.constant 864 : index
        %get3A_665 = tpu.vector_load %arg15[%get3A_663, %get3A_664] {strides = array<i32>} : memref<8x1024xf32, #tpu.memory_space<vmem>>, vector<1x16xf32>,
        %get3A_666 = vector.shape_cast %get3A_665 : vector<1x16xf32> to vector<16xf32>
        %swap3A_667 = arith.index_cast %scan3A_178 : i32 to index
        %swap3A_668 = arith.constant 864 : index
        %swap3A_669 = tpu.vector_load %arg11[%swap3A_667, %swap3A_668] {strides = array<i32>} : memref<8x1024xf32, #tpu.memory_space<vmem>>, vector<1x16xf32>,
        %swap3A_670 = vector.shape_cast %swap3A_669 : vector<1x16xf32> to vector<16xf32>
        %swap3A_671 = vector.shape_cast %get3A_666 : vector<16xf32> to vector<1x16xf32>
        tpu.vector_store %arg11[%swap3A_667, %swap3A_668], %swap3A_671 {add = true, strides = array<i32>} : memref<8x1024xf32, #tpu.memory_space<vmem>>, vector<1x16xf32>,
        %get3A_672 = arith.index_cast %scan3A_178 : i32 to index
        %get3A_673 = arith.constant 880 : index
        %get3A_674 = tpu.vector_load %arg15[%get3A_672, %get3A_673] {strides = array<i32>} : memref<8x1024xf32, #tpu.memory_space<vmem>>, vector<1x16xf32>,
        %get3A_675 = vector.shape_cast %get3A_674 : vector<1x16xf32> to vector<16xf32>
        %swap3A_676 = arith.index_cast %scan3A_178 : i32 to index
        %swap3A_677 = arith.constant 880 : index
        %swap3A_678 = tpu.vector_load %arg11[%swap3A_676, %swap3A_677] {strides = array<i32>} : memref<8x1024xf32, #tpu.memory_space<vmem>>, vector<1x16xf32>,
        %swap3A_679 = vector.shape_cast %swap3A_678 : vector<1x16xf32> to vector<16xf32>
        %swap3A_680 = vector.shape_cast %get3A_675 : vector<16xf32> to vector<1x16xf32>
        tpu.vector_store %arg11[%swap3A_676, %swap3A_677], %swap3A_680 {add = true, strides = array<i32>} : memref<8x1024xf32, #tpu.memory_space<vmem>>, vector<1x16xf32>,
        %get3A_681 = arith.index_cast %scan3A_178 : i32 to index
        %get3A_682 = arith.constant 896 : index
        %get3A_683 = tpu.vector_load %arg15[%get3A_681, %get3A_682] {strides = array<i32>} : memref<8x1024xf32, #tpu.memory_space<vmem>>, vector<1x16xf32>,
        %get3A_684 = vector.shape_cast %get3A_683 : vector<1x16xf32> to vector<16xf32>
        %swap3A_685 = arith.index_cast %scan3A_178 : i32 to index
        %swap3A_686 = arith.constant 896 : index
        %swap3A_687 = tpu.vector_load %arg11[%swap3A_685, %swap3A_686] {strides = array<i32>} : memref<8x1024xf32, #tpu.memory_space<vmem>>, vector<1x16xf32>,
        %swap3A_688 = vector.shape_cast %swap3A_687 : vector<1x16xf32> to vector<16xf32>
        %swap3A_689 = vector.shape_cast %get3A_684 : vector<16xf32> to vector<1x16xf32>
        tpu.vector_store %arg11[%swap3A_685, %swap3A_686], %swap3A_689 {add = true, strides = array<i32>} : memref<8x1024xf32, #tpu.memory_space<vmem>>, vector<1x16xf32>,
        %get3A_690 = arith.index_cast %scan3A_178 : i32 to index
        %get3A_691 = arith.constant 912 : index
        %get3A_692 = tpu.vector_load %arg15[%get3A_690, %get3A_691] {strides = array<i32>} : memref<8x1024xf32, #tpu.memory_space<vmem>>, vector<1x16xf32>,
        %get3A_693 = vector.shape_cast %get3A_692 : vector<1x16xf32> to vector<16xf32>
        %swap3A_694 = arith.index_cast %scan3A_178 : i32 to index
        %swap3A_695 = arith.constant 912 : index
        %swap3A_696 = tpu.vector_load %arg11[%swap3A_694, %swap3A_695] {strides = array<i32>} : memref<8x1024xf32, #tpu.memory_space<vmem>>, vector<1x16xf32>,
        %swap3A_697 = vector.shape_cast %swap3A_696 : vector<1x16xf32> to vector<16xf32>
        %swap3A_698 = vector.shape_cast %get3A_693 : vector<16xf32> to vector<1x16xf32>
        tpu.vector_store %arg11[%swap3A_694, %swap3A_695], %swap3A_698 {add = true, strides = array<i32>} : memref<8x1024xf32, #tpu.memory_space<vmem>>, vector<1x16xf32>,
        %get3A_699 = arith.index_cast %scan3A_178 : i32 to index
        %get3A_700 = arith.constant 928 : index
        %get3A_701 = tpu.vector_load %arg15[%get3A_699, %get3A_700] {strides = array<i32>} : memref<8x1024xf32, #tpu.memory_space<vmem>>, vector<1x16xf32>,
        %get3A_702 = vector.shape_cast %get3A_701 : vector<1x16xf32> to vector<16xf32>
        %swap3A_703 = arith.index_cast %scan3A_178 : i32 to index
        %swap3A_704 = arith.constant 928 : index
        %swap3A_705 = tpu.vector_load %arg11[%swap3A_703, %swap3A_704] {strides = array<i32>} : memref<8x1024xf32, #tpu.memory_space<vmem>>, vector<1x16xf32>,
        %swap3A_706 = vector.shape_cast %swap3A_705 : vector<1x16xf32> to vector<16xf32>
        %swap3A_707 = vector.shape_cast %get3A_702 : vector<16xf32> to vector<1x16xf32>
        tpu.vector_store %arg11[%swap3A_703, %swap3A_704], %swap3A_707 {add = true, strides = array<i32>} : memref<8x1024xf32, #tpu.memory_space<vmem>>, vector<1x16xf32>,
        %get3A_708 = arith.index_cast %scan3A_178 : i32 to index
        %get3A_709 = arith.constant 944 : index
        %get3A_710 = tpu.vector_load %arg15[%get3A_708, %get3A_709] {strides = array<i32>} : memref<8x1024xf32, #tpu.memory_space<vmem>>, vector<1x16xf32>,
        %get3A_711 = vector.shape_cast %get3A_710 : vector<1x16xf32> to vector<16xf32>
        %swap3A_712 = arith.index_cast %scan3A_178 : i32 to index
        %swap3A_713 = arith.constant 944 : index
        %swap3A_714 = tpu.vector_load %arg11[%swap3A_712, %swap3A_713] {strides = array<i32>} : memref<8x1024xf32, #tpu.memory_space<vmem>>, vector<1x16xf32>,
        %swap3A_715 = vector.shape_cast %swap3A_714 : vector<1x16xf32> to vector<16xf32>
        %swap3A_716 = vector.shape_cast %get3A_711 : vector<16xf32> to vector<1x16xf32>
        tpu.vector_store %arg11[%swap3A_712, %swap3A_713], %swap3A_716 {add = true, strides = array<i32>} : memref<8x1024xf32, #tpu.memory_space<vmem>>, vector<1x16xf32>,
        %get3A_717 = arith.index_cast %scan3A_178 : i32 to index
        %get3A_718 = arith.constant 960 : index
        %get3A_719 = tpu.vector_load %arg15[%get3A_717, %get3A_718] {strides = array<i32>} : memref<8x1024xf32, #tpu.memory_space<vmem>>, vector<1x16xf32>,
        %get3A_720 = vector.shape_cast %get3A_719 : vector<1x16xf32> to vector<16xf32>
        %swap3A_721 = arith.index_cast %scan3A_178 : i32 to index
        %swap3A_722 = arith.constant 960 : index
        %swap3A_723 = tpu.vector_load %arg11[%swap3A_721, %swap3A_722] {strides = array<i32>} : memref<8x1024xf32, #tpu.memory_space<vmem>>, vector<1x16xf32>,
        %swap3A_724 = vector.shape_cast %swap3A_723 : vector<1x16xf32> to vector<16xf32>
        %swap3A_725 = vector.shape_cast %get3A_720 : vector<16xf32> to vector<1x16xf32>
        tpu.vector_store %arg11[%swap3A_721, %swap3A_722], %swap3A_725 {add = true, strides = array<i32>} : memref<8x1024xf32, #tpu.memory_space<vmem>>, vector<1x16xf32>,
        %get3A_726 = arith.index_cast %scan3A_178 : i32 to index
        %get3A_727 = arith.constant 976 : index
        %get3A_728 = tpu.vector_load %arg15[%get3A_726, %get3A_727] {strides = array<i32>} : memref<8x1024xf32, #tpu.memory_space<vmem>>, vector<1x16xf32>,
        %get3A_729 = vector.shape_cast %get3A_728 : vector<1x16xf32> to vector<16xf32>
        %swap3A_730 = arith.index_cast %scan3A_178 : i32 to index
        %swap3A_731 = arith.constant 976 : index
        %swap3A_732 = tpu.vector_load %arg11[%swap3A_730, %swap3A_731] {strides = array<i32>} : memref<8x1024xf32, #tpu.memory_space<vmem>>, vector<1x16xf32>,
        %swap3A_733 = vector.shape_cast %swap3A_732 : vector<1x16xf32> to vector<16xf32>
        %swap3A_734 = vector.shape_cast %get3A_729 : vector<16xf32> to vector<1x16xf32>
        tpu.vector_store %arg11[%swap3A_730, %swap3A_731], %swap3A_734 {add = true, strides = array<i32>} : memref<8x1024xf32, #tpu.memory_space<vmem>>, vector<1x16xf32>,
        %get3A_735 = arith.index_cast %scan3A_178 : i32 to index
        %get3A_736 = arith.constant 992 : index
        %get3A_737 = tpu.vector_load %arg15[%get3A_735, %get3A_736] {strides = array<i32>} : memref<8x1024xf32, #tpu.memory_space<vmem>>, vector<1x16xf32>,
        %get3A_738 = vector.shape_cast %get3A_737 : vector<1x16xf32> to vector<16xf32>
        %swap3A_739 = arith.index_cast %scan3A_178 : i32 to index
        %swap3A_740 = arith.constant 992 : index
        %swap3A_741 = tpu.vector_load %arg11[%swap3A_739, %swap3A_740] {strides = array<i32>} : memref<8x1024xf32, #tpu.memory_space<vmem>>, vector<1x16xf32>,
        %swap3A_742 = vector.shape_cast %swap3A_741 : vector<1x16xf32> to vector<16xf32>
        %swap3A_743 = vector.shape_cast %get3A_738 : vector<16xf32> to vector<1x16xf32>
        tpu.vector_store %arg11[%swap3A_739, %swap3A_740], %swap3A_743 {add = true, strides = array<i32>} : memref<8x1024xf32, #tpu.memory_space<vmem>>, vector<1x16xf32>,
        %get3A_744 = arith.index_cast %scan3A_178 : i32 to index
        %get3A_745 = arith.constant 1008 : index
        %get3A_746 = tpu.vector_load %arg15[%get3A_744, %get3A_745] {strides = array<i32>} : memref<8x1024xf32, #tpu.memory_space<vmem>>, vector<1x16xf32>,
        %get3A_747 = vector.shape_cast %get3A_746 : vector<1x16xf32> to vector<16xf32>
        %swap3A_748 = arith.index_cast %scan3A_178 : i32 to index
        %swap3A_749 = arith.constant 1008 : index
        %swap3A_750 = tpu.vector_load %arg11[%swap3A_748, %swap3A_749] {strides = array<i32>} : memref<8x1024xf32, #tpu.memory_space<vmem>>, vector<1x16xf32>,
        %swap3A_751 = vector.shape_cast %swap3A_750 : vector<1x16xf32> to vector<16xf32>
        %swap3A_752 = vector.shape_cast %get3A_747 : vector<16xf32> to vector<1x16xf32>
        tpu.vector_store %arg11[%swap3A_748, %swap3A_749], %swap3A_752 {add = true, strides = array<i32>} : memref<8x1024xf32, #tpu.memory_space<vmem>>, vector<1x16xf32>,
      }
      %scan3A_139 = arith.constant 8 : i32
      %mul3A_140 = arith.constant 8 : i32
      %mul3A_141 = arith.muli %add3A_121, %mul3A_140 : i32
      %add3A_142 = arith.addi %mul3A_2, %mul3A_141 : i32
      %multiple_of3A_143 = tpu.assume_multiple %add3A_142, 8 : i32
      "tpu.region"() ({
        %run_scoped3A = tpu.sem_alloc : memref<!tpu.dma_semaphore, #tpu.memory_space<semaphore_mem>>
        %dma_start3A_178 = arith.constant 0 : i32
        %dma_start3A_179 = tpu.memref_slice %arg6[%multiple_of3A_143, %dma_start3A_178] : memref<16384x1024xf32, #tpu.memory_space<hbm>> -> memref<8x1024xf32, #tpu.memory_space<hbm>>
        %dma_start3A_180 = arith.constant 0 : i32
        %dma_start3A_181 = tpu.memref_slice %arg6[%multiple_of3A_143, %dma_start3A_180] : memref<16384x1024xf32, #tpu.memory_space<hbm>> -> memref<8x1024xf32, #tpu.memory_space<hbm>>
        tpu.enqueue_dma source(%arg11 : memref<8x1024xf32, #tpu.memory_space<vmem>>) target(%dma_start3A_181 : memref<8x1024xf32, #tpu.memory_space<hbm>>) target_semaphore(%run_scoped3A : memref<!tpu.dma_semaphore, #tpu.memory_space<semaphore_mem>>)
        %dma_wait3A_182 = arith.constant 0 : i32
        %dma_wait3A_183 = tpu.memref_slice %arg6[%multiple_of3A_143, %dma_wait3A_182] : memref<16384x1024xf32, #tpu.memory_space<hbm>> -> memref<8x1024xf32, #tpu.memory_space<hbm>>
        %dma_wait3A_184 = arith.constant 0 : i32
        %dma_wait3A_185 = tpu.memref_slice %arg6[%multiple_of3A_143, %dma_wait3A_184] : memref<16384x1024xf32, #tpu.memory_space<hbm>> -> memref<8x1024xf32, #tpu.memory_space<hbm>>
        tpu.wait_dma2 semaphore(%run_scoped3A : memref<!tpu.dma_semaphore, #tpu.memory_space<semaphore_mem>>) src(%arg11 : memref<8x1024xf32, #tpu.memory_space<vmem>>) dst(%dma_wait3A_185 : memref<8x1024xf32, #tpu.memory_space<hbm>>)
        tpu.yield
      }) : () -> ()
      %lt3A_144 = arith.constant 60 : i32
      %lt3A_145 = arith.cmpi slt, %add3A_121, %lt3A_144 : i32
      %convert_element_type3A_146 = arith.extui %lt3A_145 : i1 to i32
      %cond3A_147 = arith.constant 0 : i32
      %cond3A_148 = arith.cmpi ne, %convert_element_type3A_146, %cond3A_147 : i32
      scf.if %cond3A_148 {
        %add3A_178 = arith.constant 4 : i32
        %add3A_179 = arith.addi %add3A_121, %add3A_178 : i32
        %dma_start3A_180 = arith.constant 0 : i32
        %dma_start3A_181 = tpu.memref_slice %arg7[%add3A_179, %dma_start3A_180] : memref<64x8xi32, #tpu.memory_space<vmem>> -> memref<1x8xi32, #tpu.memory_space<vmem>>
        %dma_start3A_182 = tpu.memref_squeeze %dma_start3A_181 : memref<1x8xi32, #tpu.memory_space<vmem>> -> memref<8xi32, #tpu.memory_space<vmem>>
        %dma_start3A_183 = arith.constant 0 : i32
        %dma_start3A_184 = arith.constant 0 : i32
        %dma_start3A_185 = tpu.memref_slice %arg4[%dma_start3A_183, %dma_start3A_184] : memref<100000x1024xf32, #tpu.memory_space<hbm>> -> memref<100000x1024xf32, #tpu.memory_space<hbm>>
        tpu.enqueue_indirect_dma source(%dma_start3A_185 : memref<100000x1024xf32, #tpu.memory_space<hbm>>) target(%arg11 : memref<8x1024xf32, #tpu.memory_space<vmem>>) offsets(%dma_start3A_182 : memref<8xi32, #tpu.memory_space<vmem>>) semaphore(%arg19 : memref<!tpu.dma_semaphore, #tpu.memory_space<semaphore_mem>>)
        %dma_start3A_186 = arith.constant 0 : i32
        %dma_start3A_187 = tpu.memref_slice %arg8[%add3A_179, %dma_start3A_186] : memref<64x8xi32, #tpu.memory_space<vmem>> -> memref<1x8xi32, #tpu.memory_space<vmem>>
        %dma_start3A_188 = tpu.memref_squeeze %dma_start3A_187 : memref<1x8xi32, #tpu.memory_space<vmem>> -> memref<8xi32, #tpu.memory_space<vmem>>
        %dma_start3A_189 = arith.constant 0 : i32
        %dma_start3A_190 = arith.constant 0 : i32
        %dma_start3A_191 = tpu.memref_slice %arg5[%dma_start3A_189, %dma_start3A_190] : memref<8192x1024xf32, #tpu.memory_space<hbm>> -> memref<8192x1024xf32, #tpu.memory_space<hbm>>
        tpu.enqueue_indirect_dma source(%dma_start3A_191 : memref<8192x1024xf32, #tpu.memory_space<hbm>>) target(%arg15 : memref<8x1024xf32, #tpu.memory_space<vmem>>) offsets(%dma_start3A_188 : memref<8xi32, #tpu.memory_space<vmem>>) semaphore(%arg23 : memref<!tpu.dma_semaphore, #tpu.memory_space<semaphore_mem>>)
      } else {
      }
      %add3A_149 = arith.constant 3 : i32
      %add3A_150 = arith.addi %add3A_66, %add3A_149 : i32
      %dma_wait3A_151 = arith.constant 0 : i32
      %dma_wait3A_152 = tpu.memref_slice %arg7[%add3A_150, %dma_wait3A_151] : memref<64x8xi32, #tpu.memory_space<vmem>> -> memref<1x8xi32, #tpu.memory_space<vmem>>
      %dma_wait3A_153 = tpu.memref_squeeze %dma_wait3A_152 : memref<1x8xi32, #tpu.memory_space<vmem>> -> memref<8xi32, #tpu.memory_space<vmem>>
      %dma_wait3A_154 = arith.constant 0 : i32
      %dma_wait3A_155 = arith.constant 0 : i32
      %dma_wait3A_156 = tpu.memref_slice %arg4[%dma_wait3A_154, %dma_wait3A_155] : memref<100000x1024xf32, #tpu.memory_space<hbm>> -> memref<100000x1024xf32, #tpu.memory_space<hbm>>
      tpu.wait_indirect_dma semaphore(%arg20 : memref<!tpu.dma_semaphore, #tpu.memory_space<semaphore_mem>>) src(%dma_wait3A_156 : memref<100000x1024xf32, #tpu.memory_space<hbm>>) dst(%arg12 : memref<8x1024xf32, #tpu.memory_space<vmem>>)
      %dma_wait3A_157 = arith.constant 0 : i32
      %dma_wait3A_158 = tpu.memref_slice %arg8[%add3A_150, %dma_wait3A_157] : memref<64x8xi32, #tpu.memory_space<vmem>> -> memref<1x8xi32, #tpu.memory_space<vmem>>
      %dma_wait3A_159 = tpu.memref_squeeze %dma_wait3A_158 : memref<1x8xi32, #tpu.memory_space<vmem>> -> memref<8xi32, #tpu.memory_space<vmem>>
      %dma_wait3A_160 = arith.constant 0 : i32
      %dma_wait3A_161 = arith.constant 0 : i32
      %dma_wait3A_162 = tpu.memref_slice %arg5[%dma_wait3A_160, %dma_wait3A_161] : memref<8192x1024xf32, #tpu.memory_space<hbm>> -> memref<8192x1024xf32, #tpu.memory_space<hbm>>
      tpu.wait_indirect_dma semaphore(%arg24 : memref<!tpu.dma_semaphore, #tpu.memory_space<semaphore_mem>>) src(%dma_wait3A_162 : memref<8192x1024xf32, #tpu.memory_space<hbm>>) dst(%arg16 : memref<8x1024xf32, #tpu.memory_space<vmem>>)
      %scan3A_163 = arith.constant 0 : i32
      %scan3A_164 = arith.constant 0 : i32
      %scan3A_165 = arith.constant 8 : i32
      %scan3A_166 = arith.addi %scan3A_164, %scan3A_165 : i32
      %scan3A_167 = arith.constant 1 : i32
      scf.for %scan3A_178 = %scan3A_164 to %scan3A_166 step %scan3A_167  : i32 {
        %get3A = arith.index_cast %scan3A_178 : i32 to index
        %get3A_179 = arith.constant 0 : index
        %get3A_180 = tpu.vector_load %arg16[%get3A, %get3A_179] {strides = array<i32>} : memref<8x1024xf32, #tpu.memory_space<vmem>>, vector<1x16xf32>,
        %get3A_181 = vector.shape_cast %get3A_180 : vector<1x16xf32> to vector<16xf32>
        %swap3A = arith.index_cast %scan3A_178 : i32 to index
        %swap3A_182 = arith.constant 0 : index
        %swap3A_183 = tpu.vector_load %arg12[%swap3A, %swap3A_182] {strides = array<i32>} : memref<8x1024xf32, #tpu.memory_space<vmem>>, vector<1x16xf32>,
        %swap3A_184 = vector.shape_cast %swap3A_183 : vector<1x16xf32> to vector<16xf32>
        %swap3A_185 = vector.shape_cast %get3A_181 : vector<16xf32> to vector<1x16xf32>
        tpu.vector_store %arg12[%swap3A, %swap3A_182], %swap3A_185 {add = true, strides = array<i32>} : memref<8x1024xf32, #tpu.memory_space<vmem>>, vector<1x16xf32>,
        %get3A_186 = arith.index_cast %scan3A_178 : i32 to index
        %get3A_187 = arith.constant 16 : index
        %get3A_188 = tpu.vector_load %arg16[%get3A_186, %get3A_187] {strides = array<i32>} : memref<8x1024xf32, #tpu.memory_space<vmem>>, vector<1x16xf32>,
        %get3A_189 = vector.shape_cast %get3A_188 : vector<1x16xf32> to vector<16xf32>
        %swap3A_190 = arith.index_cast %scan3A_178 : i32 to index
        %swap3A_191 = arith.constant 16 : index
        %swap3A_192 = tpu.vector_load %arg12[%swap3A_190, %swap3A_191] {strides = array<i32>} : memref<8x1024xf32, #tpu.memory_space<vmem>>, vector<1x16xf32>,
        %swap3A_193 = vector.shape_cast %swap3A_192 : vector<1x16xf32> to vector<16xf32>
        %swap3A_194 = vector.shape_cast %get3A_189 : vector<16xf32> to vector<1x16xf32>
        tpu.vector_store %arg12[%swap3A_190, %swap3A_191], %swap3A_194 {add = true, strides = array<i32>} : memref<8x1024xf32, #tpu.memory_space<vmem>>, vector<1x16xf32>,
        %get3A_195 = arith.index_cast %scan3A_178 : i32 to index
        %get3A_196 = arith.constant 32 : index
        %get3A_197 = tpu.vector_load %arg16[%get3A_195, %get3A_196] {strides = array<i32>} : memref<8x1024xf32, #tpu.memory_space<vmem>>, vector<1x16xf32>,
        %get3A_198 = vector.shape_cast %get3A_197 : vector<1x16xf32> to vector<16xf32>
        %swap3A_199 = arith.index_cast %scan3A_178 : i32 to index
        %swap3A_200 = arith.constant 32 : index
        %swap3A_201 = tpu.vector_load %arg12[%swap3A_199, %swap3A_200] {strides = array<i32>} : memref<8x1024xf32, #tpu.memory_space<vmem>>, vector<1x16xf32>,
        %swap3A_202 = vector.shape_cast %swap3A_201 : vector<1x16xf32> to vector<16xf32>
        %swap3A_203 = vector.shape_cast %get3A_198 : vector<16xf32> to vector<1x16xf32>
        tpu.vector_store %arg12[%swap3A_199, %swap3A_200], %swap3A_203 {add = true, strides = array<i32>} : memref<8x1024xf32, #tpu.memory_space<vmem>>, vector<1x16xf32>,
        %get3A_204 = arith.index_cast %scan3A_178 : i32 to index
        %get3A_205 = arith.constant 48 : index
        %get3A_206 = tpu.vector_load %arg16[%get3A_204, %get3A_205] {strides = array<i32>} : memref<8x1024xf32, #tpu.memory_space<vmem>>, vector<1x16xf32>,
        %get3A_207 = vector.shape_cast %get3A_206 : vector<1x16xf32> to vector<16xf32>
        %swap3A_208 = arith.index_cast %scan3A_178 : i32 to index
        %swap3A_209 = arith.constant 48 : index
        %swap3A_210 = tpu.vector_load %arg12[%swap3A_208, %swap3A_209] {strides = array<i32>} : memref<8x1024xf32, #tpu.memory_space<vmem>>, vector<1x16xf32>,
        %swap3A_211 = vector.shape_cast %swap3A_210 : vector<1x16xf32> to vector<16xf32>
        %swap3A_212 = vector.shape_cast %get3A_207 : vector<16xf32> to vector<1x16xf32>
        tpu.vector_store %arg12[%swap3A_208, %swap3A_209], %swap3A_212 {add = true, strides = array<i32>} : memref<8x1024xf32, #tpu.memory_space<vmem>>, vector<1x16xf32>,
        %get3A_213 = arith.index_cast %scan3A_178 : i32 to index
        %get3A_214 = arith.constant 64 : index
        %get3A_215 = tpu.vector_load %arg16[%get3A_213, %get3A_214] {strides = array<i32>} : memref<8x1024xf32, #tpu.memory_space<vmem>>, vector<1x16xf32>,
        %get3A_216 = vector.shape_cast %get3A_215 : vector<1x16xf32> to vector<16xf32>
        %swap3A_217 = arith.index_cast %scan3A_178 : i32 to index
        %swap3A_218 = arith.constant 64 : index
        %swap3A_219 = tpu.vector_load %arg12[%swap3A_217, %swap3A_218] {strides = array<i32>} : memref<8x1024xf32, #tpu.memory_space<vmem>>, vector<1x16xf32>,
        %swap3A_220 = vector.shape_cast %swap3A_219 : vector<1x16xf32> to vector<16xf32>
        %swap3A_221 = vector.shape_cast %get3A_216 : vector<16xf32> to vector<1x16xf32>
        tpu.vector_store %arg12[%swap3A_217, %swap3A_218], %swap3A_221 {add = true, strides = array<i32>} : memref<8x1024xf32, #tpu.memory_space<vmem>>, vector<1x16xf32>,
        %get3A_222 = arith.index_cast %scan3A_178 : i32 to index
        %get3A_223 = arith.constant 80 : index
        %get3A_224 = tpu.vector_load %arg16[%get3A_222, %get3A_223] {strides = array<i32>} : memref<8x1024xf32, #tpu.memory_space<vmem>>, vector<1x16xf32>,
        %get3A_225 = vector.shape_cast %get3A_224 : vector<1x16xf32> to vector<16xf32>
        %swap3A_226 = arith.index_cast %scan3A_178 : i32 to index
        %swap3A_227 = arith.constant 80 : index
        %swap3A_228 = tpu.vector_load %arg12[%swap3A_226, %swap3A_227] {strides = array<i32>} : memref<8x1024xf32, #tpu.memory_space<vmem>>, vector<1x16xf32>,
        %swap3A_229 = vector.shape_cast %swap3A_228 : vector<1x16xf32> to vector<16xf32>
        %swap3A_230 = vector.shape_cast %get3A_225 : vector<16xf32> to vector<1x16xf32>
        tpu.vector_store %arg12[%swap3A_226, %swap3A_227], %swap3A_230 {add = true, strides = array<i32>} : memref<8x1024xf32, #tpu.memory_space<vmem>>, vector<1x16xf32>,
        %get3A_231 = arith.index_cast %scan3A_178 : i32 to index
        %get3A_232 = arith.constant 96 : index
        %get3A_233 = tpu.vector_load %arg16[%get3A_231, %get3A_232] {strides = array<i32>} : memref<8x1024xf32, #tpu.memory_space<vmem>>, vector<1x16xf32>,
        %get3A_234 = vector.shape_cast %get3A_233 : vector<1x16xf32> to vector<16xf32>
        %swap3A_235 = arith.index_cast %scan3A_178 : i32 to index
        %swap3A_236 = arith.constant 96 : index
        %swap3A_237 = tpu.vector_load %arg12[%swap3A_235, %swap3A_236] {strides = array<i32>} : memref<8x1024xf32, #tpu.memory_space<vmem>>, vector<1x16xf32>,
        %swap3A_238 = vector.shape_cast %swap3A_237 : vector<1x16xf32> to vector<16xf32>
        %swap3A_239 = vector.shape_cast %get3A_234 : vector<16xf32> to vector<1x16xf32>
        tpu.vector_store %arg12[%swap3A_235, %swap3A_236], %swap3A_239 {add = true, strides = array<i32>} : memref<8x1024xf32, #tpu.memory_space<vmem>>, vector<1x16xf32>,
        %get3A_240 = arith.index_cast %scan3A_178 : i32 to index
        %get3A_241 = arith.constant 112 : index
        %get3A_242 = tpu.vector_load %arg16[%get3A_240, %get3A_241] {strides = array<i32>} : memref<8x1024xf32, #tpu.memory_space<vmem>>, vector<1x16xf32>,
        %get3A_243 = vector.shape_cast %get3A_242 : vector<1x16xf32> to vector<16xf32>
        %swap3A_244 = arith.index_cast %scan3A_178 : i32 to index
        %swap3A_245 = arith.constant 112 : index
        %swap3A_246 = tpu.vector_load %arg12[%swap3A_244, %swap3A_245] {strides = array<i32>} : memref<8x1024xf32, #tpu.memory_space<vmem>>, vector<1x16xf32>,
        %swap3A_247 = vector.shape_cast %swap3A_246 : vector<1x16xf32> to vector<16xf32>
        %swap3A_248 = vector.shape_cast %get3A_243 : vector<16xf32> to vector<1x16xf32>
        tpu.vector_store %arg12[%swap3A_244, %swap3A_245], %swap3A_248 {add = true, strides = array<i32>} : memref<8x1024xf32, #tpu.memory_space<vmem>>, vector<1x16xf32>,
        %get3A_249 = arith.index_cast %scan3A_178 : i32 to index
        %get3A_250 = arith.constant 128 : index
        %get3A_251 = tpu.vector_load %arg16[%get3A_249, %get3A_250] {strides = array<i32>} : memref<8x1024xf32, #tpu.memory_space<vmem>>, vector<1x16xf32>,
        %get3A_252 = vector.shape_cast %get3A_251 : vector<1x16xf32> to vector<16xf32>
        %swap3A_253 = arith.index_cast %scan3A_178 : i32 to index
        %swap3A_254 = arith.constant 128 : index
        %swap3A_255 = tpu.vector_load %arg12[%swap3A_253, %swap3A_254] {strides = array<i32>} : memref<8x1024xf32, #tpu.memory_space<vmem>>, vector<1x16xf32>,
        %swap3A_256 = vector.shape_cast %swap3A_255 : vector<1x16xf32> to vector<16xf32>
        %swap3A_257 = vector.shape_cast %get3A_252 : vector<16xf32> to vector<1x16xf32>
        tpu.vector_store %arg12[%swap3A_253, %swap3A_254], %swap3A_257 {add = true, strides = array<i32>} : memref<8x1024xf32, #tpu.memory_space<vmem>>, vector<1x16xf32>,
        %get3A_258 = arith.index_cast %scan3A_178 : i32 to index
        %get3A_259 = arith.constant 144 : index
        %get3A_260 = tpu.vector_load %arg16[%get3A_258, %get3A_259] {strides = array<i32>} : memref<8x1024xf32, #tpu.memory_space<vmem>>, vector<1x16xf32>,
        %get3A_261 = vector.shape_cast %get3A_260 : vector<1x16xf32> to vector<16xf32>
        %swap3A_262 = arith.index_cast %scan3A_178 : i32 to index
        %swap3A_263 = arith.constant 144 : index
        %swap3A_264 = tpu.vector_load %arg12[%swap3A_262, %swap3A_263] {strides = array<i32>} : memref<8x1024xf32, #tpu.memory_space<vmem>>, vector<1x16xf32>,
        %swap3A_265 = vector.shape_cast %swap3A_264 : vector<1x16xf32> to vector<16xf32>
        %swap3A_266 = vector.shape_cast %get3A_261 : vector<16xf32> to vector<1x16xf32>
        tpu.vector_store %arg12[%swap3A_262, %swap3A_263], %swap3A_266 {add = true, strides = array<i32>} : memref<8x1024xf32, #tpu.memory_space<vmem>>, vector<1x16xf32>,
        %get3A_267 = arith.index_cast %scan3A_178 : i32 to index
        %get3A_268 = arith.constant 160 : index
        %get3A_269 = tpu.vector_load %arg16[%get3A_267, %get3A_268] {strides = array<i32>} : memref<8x1024xf32, #tpu.memory_space<vmem>>, vector<1x16xf32>,
        %get3A_270 = vector.shape_cast %get3A_269 : vector<1x16xf32> to vector<16xf32>
        %swap3A_271 = arith.index_cast %scan3A_178 : i32 to index
        %swap3A_272 = arith.constant 160 : index
        %swap3A_273 = tpu.vector_load %arg12[%swap3A_271, %swap3A_272] {strides = array<i32>} : memref<8x1024xf32, #tpu.memory_space<vmem>>, vector<1x16xf32>,
        %swap3A_274 = vector.shape_cast %swap3A_273 : vector<1x16xf32> to vector<16xf32>
        %swap3A_275 = vector.shape_cast %get3A_270 : vector<16xf32> to vector<1x16xf32>
        tpu.vector_store %arg12[%swap3A_271, %swap3A_272], %swap3A_275 {add = true, strides = array<i32>} : memref<8x1024xf32, #tpu.memory_space<vmem>>, vector<1x16xf32>,
        %get3A_276 = arith.index_cast %scan3A_178 : i32 to index
        %get3A_277 = arith.constant 176 : index
        %get3A_278 = tpu.vector_load %arg16[%get3A_276, %get3A_277] {strides = array<i32>} : memref<8x1024xf32, #tpu.memory_space<vmem>>, vector<1x16xf32>,
        %get3A_279 = vector.shape_cast %get3A_278 : vector<1x16xf32> to vector<16xf32>
        %swap3A_280 = arith.index_cast %scan3A_178 : i32 to index
        %swap3A_281 = arith.constant 176 : index
        %swap3A_282 = tpu.vector_load %arg12[%swap3A_280, %swap3A_281] {strides = array<i32>} : memref<8x1024xf32, #tpu.memory_space<vmem>>, vector<1x16xf32>,
        %swap3A_283 = vector.shape_cast %swap3A_282 : vector<1x16xf32> to vector<16xf32>
        %swap3A_284 = vector.shape_cast %get3A_279 : vector<16xf32> to vector<1x16xf32>
        tpu.vector_store %arg12[%swap3A_280, %swap3A_281], %swap3A_284 {add = true, strides = array<i32>} : memref<8x1024xf32, #tpu.memory_space<vmem>>, vector<1x16xf32>,
        %get3A_285 = arith.index_cast %scan3A_178 : i32 to index
        %get3A_286 = arith.constant 192 : index
        %get3A_287 = tpu.vector_load %arg16[%get3A_285, %get3A_286] {strides = array<i32>} : memref<8x1024xf32, #tpu.memory_space<vmem>>, vector<1x16xf32>,
        %get3A_288 = vector.shape_cast %get3A_287 : vector<1x16xf32> to vector<16xf32>
        %swap3A_289 = arith.index_cast %scan3A_178 : i32 to index
        %swap3A_290 = arith.constant 192 : index
        %swap3A_291 = tpu.vector_load %arg12[%swap3A_289, %swap3A_290] {strides = array<i32>} : memref<8x1024xf32, #tpu.memory_space<vmem>>, vector<1x16xf32>,
        %swap3A_292 = vector.shape_cast %swap3A_291 : vector<1x16xf32> to vector<16xf32>
        %swap3A_293 = vector.shape_cast %get3A_288 : vector<16xf32> to vector<1x16xf32>
        tpu.vector_store %arg12[%swap3A_289, %swap3A_290], %swap3A_293 {add = true, strides = array<i32>} : memref<8x1024xf32, #tpu.memory_space<vmem>>, vector<1x16xf32>,
        %get3A_294 = arith.index_cast %scan3A_178 : i32 to index
        %get3A_295 = arith.constant 208 : index
        %get3A_296 = tpu.vector_load %arg16[%get3A_294, %get3A_295] {strides = array<i32>} : memref<8x1024xf32, #tpu.memory_space<vmem>>, vector<1x16xf32>,
        %get3A_297 = vector.shape_cast %get3A_296 : vector<1x16xf32> to vector<16xf32>
        %swap3A_298 = arith.index_cast %scan3A_178 : i32 to index
        %swap3A_299 = arith.constant 208 : index
        %swap3A_300 = tpu.vector_load %arg12[%swap3A_298, %swap3A_299] {strides = array<i32>} : memref<8x1024xf32, #tpu.memory_space<vmem>>, vector<1x16xf32>,
        %swap3A_301 = vector.shape_cast %swap3A_300 : vector<1x16xf32> to vector<16xf32>
        %swap3A_302 = vector.shape_cast %get3A_297 : vector<16xf32> to vector<1x16xf32>
        tpu.vector_store %arg12[%swap3A_298, %swap3A_299], %swap3A_302 {add = true, strides = array<i32>} : memref<8x1024xf32, #tpu.memory_space<vmem>>, vector<1x16xf32>,
        %get3A_303 = arith.index_cast %scan3A_178 : i32 to index
        %get3A_304 = arith.constant 224 : index
        %get3A_305 = tpu.vector_load %arg16[%get3A_303, %get3A_304] {strides = array<i32>} : memref<8x1024xf32, #tpu.memory_space<vmem>>, vector<1x16xf32>,
        %get3A_306 = vector.shape_cast %get3A_305 : vector<1x16xf32> to vector<16xf32>
        %swap3A_307 = arith.index_cast %scan3A_178 : i32 to index
        %swap3A_308 = arith.constant 224 : index
        %swap3A_309 = tpu.vector_load %arg12[%swap3A_307, %swap3A_308] {strides = array<i32>} : memref<8x1024xf32, #tpu.memory_space<vmem>>, vector<1x16xf32>,
        %swap3A_310 = vector.shape_cast %swap3A_309 : vector<1x16xf32> to vector<16xf32>
        %swap3A_311 = vector.shape_cast %get3A_306 : vector<16xf32> to vector<1x16xf32>
        tpu.vector_store %arg12[%swap3A_307, %swap3A_308], %swap3A_311 {add = true, strides = array<i32>} : memref<8x1024xf32, #tpu.memory_space<vmem>>, vector<1x16xf32>,
        %get3A_312 = arith.index_cast %scan3A_178 : i32 to index
        %get3A_313 = arith.constant 240 : index
        %get3A_314 = tpu.vector_load %arg16[%get3A_312, %get3A_313] {strides = array<i32>} : memref<8x1024xf32, #tpu.memory_space<vmem>>, vector<1x16xf32>,
        %get3A_315 = vector.shape_cast %get3A_314 : vector<1x16xf32> to vector<16xf32>
        %swap3A_316 = arith.index_cast %scan3A_178 : i32 to index
        %swap3A_317 = arith.constant 240 : index
        %swap3A_318 = tpu.vector_load %arg12[%swap3A_316, %swap3A_317] {strides = array<i32>} : memref<8x1024xf32, #tpu.memory_space<vmem>>, vector<1x16xf32>,
        %swap3A_319 = vector.shape_cast %swap3A_318 : vector<1x16xf32> to vector<16xf32>
        %swap3A_320 = vector.shape_cast %get3A_315 : vector<16xf32> to vector<1x16xf32>
        tpu.vector_store %arg12[%swap3A_316, %swap3A_317], %swap3A_320 {add = true, strides = array<i32>} : memref<8x1024xf32, #tpu.memory_space<vmem>>, vector<1x16xf32>,
        %get3A_321 = arith.index_cast %scan3A_178 : i32 to index
        %get3A_322 = arith.constant 256 : index
        %get3A_323 = tpu.vector_load %arg16[%get3A_321, %get3A_322] {strides = array<i32>} : memref<8x1024xf32, #tpu.memory_space<vmem>>, vector<1x16xf32>,
        %get3A_324 = vector.shape_cast %get3A_323 : vector<1x16xf32> to vector<16xf32>
        %swap3A_325 = arith.index_cast %scan3A_178 : i32 to index
        %swap3A_326 = arith.constant 256 : index
        %swap3A_327 = tpu.vector_load %arg12[%swap3A_325, %swap3A_326] {strides = array<i32>} : memref<8x1024xf32, #tpu.memory_space<vmem>>, vector<1x16xf32>,
        %swap3A_328 = vector.shape_cast %swap3A_327 : vector<1x16xf32> to vector<16xf32>
        %swap3A_329 = vector.shape_cast %get3A_324 : vector<16xf32> to vector<1x16xf32>
        tpu.vector_store %arg12[%swap3A_325, %swap3A_326], %swap3A_329 {add = true, strides = array<i32>} : memref<8x1024xf32, #tpu.memory_space<vmem>>, vector<1x16xf32>,
        %get3A_330 = arith.index_cast %scan3A_178 : i32 to index
        %get3A_331 = arith.constant 272 : index
        %get3A_332 = tpu.vector_load %arg16[%get3A_330, %get3A_331] {strides = array<i32>} : memref<8x1024xf32, #tpu.memory_space<vmem>>, vector<1x16xf32>,
        %get3A_333 = vector.shape_cast %get3A_332 : vector<1x16xf32> to vector<16xf32>
        %swap3A_334 = arith.index_cast %scan3A_178 : i32 to index
        %swap3A_335 = arith.constant 272 : index
        %swap3A_336 = tpu.vector_load %arg12[%swap3A_334, %swap3A_335] {strides = array<i32>} : memref<8x1024xf32, #tpu.memory_space<vmem>>, vector<1x16xf32>,
        %swap3A_337 = vector.shape_cast %swap3A_336 : vector<1x16xf32> to vector<16xf32>
        %swap3A_338 = vector.shape_cast %get3A_333 : vector<16xf32> to vector<1x16xf32>
        tpu.vector_store %arg12[%swap3A_334, %swap3A_335], %swap3A_338 {add = true, strides = array<i32>} : memref<8x1024xf32, #tpu.memory_space<vmem>>, vector<1x16xf32>,
        %get3A_339 = arith.index_cast %scan3A_178 : i32 to index
        %get3A_340 = arith.constant 288 : index
        %get3A_341 = tpu.vector_load %arg16[%get3A_339, %get3A_340] {strides = array<i32>} : memref<8x1024xf32, #tpu.memory_space<vmem>>, vector<1x16xf32>,
        %get3A_342 = vector.shape_cast %get3A_341 : vector<1x16xf32> to vector<16xf32>
        %swap3A_343 = arith.index_cast %scan3A_178 : i32 to index
        %swap3A_344 = arith.constant 288 : index
        %swap3A_345 = tpu.vector_load %arg12[%swap3A_343, %swap3A_344] {strides = array<i32>} : memref<8x1024xf32, #tpu.memory_space<vmem>>, vector<1x16xf32>,
        %swap3A_346 = vector.shape_cast %swap3A_345 : vector<1x16xf32> to vector<16xf32>
        %swap3A_347 = vector.shape_cast %get3A_342 : vector<16xf32> to vector<1x16xf32>
        tpu.vector_store %arg12[%swap3A_343, %swap3A_344], %swap3A_347 {add = true, strides = array<i32>} : memref<8x1024xf32, #tpu.memory_space<vmem>>, vector<1x16xf32>,
        %get3A_348 = arith.index_cast %scan3A_178 : i32 to index
        %get3A_349 = arith.constant 304 : index
        %get3A_350 = tpu.vector_load %arg16[%get3A_348, %get3A_349] {strides = array<i32>} : memref<8x1024xf32, #tpu.memory_space<vmem>>, vector<1x16xf32>,
        %get3A_351 = vector.shape_cast %get3A_350 : vector<1x16xf32> to vector<16xf32>
        %swap3A_352 = arith.index_cast %scan3A_178 : i32 to index
        %swap3A_353 = arith.constant 304 : index
        %swap3A_354 = tpu.vector_load %arg12[%swap3A_352, %swap3A_353] {strides = array<i32>} : memref<8x1024xf32, #tpu.memory_space<vmem>>, vector<1x16xf32>,
        %swap3A_355 = vector.shape_cast %swap3A_354 : vector<1x16xf32> to vector<16xf32>
        %swap3A_356 = vector.shape_cast %get3A_351 : vector<16xf32> to vector<1x16xf32>
        tpu.vector_store %arg12[%swap3A_352, %swap3A_353], %swap3A_356 {add = true, strides = array<i32>} : memref<8x1024xf32, #tpu.memory_space<vmem>>, vector<1x16xf32>,
        %get3A_357 = arith.index_cast %scan3A_178 : i32 to index
        %get3A_358 = arith.constant 320 : index
        %get3A_359 = tpu.vector_load %arg16[%get3A_357, %get3A_358] {strides = array<i32>} : memref<8x1024xf32, #tpu.memory_space<vmem>>, vector<1x16xf32>,
        %get3A_360 = vector.shape_cast %get3A_359 : vector<1x16xf32> to vector<16xf32>
        %swap3A_361 = arith.index_cast %scan3A_178 : i32 to index
        %swap3A_362 = arith.constant 320 : index
        %swap3A_363 = tpu.vector_load %arg12[%swap3A_361, %swap3A_362] {strides = array<i32>} : memref<8x1024xf32, #tpu.memory_space<vmem>>, vector<1x16xf32>,
        %swap3A_364 = vector.shape_cast %swap3A_363 : vector<1x16xf32> to vector<16xf32>
        %swap3A_365 = vector.shape_cast %get3A_360 : vector<16xf32> to vector<1x16xf32>
        tpu.vector_store %arg12[%swap3A_361, %swap3A_362], %swap3A_365 {add = true, strides = array<i32>} : memref<8x1024xf32, #tpu.memory_space<vmem>>, vector<1x16xf32>,
        %get3A_366 = arith.index_cast %scan3A_178 : i32 to index
        %get3A_367 = arith.constant 336 : index
        %get3A_368 = tpu.vector_load %arg16[%get3A_366, %get3A_367] {strides = array<i32>} : memref<8x1024xf32, #tpu.memory_space<vmem>>, vector<1x16xf32>,
        %get3A_369 = vector.shape_cast %get3A_368 : vector<1x16xf32> to vector<16xf32>
        %swap3A_370 = arith.index_cast %scan3A_178 : i32 to index
        %swap3A_371 = arith.constant 336 : index
        %swap3A_372 = tpu.vector_load %arg12[%swap3A_370, %swap3A_371] {strides = array<i32>} : memref<8x1024xf32, #tpu.memory_space<vmem>>, vector<1x16xf32>,
        %swap3A_373 = vector.shape_cast %swap3A_372 : vector<1x16xf32> to vector<16xf32>
        %swap3A_374 = vector.shape_cast %get3A_369 : vector<16xf32> to vector<1x16xf32>
        tpu.vector_store %arg12[%swap3A_370, %swap3A_371], %swap3A_374 {add = true, strides = array<i32>} : memref<8x1024xf32, #tpu.memory_space<vmem>>, vector<1x16xf32>,
        %get3A_375 = arith.index_cast %scan3A_178 : i32 to index
        %get3A_376 = arith.constant 352 : index
        %get3A_377 = tpu.vector_load %arg16[%get3A_375, %get3A_376] {strides = array<i32>} : memref<8x1024xf32, #tpu.memory_space<vmem>>, vector<1x16xf32>,
        %get3A_378 = vector.shape_cast %get3A_377 : vector<1x16xf32> to vector<16xf32>
        %swap3A_379 = arith.index_cast %scan3A_178 : i32 to index
        %swap3A_380 = arith.constant 352 : index
        %swap3A_381 = tpu.vector_load %arg12[%swap3A_379, %swap3A_380] {strides = array<i32>} : memref<8x1024xf32, #tpu.memory_space<vmem>>, vector<1x16xf32>,
        %swap3A_382 = vector.shape_cast %swap3A_381 : vector<1x16xf32> to vector<16xf32>
        %swap3A_383 = vector.shape_cast %get3A_378 : vector<16xf32> to vector<1x16xf32>
        tpu.vector_store %arg12[%swap3A_379, %swap3A_380], %swap3A_383 {add = true, strides = array<i32>} : memref<8x1024xf32, #tpu.memory_space<vmem>>, vector<1x16xf32>,
        %get3A_384 = arith.index_cast %scan3A_178 : i32 to index
        %get3A_385 = arith.constant 368 : index
        %get3A_386 = tpu.vector_load %arg16[%get3A_384, %get3A_385] {strides = array<i32>} : memref<8x1024xf32, #tpu.memory_space<vmem>>, vector<1x16xf32>,
        %get3A_387 = vector.shape_cast %get3A_386 : vector<1x16xf32> to vector<16xf32>
        %swap3A_388 = arith.index_cast %scan3A_178 : i32 to index
        %swap3A_389 = arith.constant 368 : index
        %swap3A_390 = tpu.vector_load %arg12[%swap3A_388, %swap3A_389] {strides = array<i32>} : memref<8x1024xf32, #tpu.memory_space<vmem>>, vector<1x16xf32>,
        %swap3A_391 = vector.shape_cast %swap3A_390 : vector<1x16xf32> to vector<16xf32>
        %swap3A_392 = vector.shape_cast %get3A_387 : vector<16xf32> to vector<1x16xf32>
        tpu.vector_store %arg12[%swap3A_388, %swap3A_389], %swap3A_392 {add = true, strides = array<i32>} : memref<8x1024xf32, #tpu.memory_space<vmem>>, vector<1x16xf32>,
        %get3A_393 = arith.index_cast %scan3A_178 : i32 to index
        %get3A_394 = arith.constant 384 : index
        %get3A_395 = tpu.vector_load %arg16[%get3A_393, %get3A_394] {strides = array<i32>} : memref<8x1024xf32, #tpu.memory_space<vmem>>, vector<1x16xf32>,
        %get3A_396 = vector.shape_cast %get3A_395 : vector<1x16xf32> to vector<16xf32>
        %swap3A_397 = arith.index_cast %scan3A_178 : i32 to index
        %swap3A_398 = arith.constant 384 : index
        %swap3A_399 = tpu.vector_load %arg12[%swap3A_397, %swap3A_398] {strides = array<i32>} : memref<8x1024xf32, #tpu.memory_space<vmem>>, vector<1x16xf32>,
        %swap3A_400 = vector.shape_cast %swap3A_399 : vector<1x16xf32> to vector<16xf32>
        %swap3A_401 = vector.shape_cast %get3A_396 : vector<16xf32> to vector<1x16xf32>
        tpu.vector_store %arg12[%swap3A_397, %swap3A_398], %swap3A_401 {add = true, strides = array<i32>} : memref<8x1024xf32, #tpu.memory_space<vmem>>, vector<1x16xf32>,
        %get3A_402 = arith.index_cast %scan3A_178 : i32 to index
        %get3A_403 = arith.constant 400 : index
        %get3A_404 = tpu.vector_load %arg16[%get3A_402, %get3A_403] {strides = array<i32>} : memref<8x1024xf32, #tpu.memory_space<vmem>>, vector<1x16xf32>,
        %get3A_405 = vector.shape_cast %get3A_404 : vector<1x16xf32> to vector<16xf32>
        %swap3A_406 = arith.index_cast %scan3A_178 : i32 to index
        %swap3A_407 = arith.constant 400 : index
        %swap3A_408 = tpu.vector_load %arg12[%swap3A_406, %swap3A_407] {strides = array<i32>} : memref<8x1024xf32, #tpu.memory_space<vmem>>, vector<1x16xf32>,
        %swap3A_409 = vector.shape_cast %swap3A_408 : vector<1x16xf32> to vector<16xf32>
        %swap3A_410 = vector.shape_cast %get3A_405 : vector<16xf32> to vector<1x16xf32>
        tpu.vector_store %arg12[%swap3A_406, %swap3A_407], %swap3A_410 {add = true, strides = array<i32>} : memref<8x1024xf32, #tpu.memory_space<vmem>>, vector<1x16xf32>,
        %get3A_411 = arith.index_cast %scan3A_178 : i32 to index
        %get3A_412 = arith.constant 416 : index
        %get3A_413 = tpu.vector_load %arg16[%get3A_411, %get3A_412] {strides = array<i32>} : memref<8x1024xf32, #tpu.memory_space<vmem>>, vector<1x16xf32>,
        %get3A_414 = vector.shape_cast %get3A_413 : vector<1x16xf32> to vector<16xf32>
        %swap3A_415 = arith.index_cast %scan3A_178 : i32 to index
        %swap3A_416 = arith.constant 416 : index
        %swap3A_417 = tpu.vector_load %arg12[%swap3A_415, %swap3A_416] {strides = array<i32>} : memref<8x1024xf32, #tpu.memory_space<vmem>>, vector<1x16xf32>,
        %swap3A_418 = vector.shape_cast %swap3A_417 : vector<1x16xf32> to vector<16xf32>
        %swap3A_419 = vector.shape_cast %get3A_414 : vector<16xf32> to vector<1x16xf32>
        tpu.vector_store %arg12[%swap3A_415, %swap3A_416], %swap3A_419 {add = true, strides = array<i32>} : memref<8x1024xf32, #tpu.memory_space<vmem>>, vector<1x16xf32>,
        %get3A_420 = arith.index_cast %scan3A_178 : i32 to index
        %get3A_421 = arith.constant 432 : index
        %get3A_422 = tpu.vector_load %arg16[%get3A_420, %get3A_421] {strides = array<i32>} : memref<8x1024xf32, #tpu.memory_space<vmem>>, vector<1x16xf32>,
        %get3A_423 = vector.shape_cast %get3A_422 : vector<1x16xf32> to vector<16xf32>
        %swap3A_424 = arith.index_cast %scan3A_178 : i32 to index
        %swap3A_425 = arith.constant 432 : index
        %swap3A_426 = tpu.vector_load %arg12[%swap3A_424, %swap3A_425] {strides = array<i32>} : memref<8x1024xf32, #tpu.memory_space<vmem>>, vector<1x16xf32>,
        %swap3A_427 = vector.shape_cast %swap3A_426 : vector<1x16xf32> to vector<16xf32>
        %swap3A_428 = vector.shape_cast %get3A_423 : vector<16xf32> to vector<1x16xf32>
        tpu.vector_store %arg12[%swap3A_424, %swap3A_425], %swap3A_428 {add = true, strides = array<i32>} : memref<8x1024xf32, #tpu.memory_space<vmem>>, vector<1x16xf32>,
        %get3A_429 = arith.index_cast %scan3A_178 : i32 to index
        %get3A_430 = arith.constant 448 : index
        %get3A_431 = tpu.vector_load %arg16[%get3A_429, %get3A_430] {strides = array<i32>} : memref<8x1024xf32, #tpu.memory_space<vmem>>, vector<1x16xf32>,
        %get3A_432 = vector.shape_cast %get3A_431 : vector<1x16xf32> to vector<16xf32>
        %swap3A_433 = arith.index_cast %scan3A_178 : i32 to index
        %swap3A_434 = arith.constant 448 : index
        %swap3A_435 = tpu.vector_load %arg12[%swap3A_433, %swap3A_434] {strides = array<i32>} : memref<8x1024xf32, #tpu.memory_space<vmem>>, vector<1x16xf32>,
        %swap3A_436 = vector.shape_cast %swap3A_435 : vector<1x16xf32> to vector<16xf32>
        %swap3A_437 = vector.shape_cast %get3A_432 : vector<16xf32> to vector<1x16xf32>
        tpu.vector_store %arg12[%swap3A_433, %swap3A_434], %swap3A_437 {add = true, strides = array<i32>} : memref<8x1024xf32, #tpu.memory_space<vmem>>, vector<1x16xf32>,
        %get3A_438 = arith.index_cast %scan3A_178 : i32 to index
        %get3A_439 = arith.constant 464 : index
        %get3A_440 = tpu.vector_load %arg16[%get3A_438, %get3A_439] {strides = array<i32>} : memref<8x1024xf32, #tpu.memory_space<vmem>>, vector<1x16xf32>,
        %get3A_441 = vector.shape_cast %get3A_440 : vector<1x16xf32> to vector<16xf32>
        %swap3A_442 = arith.index_cast %scan3A_178 : i32 to index
        %swap3A_443 = arith.constant 464 : index
        %swap3A_444 = tpu.vector_load %arg12[%swap3A_442, %swap3A_443] {strides = array<i32>} : memref<8x1024xf32, #tpu.memory_space<vmem>>, vector<1x16xf32>,
        %swap3A_445 = vector.shape_cast %swap3A_444 : vector<1x16xf32> to vector<16xf32>
        %swap3A_446 = vector.shape_cast %get3A_441 : vector<16xf32> to vector<1x16xf32>
        tpu.vector_store %arg12[%swap3A_442, %swap3A_443], %swap3A_446 {add = true, strides = array<i32>} : memref<8x1024xf32, #tpu.memory_space<vmem>>, vector<1x16xf32>,
        %get3A_447 = arith.index_cast %scan3A_178 : i32 to index
        %get3A_448 = arith.constant 480 : index
        %get3A_449 = tpu.vector_load %arg16[%get3A_447, %get3A_448] {strides = array<i32>} : memref<8x1024xf32, #tpu.memory_space<vmem>>, vector<1x16xf32>,
        %get3A_450 = vector.shape_cast %get3A_449 : vector<1x16xf32> to vector<16xf32>
        %swap3A_451 = arith.index_cast %scan3A_178 : i32 to index
        %swap3A_452 = arith.constant 480 : index
        %swap3A_453 = tpu.vector_load %arg12[%swap3A_451, %swap3A_452] {strides = array<i32>} : memref<8x1024xf32, #tpu.memory_space<vmem>>, vector<1x16xf32>,
        %swap3A_454 = vector.shape_cast %swap3A_453 : vector<1x16xf32> to vector<16xf32>
        %swap3A_455 = vector.shape_cast %get3A_450 : vector<16xf32> to vector<1x16xf32>
        tpu.vector_store %arg12[%swap3A_451, %swap3A_452], %swap3A_455 {add = true, strides = array<i32>} : memref<8x1024xf32, #tpu.memory_space<vmem>>, vector<1x16xf32>,
        %get3A_456 = arith.index_cast %scan3A_178 : i32 to index
        %get3A_457 = arith.constant 496 : index
        %get3A_458 = tpu.vector_load %arg16[%get3A_456, %get3A_457] {strides = array<i32>} : memref<8x1024xf32, #tpu.memory_space<vmem>>, vector<1x16xf32>,
        %get3A_459 = vector.shape_cast %get3A_458 : vector<1x16xf32> to vector<16xf32>
        %swap3A_460 = arith.index_cast %scan3A_178 : i32 to index
        %swap3A_461 = arith.constant 496 : index
        %swap3A_462 = tpu.vector_load %arg12[%swap3A_460, %swap3A_461] {strides = array<i32>} : memref<8x1024xf32, #tpu.memory_space<vmem>>, vector<1x16xf32>,
        %swap3A_463 = vector.shape_cast %swap3A_462 : vector<1x16xf32> to vector<16xf32>
        %swap3A_464 = vector.shape_cast %get3A_459 : vector<16xf32> to vector<1x16xf32>
        tpu.vector_store %arg12[%swap3A_460, %swap3A_461], %swap3A_464 {add = true, strides = array<i32>} : memref<8x1024xf32, #tpu.memory_space<vmem>>, vector<1x16xf32>,
        %get3A_465 = arith.index_cast %scan3A_178 : i32 to index
        %get3A_466 = arith.constant 512 : index
        %get3A_467 = tpu.vector_load %arg16[%get3A_465, %get3A_466] {strides = array<i32>} : memref<8x1024xf32, #tpu.memory_space<vmem>>, vector<1x16xf32>,
        %get3A_468 = vector.shape_cast %get3A_467 : vector<1x16xf32> to vector<16xf32>
        %swap3A_469 = arith.index_cast %scan3A_178 : i32 to index
        %swap3A_470 = arith.constant 512 : index
        %swap3A_471 = tpu.vector_load %arg12[%swap3A_469, %swap3A_470] {strides = array<i32>} : memref<8x1024xf32, #tpu.memory_space<vmem>>, vector<1x16xf32>,
        %swap3A_472 = vector.shape_cast %swap3A_471 : vector<1x16xf32> to vector<16xf32>
        %swap3A_473 = vector.shape_cast %get3A_468 : vector<16xf32> to vector<1x16xf32>
        tpu.vector_store %arg12[%swap3A_469, %swap3A_470], %swap3A_473 {add = true, strides = array<i32>} : memref<8x1024xf32, #tpu.memory_space<vmem>>, vector<1x16xf32>,
        %get3A_474 = arith.index_cast %scan3A_178 : i32 to index
        %get3A_475 = arith.constant 528 : index
        %get3A_476 = tpu.vector_load %arg16[%get3A_474, %get3A_475] {strides = array<i32>} : memref<8x1024xf32, #tpu.memory_space<vmem>>, vector<1x16xf32>,
        %get3A_477 = vector.shape_cast %get3A_476 : vector<1x16xf32> to vector<16xf32>
        %swap3A_478 = arith.index_cast %scan3A_178 : i32 to index
        %swap3A_479 = arith.constant 528 : index
        %swap3A_480 = tpu.vector_load %arg12[%swap3A_478, %swap3A_479] {strides = array<i32>} : memref<8x1024xf32, #tpu.memory_space<vmem>>, vector<1x16xf32>,
        %swap3A_481 = vector.shape_cast %swap3A_480 : vector<1x16xf32> to vector<16xf32>
        %swap3A_482 = vector.shape_cast %get3A_477 : vector<16xf32> to vector<1x16xf32>
        tpu.vector_store %arg12[%swap3A_478, %swap3A_479], %swap3A_482 {add = true, strides = array<i32>} : memref<8x1024xf32, #tpu.memory_space<vmem>>, vector<1x16xf32>,
        %get3A_483 = arith.index_cast %scan3A_178 : i32 to index
        %get3A_484 = arith.constant 544 : index
        %get3A_485 = tpu.vector_load %arg16[%get3A_483, %get3A_484] {strides = array<i32>} : memref<8x1024xf32, #tpu.memory_space<vmem>>, vector<1x16xf32>,
        %get3A_486 = vector.shape_cast %get3A_485 : vector<1x16xf32> to vector<16xf32>
        %swap3A_487 = arith.index_cast %scan3A_178 : i32 to index
        %swap3A_488 = arith.constant 544 : index
        %swap3A_489 = tpu.vector_load %arg12[%swap3A_487, %swap3A_488] {strides = array<i32>} : memref<8x1024xf32, #tpu.memory_space<vmem>>, vector<1x16xf32>,
        %swap3A_490 = vector.shape_cast %swap3A_489 : vector<1x16xf32> to vector<16xf32>
        %swap3A_491 = vector.shape_cast %get3A_486 : vector<16xf32> to vector<1x16xf32>
        tpu.vector_store %arg12[%swap3A_487, %swap3A_488], %swap3A_491 {add = true, strides = array<i32>} : memref<8x1024xf32, #tpu.memory_space<vmem>>, vector<1x16xf32>,
        %get3A_492 = arith.index_cast %scan3A_178 : i32 to index
        %get3A_493 = arith.constant 560 : index
        %get3A_494 = tpu.vector_load %arg16[%get3A_492, %get3A_493] {strides = array<i32>} : memref<8x1024xf32, #tpu.memory_space<vmem>>, vector<1x16xf32>,
        %get3A_495 = vector.shape_cast %get3A_494 : vector<1x16xf32> to vector<16xf32>
        %swap3A_496 = arith.index_cast %scan3A_178 : i32 to index
        %swap3A_497 = arith.constant 560 : index
        %swap3A_498 = tpu.vector_load %arg12[%swap3A_496, %swap3A_497] {strides = array<i32>} : memref<8x1024xf32, #tpu.memory_space<vmem>>, vector<1x16xf32>,
        %swap3A_499 = vector.shape_cast %swap3A_498 : vector<1x16xf32> to vector<16xf32>
        %swap3A_500 = vector.shape_cast %get3A_495 : vector<16xf32> to vector<1x16xf32>
        tpu.vector_store %arg12[%swap3A_496, %swap3A_497], %swap3A_500 {add = true, strides = array<i32>} : memref<8x1024xf32, #tpu.memory_space<vmem>>, vector<1x16xf32>,
        %get3A_501 = arith.index_cast %scan3A_178 : i32 to index
        %get3A_502 = arith.constant 576 : index
        %get3A_503 = tpu.vector_load %arg16[%get3A_501, %get3A_502] {strides = array<i32>} : memref<8x1024xf32, #tpu.memory_space<vmem>>, vector<1x16xf32>,
        %get3A_504 = vector.shape_cast %get3A_503 : vector<1x16xf32> to vector<16xf32>
        %swap3A_505 = arith.index_cast %scan3A_178 : i32 to index
        %swap3A_506 = arith.constant 576 : index
        %swap3A_507 = tpu.vector_load %arg12[%swap3A_505, %swap3A_506] {strides = array<i32>} : memref<8x1024xf32, #tpu.memory_space<vmem>>, vector<1x16xf32>,
        %swap3A_508 = vector.shape_cast %swap3A_507 : vector<1x16xf32> to vector<16xf32>
        %swap3A_509 = vector.shape_cast %get3A_504 : vector<16xf32> to vector<1x16xf32>
        tpu.vector_store %arg12[%swap3A_505, %swap3A_506], %swap3A_509 {add = true, strides = array<i32>} : memref<8x1024xf32, #tpu.memory_space<vmem>>, vector<1x16xf32>,
        %get3A_510 = arith.index_cast %scan3A_178 : i32 to index
        %get3A_511 = arith.constant 592 : index
        %get3A_512 = tpu.vector_load %arg16[%get3A_510, %get3A_511] {strides = array<i32>} : memref<8x1024xf32, #tpu.memory_space<vmem>>, vector<1x16xf32>,
        %get3A_513 = vector.shape_cast %get3A_512 : vector<1x16xf32> to vector<16xf32>
        %swap3A_514 = arith.index_cast %scan3A_178 : i32 to index
        %swap3A_515 = arith.constant 592 : index
        %swap3A_516 = tpu.vector_load %arg12[%swap3A_514, %swap3A_515] {strides = array<i32>} : memref<8x1024xf32, #tpu.memory_space<vmem>>, vector<1x16xf32>,
        %swap3A_517 = vector.shape_cast %swap3A_516 : vector<1x16xf32> to vector<16xf32>
        %swap3A_518 = vector.shape_cast %get3A_513 : vector<16xf32> to vector<1x16xf32>
        tpu.vector_store %arg12[%swap3A_514, %swap3A_515], %swap3A_518 {add = true, strides = array<i32>} : memref<8x1024xf32, #tpu.memory_space<vmem>>, vector<1x16xf32>,
        %get3A_519 = arith.index_cast %scan3A_178 : i32 to index
        %get3A_520 = arith.constant 608 : index
        %get3A_521 = tpu.vector_load %arg16[%get3A_519, %get3A_520] {strides = array<i32>} : memref<8x1024xf32, #tpu.memory_space<vmem>>, vector<1x16xf32>,
        %get3A_522 = vector.shape_cast %get3A_521 : vector<1x16xf32> to vector<16xf32>
        %swap3A_523 = arith.index_cast %scan3A_178 : i32 to index
        %swap3A_524 = arith.constant 608 : index
        %swap3A_525 = tpu.vector_load %arg12[%swap3A_523, %swap3A_524] {strides = array<i32>} : memref<8x1024xf32, #tpu.memory_space<vmem>>, vector<1x16xf32>,
        %swap3A_526 = vector.shape_cast %swap3A_525 : vector<1x16xf32> to vector<16xf32>
        %swap3A_527 = vector.shape_cast %get3A_522 : vector<16xf32> to vector<1x16xf32>
        tpu.vector_store %arg12[%swap3A_523, %swap3A_524], %swap3A_527 {add = true, strides = array<i32>} : memref<8x1024xf32, #tpu.memory_space<vmem>>, vector<1x16xf32>,
        %get3A_528 = arith.index_cast %scan3A_178 : i32 to index
        %get3A_529 = arith.constant 624 : index
        %get3A_530 = tpu.vector_load %arg16[%get3A_528, %get3A_529] {strides = array<i32>} : memref<8x1024xf32, #tpu.memory_space<vmem>>, vector<1x16xf32>,
        %get3A_531 = vector.shape_cast %get3A_530 : vector<1x16xf32> to vector<16xf32>
        %swap3A_532 = arith.index_cast %scan3A_178 : i32 to index
        %swap3A_533 = arith.constant 624 : index
        %swap3A_534 = tpu.vector_load %arg12[%swap3A_532, %swap3A_533] {strides = array<i32>} : memref<8x1024xf32, #tpu.memory_space<vmem>>, vector<1x16xf32>,
        %swap3A_535 = vector.shape_cast %swap3A_534 : vector<1x16xf32> to vector<16xf32>
        %swap3A_536 = vector.shape_cast %get3A_531 : vector<16xf32> to vector<1x16xf32>
        tpu.vector_store %arg12[%swap3A_532, %swap3A_533], %swap3A_536 {add = true, strides = array<i32>} : memref<8x1024xf32, #tpu.memory_space<vmem>>, vector<1x16xf32>,
        %get3A_537 = arith.index_cast %scan3A_178 : i32 to index
        %get3A_538 = arith.constant 640 : index
        %get3A_539 = tpu.vector_load %arg16[%get3A_537, %get3A_538] {strides = array<i32>} : memref<8x1024xf32, #tpu.memory_space<vmem>>, vector<1x16xf32>,
        %get3A_540 = vector.shape_cast %get3A_539 : vector<1x16xf32> to vector<16xf32>
        %swap3A_541 = arith.index_cast %scan3A_178 : i32 to index
        %swap3A_542 = arith.constant 640 : index
        %swap3A_543 = tpu.vector_load %arg12[%swap3A_541, %swap3A_542] {strides = array<i32>} : memref<8x1024xf32, #tpu.memory_space<vmem>>, vector<1x16xf32>,
        %swap3A_544 = vector.shape_cast %swap3A_543 : vector<1x16xf32> to vector<16xf32>
        %swap3A_545 = vector.shape_cast %get3A_540 : vector<16xf32> to vector<1x16xf32>
        tpu.vector_store %arg12[%swap3A_541, %swap3A_542], %swap3A_545 {add = true, strides = array<i32>} : memref<8x1024xf32, #tpu.memory_space<vmem>>, vector<1x16xf32>,
        %get3A_546 = arith.index_cast %scan3A_178 : i32 to index
        %get3A_547 = arith.constant 656 : index
        %get3A_548 = tpu.vector_load %arg16[%get3A_546, %get3A_547] {strides = array<i32>} : memref<8x1024xf32, #tpu.memory_space<vmem>>, vector<1x16xf32>,
        %get3A_549 = vector.shape_cast %get3A_548 : vector<1x16xf32> to vector<16xf32>
        %swap3A_550 = arith.index_cast %scan3A_178 : i32 to index
        %swap3A_551 = arith.constant 656 : index
        %swap3A_552 = tpu.vector_load %arg12[%swap3A_550, %swap3A_551] {strides = array<i32>} : memref<8x1024xf32, #tpu.memory_space<vmem>>, vector<1x16xf32>,
        %swap3A_553 = vector.shape_cast %swap3A_552 : vector<1x16xf32> to vector<16xf32>
        %swap3A_554 = vector.shape_cast %get3A_549 : vector<16xf32> to vector<1x16xf32>
        tpu.vector_store %arg12[%swap3A_550, %swap3A_551], %swap3A_554 {add = true, strides = array<i32>} : memref<8x1024xf32, #tpu.memory_space<vmem>>, vector<1x16xf32>,
        %get3A_555 = arith.index_cast %scan3A_178 : i32 to index
        %get3A_556 = arith.constant 672 : index
        %get3A_557 = tpu.vector_load %arg16[%get3A_555, %get3A_556] {strides = array<i32>} : memref<8x1024xf32, #tpu.memory_space<vmem>>, vector<1x16xf32>,
        %get3A_558 = vector.shape_cast %get3A_557 : vector<1x16xf32> to vector<16xf32>
        %swap3A_559 = arith.index_cast %scan3A_178 : i32 to index
        %swap3A_560 = arith.constant 672 : index
        %swap3A_561 = tpu.vector_load %arg12[%swap3A_559, %swap3A_560] {strides = array<i32>} : memref<8x1024xf32, #tpu.memory_space<vmem>>, vector<1x16xf32>,
        %swap3A_562 = vector.shape_cast %swap3A_561 : vector<1x16xf32> to vector<16xf32>
        %swap3A_563 = vector.shape_cast %get3A_558 : vector<16xf32> to vector<1x16xf32>
        tpu.vector_store %arg12[%swap3A_559, %swap3A_560], %swap3A_563 {add = true, strides = array<i32>} : memref<8x1024xf32, #tpu.memory_space<vmem>>, vector<1x16xf32>,
        %get3A_564 = arith.index_cast %scan3A_178 : i32 to index
        %get3A_565 = arith.constant 688 : index
        %get3A_566 = tpu.vector_load %arg16[%get3A_564, %get3A_565] {strides = array<i32>} : memref<8x1024xf32, #tpu.memory_space<vmem>>, vector<1x16xf32>,
        %get3A_567 = vector.shape_cast %get3A_566 : vector<1x16xf32> to vector<16xf32>
        %swap3A_568 = arith.index_cast %scan3A_178 : i32 to index
        %swap3A_569 = arith.constant 688 : index
        %swap3A_570 = tpu.vector_load %arg12[%swap3A_568, %swap3A_569] {strides = array<i32>} : memref<8x1024xf32, #tpu.memory_space<vmem>>, vector<1x16xf32>,
        %swap3A_571 = vector.shape_cast %swap3A_570 : vector<1x16xf32> to vector<16xf32>
        %swap3A_572 = vector.shape_cast %get3A_567 : vector<16xf32> to vector<1x16xf32>
        tpu.vector_store %arg12[%swap3A_568, %swap3A_569], %swap3A_572 {add = true, strides = array<i32>} : memref<8x1024xf32, #tpu.memory_space<vmem>>, vector<1x16xf32>,
        %get3A_573 = arith.index_cast %scan3A_178 : i32 to index
        %get3A_574 = arith.constant 704 : index
        %get3A_575 = tpu.vector_load %arg16[%get3A_573, %get3A_574] {strides = array<i32>} : memref<8x1024xf32, #tpu.memory_space<vmem>>, vector<1x16xf32>,
        %get3A_576 = vector.shape_cast %get3A_575 : vector<1x16xf32> to vector<16xf32>
        %swap3A_577 = arith.index_cast %scan3A_178 : i32 to index
        %swap3A_578 = arith.constant 704 : index
        %swap3A_579 = tpu.vector_load %arg12[%swap3A_577, %swap3A_578] {strides = array<i32>} : memref<8x1024xf32, #tpu.memory_space<vmem>>, vector<1x16xf32>,
        %swap3A_580 = vector.shape_cast %swap3A_579 : vector<1x16xf32> to vector<16xf32>
        %swap3A_581 = vector.shape_cast %get3A_576 : vector<16xf32> to vector<1x16xf32>
        tpu.vector_store %arg12[%swap3A_577, %swap3A_578], %swap3A_581 {add = true, strides = array<i32>} : memref<8x1024xf32, #tpu.memory_space<vmem>>, vector<1x16xf32>,
        %get3A_582 = arith.index_cast %scan3A_178 : i32 to index
        %get3A_583 = arith.constant 720 : index
        %get3A_584 = tpu.vector_load %arg16[%get3A_582, %get3A_583] {strides = array<i32>} : memref<8x1024xf32, #tpu.memory_space<vmem>>, vector<1x16xf32>,
        %get3A_585 = vector.shape_cast %get3A_584 : vector<1x16xf32> to vector<16xf32>
        %swap3A_586 = arith.index_cast %scan3A_178 : i32 to index
        %swap3A_587 = arith.constant 720 : index
        %swap3A_588 = tpu.vector_load %arg12[%swap3A_586, %swap3A_587] {strides = array<i32>} : memref<8x1024xf32, #tpu.memory_space<vmem>>, vector<1x16xf32>,
        %swap3A_589 = vector.shape_cast %swap3A_588 : vector<1x16xf32> to vector<16xf32>
        %swap3A_590 = vector.shape_cast %get3A_585 : vector<16xf32> to vector<1x16xf32>
        tpu.vector_store %arg12[%swap3A_586, %swap3A_587], %swap3A_590 {add = true, strides = array<i32>} : memref<8x1024xf32, #tpu.memory_space<vmem>>, vector<1x16xf32>,
        %get3A_591 = arith.index_cast %scan3A_178 : i32 to index
        %get3A_592 = arith.constant 736 : index
        %get3A_593 = tpu.vector_load %arg16[%get3A_591, %get3A_592] {strides = array<i32>} : memref<8x1024xf32, #tpu.memory_space<vmem>>, vector<1x16xf32>,
        %get3A_594 = vector.shape_cast %get3A_593 : vector<1x16xf32> to vector<16xf32>
        %swap3A_595 = arith.index_cast %scan3A_178 : i32 to index
        %swap3A_596 = arith.constant 736 : index
        %swap3A_597 = tpu.vector_load %arg12[%swap3A_595, %swap3A_596] {strides = array<i32>} : memref<8x1024xf32, #tpu.memory_space<vmem>>, vector<1x16xf32>,
        %swap3A_598 = vector.shape_cast %swap3A_597 : vector<1x16xf32> to vector<16xf32>
        %swap3A_599 = vector.shape_cast %get3A_594 : vector<16xf32> to vector<1x16xf32>
        tpu.vector_store %arg12[%swap3A_595, %swap3A_596], %swap3A_599 {add = true, strides = array<i32>} : memref<8x1024xf32, #tpu.memory_space<vmem>>, vector<1x16xf32>,
        %get3A_600 = arith.index_cast %scan3A_178 : i32 to index
        %get3A_601 = arith.constant 752 : index
        %get3A_602 = tpu.vector_load %arg16[%get3A_600, %get3A_601] {strides = array<i32>} : memref<8x1024xf32, #tpu.memory_space<vmem>>, vector<1x16xf32>,
        %get3A_603 = vector.shape_cast %get3A_602 : vector<1x16xf32> to vector<16xf32>
        %swap3A_604 = arith.index_cast %scan3A_178 : i32 to index
        %swap3A_605 = arith.constant 752 : index
        %swap3A_606 = tpu.vector_load %arg12[%swap3A_604, %swap3A_605] {strides = array<i32>} : memref<8x1024xf32, #tpu.memory_space<vmem>>, vector<1x16xf32>,
        %swap3A_607 = vector.shape_cast %swap3A_606 : vector<1x16xf32> to vector<16xf32>
        %swap3A_608 = vector.shape_cast %get3A_603 : vector<16xf32> to vector<1x16xf32>
        tpu.vector_store %arg12[%swap3A_604, %swap3A_605], %swap3A_608 {add = true, strides = array<i32>} : memref<8x1024xf32, #tpu.memory_space<vmem>>, vector<1x16xf32>,
        %get3A_609 = arith.index_cast %scan3A_178 : i32 to index
        %get3A_610 = arith.constant 768 : index
        %get3A_611 = tpu.vector_load %arg16[%get3A_609, %get3A_610] {strides = array<i32>} : memref<8x1024xf32, #tpu.memory_space<vmem>>, vector<1x16xf32>,
        %get3A_612 = vector.shape_cast %get3A_611 : vector<1x16xf32> to vector<16xf32>
        %swap3A_613 = arith.index_cast %scan3A_178 : i32 to index
        %swap3A_614 = arith.constant 768 : index
        %swap3A_615 = tpu.vector_load %arg12[%swap3A_613, %swap3A_614] {strides = array<i32>} : memref<8x1024xf32, #tpu.memory_space<vmem>>, vector<1x16xf32>,
        %swap3A_616 = vector.shape_cast %swap3A_615 : vector<1x16xf32> to vector<16xf32>
        %swap3A_617 = vector.shape_cast %get3A_612 : vector<16xf32> to vector<1x16xf32>
        tpu.vector_store %arg12[%swap3A_613, %swap3A_614], %swap3A_617 {add = true, strides = array<i32>} : memref<8x1024xf32, #tpu.memory_space<vmem>>, vector<1x16xf32>,
        %get3A_618 = arith.index_cast %scan3A_178 : i32 to index
        %get3A_619 = arith.constant 784 : index
        %get3A_620 = tpu.vector_load %arg16[%get3A_618, %get3A_619] {strides = array<i32>} : memref<8x1024xf32, #tpu.memory_space<vmem>>, vector<1x16xf32>,
        %get3A_621 = vector.shape_cast %get3A_620 : vector<1x16xf32> to vector<16xf32>
        %swap3A_622 = arith.index_cast %scan3A_178 : i32 to index
        %swap3A_623 = arith.constant 784 : index
        %swap3A_624 = tpu.vector_load %arg12[%swap3A_622, %swap3A_623] {strides = array<i32>} : memref<8x1024xf32, #tpu.memory_space<vmem>>, vector<1x16xf32>,
        %swap3A_625 = vector.shape_cast %swap3A_624 : vector<1x16xf32> to vector<16xf32>
        %swap3A_626 = vector.shape_cast %get3A_621 : vector<16xf32> to vector<1x16xf32>
        tpu.vector_store %arg12[%swap3A_622, %swap3A_623], %swap3A_626 {add = true, strides = array<i32>} : memref<8x1024xf32, #tpu.memory_space<vmem>>, vector<1x16xf32>,
        %get3A_627 = arith.index_cast %scan3A_178 : i32 to index
        %get3A_628 = arith.constant 800 : index
        %get3A_629 = tpu.vector_load %arg16[%get3A_627, %get3A_628] {strides = array<i32>} : memref<8x1024xf32, #tpu.memory_space<vmem>>, vector<1x16xf32>,
        %get3A_630 = vector.shape_cast %get3A_629 : vector<1x16xf32> to vector<16xf32>
        %swap3A_631 = arith.index_cast %scan3A_178 : i32 to index
        %swap3A_632 = arith.constant 800 : index
        %swap3A_633 = tpu.vector_load %arg12[%swap3A_631, %swap3A_632] {strides = array<i32>} : memref<8x1024xf32, #tpu.memory_space<vmem>>, vector<1x16xf32>,
        %swap3A_634 = vector.shape_cast %swap3A_633 : vector<1x16xf32> to vector<16xf32>
        %swap3A_635 = vector.shape_cast %get3A_630 : vector<16xf32> to vector<1x16xf32>
        tpu.vector_store %arg12[%swap3A_631, %swap3A_632], %swap3A_635 {add = true, strides = array<i32>} : memref<8x1024xf32, #tpu.memory_space<vmem>>, vector<1x16xf32>,
        %get3A_636 = arith.index_cast %scan3A_178 : i32 to index
        %get3A_637 = arith.constant 816 : index
        %get3A_638 = tpu.vector_load %arg16[%get3A_636, %get3A_637] {strides = array<i32>} : memref<8x1024xf32, #tpu.memory_space<vmem>>, vector<1x16xf32>,
        %get3A_639 = vector.shape_cast %get3A_638 : vector<1x16xf32> to vector<16xf32>
        %swap3A_640 = arith.index_cast %scan3A_178 : i32 to index
        %swap3A_641 = arith.constant 816 : index
        %swap3A_642 = tpu.vector_load %arg12[%swap3A_640, %swap3A_641] {strides = array<i32>} : memref<8x1024xf32, #tpu.memory_space<vmem>>, vector<1x16xf32>,
        %swap3A_643 = vector.shape_cast %swap3A_642 : vector<1x16xf32> to vector<16xf32>
        %swap3A_644 = vector.shape_cast %get3A_639 : vector<16xf32> to vector<1x16xf32>
        tpu.vector_store %arg12[%swap3A_640, %swap3A_641], %swap3A_644 {add = true, strides = array<i32>} : memref<8x1024xf32, #tpu.memory_space<vmem>>, vector<1x16xf32>,
        %get3A_645 = arith.index_cast %scan3A_178 : i32 to index
        %get3A_646 = arith.constant 832 : index
        %get3A_647 = tpu.vector_load %arg16[%get3A_645, %get3A_646] {strides = array<i32>} : memref<8x1024xf32, #tpu.memory_space<vmem>>, vector<1x16xf32>,
        %get3A_648 = vector.shape_cast %get3A_647 : vector<1x16xf32> to vector<16xf32>
        %swap3A_649 = arith.index_cast %scan3A_178 : i32 to index
        %swap3A_650 = arith.constant 832 : index
        %swap3A_651 = tpu.vector_load %arg12[%swap3A_649, %swap3A_650] {strides = array<i32>} : memref<8x1024xf32, #tpu.memory_space<vmem>>, vector<1x16xf32>,
        %swap3A_652 = vector.shape_cast %swap3A_651 : vector<1x16xf32> to vector<16xf32>
        %swap3A_653 = vector.shape_cast %get3A_648 : vector<16xf32> to vector<1x16xf32>
        tpu.vector_store %arg12[%swap3A_649, %swap3A_650], %swap3A_653 {add = true, strides = array<i32>} : memref<8x1024xf32, #tpu.memory_space<vmem>>, vector<1x16xf32>,
        %get3A_654 = arith.index_cast %scan3A_178 : i32 to index
        %get3A_655 = arith.constant 848 : index
        %get3A_656 = tpu.vector_load %arg16[%get3A_654, %get3A_655] {strides = array<i32>} : memref<8x1024xf32, #tpu.memory_space<vmem>>, vector<1x16xf32>,
        %get3A_657 = vector.shape_cast %get3A_656 : vector<1x16xf32> to vector<16xf32>
        %swap3A_658 = arith.index_cast %scan3A_178 : i32 to index
        %swap3A_659 = arith.constant 848 : index
        %swap3A_660 = tpu.vector_load %arg12[%swap3A_658, %swap3A_659] {strides = array<i32>} : memref<8x1024xf32, #tpu.memory_space<vmem>>, vector<1x16xf32>,
        %swap3A_661 = vector.shape_cast %swap3A_660 : vector<1x16xf32> to vector<16xf32>
        %swap3A_662 = vector.shape_cast %get3A_657 : vector<16xf32> to vector<1x16xf32>
        tpu.vector_store %arg12[%swap3A_658, %swap3A_659], %swap3A_662 {add = true, strides = array<i32>} : memref<8x1024xf32, #tpu.memory_space<vmem>>, vector<1x16xf32>,
        %get3A_663 = arith.index_cast %scan3A_178 : i32 to index
        %get3A_664 = arith.constant 864 : index
        %get3A_665 = tpu.vector_load %arg16[%get3A_663, %get3A_664] {strides = array<i32>} : memref<8x1024xf32, #tpu.memory_space<vmem>>, vector<1x16xf32>,
        %get3A_666 = vector.shape_cast %get3A_665 : vector<1x16xf32> to vector<16xf32>
        %swap3A_667 = arith.index_cast %scan3A_178 : i32 to index
        %swap3A_668 = arith.constant 864 : index
        %swap3A_669 = tpu.vector_load %arg12[%swap3A_667, %swap3A_668] {strides = array<i32>} : memref<8x1024xf32, #tpu.memory_space<vmem>>, vector<1x16xf32>,
        %swap3A_670 = vector.shape_cast %swap3A_669 : vector<1x16xf32> to vector<16xf32>
        %swap3A_671 = vector.shape_cast %get3A_666 : vector<16xf32> to vector<1x16xf32>
        tpu.vector_store %arg12[%swap3A_667, %swap3A_668], %swap3A_671 {add = true, strides = array<i32>} : memref<8x1024xf32, #tpu.memory_space<vmem>>, vector<1x16xf32>,
        %get3A_672 = arith.index_cast %scan3A_178 : i32 to index
        %get3A_673 = arith.constant 880 : index
        %get3A_674 = tpu.vector_load %arg16[%get3A_672, %get3A_673] {strides = array<i32>} : memref<8x1024xf32, #tpu.memory_space<vmem>>, vector<1x16xf32>,
        %get3A_675 = vector.shape_cast %get3A_674 : vector<1x16xf32> to vector<16xf32>
        %swap3A_676 = arith.index_cast %scan3A_178 : i32 to index
        %swap3A_677 = arith.constant 880 : index
        %swap3A_678 = tpu.vector_load %arg12[%swap3A_676, %swap3A_677] {strides = array<i32>} : memref<8x1024xf32, #tpu.memory_space<vmem>>, vector<1x16xf32>,
        %swap3A_679 = vector.shape_cast %swap3A_678 : vector<1x16xf32> to vector<16xf32>
        %swap3A_680 = vector.shape_cast %get3A_675 : vector<16xf32> to vector<1x16xf32>
        tpu.vector_store %arg12[%swap3A_676, %swap3A_677], %swap3A_680 {add = true, strides = array<i32>} : memref<8x1024xf32, #tpu.memory_space<vmem>>, vector<1x16xf32>,
        %get3A_681 = arith.index_cast %scan3A_178 : i32 to index
        %get3A_682 = arith.constant 896 : index
        %get3A_683 = tpu.vector_load %arg16[%get3A_681, %get3A_682] {strides = array<i32>} : memref<8x1024xf32, #tpu.memory_space<vmem>>, vector<1x16xf32>,
        %get3A_684 = vector.shape_cast %get3A_683 : vector<1x16xf32> to vector<16xf32>
        %swap3A_685 = arith.index_cast %scan3A_178 : i32 to index
        %swap3A_686 = arith.constant 896 : index
        %swap3A_687 = tpu.vector_load %arg12[%swap3A_685, %swap3A_686] {strides = array<i32>} : memref<8x1024xf32, #tpu.memory_space<vmem>>, vector<1x16xf32>,
        %swap3A_688 = vector.shape_cast %swap3A_687 : vector<1x16xf32> to vector<16xf32>
        %swap3A_689 = vector.shape_cast %get3A_684 : vector<16xf32> to vector<1x16xf32>
        tpu.vector_store %arg12[%swap3A_685, %swap3A_686], %swap3A_689 {add = true, strides = array<i32>} : memref<8x1024xf32, #tpu.memory_space<vmem>>, vector<1x16xf32>,
        %get3A_690 = arith.index_cast %scan3A_178 : i32 to index
        %get3A_691 = arith.constant 912 : index
        %get3A_692 = tpu.vector_load %arg16[%get3A_690, %get3A_691] {strides = array<i32>} : memref<8x1024xf32, #tpu.memory_space<vmem>>, vector<1x16xf32>,
        %get3A_693 = vector.shape_cast %get3A_692 : vector<1x16xf32> to vector<16xf32>
        %swap3A_694 = arith.index_cast %scan3A_178 : i32 to index
        %swap3A_695 = arith.constant 912 : index
        %swap3A_696 = tpu.vector_load %arg12[%swap3A_694, %swap3A_695] {strides = array<i32>} : memref<8x1024xf32, #tpu.memory_space<vmem>>, vector<1x16xf32>,
        %swap3A_697 = vector.shape_cast %swap3A_696 : vector<1x16xf32> to vector<16xf32>
        %swap3A_698 = vector.shape_cast %get3A_693 : vector<16xf32> to vector<1x16xf32>
        tpu.vector_store %arg12[%swap3A_694, %swap3A_695], %swap3A_698 {add = true, strides = array<i32>} : memref<8x1024xf32, #tpu.memory_space<vmem>>, vector<1x16xf32>,
        %get3A_699 = arith.index_cast %scan3A_178 : i32 to index
        %get3A_700 = arith.constant 928 : index
        %get3A_701 = tpu.vector_load %arg16[%get3A_699, %get3A_700] {strides = array<i32>} : memref<8x1024xf32, #tpu.memory_space<vmem>>, vector<1x16xf32>,
        %get3A_702 = vector.shape_cast %get3A_701 : vector<1x16xf32> to vector<16xf32>
        %swap3A_703 = arith.index_cast %scan3A_178 : i32 to index
        %swap3A_704 = arith.constant 928 : index
        %swap3A_705 = tpu.vector_load %arg12[%swap3A_703, %swap3A_704] {strides = array<i32>} : memref<8x1024xf32, #tpu.memory_space<vmem>>, vector<1x16xf32>,
        %swap3A_706 = vector.shape_cast %swap3A_705 : vector<1x16xf32> to vector<16xf32>
        %swap3A_707 = vector.shape_cast %get3A_702 : vector<16xf32> to vector<1x16xf32>
        tpu.vector_store %arg12[%swap3A_703, %swap3A_704], %swap3A_707 {add = true, strides = array<i32>} : memref<8x1024xf32, #tpu.memory_space<vmem>>, vector<1x16xf32>,
        %get3A_708 = arith.index_cast %scan3A_178 : i32 to index
        %get3A_709 = arith.constant 944 : index
        %get3A_710 = tpu.vector_load %arg16[%get3A_708, %get3A_709] {strides = array<i32>} : memref<8x1024xf32, #tpu.memory_space<vmem>>, vector<1x16xf32>,
        %get3A_711 = vector.shape_cast %get3A_710 : vector<1x16xf32> to vector<16xf32>
        %swap3A_712 = arith.index_cast %scan3A_178 : i32 to index
        %swap3A_713 = arith.constant 944 : index
        %swap3A_714 = tpu.vector_load %arg12[%swap3A_712, %swap3A_713] {strides = array<i32>} : memref<8x1024xf32, #tpu.memory_space<vmem>>, vector<1x16xf32>,
        %swap3A_715 = vector.shape_cast %swap3A_714 : vector<1x16xf32> to vector<16xf32>
        %swap3A_716 = vector.shape_cast %get3A_711 : vector<16xf32> to vector<1x16xf32>
        tpu.vector_store %arg12[%swap3A_712, %swap3A_713], %swap3A_716 {add = true, strides = array<i32>} : memref<8x1024xf32, #tpu.memory_space<vmem>>, vector<1x16xf32>,
        %get3A_717 = arith.index_cast %scan3A_178 : i32 to index
        %get3A_718 = arith.constant 960 : index
        %get3A_719 = tpu.vector_load %arg16[%get3A_717, %get3A_718] {strides = array<i32>} : memref<8x1024xf32, #tpu.memory_space<vmem>>, vector<1x16xf32>,
        %get3A_720 = vector.shape_cast %get3A_719 : vector<1x16xf32> to vector<16xf32>
        %swap3A_721 = arith.index_cast %scan3A_178 : i32 to index
        %swap3A_722 = arith.constant 960 : index
        %swap3A_723 = tpu.vector_load %arg12[%swap3A_721, %swap3A_722] {strides = array<i32>} : memref<8x1024xf32, #tpu.memory_space<vmem>>, vector<1x16xf32>,
        %swap3A_724 = vector.shape_cast %swap3A_723 : vector<1x16xf32> to vector<16xf32>
        %swap3A_725 = vector.shape_cast %get3A_720 : vector<16xf32> to vector<1x16xf32>
        tpu.vector_store %arg12[%swap3A_721, %swap3A_722], %swap3A_725 {add = true, strides = array<i32>} : memref<8x1024xf32, #tpu.memory_space<vmem>>, vector<1x16xf32>,
        %get3A_726 = arith.index_cast %scan3A_178 : i32 to index
        %get3A_727 = arith.constant 976 : index
        %get3A_728 = tpu.vector_load %arg16[%get3A_726, %get3A_727] {strides = array<i32>} : memref<8x1024xf32, #tpu.memory_space<vmem>>, vector<1x16xf32>,
        %get3A_729 = vector.shape_cast %get3A_728 : vector<1x16xf32> to vector<16xf32>
        %swap3A_730 = arith.index_cast %scan3A_178 : i32 to index
        %swap3A_731 = arith.constant 976 : index
        %swap3A_732 = tpu.vector_load %arg12[%swap3A_730, %swap3A_731] {strides = array<i32>} : memref<8x1024xf32, #tpu.memory_space<vmem>>, vector<1x16xf32>,
        %swap3A_733 = vector.shape_cast %swap3A_732 : vector<1x16xf32> to vector<16xf32>
        %swap3A_734 = vector.shape_cast %get3A_729 : vector<16xf32> to vector<1x16xf32>
        tpu.vector_store %arg12[%swap3A_730, %swap3A_731], %swap3A_734 {add = true, strides = array<i32>} : memref<8x1024xf32, #tpu.memory_space<vmem>>, vector<1x16xf32>,
        %get3A_735 = arith.index_cast %scan3A_178 : i32 to index
        %get3A_736 = arith.constant 992 : index
        %get3A_737 = tpu.vector_load %arg16[%get3A_735, %get3A_736] {strides = array<i32>} : memref<8x1024xf32, #tpu.memory_space<vmem>>, vector<1x16xf32>,
        %get3A_738 = vector.shape_cast %get3A_737 : vector<1x16xf32> to vector<16xf32>
        %swap3A_739 = arith.index_cast %scan3A_178 : i32 to index
        %swap3A_740 = arith.constant 992 : index
        %swap3A_741 = tpu.vector_load %arg12[%swap3A_739, %swap3A_740] {strides = array<i32>} : memref<8x1024xf32, #tpu.memory_space<vmem>>, vector<1x16xf32>,
        %swap3A_742 = vector.shape_cast %swap3A_741 : vector<1x16xf32> to vector<16xf32>
        %swap3A_743 = vector.shape_cast %get3A_738 : vector<16xf32> to vector<1x16xf32>
        tpu.vector_store %arg12[%swap3A_739, %swap3A_740], %swap3A_743 {add = true, strides = array<i32>} : memref<8x1024xf32, #tpu.memory_space<vmem>>, vector<1x16xf32>,
        %get3A_744 = arith.index_cast %scan3A_178 : i32 to index
        %get3A_745 = arith.constant 1008 : index
        %get3A_746 = tpu.vector_load %arg16[%get3A_744, %get3A_745] {strides = array<i32>} : memref<8x1024xf32, #tpu.memory_space<vmem>>, vector<1x16xf32>,
        %get3A_747 = vector.shape_cast %get3A_746 : vector<1x16xf32> to vector<16xf32>
        %swap3A_748 = arith.index_cast %scan3A_178 : i32 to index
        %swap3A_749 = arith.constant 1008 : index
        %swap3A_750 = tpu.vector_load %arg12[%swap3A_748, %swap3A_749] {strides = array<i32>} : memref<8x1024xf32, #tpu.memory_space<vmem>>, vector<1x16xf32>,
        %swap3A_751 = vector.shape_cast %swap3A_750 : vector<1x16xf32> to vector<16xf32>
        %swap3A_752 = vector.shape_cast %get3A_747 : vector<16xf32> to vector<1x16xf32>
        tpu.vector_store %arg12[%swap3A_748, %swap3A_749], %swap3A_752 {add = true, strides = array<i32>} : memref<8x1024xf32, #tpu.memory_space<vmem>>, vector<1x16xf32>,
      }
      %scan3A_168 = arith.constant 8 : i32
      %mul3A_169 = arith.constant 8 : i32
      %mul3A_170 = arith.muli %add3A_150, %mul3A_169 : i32
      %add3A_171 = arith.addi %mul3A_2, %mul3A_170 : i32
      %multiple_of3A_172 = tpu.assume_multiple %add3A_171, 8 : i32
      "tpu.region"() ({
        %run_scoped3A = tpu.sem_alloc : memref<!tpu.dma_semaphore, #tpu.memory_space<semaphore_mem>>
        %dma_start3A_178 = arith.constant 0 : i32
        %dma_start3A_179 = tpu.memref_slice %arg6[%multiple_of3A_172, %dma_start3A_178] : memref<16384x1024xf32, #tpu.memory_space<hbm>> -> memref<8x1024xf32, #tpu.memory_space<hbm>>
        %dma_start3A_180 = arith.constant 0 : i32
        %dma_start3A_181 = tpu.memref_slice %arg6[%multiple_of3A_172, %dma_start3A_180] : memref<16384x1024xf32, #tpu.memory_space<hbm>> -> memref<8x1024xf32, #tpu.memory_space<hbm>>
        tpu.enqueue_dma source(%arg12 : memref<8x1024xf32, #tpu.memory_space<vmem>>) target(%dma_start3A_181 : memref<8x1024xf32, #tpu.memory_space<hbm>>) target_semaphore(%run_scoped3A : memref<!tpu.dma_semaphore, #tpu.memory_space<semaphore_mem>>)
        %dma_wait3A_182 = arith.constant 0 : i32
        %dma_wait3A_183 = tpu.memref_slice %arg6[%multiple_of3A_172, %dma_wait3A_182] : memref<16384x1024xf32, #tpu.memory_space<hbm>> -> memref<8x1024xf32, #tpu.memory_space<hbm>>
        %dma_wait3A_184 = arith.constant 0 : i32
        %dma_wait3A_185 = tpu.memref_slice %arg6[%multiple_of3A_172, %dma_wait3A_184] : memref<16384x1024xf32, #tpu.memory_space<hbm>> -> memref<8x1024xf32, #tpu.memory_space<hbm>>
        tpu.wait_dma2 semaphore(%run_scoped3A : memref<!tpu.dma_semaphore, #tpu.memory_space<semaphore_mem>>) src(%arg12 : memref<8x1024xf32, #tpu.memory_space<vmem>>) dst(%dma_wait3A_185 : memref<8x1024xf32, #tpu.memory_space<hbm>>)
        tpu.yield
      }) : () -> ()
      %lt3A_173 = arith.constant 60 : i32
      %lt3A_174 = arith.cmpi slt, %add3A_150, %lt3A_173 : i32
      %convert_element_type3A_175 = arith.extui %lt3A_174 : i1 to i32
      %cond3A_176 = arith.constant 0 : i32
      %cond3A_177 = arith.cmpi ne, %convert_element_type3A_175, %cond3A_176 : i32
      scf.if %cond3A_177 {
        %add3A_178 = arith.constant 4 : i32
        %add3A_179 = arith.addi %add3A_150, %add3A_178 : i32
        %dma_start3A_180 = arith.constant 0 : i32
        %dma_start3A_181 = tpu.memref_slice %arg7[%add3A_179, %dma_start3A_180] : memref<64x8xi32, #tpu.memory_space<vmem>> -> memref<1x8xi32, #tpu.memory_space<vmem>>
        %dma_start3A_182 = tpu.memref_squeeze %dma_start3A_181 : memref<1x8xi32, #tpu.memory_space<vmem>> -> memref<8xi32, #tpu.memory_space<vmem>>
        %dma_start3A_183 = arith.constant 0 : i32
        %dma_start3A_184 = arith.constant 0 : i32
        %dma_start3A_185 = tpu.memref_slice %arg4[%dma_start3A_183, %dma_start3A_184] : memref<100000x1024xf32, #tpu.memory_space<hbm>> -> memref<100000x1024xf32, #tpu.memory_space<hbm>>
        tpu.enqueue_indirect_dma source(%dma_start3A_185 : memref<100000x1024xf32, #tpu.memory_space<hbm>>) target(%arg12 : memref<8x1024xf32, #tpu.memory_space<vmem>>) offsets(%dma_start3A_182 : memref<8xi32, #tpu.memory_space<vmem>>) semaphore(%arg20 : memref<!tpu.dma_semaphore, #tpu.memory_space<semaphore_mem>>)
        %dma_start3A_186 = arith.constant 0 : i32
        %dma_start3A_187 = tpu.memref_slice %arg8[%add3A_179, %dma_start3A_186] : memref<64x8xi32, #tpu.memory_space<vmem>> -> memref<1x8xi32, #tpu.memory_space<vmem>>
        %dma_start3A_188 = tpu.memref_squeeze %dma_start3A_187 : memref<1x8xi32, #tpu.memory_space<vmem>> -> memref<8xi32, #tpu.memory_space<vmem>>
        %dma_start3A_189 = arith.constant 0 : i32
        %dma_start3A_190 = arith.constant 0 : i32
        %dma_start3A_191 = tpu.memref_slice %arg5[%dma_start3A_189, %dma_start3A_190] : memref<8192x1024xf32, #tpu.memory_space<hbm>> -> memref<8192x1024xf32, #tpu.memory_space<hbm>>
        tpu.enqueue_indirect_dma source(%dma_start3A_191 : memref<8192x1024xf32, #tpu.memory_space<hbm>>) target(%arg16 : memref<8x1024xf32, #tpu.memory_space<vmem>>) offsets(%dma_start3A_188 : memref<8xi32, #tpu.memory_space<vmem>>) semaphore(%arg24 : memref<!tpu.dma_semaphore, #tpu.memory_space<semaphore_mem>>)
      } else {
      }
    }
    %scan3A_61 = arith.constant 16 : i32
    return
  }
}

</mosaic_0001>

<sc_bundles>
// kernel: kernel.3.cloned.1.call-start
scs
__scs_entry_jumppad:
0x0: {  	(pc) =	sbr.rel $0x88, $3  }
0x1: {  	(tag) =	ssettag $0x0;
	lr =	simm.s32 $0x1  }
0x2: {  	[smem:$0x3F9D] =	sst lr;
	_ =	strace $0xD0000000  }
0x3: {  	_ = 	snop  }
0x4: {  	_ = 	snop  }
0x5: {  	_ = 	snop  }
0x6: {  	_ = 	snop  }
0x7: {  	_ = 	snop  }
__scs_overlays_trampoline_lowered:
0x8: {  	[smem:$0x3FAC] =	sst s0  }
0x9: {  	[smem:$0x3FAD] =	sst s1  }
0xa: {  	[smem:$0x3FAE] =	sst s2  }
0xb: {  	[smem:$0x3FAF] =	sst s3  }
0xc: {  	[smem:$0x3FB0] =	sst s4  }
0xd: {  	[smem:$0x3FB1] =	sst s5  }
0xe: {  	[smem:$0x3FB2] =	sst s6  }
0xf: {  	[smem:$0x3FB3] =	sst s7  }
0x10: {  	[smem:$0x3FB4] =	sst s8  }
0x11: {  	[smem:$0x3FB5] =	sst s9;
	s0 =	simm.s32 @!p0 $0x0  }
0x12: {  	s1 =	sld [smem:$0x3F9B];
	s0 =	simm.s32 @p0 $0x1  }
0x13: {  	[smem:$0x3FB6] =	sst s0;
	s0 =	simm.s32 @!p1 $0x0  }
0x14: {  	s2 =	sld [smem:$0x3F9A];
	s0 =	simm.s32 @p1 $0x1  }
0x15: {  	[smem:$0x3FB7] =	sst s0;
	s0 =	simm.s32 @!p2 $0x0  }
0x16: {  	s3 =	sld [smem:$0x3FDB];
	s0 =	simm.s32 @p2 $0x1  }
0x17: {  	s4 =	simm.s32 $0x1BF5;
	[smem:$0x3FB9] =	sst s0  }
0x18: {  	s0 =	sld [smem:$0x3F9C];
	_ =	swait.ge [sflag:s4], $0x0  }
0x19: {  	s7 =	sld [smem:$0x3F9D]  }
0x1a: {  	s8 =	sadd.s32 $0xFFFFE003, lr  }
0x1b: {  	s9 =	sadd.s32 $0xFFFFFEF7, lr;
	s5 =	simm.s32 $0xFFFFFFFF;
	p2 =	slt.u32 s8, $0xFFFFF086  }
0x1c: {  	p1 =	slt.u32 s9, $0xF7A;
	s5 =	simm.s32 @!p2 $0x0  }
0x1d: {  	s5 =	simm.s32 @p1 $0x1;
	p0 =	seq.s32 s7, s2  }
0x1e: {  	s7 =	smul.u32 @!p0 $0xF7A, s2;
	p2 =	seq.s32 @!p0 s5, $0x0  }
0x1f: {  	s9 =	smul.u32 $0xF7A, s1;
	s8 =	simm.s32 @!p0 $0x1BF5;
	p2 =	por !p2, p0  }
0x20: {  	[sflag:s8] =	ssyncset.s32 @!p0 $0xFFFFF086;
	s6 =	sadd.s32 @!p0 s3, s7;
	s7 =	simm.s32 @!p0 $0x108  }
0x21: {  	s3 =	sadd.s32 s3, s9;
	s6 =	sadd.s32 @!p0 $0x88, s6;
	s7 =	simm.s32 @p2 $0x1082  }
0x22: {  	[simem:s7], [sflag:s8] =	dma.local @!p0 [hbm:s6], $0xF7A  }
0x23: {  	s9 =	sor.u32 $0xD0000000, s2;
	s6 =	simm.s32 $0x108;
	_ =	swait.ge @!p0 [sflag:s8], $0x0  }
0x24: {  	s3 =	sadd.s32 $0x88, s3;
	s6 =	simm.s32 @!p1 $0x1082;
	[sflag:s4] =	ssyncset.s32 $0xFFFFF086  }
0x25: {  	[simem:s6], [sflag:s4] =	dma.local [hbm:s3], $0xF7A  }
0x26: {  	[smem:$0x3F9D] =	sst s1;
	(tag) =	ssettag s2;
	_ =	strace s9  }
0x27: {  	s1 =	sld [smem:$0x3FAD]  }
0x28: {  	s2 =	sld [smem:$0x3FAE]  }
0x29: {  	s4 =	sld [smem:$0x3FB0]  }
0x2a: {  	p0 =	seq.s32 s5, $0x0;
	s5 =	sld [smem:$0x3FB1]  }
0x2b: {  	s6 =	sld [smem:$0x3FB2]  }
0x2c: {  	s7 =	sld [smem:$0x3FB3]  }
0x2d: {  	s3 =	simm.s32 $0x108;
	s8 =	sld [smem:$0x3FB4]  }
0x2e: {  	s3 =	simm.s32 @!p0 $0x1082;
	s9 =	sld [smem:$0x3FB5]  }
0x2f: {  	lr =	sadd.s32 s0, s3;
	s0 =	sld [smem:$0x3FAC]  }
0x30: {  	s3 =	sld [smem:$0x3FAF]  }
0x31: {  	[smem:$0x3FB8] =	sst s10  }
0x32: {  	s10 =	sld [smem:$0x3FB6];
	_ =	sdelay $0x3  }
0x33: {  	p0 =	seq.s32 s10, $0x1;
	s10 =	sld [smem:$0x3FB8];
	_ =	sdelay $0x3  }
0x34: {  	[smem:$0x3FB8] =	sst s10  }
0x35: {  	s10 =	sld [smem:$0x3FB7];
	_ =	sdelay $0x3  }
0x36: {  	p1 =	seq.s32 s10, $0x1;
	s10 =	sld [smem:$0x3FB8];
	_ =	sdelay $0x3  }
0x37: {  	[smem:$0x3FB8] =	sst s10  }
0x38: {  	s10 =	sld [smem:$0x3FB9]  }
0x39: {  	_ = 	snop;
	(pc) =	sbr.ind lr, $3  }
0x3a: {  	_ = 	snop  }
0x3b: {  	_ = 	snop  }
0x3c: {  	p2 =	seq.s32 s10, $0x1;
	s10 =	sld [smem:$0x3FB8]  }
0x3d: {  	_ =	shalt  }
0x3e: {  	_ =	shalt  }
0x3f: {  	_ =	shalt  }
0x40: {  	_ =	shalt  }
0x41: {  	_ =	shalt  }
0x42: {  	_ =	shalt  }
0x43: {  	_ =	shalt  }
0x44: {  	_ =	shalt  }
0x45: {  	_ =	shalt  }
0x46: {  	_ =	shalt  }
0x47: {  	_ =	shalt  }
0x48: {  	_ =	shalt  }
0x49: {  	_ =	shalt  }
0x4a: {  	_ =	shalt  }
0x4b: {  	_ =	shalt  }
0x4c: {  	_ =	shalt  }
0x4d: {  	_ =	shalt  }
0x4e: {  	_ =	shalt  }
0x4f: {  	_ =	shalt  }
0x50: {  	_ =	shalt  }
0x51: {  	_ =	shalt  }
0x52: {  	_ =	shalt  }
0x53: {  	_ =	shalt  }
0x54: {  	_ =	shalt  }
0x55: {  	_ =	shalt  }
0x56: {  	_ =	shalt  }
0x57: {  	_ =	shalt  }
0x58: {  	_ =	shalt  }
0x59: {  	_ =	shalt  }
0x5a: {  	_ =	shalt  }
0x5b: {  	_ =	shalt  }
0x5c: {  	_ =	shalt  }
0x5d: {  	_ =	shalt  }
0x5e: {  	_ =	shalt  }
0x5f: {  	_ =	shalt  }
0x60: {  	_ =	shalt  }
0x61: {  	_ =	shalt  }
0x62: {  	_ =	shalt  }
0x63: {  	_ =	shalt  }
0x64: {  	_ =	shalt  }
0x65: {  	_ =	shalt  }
0x66: {  	_ =	shalt  }
0x67: {  	_ =	shalt  }
0x68: {  	_ =	shalt  }
0x69: {  	_ =	shalt  }
0x6a: {  	_ =	shalt  }
0x6b: {  	_ =	shalt  }
0x6c: {  	_ =	shalt  }
0x6d: {  	_ =	shalt  }
0x6e: {  	_ =	shalt  }
0x6f: {  	_ =	shalt  }
0x70: {  	_ =	shalt  }
0x71: {  	_ =	shalt  }
0x72: {  	_ =	shalt  }
0x73: {  	_ =	shalt  }
0x74: {  	_ =	shalt  }
0x75: {  	_ =	shalt  }
0x76: {  	_ =	shalt  }
0x77: {  	_ =	shalt  }
0x78: {  	_ =	shalt  }
0x79: {  	_ =	shalt  }
0x7a: {  	_ =	shalt  }
0x7b: {  	_ =	shalt  }
0x7c: {  	_ =	shalt  }
0x7d: {  	_ =	shalt  }
0x7e: {  	_ =	shalt  }
0x7f: {  	_ =	shalt  }
0x80: {  	_ =	shalt  }
0x81: {  	_ =	shalt  }
0x82: {  	_ =	shalt  }
0x83: {  	_ =	shalt  }
0x84: {  	_ =	shalt  }
0x85: {  	_ =	shalt  }
0x86: {  	_ =	shalt  }
0x87: {  	_ =	shalt  }
.Lfunc_end0:
.L_simem_size_0:
called_computation_lowered:
.L_overlay_start_0:
0x88: {  	s2 =	sld [smem:$0x3FD9]  }
0x89: {  	s3 =	sld [smem:$0x3FFE];
	_ =	sdelay $0x1  }
0x8a: {  	s1 =	srdreg.scid  }
0x8b: {  	s0 =	sand.u32 $0x1, s1  }
0x8c: {  	s17 =	sshll.u32 s0, $0xA;
	s2 =	sadd.s32 s3, s2  }
0x8d: {  	s2 =	sadd.s32 s2, s17  }
0x8e: {  	[smem:$0x3FC4] =	sst s2  }
0x8f: {  	_ = 	snop  }
0x90: {  	s2 =	sld [smem:$0x3FC7]  }
0x91: {  	s18 =	sld [smem:$0x3FC6]  }
0x92: {  	s4 =	sld [smem:$0x3FD0];
	(tm) =	ssettm $0x1  }
0x93: {  	s5 =	sld [smem:$0x3FFB];
	_ =	sdelay $0x3  }
0x94: {  	_ =	strace s5  }
0x95: {  	s5 =	sld [smem:$0x3FFC];
	_ =	sdelay $0x3  }
0x96: {  	_ =	strace s5  }
0x97: {  	s5 =	sld [smem:$0x3FFD];
	_ =	sdelay $0x3  }
0x98: {  	_ =	strace s5  }
0x99: {  	_ =	strace $0x8FFFFFFF  }
0x9a: {  	s19 =	sld [smem:$0x3FDB];
	_ =	sdelay $0x1  }
0x9b: {  	s6 =	simm.s32 $_scs_section_size  }
0x9c: {  	s7 =	simm.s32 $_size__tile_overlayer_lowered;
	s8 =	simm.s32 $_tile_overlayer_lowered  }
0x9d: {  	s22 =	simm.s32 $0x1BFF;
	s21 =	sshll.u32 s8, $0x1;
	s5 =	sadd.s32 s6, s19  }
0x9e: {  	s9 =	simm.s32 $0x0;
	s20 =	sshll.u32 s7, $0x1;
	s7 =	sadd.s32 s21, s5  }
0x9f: {  	[timem:s9], [sflag:s22] =	dma.local [hbm:s7], s20  }
0xa0: {  	_ =	swait.ge [sflag:s22], s20  }
0xa1: {  	s6 =	ssub.s32 $0x0, s20;
	[sflag:s22] =	ssyncset.done $0x0  }
0xa2: {  	[sflag:s22] =	ssyncadd.s32 s6;
	_ =	sdelay $0x1  }
0xa3: {  	s23 =	simm.s32 $0x1B8B  }
0xa4: {  	_ =	swait.ge [sflag:s23], $0x1  }
0xa5: {  	[sflag:s23] =	ssyncset.done $0x0  }
0xa6: {  	s25 =	simm.s32 $0x1B8E;
	s24 =	sld [smem:$0x3FFE];
	[sflag:s23] =	ssyncadd.s32 $0xFFFFFFFF  }
0xa7: {  	s26 =	simm.s32 $execute0_lowered;
	[smem:$0x3FD2] =	sst s25  }
0xa8: {  	s7 =	sshll.u32 s26, $0x1;
	_ =	strace $0x80000046;
	[dreg:$0x1] =	wrdreg $0xFFFFFFFF  }
0xa9: {  	s28 =	simm.s32 $_size_execute0_lowered;
	s5 =	sadd.s32 s5, s7;
	[dreg:$0x0] =	wrdreg $0x0  }
0xaa: {  	s7 =	sshll.u32 s28, $0x1;
	[dreg:$0x2] =	wrdreg s5  }
0xab: {  	[dreg:$0x3] =	wrdreg s7  }
0xac: {  	[dreg:$0x4] =	wrdreg $0xC0  }
0xad: {  	_ =	task [dreg:s9], $0x5FFFF  }
0xae: {  	[dreg:$0x1] =	wrdreg $0xFFFFFFFF  }
0xaf: {  	[dreg:$0x0] =	wrdreg $0x60  }
0xb0: {  	[dreg:$0x2] =	wrdreg s24  }
0xb1: {  	[dreg:$0x3] =	wrdreg s2  }
0xb2: {  	[dreg:$0x4] =	wrdreg s18  }
0xb3: {  	[dreg:$0x5] =	wrdreg s4  }
0xb4: {  	[dreg:$0x6] =	wrdreg $0x9  }
0xb5: {  	_ =	task.clear_ibuf [dreg:s9], $0x7FFFF;
	_ =	strace $0x90000046  }
0xb6: {  	s29 =	simm.s32 $0x9;
	_ =	strace $0x80000048  }
0xb7: {  	_ =	swait.ge [sflag:s29], $0x1  }
0xb8: {  	[sflag:s29] =	ssyncadd.s32 $0xFFFFFFFF  }
0xb9: {  	_ =	strace $0x90000048  }
0xba: {  	_ =	sfence  }
0xbb: {  	s30 =	sld [smem:$0x0];
	_ =	sdelay $0x2  }
0xbc: {  	s31 =	sshll.u32 s1, $0xD;
	s1 =	sshrl.u32 s1, $0x2  }
0xbd: {  	s3 =	sand.u32 $0x4000, s31;
	s1 =	sadd.s32 s1, s30  }
0xbe: {  	s0 =	sor.u32 s3, s0;
	s1 =	sshll.u32 s1, $0x11  }
0xbf: {  	s0 =	sor.u32 s1, s0  }
0xc0: {  	s0 =	sadd.s32 $0x8F2B, s0  }
0xc1: {  	[sflag:s0] =	ssyncadd.remote.s32 $0x1  }
0xc2: {  	_ =	sfence.sel $0xFFFF  }
0xc3: {  	[dreg:$0x0] =	wrdreg $0xFFFFFFFF;
	(pc) =	sbr.abs _section_cstart, $3  }
0xc4: {  	[dreg:$0x1] =	wrdreg $0xFFFFFFFF  }
0xc5: {  	_ =	task.clear_ibuf [dreg:s9], $0x2FFFF;
	_ =	strace $0x9FFFFFFF  }
0xc6: {  	(tm) =	ssettm $0x7FFFFFFF  }
0xc7: {  	_ =	shalt  }
tec
execute0_lowered:
.L_overlay_start_1:
0x0: {  	(tag) =	ssettag $0x1  }
0x1: {  	s0 =	rddreg [dreg:$0x0]  }
0x2: {  	s2 =	rddreg [dreg:$0x1]  }
0x3: {  	s3 =	rddreg [dreg:$0x2]  }
0x4: {  	s1 =	rddreg [dreg:$0x3]  }
0x5: {  	s4 =	srdreg.scid;
	s6 =	stileid.u32;
	s15 =	simm.s32 $0x9  }
0x6: {  	s17 =	simm.s32 $0x4000;
	s25 =	simm.s32 $0x6000;
	s16 =	simm.s32 $0x8000  }
0x7: {  	s26 =	simm.s32 $0xA000;
	s18 =	simm.s32 $0x13800;
	s19 =	simm.s32 $0x1  }
0x8: {  	s20 =	simm.s32 $0x5;
	s21 =	simm.s32 $0x2;
	s22 =	simm.s32 $0x6  }
0x9: {  	s23 =	simm.s32 $0x3;
	s24 =	simm.s32 $0x7;
	s28 =	simm.s32 $0x0  }
0xa: {  	s5 =	sand.u32 $0x1, s4;
	s6 =	sshll.u32 s6, $0x1;
	s4 =	simm.s32 $0x0  }
0xb: {  	s9 =	sadd.s32 $0x300, s2;
	s10 =	sadd.s32 $0x100, s3;
	s11 =	sadd.s32 $0x200, s3  }
0xc: {  	s12 =	sadd.s32 $0x300, s3;
	s6 =	sor.u32 s5, s6;
	s5 =	ssub.s32 $0x2, s5  }
0xd: {  	[smem:$0x7FF] =	sst s4;
	s7 =	sshll.u32 s6, $0xA;
	s8 =	sshrl.u32 s5, $0x1  }
0xe: {  	_ =	strace $0x80000047;
	s30 =	sshll.u32 s6, $0x10;
	s6 =	simm.s32 $0x8  }
.Ltmp0:
0xf: {  	s0 =	sadd.s32 s7, s0;
	s5 =	ssub.s32 s5, s8;
	(pc) =	sbr.rel .LBB2_1-.Ltmp0, $4  }
0x10: {  	s8 =	sadd.s32 $0x200, s2;
	s13 =	sadd.s32 s1, s30;
	s7 =	sadd.s32 $0x400, s0  }
0x11: {  	v0 =	vlaneseq.u32;
	s1 =	simm.s32 $0x13000;
	s0 =	sadd.s32 $0x8400, s0;
	[dreg:$0x5] =	wrdreg s7  }
0x12: {  	v1 =	vshrl.u32 v0, $0x3;
	v0 =	vand.u32 $0x7, v0;
	s31 =	smax.u32 s5, $0x1;
	s5 =	simm.s32 $0x4;
	[dreg:$0x6] =	wrdreg s0  }
0x13: {  	vm0 =	vmmov $0xffff;
	v1 =	vmul.u32 $0x8, v1;
	[tilespmem:$0x1FFF0] =	vst v0;
	s7 =	sadd.s32 $0x100, s2;
	[dreg:$0x7] =	wrdreg s31;
	s0 =	simm.s32 $0x12800  }
.LBB2_12:
0x14: {  	s28 =	rddreg [dreg:$0x8]  }
0x15: {  	s14 =	rddreg [dreg:$0x7];
	s28 =	sadd.s32 $0x1, s28  }
0x16: {  	p0 =	sne.s32 s28, s14  }
.Ltmp1:
0x17: {  	_ = 	snop;
	(pc) =	sbr.rel @!p0 .LBB2_13-.Ltmp1, $1  }
0x18: {  	_ =	sdelay $0x3  }
.LBB2_1:
0x19: {  	[dreg:$0x8] =	wrdreg s28  }
0x1a: {  	s14 =	rddreg [dreg:$0x5]  }
0x1b: {  	[tilespmem:s4], [sflag:$0x9] =	stream.linear.gather [hbm4b:s14+s4], $0x2000, $0x38;
	[tilespmem:$0x14000] =	vst v63  }
0x1c: {  	_ =	swait.ge [sflag:s15], $0x2000  }
0x1d: {  	[sflag:s15] =	ssyncset.done $0x0  }
0x1e: {  	s30 =	simm.s32 $0x2000;
	s29 =	rddreg [dreg:$0x6];
	[sflag:s15] =	ssyncadd.s32 $0xFFFFE000  }
0x1f: {  	[tilespmem:s30], [sflag:$0x9] =	stream.linear.gather [hbm4b:s29+s4], $0x2000, $0x38;
	[tilespmem:$0x14000] =	vst v63  }
0x20: {  	_ =	swait.ge [sflag:s15], $0x2000  }
0x21: {  	[sflag:s15] =	ssyncset.done $0x0  }
0x22: {  	[sflag:s15] =	ssyncadd.s32 $0xFFFFE000  }
0x23: {  	v2 =	vld.msk [tilespmem:$0x0], $0xff;
	_ =	sdelay $0x2  }
0x24: {  	v0 =	vld [tilespmem:$0x1FFF0];
	_ =	sdelay $0x1  }
0x25: {  	v3 =	vshll.u32 v2, $0x3  }
0x26: {  	v2 =	vand.u32 $0x7, v2;
	v3 =	vand.u32 $0xFFFFFFC0, v3  }
0x27: {  	v2 =	vor.u32 v2, v3  }
0x28: {  	v2 =	vperm.xlane v2, v0;
	_ =	sdelay $0x1  }
0x29: {  	v2 =	vadd.s32 v1, v2;
	_ =	sdelay $0x4  }
0x2a: {  	[tilespmem:s17], [sflag:$0x1] =	stream.indirect_vreg.gather [hbm4b:s2+s4], $0x80, v2, vm0, $0xb8;
	[tilespmem:$0x14000] =	vst v63  }
0x2b: {  	s31 =	simm.s32 $0x4800  }
0x2c: {  	[tilespmem:s31], [sflag:$0x1] =	stream.indirect_vreg.gather [hbm4b:s7+s4], $0x80, v2, vm0, $0xb8;
	[tilespmem:$0x14000] =	vst v63  }
0x2d: {  	s28 =	simm.s32 $0x5000  }
0x2e: {  	[tilespmem:s28], [sflag:$0x1] =	stream.indirect_vreg.gather [hbm4b:s8+s4], $0x80, v2, vm0, $0xb8;
	[tilespmem:$0x14000] =	vst v63  }
0x2f: {  	s29 =	simm.s32 $0x5800  }
0x30: {  	[tilespmem:s29], [sflag:$0x1] =	stream.indirect_vreg.gather [hbm4b:s9+s4], $0x80, v2, vm0, $0xb8;
	[tilespmem:$0x14000] =	vst v63  }
0x31: {  	v2 =	vld.msk [tilespmem:$0x2000], $0xff;
	_ =	sdelay $0x4  }
0x32: {  	v3 =	vshll.u32 v2, $0x3  }
0x33: {  	v2 =	vand.u32 $0x7, v2;
	v3 =	vand.u32 $0xFFFFFFC0, v3  }
0x34: {  	v2 =	vor.u32 v2, v3  }
0x35: {  	v2 =	vperm.xlane v2, v0;
	_ =	sdelay $0x1  }
0x36: {  	v2 =	vadd.s32 v1, v2;
	_ =	sdelay $0x3  }
0x37: {  	s30 =	simm.s32 $0xC000  }
0x38: {  	[tilespmem:s30], [sflag:$0x5] =	stream.indirect_vreg.gather [hbm4b:s3+s4], $0x80, v2, vm0, $0xb8;
	[tilespmem:$0x14000] =	vst v63  }
0x39: {  	s31 =	simm.s32 $0xC800  }
0x3a: {  	[tilespmem:s31], [sflag:$0x5] =	stream.indirect_vreg.gather [hbm4b:s10+s4], $0x80, v2, vm0, $0xb8;
	[tilespmem:$0x14000] =	vst v63  }
0x3b: {  	s28 =	simm.s32 $0xD000  }
0x3c: {  	[tilespmem:s28], [sflag:$0x5] =	stream.indirect_vreg.gather [hbm4b:s11+s4], $0x80, v2, vm0, $0xb8;
	[tilespmem:$0x14000] =	vst v63  }
0x3d: {  	s29 =	simm.s32 $0xD800  }
0x3e: {  	[tilespmem:s29], [sflag:$0x5] =	stream.indirect_vreg.gather [hbm4b:s12+s4], $0x80, v2, vm0, $0xb8;
	[tilespmem:$0x14000] =	vst v63  }
0x3f: {  	v2 =	vld.msk [tilespmem:$0x80], $0xff;
	_ =	sdelay $0x4  }
0x40: {  	v3 =	vshll.u32 v2, $0x3  }
0x41: {  	v2 =	vand.u32 $0x7, v2;
	v3 =	vand.u32 $0xFFFFFFC0, v3  }
0x42: {  	v2 =	vor.u32 v2, v3  }
0x43: {  	v2 =	vperm.xlane v2, v0;
	_ =	sdelay $0x1  }
0x44: {  	v2 =	vadd.s32 v1, v2;
	_ =	sdelay $0x4  }
0x45: {  	[tilespmem:s25], [sflag:$0x2] =	stream.indirect_vreg.gather [hbm4b:s2+s4], $0x80, v2, vm0, $0xb8;
	[tilespmem:$0x14000] =	vst v63  }
0x46: {  	s30 =	simm.s32 $0x6800  }
0x47: {  	[tilespmem:s30], [sflag:$0x2] =	stream.indirect_vreg.gather [hbm4b:s7+s4], $0x80, v2, vm0, $0xb8;
	[tilespmem:$0x14000] =	vst v63  }
0x48: {  	s31 =	simm.s32 $0x7000  }
0x49: {  	[tilespmem:s31], [sflag:$0x2] =	stream.indirect_vreg.gather [hbm4b:s8+s4], $0x80, v2, vm0, $0xb8;
	[tilespmem:$0x14000] =	vst v63  }
0x4a: {  	s28 =	simm.s32 $0x7800  }
0x4b: {  	[tilespmem:s28], [sflag:$0x2] =	stream.indirect_vreg.gather [hbm4b:s9+s4], $0x80, v2, vm0, $0xb8;
	[tilespmem:$0x14000] =	vst v63  }
0x4c: {  	v2 =	vld.msk [tilespmem:$0x2080], $0xff;
	_ =	sdelay $0x4  }
0x4d: {  	v3 =	vshll.u32 v2, $0x3  }
0x4e: {  	v2 =	vand.u32 $0x7, v2;
	v3 =	vand.u32 $0xFFFFFFC0, v3  }
0x4f: {  	v2 =	vor.u32 v2, v3  }
0x50: {  	v2 =	vperm.xlane v2, v0;
	_ =	sdelay $0x1  }
0x51: {  	v2 =	vadd.s32 v1, v2;
	_ =	sdelay $0x3  }
0x52: {  	s29 =	simm.s32 $0xE000  }
0x53: {  	[tilespmem:s29], [sflag:$0x6] =	stream.indirect_vreg.gather [hbm4b:s3+s4], $0x80, v2, vm0, $0xb8;
	[tilespmem:$0x14000] =	vst v63  }
0x54: {  	s30 =	simm.s32 $0xE800  }
0x55: {  	[tilespmem:s30], [sflag:$0x6] =	stream.indirect_vreg.gather [hbm4b:s10+s4], $0x80, v2, vm0, $0xb8;
	[tilespmem:$0x14000] =	vst v63  }
0x56: {  	s31 =	simm.s32 $0xF000  }
0x57: {  	[tilespmem:s31], [sflag:$0x6] =	stream.indirect_vreg.gather [hbm4b:s11+s4], $0x80, v2, vm0, $0xb8;
	[tilespmem:$0x14000] =	vst v63  }
0x58: {  	s28 =	simm.s32 $0xF800  }
0x59: {  	[tilespmem:s28], [sflag:$0x6] =	stream.indirect_vreg.gather [hbm4b:s12+s4], $0x80, v2, vm0, $0xb8;
	[tilespmem:$0x14000] =	vst v63  }
0x5a: {  	v2 =	vld.msk [tilespmem:$0x100], $0xff;
	_ =	sdelay $0x4  }
0x5b: {  	v3 =	vshll.u32 v2, $0x3  }
0x5c: {  	v2 =	vand.u32 $0x7, v2;
	v3 =	vand.u32 $0xFFFFFFC0, v3  }
0x5d: {  	v2 =	vor.u32 v2, v3  }
0x5e: {  	v2 =	vperm.xlane v2, v0;
	_ =	sdelay $0x1  }
0x5f: {  	v2 =	vadd.s32 v1, v2;
	_ =	sdelay $0x4  }
0x60: {  	[tilespmem:s16], [sflag:$0x3] =	stream.indirect_vreg.gather [hbm4b:s2+s4], $0x80, v2, vm0, $0xb8;
	[tilespmem:$0x14000] =	vst v63  }
0x61: {  	s29 =	simm.s32 $0x8800  }
0x62: {  	[tilespmem:s29], [sflag:$0x3] =	stream.indirect_vreg.gather [hbm4b:s7+s4], $0x80, v2, vm0, $0xb8;
	[tilespmem:$0x14000] =	vst v63  }
0x63: {  	s30 =	simm.s32 $0x9000  }
0x64: {  	[tilespmem:s30], [sflag:$0x3] =	stream.indirect_vreg.gather [hbm4b:s8+s4], $0x80, v2, vm0, $0xb8;
	[tilespmem:$0x14000] =	vst v63  }
0x65: {  	s31 =	simm.s32 $0x9800  }
0x66: {  	[tilespmem:s31], [sflag:$0x3] =	stream.indirect_vreg.gather [hbm4b:s9+s4], $0x80, v2, vm0, $0xb8;
	[tilespmem:$0x14000] =	vst v63  }
0x67: {  	v2 =	vld.msk [tilespmem:$0x2100], $0xff;
	_ =	sdelay $0x4  }
0x68: {  	v3 =	vshll.u32 v2, $0x3  }
0x69: {  	v2 =	vand.u32 $0x7, v2;
	v3 =	vand.u32 $0xFFFFFFC0, v3  }
0x6a: {  	v2 =	vor.u32 v2, v3  }
0x6b: {  	v2 =	vperm.xlane v2, v0;
	_ =	sdelay $0x1  }
0x6c: {  	v2 =	vadd.s32 v1, v2;
	_ =	sdelay $0x3  }
0x6d: {  	s28 =	simm.s32 $0x10000  }
0x6e: {  	[tilespmem:s28], [sflag:$0x7] =	stream.indirect_vreg.gather [hbm4b:s3+s4], $0x80, v2, vm0, $0xb8;
	[tilespmem:$0x14000] =	vst v63  }
0x6f: {  	s29 =	simm.s32 $0x10800  }
0x70: {  	[tilespmem:s29], [sflag:$0x7] =	stream.indirect_vreg.gather [hbm4b:s10+s4], $0x80, v2, vm0, $0xb8;
	[tilespmem:$0x14000] =	vst v63  }
0x71: {  	s30 =	simm.s32 $0x11000  }
0x72: {  	[tilespmem:s30], [sflag:$0x7] =	stream.indirect_vreg.gather [hbm4b:s11+s4], $0x80, v2, vm0, $0xb8;
	[tilespmem:$0x14000] =	vst v63  }
0x73: {  	s31 =	simm.s32 $0x11800  }
0x74: {  	[tilespmem:s31], [sflag:$0x7] =	stream.indirect_vreg.gather [hbm4b:s12+s4], $0x80, v2, vm0, $0xb8;
	[tilespmem:$0x14000] =	vst v63  }
0x75: {  	v2 =	vld.msk [tilespmem:$0x180], $0xff;
	_ =	sdelay $0x4  }
0x76: {  	v3 =	vshll.u32 v2, $0x3  }
0x77: {  	v2 =	vand.u32 $0x7, v2;
	v3 =	vand.u32 $0xFFFFFFC0, v3  }
0x78: {  	v2 =	vor.u32 v2, v3  }
0x79: {  	v2 =	vperm.xlane v2, v0;
	_ =	sdelay $0x1  }
0x7a: {  	v2 =	vadd.s32 v1, v2;
	_ =	sdelay $0x4  }
0x7b: {  	[tilespmem:s26], [sflag:$0x4] =	stream.indirect_vreg.gather [hbm4b:s2+s4], $0x80, v2, vm0, $0xb8;
	[tilespmem:$0x14000] =	vst v63  }
0x7c: {  	s28 =	simm.s32 $0xA800  }
0x7d: {  	[tilespmem:s28], [sflag:$0x4] =	stream.indirect_vreg.gather [hbm4b:s7+s4], $0x80, v2, vm0, $0xb8;
	[tilespmem:$0x14000] =	vst v63  }
0x7e: {  	s29 =	simm.s32 $0xB000  }
0x7f: {  	[tilespmem:s29], [sflag:$0x4] =	stream.indirect_vreg.gather [hbm4b:s8+s4], $0x80, v2, vm0, $0xb8;
	[tilespmem:$0x14000] =	vst v63  }
0x80: {  	s30 =	simm.s32 $0xB800  }
0x81: {  	[tilespmem:s30], [sflag:$0x4] =	stream.indirect_vreg.gather [hbm4b:s9+s4], $0x80, v2, vm0, $0xb8;
	[tilespmem:$0x14000] =	vst v63  }
0x82: {  	v2 =	vld.msk [tilespmem:$0x2180], $0xff;
	_ =	sdelay $0x4  }
0x83: {  	v3 =	vshll.u32 v2, $0x3  }
0x84: {  	v2 =	vand.u32 $0x7, v2;
	v3 =	vand.u32 $0xFFFFFFC0, v3  }
0x85: {  	v2 =	vor.u32 v2, v3  }
0x86: {  	v2 =	vperm.xlane v2, v0;
	_ =	sdelay $0x1  }
0x87: {  	v2 =	vadd.s32 v1, v2;
	_ =	sdelay $0x3  }
0x88: {  	s31 =	simm.s32 $0x12000  }
0x89: {  	[tilespmem:s31], [sflag:$0x8] =	stream.indirect_vreg.gather [hbm4b:s3+s4], $0x80, v2, vm0, $0xb8;
	[tilespmem:$0x14000] =	vst v63  }
0x8a: {  	_ = 	snop  }
0x8b: {  	[tilespmem:s0], [sflag:$0x8] =	stream.indirect_vreg.gather [hbm4b:s10+s4], $0x80, v2, vm0, $0xb8;
	[tilespmem:$0x14000] =	vst v63  }
0x8c: {  	_ = 	snop  }
0x8d: {  	[tilespmem:s1], [sflag:$0x8] =	stream.indirect_vreg.gather [hbm4b:s11+s4], $0x80, v2, vm0, $0xb8;
	[tilespmem:$0x14000] =	vst v63  }
0x8e: {  	s14 =	simm.s32 $0x0  }
0x8f: {  	[tilespmem:s18], [sflag:$0x8] =	stream.indirect_vreg.gather [hbm4b:s12+s4], $0x80, v2, vm0, $0xb8;
	[tilespmem:$0x14000] =	vst v63  }
.LBB2_2:
0x90: {  	_ =	swait.ge [sflag:s19], $0x2000  }
0x91: {  	[sflag:s19] =	ssyncset.done $0x0  }
0x92: {  	[sflag:s19] =	ssyncadd.s32 $0xFFFFE000  }
0x93: {  	_ =	swait.ge [sflag:s20], $0x2000  }
0x94: {  	[sflag:s20] =	ssyncset.done $0x0  }
0x95: {  	s28 =	simm.s32 $0x0;
	s29 =	simm.s32 $0x200;
	[sflag:s20] =	ssyncadd.s32 $0xFFFFE000  }
.LBB2_3:
0x96: {  	p0 =	sne.s32 s29, $0xE00;
	v2 =	vld [tilespmem:s28+$0xDC70]  }
0x97: {  	v3 =	vld [tilespmem:s28+$0xC000]  }
0x98: {  	v4 =	vld [tilespmem:s28+$0xC010]  }
0x99: {  	v5 =	vld [tilespmem:s28+$0xC020]  }
0x9a: {  	v6 =	vld [tilespmem:s28+$0xC030]  }
0x9b: {  	[tilespmem:s28+$0x5C70] =	vst.add.f32.msk $0xffff, v2  }
0x9c: {  	v2 =	vld [tilespmem:s28+$0xC040]  }
0x9d: {  	v7 =	vld [tilespmem:s28+$0xC050]  }
0x9e: {  	v8 =	vld [tilespmem:s28+$0xC060]  }
0x9f: {  	v9 =	vld [tilespmem:s28+$0xC070]  }
0xa0: {  	v10 =	vld [tilespmem:s28+$0xC400]  }
0xa1: {  	v11 =	vld [tilespmem:s28+$0xC410]  }
0xa2: {  	v12 =	vld [tilespmem:s28+$0xC420]  }
0xa3: {  	v13 =	vld [tilespmem:s28+$0xC430]  }
0xa4: {  	v14 =	vld [tilespmem:s28+$0xC440]  }
0xa5: {  	v15 =	vld [tilespmem:s28+$0xC450]  }
0xa6: {  	v16 =	vld [tilespmem:s28+$0xC460]  }
0xa7: {  	v17 =	vld [tilespmem:s28+$0xC470]  }
0xa8: {  	v18 =	vld [tilespmem:s28+$0xC800]  }
0xa9: {  	v19 =	vld [tilespmem:s28+$0xC810]  }
0xaa: {  	v20 =	vld [tilespmem:s28+$0xC820]  }
0xab: {  	v21 =	vld [tilespmem:s28+$0xC830]  }
0xac: {  	v22 =	vld [tilespmem:s28+$0xC840]  }
0xad: {  	v23 =	vld [tilespmem:s28+$0xC850]  }
0xae: {  	v24 =	vld [tilespmem:s28+$0xC860]  }
0xaf: {  	v25 =	vld [tilespmem:s28+$0xC870]  }
0xb0: {  	v26 =	vld [tilespmem:s28+$0xCC00]  }
0xb1: {  	v27 =	vld [tilespmem:s28+$0xCC10]  }
0xb2: {  	v28 =	vld [tilespmem:s28+$0xCC20]  }
0xb3: {  	v29 =	vld [tilespmem:s28+$0xCC30]  }
0xb4: {  	v30 =	vld [tilespmem:s28+$0xCC40]  }
0xb5: {  	v31 =	vld [tilespmem:s28+$0xCC50]  }
0xb6: {  	v32 =	vld [tilespmem:s28+$0xCC60]  }
0xb7: {  	v33 =	vld [tilespmem:s28+$0xCC70]  }
0xb8: {  	v34 =	vld [tilespmem:s28+$0xD000]  }
0xb9: {  	v35 =	vld [tilespmem:s28+$0xD010]  }
0xba: {  	v36 =	vld [tilespmem:s28+$0xD020]  }
0xbb: {  	v37 =	vld [tilespmem:s28+$0xD030]  }
0xbc: {  	v38 =	vld [tilespmem:s28+$0xD040]  }
0xbd: {  	v39 =	vld [tilespmem:s28+$0xD050]  }
0xbe: {  	v40 =	vld [tilespmem:s28+$0xD060]  }
0xbf: {  	v41 =	vld [tilespmem:s28+$0xD070]  }
0xc0: {  	v42 =	vld [tilespmem:s28+$0xD400]  }
0xc1: {  	v43 =	vld [tilespmem:s28+$0xD410]  }
0xc2: {  	v44 =	vld [tilespmem:s28+$0xD420]  }
0xc3: {  	v45 =	vld [tilespmem:s28+$0xD430]  }
0xc4: {  	v46 =	vld [tilespmem:s28+$0xD440]  }
0xc5: {  	v47 =	vld [tilespmem:s28+$0xD450]  }
0xc6: {  	v48 =	vld [tilespmem:s28+$0xD460]  }
0xc7: {  	v49 =	vld [tilespmem:s28+$0xD470]  }
0xc8: {  	v50 =	vld [tilespmem:s28+$0xD800]  }
0xc9: {  	v51 =	vld [tilespmem:s28+$0xD810]  }
0xca: {  	v52 =	vld [tilespmem:s28+$0xD820]  }
0xcb: {  	v53 =	vld [tilespmem:s28+$0xD830]  }
0xcc: {  	v54 =	vld [tilespmem:s28+$0xD840]  }
0xcd: {  	v55 =	vld [tilespmem:s28+$0xD850]  }
0xce: {  	v56 =	vld [tilespmem:s28+$0xD860]  }
0xcf: {  	v57 =	vld [tilespmem:s28+$0xD870]  }
0xd0: {  	v58 =	vld [tilespmem:s28+$0xDC00]  }
0xd1: {  	v59 =	vld [tilespmem:s28+$0xDC10]  }
0xd2: {  	v60 =	vld [tilespmem:s28+$0xDC20]  }
0xd3: {  	v61 =	vld [tilespmem:s28+$0xDC30]  }
0xd4: {  	v62 =	vld [tilespmem:s28+$0xDC40]  }
0xd5: {  	v63 =	vld [tilespmem:s28+$0xDC50]  }
0xd6: {  	v0 =	vld [tilespmem:s28+$0xDC60]  }
0xd7: {  	[tilespmem:s28+$0x4000] =	vst.add.f32.msk $0xffff, v3  }
0xd8: {  	[tilespmem:s28+$0x4010] =	vst.add.f32.msk $0xffff, v4  }
0xd9: {  	[tilespmem:s28+$0x4020] =	vst.add.f32.msk $0xffff, v5  }
0xda: {  	[tilespmem:s28+$0x4030] =	vst.add.f32.msk $0xffff, v6  }
0xdb: {  	[tilespmem:s28+$0x4040] =	vst.add.f32.msk $0xffff, v2  }
0xdc: {  	[tilespmem:s28+$0x4050] =	vst.add.f32.msk $0xffff, v7  }
0xdd: {  	[tilespmem:s28+$0x4060] =	vst.add.f32.msk $0xffff, v8  }
0xde: {  	[tilespmem:s28+$0x4070] =	vst.add.f32.msk $0xffff, v9  }
0xdf: {  	[tilespmem:s28+$0x4400] =	vst.add.f32.msk $0xffff, v10  }
0xe0: {  	[tilespmem:s28+$0x4410] =	vst.add.f32.msk $0xffff, v11  }
0xe1: {  	[tilespmem:s28+$0x4420] =	vst.add.f32.msk $0xffff, v12  }
0xe2: {  	[tilespmem:s28+$0x4430] =	vst.add.f32.msk $0xffff, v13  }
0xe3: {  	[tilespmem:s28+$0x4440] =	vst.add.f32.msk $0xffff, v14  }
0xe4: {  	[tilespmem:s28+$0x4450] =	vst.add.f32.msk $0xffff, v15  }
0xe5: {  	[tilespmem:s28+$0x4460] =	vst.add.f32.msk $0xffff, v16  }
0xe6: {  	[tilespmem:s28+$0x4470] =	vst.add.f32.msk $0xffff, v17  }
0xe7: {  	[tilespmem:s28+$0x4800] =	vst.add.f32.msk $0xffff, v18  }
0xe8: {  	[tilespmem:s28+$0x4810] =	vst.add.f32.msk $0xffff, v19  }
0xe9: {  	[tilespmem:s28+$0x4820] =	vst.add.f32.msk $0xffff, v20  }
0xea: {  	[tilespmem:s28+$0x4830] =	vst.add.f32.msk $0xffff, v21  }
0xeb: {  	[tilespmem:s28+$0x4840] =	vst.add.f32.msk $0xffff, v22  }
0xec: {  	[tilespmem:s28+$0x4850] =	vst.add.f32.msk $0xffff, v23  }
0xed: {  	[tilespmem:s28+$0x4860] =	vst.add.f32.msk $0xffff, v24  }
0xee: {  	[tilespmem:s28+$0x4870] =	vst.add.f32.msk $0xffff, v25  }
0xef: {  	[tilespmem:s28+$0x4C00] =	vst.add.f32.msk $0xffff, v26  }
0xf0: {  	[tilespmem:s28+$0x4C10] =	vst.add.f32.msk $0xffff, v27  }
0xf1: {  	[tilespmem:s28+$0x4C20] =	vst.add.f32.msk $0xffff, v28  }
0xf2: {  	[tilespmem:s28+$0x4C30] =	vst.add.f32.msk $0xffff, v29  }
0xf3: {  	[tilespmem:s28+$0x4C40] =	vst.add.f32.msk $0xffff, v30  }
0xf4: {  	[tilespmem:s28+$0x4C50] =	vst.add.f32.msk $0xffff, v31  }
0xf5: {  	[tilespmem:s28+$0x4C60] =	vst.add.f32.msk $0xffff, v32  }
0xf6: {  	[tilespmem:s28+$0x4C70] =	vst.add.f32.msk $0xffff, v33  }
0xf7: {  	[tilespmem:s28+$0x5000] =	vst.add.f32.msk $0xffff, v34  }
0xf8: {  	[tilespmem:s28+$0x5010] =	vst.add.f32.msk $0xffff, v35  }
0xf9: {  	[tilespmem:s28+$0x5020] =	vst.add.f32.msk $0xffff, v36  }
0xfa: {  	[tilespmem:s28+$0x5030] =	vst.add.f32.msk $0xffff, v37  }
0xfb: {  	[tilespmem:s28+$0x5040] =	vst.add.f32.msk $0xffff, v38  }
0xfc: {  	[tilespmem:s28+$0x5050] =	vst.add.f32.msk $0xffff, v39  }
0xfd: {  	[tilespmem:s28+$0x5060] =	vst.add.f32.msk $0xffff, v40  }
0xfe: {  	[tilespmem:s28+$0x5070] =	vst.add.f32.msk $0xffff, v41  }
0xff: {  	[tilespmem:s28+$0x5400] =	vst.add.f32.msk $0xffff, v42  }
0x100: {  	[tilespmem:s28+$0x5410] =	vst.add.f32.msk $0xffff, v43  }
0x101: {  	[tilespmem:s28+$0x5420] =	vst.add.f32.msk $0xffff, v44  }
0x102: {  	[tilespmem:s28+$0x5430] =	vst.add.f32.msk $0xffff, v45  }
0x103: {  	[tilespmem:s28+$0x5440] =	vst.add.f32.msk $0xffff, v46  }
0x104: {  	[tilespmem:s28+$0x5450] =	vst.add.f32.msk $0xffff, v47  }
0x105: {  	[tilespmem:s28+$0x5460] =	vst.add.f32.msk $0xffff, v48  }
0x106: {  	[tilespmem:s28+$0x5470] =	vst.add.f32.msk $0xffff, v49  }
0x107: {  	[tilespmem:s28+$0x5800] =	vst.add.f32.msk $0xffff, v50  }
0x108: {  	[tilespmem:s28+$0x5810] =	vst.add.f32.msk $0xffff, v51  }
0x109: {  	[tilespmem:s28+$0x5820] =	vst.add.f32.msk $0xffff, v52  }
0x10a: {  	[tilespmem:s28+$0x5830] =	vst.add.f32.msk $0xffff, v53  }
0x10b: {  	[tilespmem:s28+$0x5840] =	vst.add.f32.msk $0xffff, v54  }
0x10c: {  	[tilespmem:s28+$0x5850] =	vst.add.f32.msk $0xffff, v55  }
0x10d: {  	[tilespmem:s28+$0x5860] =	vst.add.f32.msk $0xffff, v56  }
0x10e: {  	[tilespmem:s28+$0x5870] =	vst.add.f32.msk $0xffff, v57  }
0x10f: {  	[tilespmem:s28+$0x5C00] =	vst.add.f32.msk $0xffff, v58  }
0x110: {  	[tilespmem:s28+$0x5C10] =	vst.add.f32.msk $0xffff, v59  }
.Ltmp2:
0x111: {  	[tilespmem:s28+$0x5C20] =	vst.add.f32.msk $0xffff, v60;
	(pc) =	sbr.rel @p0 .LBB2_3-.Ltmp2, $4  }
0x112: {  	[tilespmem:s28+$0x5C30] =	vst.add.f32.msk $0xffff, v61  }
0x113: {  	[tilespmem:s28+$0x5C40] =	vst.add.f32.msk $0xffff, v62  }
0x114: {  	[tilespmem:s28+$0x5C50] =	vst.add.f32.msk $0xffff, v63  }
0x115: {  	[tilespmem:s28+$0x5C60] =	vst.add.f32.msk $0xffff, v0;
	s28 =	sshra.s32 s29, $0x2;
	s29 =	sadd.s32 $0x200, s29  }
0x116: {  	v0 =	vld [tilespmem:s28+$0xDC70]  }
0x117: {  	v2 =	vld [tilespmem:s28+$0xC000]  }
0x118: {  	v3 =	vld [tilespmem:s28+$0xC010]  }
0x119: {  	v4 =	vld [tilespmem:s28+$0xC020]  }
0x11a: {  	v5 =	vld [tilespmem:s28+$0xC030]  }
0x11b: {  	v6 =	vld [tilespmem:s28+$0xC050]  }
0x11c: {  	v7 =	vld [tilespmem:s28+$0xC060]  }
0x11d: {  	v8 =	vld [tilespmem:s28+$0xC070]  }
0x11e: {  	v9 =	vld [tilespmem:s28+$0xC400]  }
0x11f: {  	v10 =	vld [tilespmem:s28+$0xC410]  }
0x120: {  	v11 =	vld [tilespmem:s28+$0xC420]  }
0x121: {  	v12 =	vld [tilespmem:s28+$0xC430]  }
0x122: {  	v13 =	vld [tilespmem:s28+$0xC440]  }
0x123: {  	v14 =	vld [tilespmem:s28+$0xC450]  }
0x124: {  	v15 =	vld [tilespmem:s28+$0xC460]  }
0x125: {  	v16 =	vld [tilespmem:s28+$0xC470]  }
0x126: {  	v17 =	vld [tilespmem:s28+$0xC800]  }
0x127: {  	v18 =	vld [tilespmem:s28+$0xC810]  }
0x128: {  	v19 =	vld [tilespmem:s28+$0xC820]  }
0x129: {  	v20 =	vld [tilespmem:s28+$0xC830]  }
0x12a: {  	v21 =	vld [tilespmem:s28+$0xC840]  }
0x12b: {  	v22 =	vld [tilespmem:s28+$0xC850]  }
0x12c: {  	v23 =	vld [tilespmem:s28+$0xC860]  }
0x12d: {  	v24 =	vld [tilespmem:s28+$0xC870]  }
0x12e: {  	v25 =	vld [tilespmem:s28+$0xCC00]  }
0x12f: {  	v26 =	vld [tilespmem:s28+$0xCC10]  }
0x130: {  	v27 =	vld [tilespmem:s28+$0xCC20]  }
0x131: {  	v28 =	vld [tilespmem:s28+$0xCC30]  }
0x132: {  	v29 =	vld [tilespmem:s28+$0xCC40]  }
0x133: {  	v30 =	vld [tilespmem:s28+$0xCC50]  }
0x134: {  	v31 =	vld [tilespmem:s28+$0xCC60]  }
0x135: {  	v32 =	vld [tilespmem:s28+$0xCC70]  }
0x136: {  	v33 =	vld [tilespmem:s28+$0xD000]  }
0x137: {  	v34 =	vld [tilespmem:s28+$0xD010]  }
0x138: {  	v35 =	vld [tilespmem:s28+$0xD020]  }
0x139: {  	v36 =	vld [tilespmem:s28+$0xD030]  }
0x13a: {  	v37 =	vld [tilespmem:s28+$0xD040]  }
0x13b: {  	v38 =	vld [tilespmem:s28+$0xD050]  }
0x13c: {  	v39 =	vld [tilespmem:s28+$0xD060]  }
0x13d: {  	v40 =	vld [tilespmem:s28+$0xD070]  }
0x13e: {  	v41 =	vld [tilespmem:s28+$0xD400]  }
0x13f: {  	v42 =	vld [tilespmem:s28+$0xD410]  }
0x140: {  	v43 =	vld [tilespmem:s28+$0xD420]  }
0x141: {  	v44 =	vld [tilespmem:s28+$0xD430]  }
0x142: {  	v45 =	vld [tilespmem:s28+$0xD440]  }
0x143: {  	v46 =	vld [tilespmem:s28+$0xD450]  }
0x144: {  	v47 =	vld [tilespmem:s28+$0xD460]  }
0x145: {  	v48 =	vld [tilespmem:s28+$0xD470]  }
0x146: {  	v49 =	vld [tilespmem:s28+$0xD800]  }
0x147: {  	v50 =	vld [tilespmem:s28+$0xD810]  }
0x148: {  	v51 =	vld [tilespmem:s28+$0xD820]  }
0x149: {  	v52 =	vld [tilespmem:s28+$0xD830]  }
0x14a: {  	v53 =	vld [tilespmem:s28+$0xD840]  }
0x14b: {  	v54 =	vld [tilespmem:s28+$0xD850]  }
0x14c: {  	v55 =	vld [tilespmem:s28+$0xD860]  }
0x14d: {  	v56 =	vld [tilespmem:s28+$0xD870]  }
0x14e: {  	v57 =	vld [tilespmem:s28+$0xDC00]  }
0x14f: {  	v58 =	vld [tilespmem:s28+$0xDC10]  }
0x150: {  	v59 =	vld [tilespmem:s28+$0xDC20]  }
0x151: {  	v60 =	vld [tilespmem:s28+$0xDC30]  }
0x152: {  	v61 =	vld [tilespmem:s28+$0xDC40]  }
0x153: {  	v62 =	vld [tilespmem:s28+$0xDC50]  }
0x154: {  	v63 =	vld [tilespmem:s28+$0xDC60]  }
0x155: {  	[tilespmem:s28+$0x5C70] =	vst.add.f32.msk $0xffff, v0  }
0x156: {  	v0 =	vld [tilespmem:s28+$0xC040]  }
0x157: {  	[tilespmem:s28+$0x4000] =	vst.add.f32.msk $0xffff, v2  }
0x158: {  	[tilespmem:s28+$0x4010] =	vst.add.f32.msk $0xffff, v3  }
0x159: {  	[tilespmem:s28+$0x4020] =	vst.add.f32.msk $0xffff, v4  }
0x15a: {  	[tilespmem:s28+$0x4030] =	vst.add.f32.msk $0xffff, v5  }
0x15b: {  	[tilespmem:s28+$0x4050] =	vst.add.f32.msk $0xffff, v6  }
0x15c: {  	[tilespmem:s28+$0x4060] =	vst.add.f32.msk $0xffff, v7  }
0x15d: {  	[tilespmem:s28+$0x4070] =	vst.add.f32.msk $0xffff, v8  }
0x15e: {  	[tilespmem:s28+$0x4400] =	vst.add.f32.msk $0xffff, v9  }
0x15f: {  	[tilespmem:s28+$0x4410] =	vst.add.f32.msk $0xffff, v10  }
0x160: {  	[tilespmem:s28+$0x4420] =	vst.add.f32.msk $0xffff, v11  }
0x161: {  	[tilespmem:s28+$0x4430] =	vst.add.f32.msk $0xffff, v12  }
0x162: {  	[tilespmem:s28+$0x4440] =	vst.add.f32.msk $0xffff, v13  }
0x163: {  	[tilespmem:s28+$0x4450] =	vst.add.f32.msk $0xffff, v14  }
0x164: {  	[tilespmem:s28+$0x4460] =	vst.add.f32.msk $0xffff, v15  }
0x165: {  	[tilespmem:s28+$0x4470] =	vst.add.f32.msk $0xffff, v16  }
0x166: {  	[tilespmem:s28+$0x4800] =	vst.add.f32.msk $0xffff, v17  }
0x167: {  	[tilespmem:s28+$0x4810] =	vst.add.f32.msk $0xffff, v18  }
0x168: {  	[tilespmem:s28+$0x4820] =	vst.add.f32.msk $0xffff, v19  }
0x169: {  	[tilespmem:s28+$0x4830] =	vst.add.f32.msk $0xffff, v20  }
0x16a: {  	[tilespmem:s28+$0x4840] =	vst.add.f32.msk $0xffff, v21  }
0x16b: {  	[tilespmem:s28+$0x4850] =	vst.add.f32.msk $0xffff, v22  }
0x16c: {  	[tilespmem:s28+$0x4860] =	vst.add.f32.msk $0xffff, v23  }
0x16d: {  	[tilespmem:s28+$0x4870] =	vst.add.f32.msk $0xffff, v24  }
0x16e: {  	[tilespmem:s28+$0x4C00] =	vst.add.f32.msk $0xffff, v25  }
0x16f: {  	[tilespmem:s28+$0x4C10] =	vst.add.f32.msk $0xffff, v26  }
0x170: {  	[tilespmem:s28+$0x4C20] =	vst.add.f32.msk $0xffff, v27  }
0x171: {  	[tilespmem:s28+$0x4C30] =	vst.add.f32.msk $0xffff, v28  }
0x172: {  	[tilespmem:s28+$0x4C40] =	vst.add.f32.msk $0xffff, v29  }
0x173: {  	[tilespmem:s28+$0x4C50] =	vst.add.f32.msk $0xffff, v30  }
0x174: {  	[tilespmem:s28+$0x4C60] =	vst.add.f32.msk $0xffff, v31  }
0x175: {  	[tilespmem:s28+$0x4C70] =	vst.add.f32.msk $0xffff, v32  }
0x176: {  	[tilespmem:s28+$0x5000] =	vst.add.f32.msk $0xffff, v33  }
0x177: {  	[tilespmem:s28+$0x5010] =	vst.add.f32.msk $0xffff, v34  }
0x178: {  	[tilespmem:s28+$0x5020] =	vst.add.f32.msk $0xffff, v35  }
0x179: {  	[tilespmem:s28+$0x5030] =	vst.add.f32.msk $0xffff, v36  }
0x17a: {  	[tilespmem:s28+$0x5040] =	vst.add.f32.msk $0xffff, v37  }
0x17b: {  	[tilespmem:s28+$0x5050] =	vst.add.f32.msk $0xffff, v38  }
0x17c: {  	[tilespmem:s28+$0x5060] =	vst.add.f32.msk $0xffff, v39  }
0x17d: {  	[tilespmem:s28+$0x5070] =	vst.add.f32.msk $0xffff, v40  }
0x17e: {  	[tilespmem:s28+$0x5400] =	vst.add.f32.msk $0xffff, v41  }
0x17f: {  	[tilespmem:s28+$0x5410] =	vst.add.f32.msk $0xffff, v42  }
0x180: {  	[tilespmem:s28+$0x5420] =	vst.add.f32.msk $0xffff, v43  }
0x181: {  	[tilespmem:s28+$0x5430] =	vst.add.f32.msk $0xffff, v44  }
0x182: {  	[tilespmem:s28+$0x5440] =	vst.add.f32.msk $0xffff, v45  }
0x183: {  	[tilespmem:s28+$0x5450] =	vst.add.f32.msk $0xffff, v46  }
0x184: {  	[tilespmem:s28+$0x5460] =	vst.add.f32.msk $0xffff, v47  }
0x185: {  	[tilespmem:s28+$0x5470] =	vst.add.f32.msk $0xffff, v48  }
0x186: {  	[tilespmem:s28+$0x5800] =	vst.add.f32.msk $0xffff, v49  }
0x187: {  	[tilespmem:s28+$0x5810] =	vst.add.f32.msk $0xffff, v50  }
0x188: {  	[tilespmem:s28+$0x5820] =	vst.add.f32.msk $0xffff, v51  }
0x189: {  	[tilespmem:s28+$0x5830] =	vst.add.f32.msk $0xffff, v52  }
0x18a: {  	[tilespmem:s28+$0x5840] =	vst.add.f32.msk $0xffff, v53  }
0x18b: {  	[tilespmem:s28+$0x5850] =	vst.add.f32.msk $0xffff, v54  }
0x18c: {  	[tilespmem:s28+$0x5860] =	vst.add.f32.msk $0xffff, v55  }
0x18d: {  	[tilespmem:s28+$0x5870] =	vst.add.f32.msk $0xffff, v56  }
0x18e: {  	[tilespmem:s28+$0x5C00] =	vst.add.f32.msk $0xffff, v57  }
0x18f: {  	[tilespmem:s28+$0x5C10] =	vst.add.f32.msk $0xffff, v58  }
0x190: {  	[tilespmem:s28+$0x5C20] =	vst.add.f32.msk $0xffff, v59  }
0x191: {  	[tilespmem:s28+$0x5C30] =	vst.add.f32.msk $0xffff, v60  }
0x192: {  	[tilespmem:s28+$0x5C40] =	vst.add.f32.msk $0xffff, v61  }
0x193: {  	[tilespmem:s28+$0x5C50] =	vst.add.f32.msk $0xffff, v62  }
0x194: {  	s29 =	sshll.u32 s14, $0xC;
	[tilespmem:s28+$0x5C60] =	vst.add.f32.msk $0xffff, v63  }
0x195: {  	[tilespmem:s28+$0x4040] =	vst.add.f32.msk $0xffff, v0;
	s28 =	sadd.s32 s29, s13  }
0x196: {  	[hbm4b:s28+s4] =	stream.linear.scatter [tilespmem:s17], [sflag:$0x9], $0x2000, $0x38;
	[tilespmem:$0x14000] =	vst v63  }
0x197: {  	_ =	swait.ge [sflag:s15], $0x2000  }
0x198: {  	p0 =	seq.s32 s14, $0xF;
	[sflag:s15] =	ssyncset.done $0x0  }
0x199: {  	s29 =	sshll.u32 @!p0 s14, $0x9;
	[sflag:s15] =	ssyncadd.s32 $0xFFFFE000  }
0x19a: {  	v0 =	vld.msk @!p0 [tilespmem:s29+$0x200], $0xff;
	_ =	sdelay $0x4  }
0x19b: {  	v2 =	vshll.u32 @!p0 v0, $0x3  }
0x19c: {  	v3 =	vlaneseq.u32 @!p0;
	v0 =	vand.u32 @!p0 $0x7, v0;
	v2 =	vand.u32 @!p0 $0xFFFFFFC0, v2  }
0x19d: {  	v0 =	vor.u32 @!p0 v0, v2;
	v2 =	vand.u32 @!p0 $0x7, v3;
	v3 =	vshrl.u32 @!p0 v3, $0x3  }
0x19e: {  	v0 =	vperm.xlane @!p0 v0, v2;
	v3 =	vmul.u32 @!p0 $0x8, v3;
	_ =	sdelay $0x1  }
0x19f: {  	v0 =	vadd.s32 @!p0 v3, v0;
	_ =	sdelay $0x3  }
0x1a0: {  	vm1 =	vmmov @!p0 $0xffff;
	s30 =	simm.s32 @!p0 $0x0;
	s31 =	simm.s32 @!p0 $0x4000  }
0x1a1: {  	[tilespmem:s31], [sflag:$0x1] =	stream.indirect_vreg.gather @!p0 [hbm4b:s2+s30], $0x80, v0, vm1, $0xb8;
	[tilespmem:$0x14000] =	vst v63  }
0x1a2: {  	s31 =	simm.s32 @!p0 $0x4800  }
0x1a3: {  	[tilespmem:s31], [sflag:$0x1] =	stream.indirect_vreg.gather @!p0 [hbm4b:s7+s30], $0x80, v0, vm1, $0xb8;
	[tilespmem:$0x14000] =	vst v63  }
0x1a4: {  	s31 =	simm.s32 @!p0 $0x5000  }
0x1a5: {  	[tilespmem:s31], [sflag:$0x1] =	stream.indirect_vreg.gather @!p0 [hbm4b:s8+s30], $0x80, v0, vm1, $0xb8;
	[tilespmem:$0x14000] =	vst v63  }
0x1a6: {  	s31 =	simm.s32 @!p0 $0x5800  }
0x1a7: {  	[tilespmem:s31], [sflag:$0x1] =	stream.indirect_vreg.gather @!p0 [hbm4b:s9+s30], $0x80, v0, vm1, $0xb8;
	[tilespmem:$0x14000] =	vst v63  }
0x1a8: {  	v0 =	vld.msk @!p0 [tilespmem:s29+$0x2200], $0xff;
	_ =	sdelay $0x4  }
0x1a9: {  	v4 =	vshll.u32 @!p0 v0, $0x3  }
0x1aa: {  	v0 =	vand.u32 @!p0 $0x7, v0;
	v4 =	vand.u32 @!p0 $0xFFFFFFC0, v4  }
0x1ab: {  	v0 =	vor.u32 @!p0 v0, v4  }
0x1ac: {  	v0 =	vperm.xlane @!p0 v0, v2;
	_ =	sdelay $0x1  }
0x1ad: {  	v0 =	vadd.s32 @!p0 v3, v0;
	_ =	sdelay $0x3  }
0x1ae: {  	s31 =	simm.s32 @!p0 $0xC000  }
0x1af: {  	[tilespmem:s31], [sflag:$0x5] =	stream.indirect_vreg.gather @!p0 [hbm4b:s3+s30], $0x80, v0, vm1, $0xb8;
	[tilespmem:$0x14000] =	vst v63  }
0x1b0: {  	s31 =	simm.s32 @!p0 $0xC800  }
0x1b1: {  	[tilespmem:s31], [sflag:$0x5] =	stream.indirect_vreg.gather @!p0 [hbm4b:s10+s30], $0x80, v0, vm1, $0xb8;
	[tilespmem:$0x14000] =	vst v63  }
0x1b2: {  	s31 =	simm.s32 @!p0 $0xD000  }
0x1b3: {  	[tilespmem:s31], [sflag:$0x5] =	stream.indirect_vreg.gather @!p0 [hbm4b:s11+s30], $0x80, v0, vm1, $0xb8;
	[tilespmem:$0x14000] =	vst v63  }
0x1b4: {  	s31 =	simm.s32 @!p0 $0xD800  }
0x1b5: {  	[tilespmem:s31], [sflag:$0x5] =	stream.indirect_vreg.gather @!p0 [hbm4b:s12+s30], $0x80, v0, vm1, $0xb8;
	[tilespmem:$0x14000] =	vst v63  }
0x1b6: {  	_ =	swait.ge [sflag:s21], $0x2000  }
0x1b7: {  	[sflag:s21] =	ssyncset.done $0x0  }
0x1b8: {  	[sflag:s21] =	ssyncadd.s32 $0xFFFFE000  }
0x1b9: {  	_ =	swait.ge [sflag:s22], $0x2000  }
0x1ba: {  	[sflag:s22] =	ssyncset.done $0x0  }
0x1bb: {  	s30 =	simm.s32 $0x0;
	s31 =	simm.s32 $0x200;
	[sflag:s22] =	ssyncadd.s32 $0xFFFFE000  }
.LBB2_5:
0x1bc: {  	p1 =	sne.s32 s31, $0xE00;
	v0 =	vld [tilespmem:s30+$0xFC70]  }
0x1bd: {  	v2 =	vld [tilespmem:s30+$0xE000]  }
0x1be: {  	v3 =	vld [tilespmem:s30+$0xE010]  }
0x1bf: {  	v4 =	vld [tilespmem:s30+$0xE020]  }
0x1c0: {  	v5 =	vld [tilespmem:s30+$0xE030]  }
0x1c1: {  	[tilespmem:s30+$0x7C70] =	vst.add.f32.msk $0xffff, v0  }
0x1c2: {  	v0 =	vld [tilespmem:s30+$0xE040]  }
0x1c3: {  	v6 =	vld [tilespmem:s30+$0xE050]  }
0x1c4: {  	v7 =	vld [tilespmem:s30+$0xE060]  }
0x1c5: {  	v8 =	vld [tilespmem:s30+$0xE070]  }
0x1c6: {  	v9 =	vld [tilespmem:s30+$0xE400]  }
0x1c7: {  	v10 =	vld [tilespmem:s30+$0xE410]  }
0x1c8: {  	v11 =	vld [tilespmem:s30+$0xE420]  }
0x1c9: {  	v12 =	vld [tilespmem:s30+$0xE430]  }
0x1ca: {  	v13 =	vld [tilespmem:s30+$0xE440]  }
0x1cb: {  	v14 =	vld [tilespmem:s30+$0xE450]  }
0x1cc: {  	v15 =	vld [tilespmem:s30+$0xE460]  }
0x1cd: {  	v16 =	vld [tilespmem:s30+$0xE470]  }
0x1ce: {  	v17 =	vld [tilespmem:s30+$0xE800]  }
0x1cf: {  	v18 =	vld [tilespmem:s30+$0xE810]  }
0x1d0: {  	v19 =	vld [tilespmem:s30+$0xE820]  }
0x1d1: {  	v20 =	vld [tilespmem:s30+$0xE830]  }
0x1d2: {  	v21 =	vld [tilespmem:s30+$0xE840]  }
0x1d3: {  	v22 =	vld [tilespmem:s30+$0xE850]  }
0x1d4: {  	v23 =	vld [tilespmem:s30+$0xE860]  }
0x1d5: {  	v24 =	vld [tilespmem:s30+$0xE870]  }
0x1d6: {  	v25 =	vld [tilespmem:s30+$0xEC00]  }
0x1d7: {  	v26 =	vld [tilespmem:s30+$0xEC10]  }
0x1d8: {  	v27 =	vld [tilespmem:s30+$0xEC20]  }
0x1d9: {  	v28 =	vld [tilespmem:s30+$0xEC30]  }
0x1da: {  	v29 =	vld [tilespmem:s30+$0xEC40]  }
0x1db: {  	v30 =	vld [tilespmem:s30+$0xEC50]  }
0x1dc: {  	v31 =	vld [tilespmem:s30+$0xEC60]  }
0x1dd: {  	v32 =	vld [tilespmem:s30+$0xEC70]  }
0x1de: {  	v33 =	vld [tilespmem:s30+$0xF000]  }
0x1df: {  	v34 =	vld [tilespmem:s30+$0xF010]  }
0x1e0: {  	v35 =	vld [tilespmem:s30+$0xF020]  }
0x1e1: {  	v36 =	vld [tilespmem:s30+$0xF030]  }
0x1e2: {  	v37 =	vld [tilespmem:s30+$0xF040]  }
0x1e3: {  	v38 =	vld [tilespmem:s30+$0xF050]  }
0x1e4: {  	v39 =	vld [tilespmem:s30+$0xF060]  }
0x1e5: {  	v40 =	vld [tilespmem:s30+$0xF070]  }
0x1e6: {  	v41 =	vld [tilespmem:s30+$0xF400]  }
0x1e7: {  	v42 =	vld [tilespmem:s30+$0xF410]  }
0x1e8: {  	v43 =	vld [tilespmem:s30+$0xF420]  }
0x1e9: {  	v44 =	vld [tilespmem:s30+$0xF430]  }
0x1ea: {  	v45 =	vld [tilespmem:s30+$0xF440]  }
0x1eb: {  	v46 =	vld [tilespmem:s30+$0xF450]  }
0x1ec: {  	v47 =	vld [tilespmem:s30+$0xF460]  }
0x1ed: {  	v48 =	vld [tilespmem:s30+$0xF470]  }
0x1ee: {  	v49 =	vld [tilespmem:s30+$0xF800]  }
0x1ef: {  	v50 =	vld [tilespmem:s30+$0xF810]  }
0x1f0: {  	v51 =	vld [tilespmem:s30+$0xF820]  }
0x1f1: {  	v52 =	vld [tilespmem:s30+$0xF830]  }
0x1f2: {  	v53 =	vld [tilespmem:s30+$0xF840]  }
0x1f3: {  	v54 =	vld [tilespmem:s30+$0xF850]  }
0x1f4: {  	v55 =	vld [tilespmem:s30+$0xF860]  }
0x1f5: {  	v56 =	vld [tilespmem:s30+$0xF870]  }
0x1f6: {  	v57 =	vld [tilespmem:s30+$0xFC00]  }
0x1f7: {  	v58 =	vld [tilespmem:s30+$0xFC10]  }
0x1f8: {  	v59 =	vld [tilespmem:s30+$0xFC20]  }
0x1f9: {  	v60 =	vld [tilespmem:s30+$0xFC30]  }
0x1fa: {  	v61 =	vld [tilespmem:s30+$0xFC40]  }
0x1fb: {  	v62 =	vld [tilespmem:s30+$0xFC50]  }
0x1fc: {  	v63 =	vld [tilespmem:s30+$0xFC60]  }
0x1fd: {  	[tilespmem:s30+$0x6000] =	vst.add.f32.msk $0xffff, v2  }
0x1fe: {  	[tilespmem:s30+$0x6010] =	vst.add.f32.msk $0xffff, v3  }
0x1ff: {  	[tilespmem:s30+$0x6020] =	vst.add.f32.msk $0xffff, v4  }
0x200: {  	[tilespmem:s30+$0x6030] =	vst.add.f32.msk $0xffff, v5  }
0x201: {  	[tilespmem:s30+$0x6040] =	vst.add.f32.msk $0xffff, v0  }
0x202: {  	[tilespmem:s30+$0x6050] =	vst.add.f32.msk $0xffff, v6  }
0x203: {  	[tilespmem:s30+$0x6060] =	vst.add.f32.msk $0xffff, v7  }
0x204: {  	[tilespmem:s30+$0x6070] =	vst.add.f32.msk $0xffff, v8  }
0x205: {  	[tilespmem:s30+$0x6400] =	vst.add.f32.msk $0xffff, v9  }
0x206: {  	[tilespmem:s30+$0x6410] =	vst.add.f32.msk $0xffff, v10  }
0x207: {  	[tilespmem:s30+$0x6420] =	vst.add.f32.msk $0xffff, v11  }
0x208: {  	[tilespmem:s30+$0x6430] =	vst.add.f32.msk $0xffff, v12  }
0x209: {  	[tilespmem:s30+$0x6440] =	vst.add.f32.msk $0xffff, v13  }
0x20a: {  	[tilespmem:s30+$0x6450] =	vst.add.f32.msk $0xffff, v14  }
0x20b: {  	[tilespmem:s30+$0x6460] =	vst.add.f32.msk $0xffff, v15  }
0x20c: {  	[tilespmem:s30+$0x6470] =	vst.add.f32.msk $0xffff, v16  }
0x20d: {  	[tilespmem:s30+$0x6800] =	vst.add.f32.msk $0xffff, v17  }
0x20e: {  	[tilespmem:s30+$0x6810] =	vst.add.f32.msk $0xffff, v18  }
0x20f: {  	[tilespmem:s30+$0x6820] =	vst.add.f32.msk $0xffff, v19  }
0x210: {  	[tilespmem:s30+$0x6830] =	vst.add.f32.msk $0xffff, v20  }
0x211: {  	[tilespmem:s30+$0x6840] =	vst.add.f32.msk $0xffff, v21  }
0x212: {  	[tilespmem:s30+$0x6850] =	vst.add.f32.msk $0xffff, v22  }
0x213: {  	[tilespmem:s30+$0x6860] =	vst.add.f32.msk $0xffff, v23  }
0x214: {  	[tilespmem:s30+$0x6870] =	vst.add.f32.msk $0xffff, v24  }
0x215: {  	[tilespmem:s30+$0x6C00] =	vst.add.f32.msk $0xffff, v25  }
0x216: {  	[tilespmem:s30+$0x6C10] =	vst.add.f32.msk $0xffff, v26  }
0x217: {  	[tilespmem:s30+$0x6C20] =	vst.add.f32.msk $0xffff, v27  }
0x218: {  	[tilespmem:s30+$0x6C30] =	vst.add.f32.msk $0xffff, v28  }
0x219: {  	[tilespmem:s30+$0x6C40] =	vst.add.f32.msk $0xffff, v29  }
0x21a: {  	[tilespmem:s30+$0x6C50] =	vst.add.f32.msk $0xffff, v30  }
0x21b: {  	[tilespmem:s30+$0x6C60] =	vst.add.f32.msk $0xffff, v31  }
0x21c: {  	[tilespmem:s30+$0x6C70] =	vst.add.f32.msk $0xffff, v32  }
0x21d: {  	[tilespmem:s30+$0x7000] =	vst.add.f32.msk $0xffff, v33  }
0x21e: {  	[tilespmem:s30+$0x7010] =	vst.add.f32.msk $0xffff, v34  }
0x21f: {  	[tilespmem:s30+$0x7020] =	vst.add.f32.msk $0xffff, v35  }
0x220: {  	[tilespmem:s30+$0x7030] =	vst.add.f32.msk $0xffff, v36  }
0x221: {  	[tilespmem:s30+$0x7040] =	vst.add.f32.msk $0xffff, v37  }
0x222: {  	[tilespmem:s30+$0x7050] =	vst.add.f32.msk $0xffff, v38  }
0x223: {  	[tilespmem:s30+$0x7060] =	vst.add.f32.msk $0xffff, v39  }
0x224: {  	[tilespmem:s30+$0x7070] =	vst.add.f32.msk $0xffff, v40  }
0x225: {  	[tilespmem:s30+$0x7400] =	vst.add.f32.msk $0xffff, v41  }
0x226: {  	[tilespmem:s30+$0x7410] =	vst.add.f32.msk $0xffff, v42  }
0x227: {  	[tilespmem:s30+$0x7420] =	vst.add.f32.msk $0xffff, v43  }
0x228: {  	[tilespmem:s30+$0x7430] =	vst.add.f32.msk $0xffff, v44  }
0x229: {  	[tilespmem:s30+$0x7440] =	vst.add.f32.msk $0xffff, v45  }
0x22a: {  	[tilespmem:s30+$0x7450] =	vst.add.f32.msk $0xffff, v46  }
0x22b: {  	[tilespmem:s30+$0x7460] =	vst.add.f32.msk $0xffff, v47  }
0x22c: {  	[tilespmem:s30+$0x7470] =	vst.add.f32.msk $0xffff, v48  }
0x22d: {  	[tilespmem:s30+$0x7800] =	vst.add.f32.msk $0xffff, v49  }
0x22e: {  	[tilespmem:s30+$0x7810] =	vst.add.f32.msk $0xffff, v50  }
0x22f: {  	[tilespmem:s30+$0x7820] =	vst.add.f32.msk $0xffff, v51  }
0x230: {  	[tilespmem:s30+$0x7830] =	vst.add.f32.msk $0xffff, v52  }
0x231: {  	[tilespmem:s30+$0x7840] =	vst.add.f32.msk $0xffff, v53  }
0x232: {  	[tilespmem:s30+$0x7850] =	vst.add.f32.msk $0xffff, v54  }
0x233: {  	[tilespmem:s30+$0x7860] =	vst.add.f32.msk $0xffff, v55  }
0x234: {  	[tilespmem:s30+$0x7870] =	vst.add.f32.msk $0xffff, v56  }
0x235: {  	[tilespmem:s30+$0x7C00] =	vst.add.f32.msk $0xffff, v57  }
0x236: {  	[tilespmem:s30+$0x7C10] =	vst.add.f32.msk $0xffff, v58  }
.Ltmp3:
0x237: {  	[tilespmem:s30+$0x7C20] =	vst.add.f32.msk $0xffff, v59;
	(pc) =	sbr.rel @p1 .LBB2_5-.Ltmp3, $4  }
0x238: {  	[tilespmem:s30+$0x7C30] =	vst.add.f32.msk $0xffff, v60  }
0x239: {  	[tilespmem:s30+$0x7C40] =	vst.add.f32.msk $0xffff, v61  }
0x23a: {  	[tilespmem:s30+$0x7C50] =	vst.add.f32.msk $0xffff, v62  }
0x23b: {  	[tilespmem:s30+$0x7C60] =	vst.add.f32.msk $0xffff, v63;
	s30 =	sshra.s32 s31, $0x2;
	s31 =	sadd.s32 $0x200, s31  }
0x23c: {  	v0 =	vld [tilespmem:s30+$0xFC70]  }
0x23d: {  	v2 =	vld [tilespmem:s30+$0xE000]  }
0x23e: {  	v3 =	vld [tilespmem:s30+$0xE010]  }
0x23f: {  	v4 =	vld [tilespmem:s30+$0xE020]  }
0x240: {  	v5 =	vld [tilespmem:s30+$0xE030]  }
0x241: {  	v6 =	vld [tilespmem:s30+$0xE050]  }
0x242: {  	v7 =	vld [tilespmem:s30+$0xE060]  }
0x243: {  	v8 =	vld [tilespmem:s30+$0xE070]  }
0x244: {  	v9 =	vld [tilespmem:s30+$0xE400]  }
0x245: {  	v10 =	vld [tilespmem:s30+$0xE410]  }
0x246: {  	v11 =	vld [tilespmem:s30+$0xE420]  }
0x247: {  	v12 =	vld [tilespmem:s30+$0xE430]  }
0x248: {  	v13 =	vld [tilespmem:s30+$0xE440]  }
0x249: {  	v14 =	vld [tilespmem:s30+$0xE450]  }
0x24a: {  	v15 =	vld [tilespmem:s30+$0xE460]  }
0x24b: {  	v16 =	vld [tilespmem:s30+$0xE470]  }
0x24c: {  	v17 =	vld [tilespmem:s30+$0xE800]  }
0x24d: {  	v18 =	vld [tilespmem:s30+$0xE810]  }
0x24e: {  	v19 =	vld [tilespmem:s30+$0xE820]  }
0x24f: {  	v20 =	vld [tilespmem:s30+$0xE830]  }
0x250: {  	v21 =	vld [tilespmem:s30+$0xE840]  }
0x251: {  	v22 =	vld [tilespmem:s30+$0xE850]  }
0x252: {  	v23 =	vld [tilespmem:s30+$0xE860]  }
0x253: {  	v24 =	vld [tilespmem:s30+$0xE870]  }
0x254: {  	v25 =	vld [tilespmem:s30+$0xEC00]  }
0x255: {  	v26 =	vld [tilespmem:s30+$0xEC10]  }
0x256: {  	v27 =	vld [tilespmem:s30+$0xEC20]  }
0x257: {  	v28 =	vld [tilespmem:s30+$0xEC30]  }
0x258: {  	v29 =	vld [tilespmem:s30+$0xEC40]  }
0x259: {  	v30 =	vld [tilespmem:s30+$0xEC50]  }
0x25a: {  	v31 =	vld [tilespmem:s30+$0xEC60]  }
0x25b: {  	v32 =	vld [tilespmem:s30+$0xEC70]  }
0x25c: {  	v33 =	vld [tilespmem:s30+$0xF000]  }
0x25d: {  	v34 =	vld [tilespmem:s30+$0xF010]  }
0x25e: {  	v35 =	vld [tilespmem:s30+$0xF020]  }
0x25f: {  	v36 =	vld [tilespmem:s30+$0xF030]  }
0x260: {  	v37 =	vld [tilespmem:s30+$0xF040]  }
0x261: {  	v38 =	vld [tilespmem:s30+$0xF050]  }
0x262: {  	v39 =	vld [tilespmem:s30+$0xF060]  }
0x263: {  	v40 =	vld [tilespmem:s30+$0xF070]  }
0x264: {  	v41 =	vld [tilespmem:s30+$0xF400]  }
0x265: {  	v42 =	vld [tilespmem:s30+$0xF410]  }
0x266: {  	v43 =	vld [tilespmem:s30+$0xF420]  }
0x267: {  	v44 =	vld [tilespmem:s30+$0xF430]  }
0x268: {  	v45 =	vld [tilespmem:s30+$0xF440]  }
0x269: {  	v46 =	vld [tilespmem:s30+$0xF450]  }
0x26a: {  	v47 =	vld [tilespmem:s30+$0xF460]  }
0x26b: {  	v48 =	vld [tilespmem:s30+$0xF470]  }
0x26c: {  	v49 =	vld [tilespmem:s30+$0xF800]  }
0x26d: {  	v50 =	vld [tilespmem:s30+$0xF810]  }
0x26e: {  	v51 =	vld [tilespmem:s30+$0xF820]  }
0x26f: {  	v52 =	vld [tilespmem:s30+$0xF830]  }
0x270: {  	v53 =	vld [tilespmem:s30+$0xF840]  }
0x271: {  	v54 =	vld [tilespmem:s30+$0xF850]  }
0x272: {  	v55 =	vld [tilespmem:s30+$0xF860]  }
0x273: {  	v56 =	vld [tilespmem:s30+$0xF870]  }
0x274: {  	v57 =	vld [tilespmem:s30+$0xFC00]  }
0x275: {  	v58 =	vld [tilespmem:s30+$0xFC10]  }
0x276: {  	v59 =	vld [tilespmem:s30+$0xFC20]  }
0x277: {  	v60 =	vld [tilespmem:s30+$0xFC30]  }
0x278: {  	v61 =	vld [tilespmem:s30+$0xFC40]  }
0x279: {  	v62 =	vld [tilespmem:s30+$0xFC50]  }
0x27a: {  	v63 =	vld [tilespmem:s30+$0xFC60]  }
0x27b: {  	[tilespmem:s30+$0x7C70] =	vst.add.f32.msk $0xffff, v0  }
0x27c: {  	v0 =	vld [tilespmem:s30+$0xE040]  }
0x27d: {  	[tilespmem:s30+$0x6000] =	vst.add.f32.msk $0xffff, v2  }
0x27e: {  	[tilespmem:s30+$0x6010] =	vst.add.f32.msk $0xffff, v3  }
0x27f: {  	[tilespmem:s30+$0x6020] =	vst.add.f32.msk $0xffff, v4  }
0x280: {  	[tilespmem:s30+$0x6030] =	vst.add.f32.msk $0xffff, v5  }
0x281: {  	[tilespmem:s30+$0x6050] =	vst.add.f32.msk $0xffff, v6  }
0x282: {  	[tilespmem:s30+$0x6060] =	vst.add.f32.msk $0xffff, v7  }
0x283: {  	[tilespmem:s30+$0x6070] =	vst.add.f32.msk $0xffff, v8  }
0x284: {  	[tilespmem:s30+$0x6400] =	vst.add.f32.msk $0xffff, v9  }
0x285: {  	[tilespmem:s30+$0x6410] =	vst.add.f32.msk $0xffff, v10  }
0x286: {  	[tilespmem:s30+$0x6420] =	vst.add.f32.msk $0xffff, v11  }
0x287: {  	[tilespmem:s30+$0x6430] =	vst.add.f32.msk $0xffff, v12  }
0x288: {  	[tilespmem:s30+$0x6440] =	vst.add.f32.msk $0xffff, v13  }
0x289: {  	[tilespmem:s30+$0x6450] =	vst.add.f32.msk $0xffff, v14  }
0x28a: {  	[tilespmem:s30+$0x6460] =	vst.add.f32.msk $0xffff, v15  }
0x28b: {  	[tilespmem:s30+$0x6470] =	vst.add.f32.msk $0xffff, v16  }
0x28c: {  	[tilespmem:s30+$0x6800] =	vst.add.f32.msk $0xffff, v17  }
0x28d: {  	[tilespmem:s30+$0x6810] =	vst.add.f32.msk $0xffff, v18  }
0x28e: {  	[tilespmem:s30+$0x6820] =	vst.add.f32.msk $0xffff, v19  }
0x28f: {  	[tilespmem:s30+$0x6830] =	vst.add.f32.msk $0xffff, v20  }
0x290: {  	[tilespmem:s30+$0x6840] =	vst.add.f32.msk $0xffff, v21  }
0x291: {  	[tilespmem:s30+$0x6850] =	vst.add.f32.msk $0xffff, v22  }
0x292: {  	[tilespmem:s30+$0x6860] =	vst.add.f32.msk $0xffff, v23  }
0x293: {  	[tilespmem:s30+$0x6870] =	vst.add.f32.msk $0xffff, v24  }
0x294: {  	[tilespmem:s30+$0x6C00] =	vst.add.f32.msk $0xffff, v25  }
0x295: {  	[tilespmem:s30+$0x6C10] =	vst.add.f32.msk $0xffff, v26  }
0x296: {  	[tilespmem:s30+$0x6C20] =	vst.add.f32.msk $0xffff, v27  }
0x297: {  	[tilespmem:s30+$0x6C30] =	vst.add.f32.msk $0xffff, v28  }
0x298: {  	[tilespmem:s30+$0x6C40] =	vst.add.f32.msk $0xffff, v29  }
0x299: {  	[tilespmem:s30+$0x6C50] =	vst.add.f32.msk $0xffff, v30  }
0x29a: {  	[tilespmem:s30+$0x6C60] =	vst.add.f32.msk $0xffff, v31  }
0x29b: {  	[tilespmem:s30+$0x6C70] =	vst.add.f32.msk $0xffff, v32  }
0x29c: {  	[tilespmem:s30+$0x7000] =	vst.add.f32.msk $0xffff, v33  }
0x29d: {  	[tilespmem:s30+$0x7010] =	vst.add.f32.msk $0xffff, v34  }
0x29e: {  	[tilespmem:s30+$0x7020] =	vst.add.f32.msk $0xffff, v35  }
0x29f: {  	[tilespmem:s30+$0x7030] =	vst.add.f32.msk $0xffff, v36  }
0x2a0: {  	[tilespmem:s30+$0x7040] =	vst.add.f32.msk $0xffff, v37  }
0x2a1: {  	[tilespmem:s30+$0x7050] =	vst.add.f32.msk $0xffff, v38  }
0x2a2: {  	[tilespmem:s30+$0x7060] =	vst.add.f32.msk $0xffff, v39  }
0x2a3: {  	[tilespmem:s30+$0x7070] =	vst.add.f32.msk $0xffff, v40  }
0x2a4: {  	[tilespmem:s30+$0x7400] =	vst.add.f32.msk $0xffff, v41  }
0x2a5: {  	[tilespmem:s30+$0x7410] =	vst.add.f32.msk $0xffff, v42  }
0x2a6: {  	[tilespmem:s30+$0x7420] =	vst.add.f32.msk $0xffff, v43  }
0x2a7: {  	[tilespmem:s30+$0x7430] =	vst.add.f32.msk $0xffff, v44  }
0x2a8: {  	[tilespmem:s30+$0x7440] =	vst.add.f32.msk $0xffff, v45  }
0x2a9: {  	[tilespmem:s30+$0x7450] =	vst.add.f32.msk $0xffff, v46  }
0x2aa: {  	[tilespmem:s30+$0x7460] =	vst.add.f32.msk $0xffff, v47  }
0x2ab: {  	[tilespmem:s30+$0x7470] =	vst.add.f32.msk $0xffff, v48  }
0x2ac: {  	[tilespmem:s30+$0x7800] =	vst.add.f32.msk $0xffff, v49  }
0x2ad: {  	[tilespmem:s30+$0x7810] =	vst.add.f32.msk $0xffff, v50  }
0x2ae: {  	[tilespmem:s30+$0x7820] =	vst.add.f32.msk $0xffff, v51  }
0x2af: {  	[tilespmem:s30+$0x7830] =	vst.add.f32.msk $0xffff, v52  }
0x2b0: {  	[tilespmem:s30+$0x7840] =	vst.add.f32.msk $0xffff, v53  }
0x2b1: {  	[tilespmem:s30+$0x7850] =	vst.add.f32.msk $0xffff, v54  }
0x2b2: {  	[tilespmem:s30+$0x7860] =	vst.add.f32.msk $0xffff, v55  }
0x2b3: {  	[tilespmem:s30+$0x7870] =	vst.add.f32.msk $0xffff, v56  }
0x2b4: {  	[tilespmem:s30+$0x7C00] =	vst.add.f32.msk $0xffff, v57  }
0x2b5: {  	[tilespmem:s30+$0x7C10] =	vst.add.f32.msk $0xffff, v58  }
0x2b6: {  	[tilespmem:s30+$0x7C20] =	vst.add.f32.msk $0xffff, v59  }
0x2b7: {  	[tilespmem:s30+$0x7C30] =	vst.add.f32.msk $0xffff, v60  }
0x2b8: {  	[tilespmem:s30+$0x7C40] =	vst.add.f32.msk $0xffff, v61  }
0x2b9: {  	[tilespmem:s30+$0x7C50] =	vst.add.f32.msk $0xffff, v62  }
0x2ba: {  	[tilespmem:s30+$0x7C60] =	vst.add.f32.msk $0xffff, v63  }
0x2bb: {  	[tilespmem:s30+$0x6040] =	vst.add.f32.msk $0xffff, v0;
	s30 =	sadd.s32 $0x400, s28  }
0x2bc: {  	[hbm4b:s30+s4] =	stream.linear.scatter [tilespmem:s25], [sflag:$0x9], $0x2000, $0x38;
	[tilespmem:$0x14000] =	vst v63  }
0x2bd: {  	_ =	swait.ge [sflag:s15], $0x2000  }
0x2be: {  	[sflag:s15] =	ssyncset.done $0x0  }
0x2bf: {  	[sflag:s15] =	ssyncadd.s32 $0xFFFFE000  }
0x2c0: {  	v0 =	vld.msk @!p0 [tilespmem:s29+$0x280], $0xff;
	_ =	sdelay $0x4  }
0x2c1: {  	v2 =	vshll.u32 @!p0 v0, $0x3  }
0x2c2: {  	v3 =	vlaneseq.u32 @!p0;
	v0 =	vand.u32 @!p0 $0x7, v0;
	v2 =	vand.u32 @!p0 $0xFFFFFFC0, v2  }
0x2c3: {  	v0 =	vor.u32 @!p0 v0, v2;
	v2 =	vand.u32 @!p0 $0x7, v3;
	v3 =	vshrl.u32 @!p0 v3, $0x3  }
0x2c4: {  	v0 =	vperm.xlane @!p0 v0, v2;
	v3 =	vmul.u32 @!p0 $0x8, v3;
	_ =	sdelay $0x1  }
0x2c5: {  	v0 =	vadd.s32 @!p0 v3, v0;
	_ =	sdelay $0x3  }
0x2c6: {  	s31 =	simm.s32 @!p0 $0x6000;
	s30 =	simm.s32 @!p0 $0x0  }
0x2c7: {  	[tilespmem:s31], [sflag:$0x2] =	stream.indirect_vreg.gather @!p0 [hbm4b:s2+s30], $0x80, v0, vm1, $0xb8;
	[tilespmem:$0x14000] =	vst v63  }
0x2c8: {  	s31 =	simm.s32 @!p0 $0x6800  }
0x2c9: {  	[tilespmem:s31], [sflag:$0x2] =	stream.indirect_vreg.gather @!p0 [hbm4b:s7+s30], $0x80, v0, vm1, $0xb8;
	[tilespmem:$0x14000] =	vst v63  }
0x2ca: {  	s31 =	simm.s32 @!p0 $0x7000  }
0x2cb: {  	[tilespmem:s31], [sflag:$0x2] =	stream.indirect_vreg.gather @!p0 [hbm4b:s8+s30], $0x80, v0, vm1, $0xb8;
	[tilespmem:$0x14000] =	vst v63  }
0x2cc: {  	s31 =	simm.s32 @!p0 $0x7800  }
0x2cd: {  	[tilespmem:s31], [sflag:$0x2] =	stream.indirect_vreg.gather @!p0 [hbm4b:s9+s30], $0x80, v0, vm1, $0xb8;
	[tilespmem:$0x14000] =	vst v63  }
0x2ce: {  	v0 =	vld.msk @!p0 [tilespmem:s29+$0x2280], $0xff;
	_ =	sdelay $0x4  }
0x2cf: {  	v4 =	vshll.u32 @!p0 v0, $0x3  }
0x2d0: {  	v0 =	vand.u32 @!p0 $0x7, v0;
	v4 =	vand.u32 @!p0 $0xFFFFFFC0, v4  }
0x2d1: {  	v0 =	vor.u32 @!p0 v0, v4  }
0x2d2: {  	v0 =	vperm.xlane @!p0 v0, v2;
	_ =	sdelay $0x1  }
0x2d3: {  	v0 =	vadd.s32 @!p0 v3, v0;
	_ =	sdelay $0x3  }
0x2d4: {  	s31 =	simm.s32 @!p0 $0xE000  }
0x2d5: {  	[tilespmem:s31], [sflag:$0x6] =	stream.indirect_vreg.gather @!p0 [hbm4b:s3+s30], $0x80, v0, vm1, $0xb8;
	[tilespmem:$0x14000] =	vst v63  }
0x2d6: {  	s31 =	simm.s32 @!p0 $0xE800  }
0x2d7: {  	[tilespmem:s31], [sflag:$0x6] =	stream.indirect_vreg.gather @!p0 [hbm4b:s10+s30], $0x80, v0, vm1, $0xb8;
	[tilespmem:$0x14000] =	vst v63  }
0x2d8: {  	s31 =	simm.s32 @!p0 $0xF000  }
0x2d9: {  	[tilespmem:s31], [sflag:$0x6] =	stream.indirect_vreg.gather @!p0 [hbm4b:s11+s30], $0x80, v0, vm1, $0xb8;
	[tilespmem:$0x14000] =	vst v63  }
0x2da: {  	s31 =	simm.s32 @!p0 $0xF800  }
0x2db: {  	[tilespmem:s31], [sflag:$0x6] =	stream.indirect_vreg.gather @!p0 [hbm4b:s12+s30], $0x80, v0, vm1, $0xb8;
	[tilespmem:$0x14000] =	vst v63  }
0x2dc: {  	_ =	swait.ge [sflag:s23], $0x2000  }
0x2dd: {  	[sflag:s23] =	ssyncset.done $0x0  }
0x2de: {  	[sflag:s23] =	ssyncadd.s32 $0xFFFFE000  }
0x2df: {  	_ =	swait.ge [sflag:s24], $0x2000  }
0x2e0: {  	[sflag:s24] =	ssyncset.done $0x0  }
0x2e1: {  	s30 =	simm.s32 $0x0;
	s31 =	simm.s32 $0x200;
	[sflag:s24] =	ssyncadd.s32 $0xFFFFE000  }
.LBB2_7:
0x2e2: {  	p1 =	sne.s32 s31, $0xE00;
	v0 =	vld [tilespmem:s30+$0x11C70]  }
0x2e3: {  	v2 =	vld [tilespmem:s30+$0x10000]  }
0x2e4: {  	v3 =	vld [tilespmem:s30+$0x10010]  }
0x2e5: {  	v4 =	vld [tilespmem:s30+$0x10020]  }
0x2e6: {  	v5 =	vld [tilespmem:s30+$0x10030]  }
0x2e7: {  	[tilespmem:s30+$0x9C70] =	vst.add.f32.msk $0xffff, v0  }
0x2e8: {  	v0 =	vld [tilespmem:s30+$0x10040]  }
0x2e9: {  	v6 =	vld [tilespmem:s30+$0x10050]  }
0x2ea: {  	v7 =	vld [tilespmem:s30+$0x10060]  }
0x2eb: {  	v8 =	vld [tilespmem:s30+$0x10070]  }
0x2ec: {  	v9 =	vld [tilespmem:s30+$0x10400]  }
0x2ed: {  	v10 =	vld [tilespmem:s30+$0x10410]  }
0x2ee: {  	v11 =	vld [tilespmem:s30+$0x10420]  }
0x2ef: {  	v12 =	vld [tilespmem:s30+$0x10430]  }
0x2f0: {  	v13 =	vld [tilespmem:s30+$0x10440]  }
0x2f1: {  	v14 =	vld [tilespmem:s30+$0x10450]  }
0x2f2: {  	v15 =	vld [tilespmem:s30+$0x10460]  }
0x2f3: {  	v16 =	vld [tilespmem:s30+$0x10470]  }
0x2f4: {  	v17 =	vld [tilespmem:s30+$0x10800]  }
0x2f5: {  	v18 =	vld [tilespmem:s30+$0x10810]  }
0x2f6: {  	v19 =	vld [tilespmem:s30+$0x10820]  }
0x2f7: {  	v20 =	vld [tilespmem:s30+$0x10830]  }
0x2f8: {  	v21 =	vld [tilespmem:s30+$0x10840]  }
0x2f9: {  	v22 =	vld [tilespmem:s30+$0x10850]  }
0x2fa: {  	v23 =	vld [tilespmem:s30+$0x10860]  }
0x2fb: {  	v24 =	vld [tilespmem:s30+$0x10870]  }
0x2fc: {  	v25 =	vld [tilespmem:s30+$0x10C00]  }
0x2fd: {  	v26 =	vld [tilespmem:s30+$0x10C10]  }
0x2fe: {  	v27 =	vld [tilespmem:s30+$0x10C20]  }
0x2ff: {  	v28 =	vld [tilespmem:s30+$0x10C30]  }
0x300: {  	v29 =	vld [tilespmem:s30+$0x10C40]  }
0x301: {  	v30 =	vld [tilespmem:s30+$0x10C50]  }
0x302: {  	v31 =	vld [tilespmem:s30+$0x10C60]  }
0x303: {  	v32 =	vld [tilespmem:s30+$0x10C70]  }
0x304: {  	v33 =	vld [tilespmem:s30+$0x11000]  }
0x305: {  	v34 =	vld [tilespmem:s30+$0x11010]  }
0x306: {  	v35 =	vld [tilespmem:s30+$0x11020]  }
0x307: {  	v36 =	vld [tilespmem:s30+$0x11030]  }
0x308: {  	v37 =	vld [tilespmem:s30+$0x11040]  }
0x309: {  	v38 =	vld [tilespmem:s30+$0x11050]  }
0x30a: {  	v39 =	vld [tilespmem:s30+$0x11060]  }
0x30b: {  	v40 =	vld [tilespmem:s30+$0x11070]  }
0x30c: {  	v41 =	vld [tilespmem:s30+$0x11400]  }
0x30d: {  	v42 =	vld [tilespmem:s30+$0x11410]  }
0x30e: {  	v43 =	vld [tilespmem:s30+$0x11420]  }
0x30f: {  	v44 =	vld [tilespmem:s30+$0x11430]  }
0x310: {  	v45 =	vld [tilespmem:s30+$0x11440]  }
0x311: {  	v46 =	vld [tilespmem:s30+$0x11450]  }
0x312: {  	v47 =	vld [tilespmem:s30+$0x11460]  }
0x313: {  	v48 =	vld [tilespmem:s30+$0x11470]  }
0x314: {  	v49 =	vld [tilespmem:s30+$0x11800]  }
0x315: {  	v50 =	vld [tilespmem:s30+$0x11810]  }
0x316: {  	v51 =	vld [tilespmem:s30+$0x11820]  }
0x317: {  	v52 =	vld [tilespmem:s30+$0x11830]  }
0x318: {  	v53 =	vld [tilespmem:s30+$0x11840]  }
0x319: {  	v54 =	vld [tilespmem:s30+$0x11850]  }
0x31a: {  	v55 =	vld [tilespmem:s30+$0x11860]  }
0x31b: {  	v56 =	vld [tilespmem:s30+$0x11870]  }
0x31c: {  	v57 =	vld [tilespmem:s30+$0x11C00]  }
0x31d: {  	v58 =	vld [tilespmem:s30+$0x11C10]  }
0x31e: {  	v59 =	vld [tilespmem:s30+$0x11C20]  }
0x31f: {  	v60 =	vld [tilespmem:s30+$0x11C30]  }
0x320: {  	v61 =	vld [tilespmem:s30+$0x11C40]  }
0x321: {  	v62 =	vld [tilespmem:s30+$0x11C50]  }
0x322: {  	v63 =	vld [tilespmem:s30+$0x11C60]  }
0x323: {  	[tilespmem:s30+$0x8000] =	vst.add.f32.msk $0xffff, v2  }
0x324: {  	[tilespmem:s30+$0x8010] =	vst.add.f32.msk $0xffff, v3  }
0x325: {  	[tilespmem:s30+$0x8020] =	vst.add.f32.msk $0xffff, v4  }
0x326: {  	[tilespmem:s30+$0x8030] =	vst.add.f32.msk $0xffff, v5  }
0x327: {  	[tilespmem:s30+$0x8040] =	vst.add.f32.msk $0xffff, v0  }
0x328: {  	[tilespmem:s30+$0x8050] =	vst.add.f32.msk $0xffff, v6  }
0x329: {  	[tilespmem:s30+$0x8060] =	vst.add.f32.msk $0xffff, v7  }
0x32a: {  	[tilespmem:s30+$0x8070] =	vst.add.f32.msk $0xffff, v8  }
0x32b: {  	[tilespmem:s30+$0x8400] =	vst.add.f32.msk $0xffff, v9  }
0x32c: {  	[tilespmem:s30+$0x8410] =	vst.add.f32.msk $0xffff, v10  }
0x32d: {  	[tilespmem:s30+$0x8420] =	vst.add.f32.msk $0xffff, v11  }
0x32e: {  	[tilespmem:s30+$0x8430] =	vst.add.f32.msk $0xffff, v12  }
0x32f: {  	[tilespmem:s30+$0x8440] =	vst.add.f32.msk $0xffff, v13  }
0x330: {  	[tilespmem:s30+$0x8450] =	vst.add.f32.msk $0xffff, v14  }
0x331: {  	[tilespmem:s30+$0x8460] =	vst.add.f32.msk $0xffff, v15  }
0x332: {  	[tilespmem:s30+$0x8470] =	vst.add.f32.msk $0xffff, v16  }
0x333: {  	[tilespmem:s30+$0x8800] =	vst.add.f32.msk $0xffff, v17  }
0x334: {  	[tilespmem:s30+$0x8810] =	vst.add.f32.msk $0xffff, v18  }
0x335: {  	[tilespmem:s30+$0x8820] =	vst.add.f32.msk $0xffff, v19  }
0x336: {  	[tilespmem:s30+$0x8830] =	vst.add.f32.msk $0xffff, v20  }
0x337: {  	[tilespmem:s30+$0x8840] =	vst.add.f32.msk $0xffff, v21  }
0x338: {  	[tilespmem:s30+$0x8850] =	vst.add.f32.msk $0xffff, v22  }
0x339: {  	[tilespmem:s30+$0x8860] =	vst.add.f32.msk $0xffff, v23  }
0x33a: {  	[tilespmem:s30+$0x8870] =	vst.add.f32.msk $0xffff, v24  }
0x33b: {  	[tilespmem:s30+$0x8C00] =	vst.add.f32.msk $0xffff, v25  }
0x33c: {  	[tilespmem:s30+$0x8C10] =	vst.add.f32.msk $0xffff, v26  }
0x33d: {  	[tilespmem:s30+$0x8C20] =	vst.add.f32.msk $0xffff, v27  }
0x33e: {  	[tilespmem:s30+$0x8C30] =	vst.add.f32.msk $0xffff, v28  }
0x33f: {  	[tilespmem:s30+$0x8C40] =	vst.add.f32.msk $0xffff, v29  }
0x340: {  	[tilespmem:s30+$0x8C50] =	vst.add.f32.msk $0xffff, v30  }
0x341: {  	[tilespmem:s30+$0x8C60] =	vst.add.f32.msk $0xffff, v31  }
0x342: {  	[tilespmem:s30+$0x8C70] =	vst.add.f32.msk $0xffff, v32  }
0x343: {  	[tilespmem:s30+$0x9000] =	vst.add.f32.msk $0xffff, v33  }
0x344: {  	[tilespmem:s30+$0x9010] =	vst.add.f32.msk $0xffff, v34  }
0x345: {  	[tilespmem:s30+$0x9020] =	vst.add.f32.msk $0xffff, v35  }
0x346: {  	[tilespmem:s30+$0x9030] =	vst.add.f32.msk $0xffff, v36  }
0x347: {  	[tilespmem:s30+$0x9040] =	vst.add.f32.msk $0xffff, v37  }
0x348: {  	[tilespmem:s30+$0x9050] =	vst.add.f32.msk $0xffff, v38  }
0x349: {  	[tilespmem:s30+$0x9060] =	vst.add.f32.msk $0xffff, v39  }
0x34a: {  	[tilespmem:s30+$0x9070] =	vst.add.f32.msk $0xffff, v40  }
0x34b: {  	[tilespmem:s30+$0x9400] =	vst.add.f32.msk $0xffff, v41  }
0x34c: {  	[tilespmem:s30+$0x9410] =	vst.add.f32.msk $0xffff, v42  }
0x34d: {  	[tilespmem:s30+$0x9420] =	vst.add.f32.msk $0xffff, v43  }
0x34e: {  	[tilespmem:s30+$0x9430] =	vst.add.f32.msk $0xffff, v44  }
0x34f: {  	[tilespmem:s30+$0x9440] =	vst.add.f32.msk $0xffff, v45  }
0x350: {  	[tilespmem:s30+$0x9450] =	vst.add.f32.msk $0xffff, v46  }
0x351: {  	[tilespmem:s30+$0x9460] =	vst.add.f32.msk $0xffff, v47  }
0x352: {  	[tilespmem:s30+$0x9470] =	vst.add.f32.msk $0xffff, v48  }
0x353: {  	[tilespmem:s30+$0x9800] =	vst.add.f32.msk $0xffff, v49  }
0x354: {  	[tilespmem:s30+$0x9810] =	vst.add.f32.msk $0xffff, v50  }
0x355: {  	[tilespmem:s30+$0x9820] =	vst.add.f32.msk $0xffff, v51  }
0x356: {  	[tilespmem:s30+$0x9830] =	vst.add.f32.msk $0xffff, v52  }
0x357: {  	[tilespmem:s30+$0x9840] =	vst.add.f32.msk $0xffff, v53  }
0x358: {  	[tilespmem:s30+$0x9850] =	vst.add.f32.msk $0xffff, v54  }
0x359: {  	[tilespmem:s30+$0x9860] =	vst.add.f32.msk $0xffff, v55  }
0x35a: {  	[tilespmem:s30+$0x9870] =	vst.add.f32.msk $0xffff, v56  }
0x35b: {  	[tilespmem:s30+$0x9C00] =	vst.add.f32.msk $0xffff, v57  }
0x35c: {  	[tilespmem:s30+$0x9C10] =	vst.add.f32.msk $0xffff, v58  }
.Ltmp4:
0x35d: {  	[tilespmem:s30+$0x9C20] =	vst.add.f32.msk $0xffff, v59;
	(pc) =	sbr.rel @p1 .LBB2_7-.Ltmp4, $4  }
0x35e: {  	[tilespmem:s30+$0x9C30] =	vst.add.f32.msk $0xffff, v60  }
0x35f: {  	[tilespmem:s30+$0x9C40] =	vst.add.f32.msk $0xffff, v61  }
0x360: {  	[tilespmem:s30+$0x9C50] =	vst.add.f32.msk $0xffff, v62  }
0x361: {  	[tilespmem:s30+$0x9C60] =	vst.add.f32.msk $0xffff, v63;
	s30 =	sshra.s32 s31, $0x2;
	s31 =	sadd.s32 $0x200, s31  }
0x362: {  	v0 =	vld [tilespmem:s30+$0x11C70]  }
0x363: {  	v2 =	vld [tilespmem:s30+$0x10000]  }
0x364: {  	v3 =	vld [tilespmem:s30+$0x10010]  }
0x365: {  	v4 =	vld [tilespmem:s30+$0x10020]  }
0x366: {  	v5 =	vld [tilespmem:s30+$0x10030]  }
0x367: {  	v6 =	vld [tilespmem:s30+$0x10050]  }
0x368: {  	v7 =	vld [tilespmem:s30+$0x10060]  }
0x369: {  	v8 =	vld [tilespmem:s30+$0x10070]  }
0x36a: {  	v9 =	vld [tilespmem:s30+$0x10400]  }
0x36b: {  	v10 =	vld [tilespmem:s30+$0x10410]  }
0x36c: {  	v11 =	vld [tilespmem:s30+$0x10420]  }
0x36d: {  	v12 =	vld [tilespmem:s30+$0x10430]  }
0x36e: {  	v13 =	vld [tilespmem:s30+$0x10440]  }
0x36f: {  	v14 =	vld [tilespmem:s30+$0x10450]  }
0x370: {  	v15 =	vld [tilespmem:s30+$0x10460]  }
0x371: {  	v16 =	vld [tilespmem:s30+$0x10470]  }
0x372: {  	v17 =	vld [tilespmem:s30+$0x10800]  }
0x373: {  	v18 =	vld [tilespmem:s30+$0x10810]  }
0x374: {  	v19 =	vld [tilespmem:s30+$0x10820]  }
0x375: {  	v20 =	vld [tilespmem:s30+$0x10830]  }
0x376: {  	v21 =	vld [tilespmem:s30+$0x10840]  }
0x377: {  	v22 =	vld [tilespmem:s30+$0x10850]  }
0x378: {  	v23 =	vld [tilespmem:s30+$0x10860]  }
0x379: {  	v24 =	vld [tilespmem:s30+$0x10870]  }
0x37a: {  	v25 =	vld [tilespmem:s30+$0x10C00]  }
0x37b: {  	v26 =	vld [tilespmem:s30+$0x10C10]  }
0x37c: {  	v27 =	vld [tilespmem:s30+$0x10C20]  }
0x37d: {  	v28 =	vld [tilespmem:s30+$0x10C30]  }
0x37e: {  	v29 =	vld [tilespmem:s30+$0x10C40]  }
0x37f: {  	v30 =	vld [tilespmem:s30+$0x10C50]  }
0x380: {  	v31 =	vld [tilespmem:s30+$0x10C60]  }
0x381: {  	v32 =	vld [tilespmem:s30+$0x10C70]  }
0x382: {  	v33 =	vld [tilespmem:s30+$0x11000]  }
0x383: {  	v34 =	vld [tilespmem:s30+$0x11010]  }
0x384: {  	v35 =	vld [tilespmem:s30+$0x11020]  }
0x385: {  	v36 =	vld [tilespmem:s30+$0x11030]  }
0x386: {  	v37 =	vld [tilespmem:s30+$0x11040]  }
0x387: {  	v38 =	vld [tilespmem:s30+$0x11050]  }
0x388: {  	v39 =	vld [tilespmem:s30+$0x11060]  }
0x389: {  	v40 =	vld [tilespmem:s30+$0x11070]  }
0x38a: {  	v41 =	vld [tilespmem:s30+$0x11400]  }
0x38b: {  	v42 =	vld [tilespmem:s30+$0x11410]  }
0x38c: {  	v43 =	vld [tilespmem:s30+$0x11420]  }
0x38d: {  	v44 =	vld [tilespmem:s30+$0x11430]  }
0x38e: {  	v45 =	vld [tilespmem:s30+$0x11440]  }
0x38f: {  	v46 =	vld [tilespmem:s30+$0x11450]  }
0x390: {  	v47 =	vld [tilespmem:s30+$0x11460]  }
0x391: {  	v48 =	vld [tilespmem:s30+$0x11470]  }
0x392: {  	v49 =	vld [tilespmem:s30+$0x11800]  }
0x393: {  	v50 =	vld [tilespmem:s30+$0x11810]  }
0x394: {  	v51 =	vld [tilespmem:s30+$0x11820]  }
0x395: {  	v52 =	vld [tilespmem:s30+$0x11830]  }
0x396: {  	v53 =	vld [tilespmem:s30+$0x11840]  }
0x397: {  	v54 =	vld [tilespmem:s30+$0x11850]  }
0x398: {  	v55 =	vld [tilespmem:s30+$0x11860]  }
0x399: {  	v56 =	vld [tilespmem:s30+$0x11870]  }
0x39a: {  	v57 =	vld [tilespmem:s30+$0x11C00]  }
0x39b: {  	v58 =	vld [tilespmem:s30+$0x11C10]  }
0x39c: {  	v59 =	vld [tilespmem:s30+$0x11C20]  }
0x39d: {  	v60 =	vld [tilespmem:s30+$0x11C30]  }
0x39e: {  	v61 =	vld [tilespmem:s30+$0x11C40]  }
0x39f: {  	v62 =	vld [tilespmem:s30+$0x11C50]  }
0x3a0: {  	v63 =	vld [tilespmem:s30+$0x11C60]  }
0x3a1: {  	[tilespmem:s30+$0x9C70] =	vst.add.f32.msk $0xffff, v0  }
0x3a2: {  	v0 =	vld [tilespmem:s30+$0x10040]  }
0x3a3: {  	[tilespmem:s30+$0x8000] =	vst.add.f32.msk $0xffff, v2  }
0x3a4: {  	[tilespmem:s30+$0x8010] =	vst.add.f32.msk $0xffff, v3  }
0x3a5: {  	[tilespmem:s30+$0x8020] =	vst.add.f32.msk $0xffff, v4  }
0x3a6: {  	[tilespmem:s30+$0x8030] =	vst.add.f32.msk $0xffff, v5  }
0x3a7: {  	[tilespmem:s30+$0x8050] =	vst.add.f32.msk $0xffff, v6  }
0x3a8: {  	[tilespmem:s30+$0x8060] =	vst.add.f32.msk $0xffff, v7  }
0x3a9: {  	[tilespmem:s30+$0x8070] =	vst.add.f32.msk $0xffff, v8  }
0x3aa: {  	[tilespmem:s30+$0x8400] =	vst.add.f32.msk $0xffff, v9  }
0x3ab: {  	[tilespmem:s30+$0x8410] =	vst.add.f32.msk $0xffff, v10  }
0x3ac: {  	[tilespmem:s30+$0x8420] =	vst.add.f32.msk $0xffff, v11  }
0x3ad: {  	[tilespmem:s30+$0x8430] =	vst.add.f32.msk $0xffff, v12  }
0x3ae: {  	[tilespmem:s30+$0x8440] =	vst.add.f32.msk $0xffff, v13  }
0x3af: {  	[tilespmem:s30+$0x8450] =	vst.add.f32.msk $0xffff, v14  }
0x3b0: {  	[tilespmem:s30+$0x8460] =	vst.add.f32.msk $0xffff, v15  }
0x3b1: {  	[tilespmem:s30+$0x8470] =	vst.add.f32.msk $0xffff, v16  }
0x3b2: {  	[tilespmem:s30+$0x8800] =	vst.add.f32.msk $0xffff, v17  }
0x3b3: {  	[tilespmem:s30+$0x8810] =	vst.add.f32.msk $0xffff, v18  }
0x3b4: {  	[tilespmem:s30+$0x8820] =	vst.add.f32.msk $0xffff, v19  }
0x3b5: {  	[tilespmem:s30+$0x8830] =	vst.add.f32.msk $0xffff, v20  }
0x3b6: {  	[tilespmem:s30+$0x8840] =	vst.add.f32.msk $0xffff, v21  }
0x3b7: {  	[tilespmem:s30+$0x8850] =	vst.add.f32.msk $0xffff, v22  }
0x3b8: {  	[tilespmem:s30+$0x8860] =	vst.add.f32.msk $0xffff, v23  }
0x3b9: {  	[tilespmem:s30+$0x8870] =	vst.add.f32.msk $0xffff, v24  }
0x3ba: {  	[tilespmem:s30+$0x8C00] =	vst.add.f32.msk $0xffff, v25  }
0x3bb: {  	[tilespmem:s30+$0x8C10] =	vst.add.f32.msk $0xffff, v26  }
0x3bc: {  	[tilespmem:s30+$0x8C20] =	vst.add.f32.msk $0xffff, v27  }
0x3bd: {  	[tilespmem:s30+$0x8C30] =	vst.add.f32.msk $0xffff, v28  }
0x3be: {  	[tilespmem:s30+$0x8C40] =	vst.add.f32.msk $0xffff, v29  }
0x3bf: {  	[tilespmem:s30+$0x8C50] =	vst.add.f32.msk $0xffff, v30  }
0x3c0: {  	[tilespmem:s30+$0x8C60] =	vst.add.f32.msk $0xffff, v31  }
0x3c1: {  	[tilespmem:s30+$0x8C70] =	vst.add.f32.msk $0xffff, v32  }
0x3c2: {  	[tilespmem:s30+$0x9000] =	vst.add.f32.msk $0xffff, v33  }
0x3c3: {  	[tilespmem:s30+$0x9010] =	vst.add.f32.msk $0xffff, v34  }
0x3c4: {  	[tilespmem:s30+$0x9020] =	vst.add.f32.msk $0xffff, v35  }
0x3c5: {  	[tilespmem:s30+$0x9030] =	vst.add.f32.msk $0xffff, v36  }
0x3c6: {  	[tilespmem:s30+$0x9040] =	vst.add.f32.msk $0xffff, v37  }
0x3c7: {  	[tilespmem:s30+$0x9050] =	vst.add.f32.msk $0xffff, v38  }
0x3c8: {  	[tilespmem:s30+$0x9060] =	vst.add.f32.msk $0xffff, v39  }
0x3c9: {  	[tilespmem:s30+$0x9070] =	vst.add.f32.msk $0xffff, v40  }
0x3ca: {  	[tilespmem:s30+$0x9400] =	vst.add.f32.msk $0xffff, v41  }
0x3cb: {  	[tilespmem:s30+$0x9410] =	vst.add.f32.msk $0xffff, v42  }
0x3cc: {  	[tilespmem:s30+$0x9420] =	vst.add.f32.msk $0xffff, v43  }
0x3cd: {  	[tilespmem:s30+$0x9430] =	vst.add.f32.msk $0xffff, v44  }
0x3ce: {  	[tilespmem:s30+$0x9440] =	vst.add.f32.msk $0xffff, v45  }
0x3cf: {  	[tilespmem:s30+$0x9450] =	vst.add.f32.msk $0xffff, v46  }
0x3d0: {  	[tilespmem:s30+$0x9460] =	vst.add.f32.msk $0xffff, v47  }
0x3d1: {  	[tilespmem:s30+$0x9470] =	vst.add.f32.msk $0xffff, v48  }
0x3d2: {  	[tilespmem:s30+$0x9800] =	vst.add.f32.msk $0xffff, v49  }
0x3d3: {  	[tilespmem:s30+$0x9810] =	vst.add.f32.msk $0xffff, v50  }
0x3d4: {  	[tilespmem:s30+$0x9820] =	vst.add.f32.msk $0xffff, v51  }
0x3d5: {  	[tilespmem:s30+$0x9830] =	vst.add.f32.msk $0xffff, v52  }
0x3d6: {  	[tilespmem:s30+$0x9840] =	vst.add.f32.msk $0xffff, v53  }
0x3d7: {  	[tilespmem:s30+$0x9850] =	vst.add.f32.msk $0xffff, v54  }
0x3d8: {  	[tilespmem:s30+$0x9860] =	vst.add.f32.msk $0xffff, v55  }
0x3d9: {  	[tilespmem:s30+$0x9870] =	vst.add.f32.msk $0xffff, v56  }
0x3da: {  	[tilespmem:s30+$0x9C00] =	vst.add.f32.msk $0xffff, v57  }
0x3db: {  	[tilespmem:s30+$0x9C10] =	vst.add.f32.msk $0xffff, v58  }
0x3dc: {  	[tilespmem:s30+$0x9C20] =	vst.add.f32.msk $0xffff, v59  }
0x3dd: {  	[tilespmem:s30+$0x9C30] =	vst.add.f32.msk $0xffff, v60  }
0x3de: {  	[tilespmem:s30+$0x9C40] =	vst.add.f32.msk $0xffff, v61  }
0x3df: {  	[tilespmem:s30+$0x9C50] =	vst.add.f32.msk $0xffff, v62  }
0x3e0: {  	[tilespmem:s30+$0x9C60] =	vst.add.f32.msk $0xffff, v63  }
0x3e1: {  	[tilespmem:s30+$0x8040] =	vst.add.f32.msk $0xffff, v0;
	s30 =	sadd.s32 $0x800, s28  }
0x3e2: {  	[hbm4b:s30+s4] =	stream.linear.scatter [tilespmem:s16], [sflag:$0x9], $0x2000, $0x38;
	[tilespmem:$0x14000] =	vst v63  }
0x3e3: {  	_ =	swait.ge [sflag:s15], $0x2000  }
0x3e4: {  	[sflag:s15] =	ssyncset.done $0x0  }
0x3e5: {  	[sflag:s15] =	ssyncadd.s32 $0xFFFFE000  }
0x3e6: {  	v0 =	vld.msk @!p0 [tilespmem:s29+$0x300], $0xff;
	_ =	sdelay $0x4  }
0x3e7: {  	v2 =	vshll.u32 @!p0 v0, $0x3  }
0x3e8: {  	v3 =	vlaneseq.u32 @!p0;
	v0 =	vand.u32 @!p0 $0x7, v0;
	v2 =	vand.u32 @!p0 $0xFFFFFFC0, v2  }
0x3e9: {  	v0 =	vor.u32 @!p0 v0, v2;
	v2 =	vand.u32 @!p0 $0x7, v3;
	v3 =	vshrl.u32 @!p0 v3, $0x3  }
0x3ea: {  	v0 =	vperm.xlane @!p0 v0, v2;
	v3 =	vmul.u32 @!p0 $0x8, v3;
	_ =	sdelay $0x1  }
0x3eb: {  	v0 =	vadd.s32 @!p0 v3, v0;
	_ =	sdelay $0x3  }
0x3ec: {  	s31 =	simm.s32 @!p0 $0x8000;
	s30 =	simm.s32 @!p0 $0x0  }
0x3ed: {  	[tilespmem:s31], [sflag:$0x3] =	stream.indirect_vreg.gather @!p0 [hbm4b:s2+s30], $0x80, v0, vm1, $0xb8;
	[tilespmem:$0x14000] =	vst v63  }
0x3ee: {  	s31 =	simm.s32 @!p0 $0x8800  }
0x3ef: {  	[tilespmem:s31], [sflag:$0x3] =	stream.indirect_vreg.gather @!p0 [hbm4b:s7+s30], $0x80, v0, vm1, $0xb8;
	[tilespmem:$0x14000] =	vst v63  }
0x3f0: {  	s31 =	simm.s32 @!p0 $0x9000  }
0x3f1: {  	[tilespmem:s31], [sflag:$0x3] =	stream.indirect_vreg.gather @!p0 [hbm4b:s8+s30], $0x80, v0, vm1, $0xb8;
	[tilespmem:$0x14000] =	vst v63  }
0x3f2: {  	s31 =	simm.s32 @!p0 $0x9800  }
0x3f3: {  	[tilespmem:s31], [sflag:$0x3] =	stream.indirect_vreg.gather @!p0 [hbm4b:s9+s30], $0x80, v0, vm1, $0xb8;
	[tilespmem:$0x14000] =	vst v63  }
0x3f4: {  	v0 =	vld.msk @!p0 [tilespmem:s29+$0x2300], $0xff;
	_ =	sdelay $0x4  }
0x3f5: {  	v4 =	vshll.u32 @!p0 v0, $0x3  }
0x3f6: {  	v0 =	vand.u32 @!p0 $0x7, v0;
	v4 =	vand.u32 @!p0 $0xFFFFFFC0, v4  }
0x3f7: {  	v0 =	vor.u32 @!p0 v0, v4  }
0x3f8: {  	v0 =	vperm.xlane @!p0 v0, v2;
	_ =	sdelay $0x1  }
0x3f9: {  	v0 =	vadd.s32 @!p0 v3, v0;
	_ =	sdelay $0x3  }
0x3fa: {  	s29 =	simm.s32 @!p0 $0x10000  }
0x3fb: {  	[tilespmem:s29], [sflag:$0x7] =	stream.indirect_vreg.gather @!p0 [hbm4b:s3+s30], $0x80, v0, vm1, $0xb8;
	[tilespmem:$0x14000] =	vst v63  }
0x3fc: {  	s29 =	simm.s32 @!p0 $0x10800  }
0x3fd: {  	[tilespmem:s29], [sflag:$0x7] =	stream.indirect_vreg.gather @!p0 [hbm4b:s10+s30], $0x80, v0, vm1, $0xb8;
	[tilespmem:$0x14000] =	vst v63  }
0x3fe: {  	s29 =	simm.s32 @!p0 $0x11000  }
0x3ff: {  	[tilespmem:s29], [sflag:$0x7] =	stream.indirect_vreg.gather @!p0 [hbm4b:s11+s30], $0x80, v0, vm1, $0xb8;
	[tilespmem:$0x14000] =	vst v63  }
0x400: {  	s29 =	simm.s32 @!p0 $0x11800  }
0x401: {  	[tilespmem:s29], [sflag:$0x7] =	stream.indirect_vreg.gather @!p0 [hbm4b:s12+s30], $0x80, v0, vm1, $0xb8;
	[tilespmem:$0x14000] =	vst v63  }
0x402: {  	_ =	swait.ge [sflag:s5], $0x2000  }
0x403: {  	[sflag:s5] =	ssyncset.done $0x0  }
0x404: {  	[sflag:s5] =	ssyncadd.s32 $0xFFFFE000  }
0x405: {  	_ =	swait.ge [sflag:s6], $0x2000  }
0x406: {  	[sflag:s6] =	ssyncset.done $0x0  }
0x407: {  	s29 =	simm.s32 $0x0;
	s30 =	simm.s32 $0x200;
	[sflag:s6] =	ssyncadd.s32 $0xFFFFE000  }
.LBB2_9:
0x408: {  	p1 =	sne.s32 s30, $0xE00;
	v0 =	vld [tilespmem:s29+$0x13C70]  }
0x409: {  	v2 =	vld [tilespmem:s29+$0x12000]  }
0x40a: {  	v3 =	vld [tilespmem:s29+$0x12010]  }
0x40b: {  	v4 =	vld [tilespmem:s29+$0x12020]  }
0x40c: {  	v5 =	vld [tilespmem:s29+$0x12030]  }
0x40d: {  	[tilespmem:s29+$0xBC70] =	vst.add.f32.msk $0xffff, v0  }
0x40e: {  	v0 =	vld [tilespmem:s29+$0x12040]  }
0x40f: {  	v6 =	vld [tilespmem:s29+$0x12050]  }
0x410: {  	v7 =	vld [tilespmem:s29+$0x12060]  }
0x411: {  	v8 =	vld [tilespmem:s29+$0x12070]  }
0x412: {  	v9 =	vld [tilespmem:s29+$0x12400]  }
0x413: {  	v10 =	vld [tilespmem:s29+$0x12410]  }
0x414: {  	v11 =	vld [tilespmem:s29+$0x12420]  }
0x415: {  	v12 =	vld [tilespmem:s29+$0x12430]  }
0x416: {  	v13 =	vld [tilespmem:s29+$0x12440]  }
0x417: {  	v14 =	vld [tilespmem:s29+$0x12450]  }
0x418: {  	v15 =	vld [tilespmem:s29+$0x12460]  }
0x419: {  	v16 =	vld [tilespmem:s29+$0x12470]  }
0x41a: {  	v17 =	vld [tilespmem:s29+$0x12800]  }
0x41b: {  	v18 =	vld [tilespmem:s29+$0x12810]  }
0x41c: {  	v19 =	vld [tilespmem:s29+$0x12820]  }
0x41d: {  	v20 =	vld [tilespmem:s29+$0x12830]  }
0x41e: {  	v21 =	vld [tilespmem:s29+$0x12840]  }
0x41f: {  	v22 =	vld [tilespmem:s29+$0x12850]  }
0x420: {  	v23 =	vld [tilespmem:s29+$0x12860]  }
0x421: {  	v24 =	vld [tilespmem:s29+$0x12870]  }
0x422: {  	v25 =	vld [tilespmem:s29+$0x12C00]  }
0x423: {  	v26 =	vld [tilespmem:s29+$0x12C10]  }
0x424: {  	v27 =	vld [tilespmem:s29+$0x12C20]  }
0x425: {  	v28 =	vld [tilespmem:s29+$0x12C30]  }
0x426: {  	v29 =	vld [tilespmem:s29+$0x12C40]  }
0x427: {  	v30 =	vld [tilespmem:s29+$0x12C50]  }
0x428: {  	v31 =	vld [tilespmem:s29+$0x12C60]  }
0x429: {  	v32 =	vld [tilespmem:s29+$0x12C70]  }
0x42a: {  	v33 =	vld [tilespmem:s29+$0x13000]  }
0x42b: {  	v34 =	vld [tilespmem:s29+$0x13010]  }
0x42c: {  	v35 =	vld [tilespmem:s29+$0x13020]  }
0x42d: {  	v36 =	vld [tilespmem:s29+$0x13030]  }
0x42e: {  	v37 =	vld [tilespmem:s29+$0x13040]  }
0x42f: {  	v38 =	vld [tilespmem:s29+$0x13050]  }
0x430: {  	v39 =	vld [tilespmem:s29+$0x13060]  }
0x431: {  	v40 =	vld [tilespmem:s29+$0x13070]  }
0x432: {  	v41 =	vld [tilespmem:s29+$0x13400]  }
0x433: {  	v42 =	vld [tilespmem:s29+$0x13410]  }
0x434: {  	v43 =	vld [tilespmem:s29+$0x13420]  }
0x435: {  	v44 =	vld [tilespmem:s29+$0x13430]  }
0x436: {  	v45 =	vld [tilespmem:s29+$0x13440]  }
0x437: {  	v46 =	vld [tilespmem:s29+$0x13450]  }
0x438: {  	v47 =	vld [tilespmem:s29+$0x13460]  }
0x439: {  	v48 =	vld [tilespmem:s29+$0x13470]  }
0x43a: {  	v49 =	vld [tilespmem:s29+$0x13800]  }
0x43b: {  	v50 =	vld [tilespmem:s29+$0x13810]  }
0x43c: {  	v51 =	vld [tilespmem:s29+$0x13820]  }
0x43d: {  	v52 =	vld [tilespmem:s29+$0x13830]  }
0x43e: {  	v53 =	vld [tilespmem:s29+$0x13840]  }
0x43f: {  	v54 =	vld [tilespmem:s29+$0x13850]  }
0x440: {  	v55 =	vld [tilespmem:s29+$0x13860]  }
0x441: {  	v56 =	vld [tilespmem:s29+$0x13870]  }
0x442: {  	v57 =	vld [tilespmem:s29+$0x13C00]  }
0x443: {  	v58 =	vld [tilespmem:s29+$0x13C10]  }
0x444: {  	v59 =	vld [tilespmem:s29+$0x13C20]  }
0x445: {  	v60 =	vld [tilespmem:s29+$0x13C30]  }
0x446: {  	v61 =	vld [tilespmem:s29+$0x13C40]  }
0x447: {  	v62 =	vld [tilespmem:s29+$0x13C50]  }
0x448: {  	v63 =	vld [tilespmem:s29+$0x13C60]  }
0x449: {  	[tilespmem:s29+$0xA000] =	vst.add.f32.msk $0xffff, v2  }
0x44a: {  	[tilespmem:s29+$0xA010] =	vst.add.f32.msk $0xffff, v3  }
0x44b: {  	[tilespmem:s29+$0xA020] =	vst.add.f32.msk $0xffff, v4  }
0x44c: {  	[tilespmem:s29+$0xA030] =	vst.add.f32.msk $0xffff, v5  }
0x44d: {  	[tilespmem:s29+$0xA040] =	vst.add.f32.msk $0xffff, v0  }
0x44e: {  	[tilespmem:s29+$0xA050] =	vst.add.f32.msk $0xffff, v6  }
0x44f: {  	[tilespmem:s29+$0xA060] =	vst.add.f32.msk $0xffff, v7  }
0x450: {  	[tilespmem:s29+$0xA070] =	vst.add.f32.msk $0xffff, v8  }
0x451: {  	[tilespmem:s29+$0xA400] =	vst.add.f32.msk $0xffff, v9  }
0x452: {  	[tilespmem:s29+$0xA410] =	vst.add.f32.msk $0xffff, v10  }
0x453: {  	[tilespmem:s29+$0xA420] =	vst.add.f32.msk $0xffff, v11  }
0x454: {  	[tilespmem:s29+$0xA430] =	vst.add.f32.msk $0xffff, v12  }
0x455: {  	[tilespmem:s29+$0xA440] =	vst.add.f32.msk $0xffff, v13  }
0x456: {  	[tilespmem:s29+$0xA450] =	vst.add.f32.msk $0xffff, v14  }
0x457: {  	[tilespmem:s29+$0xA460] =	vst.add.f32.msk $0xffff, v15  }
0x458: {  	[tilespmem:s29+$0xA470] =	vst.add.f32.msk $0xffff, v16  }
0x459: {  	[tilespmem:s29+$0xA800] =	vst.add.f32.msk $0xffff, v17  }
0x45a: {  	[tilespmem:s29+$0xA810] =	vst.add.f32.msk $0xffff, v18  }
0x45b: {  	[tilespmem:s29+$0xA820] =	vst.add.f32.msk $0xffff, v19  }
0x45c: {  	[tilespmem:s29+$0xA830] =	vst.add.f32.msk $0xffff, v20  }
0x45d: {  	[tilespmem:s29+$0xA840] =	vst.add.f32.msk $0xffff, v21  }
0x45e: {  	[tilespmem:s29+$0xA850] =	vst.add.f32.msk $0xffff, v22  }
0x45f: {  	[tilespmem:s29+$0xA860] =	vst.add.f32.msk $0xffff, v23  }
0x460: {  	[tilespmem:s29+$0xA870] =	vst.add.f32.msk $0xffff, v24  }
0x461: {  	[tilespmem:s29+$0xAC00] =	vst.add.f32.msk $0xffff, v25  }
0x462: {  	[tilespmem:s29+$0xAC10] =	vst.add.f32.msk $0xffff, v26  }
0x463: {  	[tilespmem:s29+$0xAC20] =	vst.add.f32.msk $0xffff, v27  }
0x464: {  	[tilespmem:s29+$0xAC30] =	vst.add.f32.msk $0xffff, v28  }
0x465: {  	[tilespmem:s29+$0xAC40] =	vst.add.f32.msk $0xffff, v29  }
0x466: {  	[tilespmem:s29+$0xAC50] =	vst.add.f32.msk $0xffff, v30  }
0x467: {  	[tilespmem:s29+$0xAC60] =	vst.add.f32.msk $0xffff, v31  }
0x468: {  	[tilespmem:s29+$0xAC70] =	vst.add.f32.msk $0xffff, v32  }
0x469: {  	[tilespmem:s29+$0xB000] =	vst.add.f32.msk $0xffff, v33  }
0x46a: {  	[tilespmem:s29+$0xB010] =	vst.add.f32.msk $0xffff, v34  }
0x46b: {  	[tilespmem:s29+$0xB020] =	vst.add.f32.msk $0xffff, v35  }
0x46c: {  	[tilespmem:s29+$0xB030] =	vst.add.f32.msk $0xffff, v36  }
0x46d: {  	[tilespmem:s29+$0xB040] =	vst.add.f32.msk $0xffff, v37  }
0x46e: {  	[tilespmem:s29+$0xB050] =	vst.add.f32.msk $0xffff, v38  }
0x46f: {  	[tilespmem:s29+$0xB060] =	vst.add.f32.msk $0xffff, v39  }
0x470: {  	[tilespmem:s29+$0xB070] =	vst.add.f32.msk $0xffff, v40  }
0x471: {  	[tilespmem:s29+$0xB400] =	vst.add.f32.msk $0xffff, v41  }
0x472: {  	[tilespmem:s29+$0xB410] =	vst.add.f32.msk $0xffff, v42  }
0x473: {  	[tilespmem:s29+$0xB420] =	vst.add.f32.msk $0xffff, v43  }
0x474: {  	[tilespmem:s29+$0xB430] =	vst.add.f32.msk $0xffff, v44  }
0x475: {  	[tilespmem:s29+$0xB440] =	vst.add.f32.msk $0xffff, v45  }
0x476: {  	[tilespmem:s29+$0xB450] =	vst.add.f32.msk $0xffff, v46  }
0x477: {  	[tilespmem:s29+$0xB460] =	vst.add.f32.msk $0xffff, v47  }
0x478: {  	[tilespmem:s29+$0xB470] =	vst.add.f32.msk $0xffff, v48  }
0x479: {  	[tilespmem:s29+$0xB800] =	vst.add.f32.msk $0xffff, v49  }
0x47a: {  	[tilespmem:s29+$0xB810] =	vst.add.f32.msk $0xffff, v50  }
0x47b: {  	[tilespmem:s29+$0xB820] =	vst.add.f32.msk $0xffff, v51  }
0x47c: {  	[tilespmem:s29+$0xB830] =	vst.add.f32.msk $0xffff, v52  }
0x47d: {  	[tilespmem:s29+$0xB840] =	vst.add.f32.msk $0xffff, v53  }
0x47e: {  	[tilespmem:s29+$0xB850] =	vst.add.f32.msk $0xffff, v54  }
0x47f: {  	[tilespmem:s29+$0xB860] =	vst.add.f32.msk $0xffff, v55  }
0x480: {  	[tilespmem:s29+$0xB870] =	vst.add.f32.msk $0xffff, v56  }
0x481: {  	[tilespmem:s29+$0xBC00] =	vst.add.f32.msk $0xffff, v57  }
0x482: {  	[tilespmem:s29+$0xBC10] =	vst.add.f32.msk $0xffff, v58  }
.Ltmp5:
0x483: {  	[tilespmem:s29+$0xBC20] =	vst.add.f32.msk $0xffff, v59;
	(pc) =	sbr.rel @p1 .LBB2_9-.Ltmp5, $4  }
0x484: {  	[tilespmem:s29+$0xBC30] =	vst.add.f32.msk $0xffff, v60  }
0x485: {  	[tilespmem:s29+$0xBC40] =	vst.add.f32.msk $0xffff, v61  }
0x486: {  	[tilespmem:s29+$0xBC50] =	vst.add.f32.msk $0xffff, v62  }
0x487: {  	[tilespmem:s29+$0xBC60] =	vst.add.f32.msk $0xffff, v63;
	s29 =	sshra.s32 s30, $0x2;
	s30 =	sadd.s32 $0x200, s30  }
0x488: {  	v0 =	vld [tilespmem:s29+$0x13C70]  }
0x489: {  	v2 =	vld [tilespmem:s29+$0x12000]  }
0x48a: {  	v3 =	vld [tilespmem:s29+$0x12010]  }
0x48b: {  	v4 =	vld [tilespmem:s29+$0x12020]  }
0x48c: {  	v5 =	vld [tilespmem:s29+$0x12030]  }
0x48d: {  	v6 =	vld [tilespmem:s29+$0x12050]  }
0x48e: {  	v7 =	vld [tilespmem:s29+$0x12060]  }
0x48f: {  	v8 =	vld [tilespmem:s29+$0x12070]  }
0x490: {  	v9 =	vld [tilespmem:s29+$0x12400]  }
0x491: {  	v10 =	vld [tilespmem:s29+$0x12410]  }
0x492: {  	v11 =	vld [tilespmem:s29+$0x12420]  }
0x493: {  	v12 =	vld [tilespmem:s29+$0x12430]  }
0x494: {  	v13 =	vld [tilespmem:s29+$0x12440]  }
0x495: {  	v14 =	vld [tilespmem:s29+$0x12450]  }
0x496: {  	v15 =	vld [tilespmem:s29+$0x12460]  }
0x497: {  	v16 =	vld [tilespmem:s29+$0x12470]  }
0x498: {  	v17 =	vld [tilespmem:s29+$0x12800]  }
0x499: {  	v18 =	vld [tilespmem:s29+$0x12810]  }
0x49a: {  	v19 =	vld [tilespmem:s29+$0x12820]  }
0x49b: {  	v20 =	vld [tilespmem:s29+$0x12830]  }
0x49c: {  	v21 =	vld [tilespmem:s29+$0x12840]  }
0x49d: {  	v22 =	vld [tilespmem:s29+$0x12850]  }
0x49e: {  	v23 =	vld [tilespmem:s29+$0x12860]  }
0x49f: {  	v24 =	vld [tilespmem:s29+$0x12870]  }
0x4a0: {  	v25 =	vld [tilespmem:s29+$0x12C00]  }
0x4a1: {  	v26 =	vld [tilespmem:s29+$0x12C10]  }
0x4a2: {  	v27 =	vld [tilespmem:s29+$0x12C20]  }
0x4a3: {  	v28 =	vld [tilespmem:s29+$0x12C30]  }
0x4a4: {  	v29 =	vld [tilespmem:s29+$0x12C40]  }
0x4a5: {  	v30 =	vld [tilespmem:s29+$0x12C50]  }
0x4a6: {  	v31 =	vld [tilespmem:s29+$0x12C60]  }
0x4a7: {  	v32 =	vld [tilespmem:s29+$0x12C70]  }
0x4a8: {  	v33 =	vld [tilespmem:s29+$0x13000]  }
0x4a9: {  	v34 =	vld [tilespmem:s29+$0x13010]  }
0x4aa: {  	v35 =	vld [tilespmem:s29+$0x13020]  }
0x4ab: {  	v36 =	vld [tilespmem:s29+$0x13030]  }
0x4ac: {  	v37 =	vld [tilespmem:s29+$0x13040]  }
0x4ad: {  	v38 =	vld [tilespmem:s29+$0x13050]  }
0x4ae: {  	v39 =	vld [tilespmem:s29+$0x13060]  }
0x4af: {  	v40 =	vld [tilespmem:s29+$0x13070]  }
0x4b0: {  	v41 =	vld [tilespmem:s29+$0x13400]  }
0x4b1: {  	v42 =	vld [tilespmem:s29+$0x13410]  }
0x4b2: {  	v43 =	vld [tilespmem:s29+$0x13420]  }
0x4b3: {  	v44 =	vld [tilespmem:s29+$0x13430]  }
0x4b4: {  	v45 =	vld [tilespmem:s29+$0x13440]  }
0x4b5: {  	v46 =	vld [tilespmem:s29+$0x13450]  }
0x4b6: {  	v47 =	vld [tilespmem:s29+$0x13460]  }
0x4b7: {  	v48 =	vld [tilespmem:s29+$0x13470]  }
0x4b8: {  	v49 =	vld [tilespmem:s29+$0x13800]  }
0x4b9: {  	v50 =	vld [tilespmem:s29+$0x13810]  }
0x4ba: {  	v51 =	vld [tilespmem:s29+$0x13820]  }
0x4bb: {  	v52 =	vld [tilespmem:s29+$0x13830]  }
0x4bc: {  	v53 =	vld [tilespmem:s29+$0x13840]  }
0x4bd: {  	v54 =	vld [tilespmem:s29+$0x13850]  }
0x4be: {  	v55 =	vld [tilespmem:s29+$0x13860]  }
0x4bf: {  	v56 =	vld [tilespmem:s29+$0x13870]  }
0x4c0: {  	v57 =	vld [tilespmem:s29+$0x13C00]  }
0x4c1: {  	v58 =	vld [tilespmem:s29+$0x13C10]  }
0x4c2: {  	v59 =	vld [tilespmem:s29+$0x13C20]  }
0x4c3: {  	v60 =	vld [tilespmem:s29+$0x13C30]  }
0x4c4: {  	v61 =	vld [tilespmem:s29+$0x13C40]  }
0x4c5: {  	v62 =	vld [tilespmem:s29+$0x13C50]  }
0x4c6: {  	v63 =	vld [tilespmem:s29+$0x13C60]  }
0x4c7: {  	[tilespmem:s29+$0xBC70] =	vst.add.f32.msk $0xffff, v0  }
0x4c8: {  	v0 =	vld [tilespmem:s29+$0x12040]  }
0x4c9: {  	[tilespmem:s29+$0xA000] =	vst.add.f32.msk $0xffff, v2  }
0x4ca: {  	[tilespmem:s29+$0xA010] =	vst.add.f32.msk $0xffff, v3  }
0x4cb: {  	[tilespmem:s29+$0xA020] =	vst.add.f32.msk $0xffff, v4  }
0x4cc: {  	[tilespmem:s29+$0xA030] =	vst.add.f32.msk $0xffff, v5  }
0x4cd: {  	[tilespmem:s29+$0xA050] =	vst.add.f32.msk $0xffff, v6  }
0x4ce: {  	[tilespmem:s29+$0xA060] =	vst.add.f32.msk $0xffff, v7  }
0x4cf: {  	[tilespmem:s29+$0xA070] =	vst.add.f32.msk $0xffff, v8  }
0x4d0: {  	[tilespmem:s29+$0xA400] =	vst.add.f32.msk $0xffff, v9  }
0x4d1: {  	[tilespmem:s29+$0xA410] =	vst.add.f32.msk $0xffff, v10  }
0x4d2: {  	[tilespmem:s29+$0xA420] =	vst.add.f32.msk $0xffff, v11  }
0x4d3: {  	[tilespmem:s29+$0xA430] =	vst.add.f32.msk $0xffff, v12  }
0x4d4: {  	[tilespmem:s29+$0xA440] =	vst.add.f32.msk $0xffff, v13  }
0x4d5: {  	[tilespmem:s29+$0xA450] =	vst.add.f32.msk $0xffff, v14  }
0x4d6: {  	[tilespmem:s29+$0xA460] =	vst.add.f32.msk $0xffff, v15  }
0x4d7: {  	[tilespmem:s29+$0xA470] =	vst.add.f32.msk $0xffff, v16  }
0x4d8: {  	[tilespmem:s29+$0xA800] =	vst.add.f32.msk $0xffff, v17  }
0x4d9: {  	[tilespmem:s29+$0xA810] =	vst.add.f32.msk $0xffff, v18  }
0x4da: {  	[tilespmem:s29+$0xA820] =	vst.add.f32.msk $0xffff, v19  }
0x4db: {  	[tilespmem:s29+$0xA830] =	vst.add.f32.msk $0xffff, v20  }
0x4dc: {  	[tilespmem:s29+$0xA840] =	vst.add.f32.msk $0xffff, v21  }
0x4dd: {  	[tilespmem:s29+$0xA850] =	vst.add.f32.msk $0xffff, v22  }
0x4de: {  	[tilespmem:s29+$0xA860] =	vst.add.f32.msk $0xffff, v23  }
0x4df: {  	[tilespmem:s29+$0xA870] =	vst.add.f32.msk $0xffff, v24  }
0x4e0: {  	[tilespmem:s29+$0xAC00] =	vst.add.f32.msk $0xffff, v25  }
0x4e1: {  	[tilespmem:s29+$0xAC10] =	vst.add.f32.msk $0xffff, v26  }
0x4e2: {  	[tilespmem:s29+$0xAC20] =	vst.add.f32.msk $0xffff, v27  }
0x4e3: {  	[tilespmem:s29+$0xAC30] =	vst.add.f32.msk $0xffff, v28  }
0x4e4: {  	[tilespmem:s29+$0xAC40] =	vst.add.f32.msk $0xffff, v29  }
0x4e5: {  	[tilespmem:s29+$0xAC50] =	vst.add.f32.msk $0xffff, v30  }
0x4e6: {  	[tilespmem:s29+$0xAC60] =	vst.add.f32.msk $0xffff, v31  }
0x4e7: {  	[tilespmem:s29+$0xAC70] =	vst.add.f32.msk $0xffff, v32  }
0x4e8: {  	[tilespmem:s29+$0xB000] =	vst.add.f32.msk $0xffff, v33  }
0x4e9: {  	[tilespmem:s29+$0xB010] =	vst.add.f32.msk $0xffff, v34  }
0x4ea: {  	[tilespmem:s29+$0xB020] =	vst.add.f32.msk $0xffff, v35  }
0x4eb: {  	[tilespmem:s29+$0xB030] =	vst.add.f32.msk $0xffff, v36  }
0x4ec: {  	[tilespmem:s29+$0xB040] =	vst.add.f32.msk $0xffff, v37  }
0x4ed: {  	[tilespmem:s29+$0xB050] =	vst.add.f32.msk $0xffff, v38  }
0x4ee: {  	[tilespmem:s29+$0xB060] =	vst.add.f32.msk $0xffff, v39  }
0x4ef: {  	[tilespmem:s29+$0xB070] =	vst.add.f32.msk $0xffff, v40  }
0x4f0: {  	[tilespmem:s29+$0xB400] =	vst.add.f32.msk $0xffff, v41  }
0x4f1: {  	[tilespmem:s29+$0xB410] =	vst.add.f32.msk $0xffff, v42  }
0x4f2: {  	[tilespmem:s29+$0xB420] =	vst.add.f32.msk $0xffff, v43  }
0x4f3: {  	[tilespmem:s29+$0xB430] =	vst.add.f32.msk $0xffff, v44  }
0x4f4: {  	[tilespmem:s29+$0xB440] =	vst.add.f32.msk $0xffff, v45  }
0x4f5: {  	[tilespmem:s29+$0xB450] =	vst.add.f32.msk $0xffff, v46  }
0x4f6: {  	[tilespmem:s29+$0xB460] =	vst.add.f32.msk $0xffff, v47  }
0x4f7: {  	[tilespmem:s29+$0xB470] =	vst.add.f32.msk $0xffff, v48  }
0x4f8: {  	[tilespmem:s29+$0xB800] =	vst.add.f32.msk $0xffff, v49  }
0x4f9: {  	[tilespmem:s29+$0xB810] =	vst.add.f32.msk $0xffff, v50  }
0x4fa: {  	[tilespmem:s29+$0xB820] =	vst.add.f32.msk $0xffff, v51  }
0x4fb: {  	[tilespmem:s29+$0xB830] =	vst.add.f32.msk $0xffff, v52  }
0x4fc: {  	[tilespmem:s29+$0xB840] =	vst.add.f32.msk $0xffff, v53  }
0x4fd: {  	[tilespmem:s29+$0xB850] =	vst.add.f32.msk $0xffff, v54  }
0x4fe: {  	[tilespmem:s29+$0xB860] =	vst.add.f32.msk $0xffff, v55  }
0x4ff: {  	[tilespmem:s29+$0xB870] =	vst.add.f32.msk $0xffff, v56  }
0x500: {  	[tilespmem:s29+$0xBC00] =	vst.add.f32.msk $0xffff, v57  }
0x501: {  	[tilespmem:s29+$0xBC10] =	vst.add.f32.msk $0xffff, v58  }
0x502: {  	[tilespmem:s29+$0xBC20] =	vst.add.f32.msk $0xffff, v59  }
0x503: {  	[tilespmem:s29+$0xBC30] =	vst.add.f32.msk $0xffff, v60  }
0x504: {  	[tilespmem:s29+$0xBC40] =	vst.add.f32.msk $0xffff, v61  }
0x505: {  	[tilespmem:s29+$0xBC50] =	vst.add.f32.msk $0xffff, v62  }
0x506: {  	[tilespmem:s29+$0xBC60] =	vst.add.f32.msk $0xffff, v63  }
.Ltmp6:
0x507: {  	s28 =	sadd.s32 $0xC00, s28;
	[tilespmem:s29+$0xA040] =	vst.add.f32.msk $0xffff, v0;
	(pc) =	sbr.rel @p0 .LBB2_12-.Ltmp6, $4  }
0x508: {  	[hbm4b:s28+s4] =	stream.linear.scatter [tilespmem:s26], [sflag:$0x9], $0x2000, $0x38;
	[tilespmem:$0x14000] =	vst v63  }
0x509: {  	_ =	swait.ge [sflag:s15], $0x2000  }
0x50a: {  	[sflag:s15] =	ssyncset.done $0x0  }
0x50b: {  	[sflag:s15] =	ssyncadd.s32 $0xFFFFE000  }
0x50c: {  	s28 =	sshll.u32 s14, $0x9  }
0x50d: {  	v0 =	vld.msk [tilespmem:s28+$0x380], $0xff;
	_ =	sdelay $0x2  }
0x50e: {  	v3 =	vld [tilespmem:$0x1FFF0];
	_ =	sdelay $0x1  }
0x50f: {  	v2 =	vshll.u32 v0, $0x3  }
0x510: {  	v0 =	vand.u32 $0x7, v0;
	v2 =	vand.u32 $0xFFFFFFC0, v2  }
0x511: {  	v0 =	vor.u32 v0, v2  }
0x512: {  	v0 =	vperm.xlane v0, v3;
	_ =	sdelay $0x1  }
0x513: {  	v0 =	vadd.s32 v1, v0;
	_ =	sdelay $0x4  }
0x514: {  	[tilespmem:s26], [sflag:$0x4] =	stream.indirect_vreg.gather [hbm4b:s2+s4], $0x80, v0, vm0, $0xb8;
	[tilespmem:$0x14000] =	vst v63  }
0x515: {  	s29 =	simm.s32 $0xA800  }
0x516: {  	[tilespmem:s29], [sflag:$0x4] =	stream.indirect_vreg.gather [hbm4b:s7+s4], $0x80, v0, vm0, $0xb8;
	[tilespmem:$0x14000] =	vst v63  }
0x517: {  	s31 =	simm.s32 $0xB000  }
0x518: {  	[tilespmem:s31], [sflag:$0x4] =	stream.indirect_vreg.gather [hbm4b:s8+s4], $0x80, v0, vm0, $0xb8;
	[tilespmem:$0x14000] =	vst v63  }
0x519: {  	s30 =	simm.s32 $0xB800  }
0x51a: {  	[tilespmem:s30], [sflag:$0x4] =	stream.indirect_vreg.gather [hbm4b:s9+s4], $0x80, v0, vm0, $0xb8;
	[tilespmem:$0x14000] =	vst v63  }
0x51b: {  	v0 =	vld.msk [tilespmem:s28+$0x2380], $0xff;
	_ =	sdelay $0x4  }
0x51c: {  	v2 =	vshll.u32 v0, $0x3  }
0x51d: {  	v0 =	vand.u32 $0x7, v0;
	v2 =	vand.u32 $0xFFFFFFC0, v2  }
0x51e: {  	v0 =	vor.u32 v0, v2  }
0x51f: {  	v0 =	vperm.xlane v0, v3;
	_ =	sdelay $0x1  }
0x520: {  	v0 =	vadd.s32 v1, v0;
	_ =	sdelay $0x3  }
0x521: {  	s31 =	simm.s32 $0x12000  }
0x522: {  	[tilespmem:s31], [sflag:$0x8] =	stream.indirect_vreg.gather [hbm4b:s3+s4], $0x80, v0, vm0, $0xb8;
	[tilespmem:$0x14000] =	vst v63  }
0x523: {  	_ = 	snop  }
0x524: {  	[tilespmem:s0], [sflag:$0x8] =	stream.indirect_vreg.gather [hbm4b:s10+s4], $0x80, v0, vm0, $0xb8;
	[tilespmem:$0x14000] =	vst v63  }
.Ltmp7:
0x525: {  	_ = 	snop;
	(pc) =	sbr.rel .LBB2_2-.Ltmp7, $4  }
0x526: {  	_ = 	snop  }
0x527: {  	[tilespmem:s1], [sflag:$0x8] =	stream.indirect_vreg.gather [hbm4b:s11+s4], $0x80, v0, vm0, $0xb8;
	[tilespmem:$0x14000] =	vst v63  }
0x528: {  	s14 =	sadd.s32 $0x1, s14  }
0x529: {  	[tilespmem:s18], [sflag:$0x8] =	stream.indirect_vreg.gather [hbm4b:s12+s4], $0x80, v0, vm0, $0xb8;
	[tilespmem:$0x14000] =	vst v63  }
.LBB2_13:
0x52a: {  	_ =	sfence.sel $0x180000  }
0x52b: {  	[bflag:$0x0] =	sbarrier.arrive $0xFFFF  }
0x52c: {  	_ =	strace $0x90000047  }
0x52d: {  	s0 =	stileid.u32;
	[bflag:$0x2] =	sbarrier.arrive $0xFFFF  }
0x52e: {  	p0 =	sne.s32 s0, $0x0;
	s0 =	rddreg [dreg:$0x4]  }
0x52f: {  	s0 =	sadd.s32 @!p0 $0x100000, s0  }
0x530: {  	[sflag:s0] =	ssyncadd.tile.s32 @!p0 $0x1;
	_ =	shalt  }
.Lfunc_end2:
_tile_overlayer_lowered:
.L_overlay_start_2:
0x531: {  	(tag) =	ssettag $0x2  }
0x532: {  	s0 =	rddreg [dreg:$0x0];
	s2 =	stileid.u32  }
0x533: {  	s1 =	rddreg [dreg:$0x1];
	p0 =	sne.s32 s2, $0x0  }
0x534: {  	s3 =	rddreg [dreg:$0x2];
	[bflag:$0x3] =	sbarrier.arrive $0xFFFF;
	s2 =	simm.s32 @!p0 $0x1C09  }
0x535: {  	[timem:s3], [sflag:s2] =	dma.local @!p0 [hbm:s0], s1  }
0x536: {  	s0 =	simm.s32 @!p0 $0x9  }
0x537: {  	_ =	swait.ge @!p0 [sflag:s0], s1  }
0x538: {  	s1 =	ssub.s32 @!p0 $0x0, s1;
	[sflag:s0] =	ssyncset.done @!p0 $0x0  }
0x539: {  	[sflag:s0] =	ssyncadd.s32 @!p0 s1  }
0x53a: {  	[bflag:$0x3] =	sbarrier.arrive $0xFFFF  }
0x53b: {  	_ =	shalt  }

</sc_bundles>
